<compile_context>
chip_gen: v7x
topology: tpu7x:2x2x1
jax: 0.10.2.dev20260603
libtpu: 0.0.44.dev20260713+nightly
codegen_flags: <defaults>
</compile_context>

<pallas_src>
import jax
import jax.numpy as jnp
from jax import lax
from jax.experimental import pallas as pl
from jax.experimental.pallas import tpu as pltpu
from jax.experimental.pallas import tpu_sc as plsc

N = 10000
E = 320000
D = 128
HD = 64
NC, NS = 2, 16
RPS = N // NS
CH = 128
NCHUNK = E // CH
BASE_CH = NCHUNK // NS
EXTRA_CH = NCHUNK - BASE_CH * NS
EPS = E // (NC * NS)
STG = 2000
NPAD = 10240

_MESH = plsc.VectorSubcoreMesh(
    core_axis_name="c", subcore_axis_name="s", num_cores=NC, num_subcores=NS)
_SC_PARAMS = pltpu.CompilerParams(use_tc_tiling_on_sc=False)


EPAD = 327680
NCHS = EPAD // (NS * CH)
RING = 8
HR = RING // 2
PASS_CH = NCHS // 2
NBLK = PASS_CH // RING
AROW = N + 48


def _mp_body(g_ref, srcs_ref, dstp_ref, out_ref, sidx, didx,
             rows0, rows1, rows2, rows3, rows4, rows5, rows6, rows7, acc,
             g0, g1, g2, g3, g4, g5, g6, g7,
             s0, s1, s2, s3, s4, s5, s6, s7, isem):
    rows = [rows0, rows1, rows2, rows3, rows4, rows5, rows6, rows7]
    gsem = [g0, g1, g2, g3, g4, g5, g6, g7]
    ssem = [s0, s1, s2, s3, s4, s5, s6, s7]
    c = lax.axis_index("c")
    s = lax.axis_index("s")
    r0 = s * RPS

    def stage_idx(p):
        off = s * NCHS + p * PASS_CH
        pltpu.async_copy(srcs_ref.at[pl.ds(off, PASS_CH)], sidx, isem)
        pltpu.async_copy(dstp_ref.at[pl.ds(off, PASS_CH)], didx, isem)

    def wait_idx(p):
        off = s * NCHS + p * PASS_CH
        pltpu.make_async_copy(
            srcs_ref.at[pl.ds(off, PASS_CH)], sidx, isem).wait()
        pltpu.make_async_copy(
            dstp_ref.at[pl.ds(off, PASS_CH)], didx, isem).wait()

    stage_idx(0)
    pltpu.sync_copy(g_ref.at[c, pl.ds(r0, RPS)], acc.at[pl.ds(r0, RPS)])
    wait_idx(0)
    plsc.subcore_barrier()

    def g_start(j, b):
        pltpu.async_copy(g_ref.at[c].at[sidx.at[j]], rows[b], gsem[b])

    def g_wait(j, b):
        pltpu.make_async_copy(g_ref.at[c].at[sidx.at[j]], rows[b], gsem[b]).wait()

    def s_start(j, b):
        pltpu.async_copy(rows[b], acc.at[didx.at[j]], ssem[b], add=True)

    def s_wait(j, b):
        pltpu.make_async_copy(rows[b], acc.at[didx.at[j]], ssem[b]).wait()

    def blk(k, carry):
        for b in range(RING):
            j = RING * k + b
            nb = (b + HR) % RING
            g_wait(j, b)
            s_start(j, b)
            if b < HR:
                @pl.when(k > 0)
                def _():
                    s_wait(j - HR, nb)
                g_start(j + HR, nb)
            else:
                s_wait(j - HR, nb)

                @pl.when(k + 1 < NBLK)
                def _():
                    g_start(j + HR, nb)
        return carry

    for p in range(2):
        if p > 0:
            stage_idx(p)
            wait_idx(p)
        for b in range(HR):
            g_start(b, b)
        lax.fori_loop(0, NBLK, blk, 0)
        for b in range(HR):
            s_wait(PASS_CH - HR + b, HR + b)
    plsc.subcore_barrier()
    pltpu.sync_copy(acc.at[pl.ds(r0, RPS)], out_ref.at[c, pl.ds(r0, RPS)])


_mp_call = pl.kernel(
    _mp_body,
    out_type=jax.ShapeDtypeStruct((NC, N, HD), jnp.float32),
    mesh=_MESH,
    scratch_types=(
        [
            pltpu.VMEM((PASS_CH, CH), jnp.int32),
            pltpu.VMEM((PASS_CH, CH), jnp.int32),
        ]
        + [pltpu.VMEM((CH, HD), jnp.float32)] * RING
        + [pltpu.VMEM_SHARED((AROW, HD), jnp.float32)]
        + [pltpu.SemaphoreType.DMA] * RING
        + [pltpu.SemaphoreType.DMA] * RING
        + [pltpu.SemaphoreType.DMA]
    ),
    compiler_params=_SC_PARAMS,
)


DEG_NCHS = EPAD // (NC * NS * CH)
DEG_NBLK = DEG_NCHS // 4


def _deg_body(dstp_ref, degp_ref, didx, ones_rows, zbuf, acc,
              s0, s1, s2, s3, isem):
    ssem = [s0, s1, s2, s3]
    c = lax.axis_index("c")
    s = lax.axis_index("s")
    w = c * NS + s
    pltpu.async_copy(dstp_ref.at[pl.ds(w * DEG_NCHS, DEG_NCHS)], didx, isem)
    ids16 = lax.iota(jnp.int32, 16)
    e0vec = jnp.where(ids16 == 0, 1.0, 0.0).astype(jnp.float32)
    zeros16 = jnp.zeros((16,), jnp.float32)
    nrow = NPAD // NS

    def fill(i, carry):
        zbuf[i] = zeros16

        @pl.when(i < CH)
        def _():
            ones_rows[i] = e0vec

        return carry

    lax.fori_loop(0, nrow, fill, 0)
    pltpu.sync_copy(zbuf, acc.at[pl.ds(s * nrow, nrow)])
    pltpu.make_async_copy(dstp_ref.at[pl.ds(w * DEG_NCHS, DEG_NCHS)], didx,
                          isem).wait()
    plsc.subcore_barrier()

    def s_start(j, b):
        pltpu.async_copy(ones_rows, acc.at[didx.at[j]], ssem[b], add=True)

    def s_wait(j, b):
        pltpu.make_async_copy(ones_rows, acc.at[didx.at[j]], ssem[b]).wait()

    def blk(k, carry):
        for b in range(4):
            j = 4 * k + b

            @pl.when(k > 0)
            def _():
                s_wait(j - 4, b)

            s_start(j, b)
        return carry

    lax.fori_loop(0, DEG_NBLK, blk, 0)
    for b in range(4):
        s_wait(DEG_NCHS - 4 + b, b)
    plsc.subcore_barrier()
    pltpu.sync_copy(acc.at[pl.ds(s * nrow, nrow)],
                    degp_ref.at[c, pl.ds(s * nrow, nrow)])


_deg_call = pl.kernel(
    _deg_body,
    out_type=jax.ShapeDtypeStruct((NC, NPAD, 16), jnp.float32),
    mesh=_MESH,
    scratch_types=[
        pltpu.VMEM((DEG_NCHS, CH), jnp.int32),
        pltpu.VMEM((CH, 16), jnp.float32),
        pltpu.VMEM((NPAD // NS, 16), jnp.float32),
        pltpu.VMEM_SHARED((NPAD, 16), jnp.float32),
        pltpu.SemaphoreType.DMA,
        pltpu.SemaphoreType.DMA,
        pltpu.SemaphoreType.DMA,
        pltpu.SemaphoreType.DMA,
        pltpu.SemaphoreType.DMA,
    ],
    compiler_params=_SC_PARAMS,
)

_R = 1000
_NR = N // _R
_PREC = lax.Precision.DEFAULT


def _dinv(deg_ref):
    p = deg_ref[0, :, 0] + deg_ref[1, :, 0] + 1.0
    return lax.rsqrt(p)[:, None]


def _mm1_body(x_ref, w_ref, deg_ref, o_ref):
    dinv = _dinv(deg_ref)
    o_ref[0] = jnp.dot(x_ref[...], w_ref[0], precision=_PREC,
                       preferred_element_type=jnp.float32) * dinv


def _mid_body(m0_ref, m1_ref, deg_ref, b1_ref, w_ref, o_ref):
    dinv = _dinv(deg_ref)
    h = jnp.concatenate([m0_ref[0], m1_ref[0]], axis=1)
    x2 = jnp.maximum(h * dinv + b1_ref[...], 0.0)
    o_ref[0] = jnp.dot(x2, w_ref[0], precision=_PREC,
                       preferred_element_type=jnp.float32) * dinv


def _fin_body(m0_ref, m1_ref, deg_ref, b2_ref, o_ref):
    dinv = _dinv(deg_ref)
    h = jnp.concatenate([m0_ref[0], m1_ref[0]], axis=1)
    o_ref[...] = h * dinv + b2_ref[...]


def _mm1(x, W1, deg2d):
    return pl.pallas_call(
        _mm1_body,
        grid=(NC, _NR),
        in_specs=[
            pl.BlockSpec((_R, D), lambda c, i: (i, 0)),
            pl.BlockSpec((1, D, HD), lambda c, i: (c, 0, 0)),
            pl.BlockSpec((NC, _R, 16), lambda c, i: (0, i, 0)),
        ],
        out_specs=pl.BlockSpec((1, _R, HD), lambda c, i: (c, i, 0)),
        out_shape=jax.ShapeDtypeStruct((NC, N, HD), jnp.float32),
    )(x, W1, deg2d)


def _mid(m, deg2d, b1r, W2):
    return pl.pallas_call(
        _mid_body,
        grid=(NC, _NR),
        in_specs=[
            pl.BlockSpec((1, _R, HD), lambda c, i: (0, i, 0)),
            pl.BlockSpec((1, _R, HD), lambda c, i: (1, i, 0)),
            pl.BlockSpec((NC, _R, 16), lambda c, i: (0, i, 0)),
            pl.BlockSpec((1, D), lambda c, i: (0, 0)),
            pl.BlockSpec((1, D, HD), lambda c, i: (c, 0, 0)),
        ],
        out_specs=pl.BlockSpec((1, _R, HD), lambda c, i: (c, i, 0)),
        out_shape=jax.ShapeDtypeStruct((NC, N, HD), jnp.float32),
    )(m, m, deg2d, b1r, W2)


def _fin(m, deg2d, b2r):
    return pl.pallas_call(
        _fin_body,
        grid=(_NR,),
        in_specs=[
            pl.BlockSpec((1, _R, HD), lambda i: (0, i, 0)),
            pl.BlockSpec((1, _R, HD), lambda i: (1, i, 0)),
            pl.BlockSpec((NC, _R, 16), lambda i: (0, i, 0)),
            pl.BlockSpec((1, D), lambda i: (0, 0)),
        ],
        out_specs=pl.BlockSpec((_R, D), lambda i: (i, 0)),
        out_shape=jax.ShapeDtypeStruct((N, D), jnp.float32),
    )(m, m, deg2d, b2r)


def kernel(x, edge_index, W1, b1, W2, b2):
    src = edge_index[0]
    dst = edge_index[1]
    npad = EPAD - E
    srcs = jnp.concatenate([src, jnp.zeros((npad,), jnp.int32)]).reshape(
        EPAD // CH, CH)
    dstp = jnp.concatenate([dst, jnp.full((npad,), N, jnp.int32)])
    dstp = dstp.reshape(EPAD // CH, CH)
    deg2d = _deg_call(dstp)
    W1s = jnp.stack([W1[:, :HD], W1[:, HD:]])
    W2s = jnp.stack([W2[:, :HD], W2[:, HD:]])
    g1 = _mm1(x, W1s, deg2d)
    m1 = _mp_call(g1, srcs, dstp)
    g2 = _mid(m1, deg2d, b1[None], W2s)
    m2 = _mp_call(g2, srcs, dstp)
    return _fin(m2, deg2d, b2[None])

# --- scband reference (transcript-rebuilt; emitter-appended) ---
"""Pipeline reference for scband-simple-gcn-61409442398855 (READ-ONLY COPY).

The authoritative reference and input builder live on the scoring server;
editing this copy changes nothing except your own understanding.
"""

import jax, jax.numpy as jnp
import numpy as np

N_NODES = 10000
N_EDGES = 320000
D_IN = 128
D_HID = 128
D_OUT = 128


def gcn_conv(x, edge_index, W, b, num_nodes):
    # GCNConv (PyG semantics): h = x @ W, add self-loops, symmetric norm, scatter-add, + bias
    src = edge_index[0]
    dst = edge_index[1]
    loop = jnp.arange(num_nodes, dtype=edge_index.dtype)
    src = jnp.concatenate([src, loop])
    dst = jnp.concatenate([dst, loop])
    deg = jnp.zeros((num_nodes,), dtype=x.dtype).at[dst].add(1.0)
    deg_inv_sqrt = jnp.where(deg > 0, jax.lax.rsqrt(jnp.maximum(deg, 1e-12)), 0.0)
    norm = deg_inv_sqrt[src] * deg_inv_sqrt[dst]
    h = x @ W
    msgs = h[src] * norm[:, None]
    out = jnp.zeros((num_nodes, h.shape[1]), dtype=x.dtype).at[dst].add(msgs)
    return out + b


def setup_inputs(seed: int = 0) -> dict:
    key = jax.random.key(seed)
    k_x, k_e, k_w1, k_b1, k_w2, k_b2 = jax.random.split(key, 6)
    x = jax.random.normal(k_x, (N_NODES, D_IN), dtype=jnp.float32)
    edge_index = jax.random.randint(k_e, (2, N_EDGES), 0, N_NODES, dtype=jnp.int64 if jax.config.jax_enable_x64 else jnp.int32).astype(jnp.int32)
    W1 = jax.random.normal(k_w1, (D_IN, D_HID), dtype=jnp.float32) * (1.0 / np.sqrt(D_IN))
    b1 = jnp.zeros((D_HID,), dtype=jnp.float32)
    W2 = jax.random.normal(k_w2, (D_HID, D_OUT), dtype=jnp.float32) * (1.0 / np.sqrt(D_HID))
    b2 = jnp.zeros((D_OUT,), dtype=jnp.float32)
    return {"x": x, "edge_index": edge_index, "W1": W1, "b1": b1, "W2": W2, "b2": b2}


def reference(x, edge_index, W1, b1, W2, b2):
    h = gcn_conv(x, edge_index, W1, b1, N_NODES)
    h = jax.nn.relu(h)
    out = gcn_conv(h, edge_index, W2, b2, N_NODES)
    return out

if __name__ == "__main__":
    import jax
    _d = setup_inputs()
    print(jax.jit(kernel)(*tuple(_d.values())))

</pallas_src>

<mosaic_0001>
#map = affine_map<(d0, d1) -> (0, 0)>
#map1 = affine_map<(d0, d1) -> (0, 0, 0)>
module attributes {stable_mosaic.version = 14 : i64} {
  func.func @_deg_body(%arg0: i32, %arg1: i32, %arg2: memref<2560x128xi32, #tpu.memory_space<hbm>>, %arg3: memref<2x10240x16xf32, #tpu.memory_space<hbm>>, %arg4: memref<80x128xi32, #tpu.memory_space<vmem>>, %arg5: memref<128x16xf32, #tpu.memory_space<vmem>>, %arg6: memref<640x16xf32, #tpu.memory_space<vmem>>, %arg7: memref<10240x16xf32, #tpu.memory_space<vmem_shared>>, %arg8: memref<!tpu.dma_semaphore, #tpu.memory_space<semaphore_mem>>, %arg9: memref<!tpu.dma_semaphore, #tpu.memory_space<semaphore_mem>>, %arg10: memref<!tpu.dma_semaphore, #tpu.memory_space<semaphore_mem>>, %arg11: memref<!tpu.dma_semaphore, #tpu.memory_space<semaphore_mem>>, %arg12: memref<!tpu.dma_semaphore, #tpu.memory_space<semaphore_mem>>) attributes {dimension_semantics = [#tpu.dimension_semantics<core_parallel>, #tpu.dimension_semantics<subcore_parallel>], iteration_bounds = array<i64: 2, 16>, scalar_prefetch = 0 : i64, scratch_operands = 9 : i64, tpu.core_type = #tpu.core_type<sc_vector_subcore>, window_params = [{transform_indices = #map}, {transform_indices = #map1}]} {
    %mul3A = arith.constant 16 : i32
    %mul3A_0 = arith.muli %arg0, %mul3A : i32
    %add3A = arith.addi %mul3A_0, %arg1 : i32
    %mul3A_1 = arith.constant 80 : i32
    %mul3A_2 = arith.muli %add3A, %mul3A_1 : i32
    %dma_start3A = arith.constant 0 : i32
    %dma_start3A_3 = tpu.memref_slice %arg2[%mul3A_2, %dma_start3A] : memref<2560x128xi32, #tpu.memory_space<hbm>> -> memref<80x128xi32, #tpu.memory_space<hbm>>
    %dma_start3A_4 = arith.constant 0 : i32
    %dma_start3A_5 = tpu.memref_slice %arg2[%mul3A_2, %dma_start3A_4] : memref<2560x128xi32, #tpu.memory_space<hbm>> -> memref<80x128xi32, #tpu.memory_space<hbm>>
    tpu.enqueue_dma source(%dma_start3A_5 : memref<80x128xi32, #tpu.memory_space<hbm>>) target(%arg4 : memref<80x128xi32, #tpu.memory_space<vmem>>) target_semaphore(%arg12 : memref<!tpu.dma_semaphore, #tpu.memory_space<semaphore_mem>>)
    %iota3A = tpu.iota {dimensions = array<i32: 0>} : vector<16xi32>
    %eq3A = arith.constant 0 : i32
    %eq3A_6 = vector.broadcast %eq3A : i32 to vector<16xi32>
    %eq3A_7 = arith.cmpi eq, %iota3A, %eq3A_6 : vector<16xi32>
    %jit3A = arith.constant 1.000000e+00 : f32
    %jit3A_8 = arith.constant 0.000000e+00 : f32
    %broadcast_in_dim3A = vector.broadcast %jit3A : f32 to vector<16xf32>
    %broadcast_in_dim3A_9 = vector.broadcast %jit3A_8 : f32 to vector<16xf32>
    %select_n3A = arith.select %eq3A_7, %broadcast_in_dim3A, %broadcast_in_dim3A_9 : vector<16xi1>, vector<16xf32>
    %broadcast_in_dim3A_10 = arith.constant 0.000000e+00 : f32
    %broadcast_in_dim3A_11 = vector.broadcast %broadcast_in_dim3A_10 : f32 to vector<16xf32>
    %scan3A = arith.constant 0 : i32
    %scan3A_12 = arith.constant 0 : i32
    %scan3A_13 = arith.constant 640 : i32
    %scan3A_14 = arith.addi %scan3A_12, %scan3A_13 : i32
    %scan3A_15 = arith.constant 1 : i32
    scf.for %scan3A_63 = %scan3A_12 to %scan3A_14 step %scan3A_15  : i32 {
      %swap3A = arith.index_cast %scan3A_63 : i32 to index
      %swap3A_64 = arith.constant 0 : index
      %swap3A_65 = tpu.vector_load %arg6[%swap3A, %swap3A_64] {strides = array<i32>} : memref<640x16xf32, #tpu.memory_space<vmem>>, vector<1x16xf32>,
      %swap3A_66 = vector.shape_cast %swap3A_65 : vector<1x16xf32> to vector<16xf32>
      %swap3A_67 = vector.shape_cast %broadcast_in_dim3A_11 : vector<16xf32> to vector<1x16xf32>
      tpu.vector_store %arg6[%swap3A, %swap3A_64], %swap3A_67 {strides = array<i32>} : memref<640x16xf32, #tpu.memory_space<vmem>>, vector<1x16xf32>,
      %lt3A = arith.constant 128 : i32
      %lt3A_68 = arith.cmpi slt, %scan3A_63, %lt3A : i32
      %convert_element_type3A = arith.extui %lt3A_68 : i1 to i32
      %cond3A = arith.constant 0 : i32
      %cond3A_69 = arith.cmpi ne, %convert_element_type3A, %cond3A : i32
      scf.if %cond3A_69 {
        %swap3A_70 = arith.index_cast %scan3A_63 : i32 to index
        %swap3A_71 = arith.constant 0 : index
        %swap3A_72 = tpu.vector_load %arg5[%swap3A_70, %swap3A_71] {strides = array<i32>} : memref<128x16xf32, #tpu.memory_space<vmem>>, vector<1x16xf32>,
        %swap3A_73 = vector.shape_cast %swap3A_72 : vector<1x16xf32> to vector<16xf32>
        %swap3A_74 = vector.shape_cast %select_n3A : vector<16xf32> to vector<1x16xf32>
        tpu.vector_store %arg5[%swap3A_70, %swap3A_71], %swap3A_74 {strides = array<i32>} : memref<128x16xf32, #tpu.memory_space<vmem>>, vector<1x16xf32>,
      } else {
      }
    }
    %scan3A_16 = arith.constant 640 : i32
    %mul3A_17 = arith.constant 640 : i32
    %mul3A_18 = arith.muli %arg1, %mul3A_17 : i32
    "tpu.region"() ({
      %run_scoped3A = tpu.sem_alloc : memref<!tpu.dma_semaphore, #tpu.memory_space<semaphore_mem>>
      %dma_start3A_63 = arith.constant 0 : i32
      %dma_start3A_64 = tpu.memref_slice %arg7[%mul3A_18, %dma_start3A_63] : memref<10240x16xf32, #tpu.memory_space<vmem_shared>> -> memref<640x16xf32, #tpu.memory_space<vmem_shared>>
      %dma_start3A_65 = arith.constant 0 : i32
      %dma_start3A_66 = tpu.memref_slice %arg7[%mul3A_18, %dma_start3A_65] : memref<10240x16xf32, #tpu.memory_space<vmem_shared>> -> memref<640x16xf32, #tpu.memory_space<vmem_shared>>
      tpu.enqueue_dma source(%arg6 : memref<640x16xf32, #tpu.memory_space<vmem>>) target(%dma_start3A_66 : memref<640x16xf32, #tpu.memory_space<vmem_shared>>) target_semaphore(%run_scoped3A : memref<!tpu.dma_semaphore, #tpu.memory_space<semaphore_mem>>)
      %dma_wait3A_67 = arith.constant 0 : i32
      %dma_wait3A_68 = tpu.memref_slice %arg7[%mul3A_18, %dma_wait3A_67] : memref<10240x16xf32, #tpu.memory_space<vmem_shared>> -> memref<640x16xf32, #tpu.memory_space<vmem_shared>>
      %dma_wait3A_69 = arith.constant 0 : i32
      %dma_wait3A_70 = tpu.memref_slice %arg7[%mul3A_18, %dma_wait3A_69] : memref<10240x16xf32, #tpu.memory_space<vmem_shared>> -> memref<640x16xf32, #tpu.memory_space<vmem_shared>>
      tpu.wait_dma2 semaphore(%run_scoped3A : memref<!tpu.dma_semaphore, #tpu.memory_space<semaphore_mem>>) src(%arg6 : memref<640x16xf32, #tpu.memory_space<vmem>>) dst(%dma_wait3A_70 : memref<640x16xf32, #tpu.memory_space<vmem_shared>>)
      tpu.yield
    }) : () -> ()
    %mul3A_19 = arith.constant 80 : i32
    %mul3A_20 = arith.muli %add3A, %mul3A_19 : i32
    %dma_wait3A = arith.constant 0 : i32
    %dma_wait3A_21 = tpu.memref_slice %arg2[%mul3A_20, %dma_wait3A] : memref<2560x128xi32, #tpu.memory_space<hbm>> -> memref<80x128xi32, #tpu.memory_space<hbm>>
    %dma_wait3A_22 = arith.constant 0 : i32
    %dma_wait3A_23 = tpu.memref_slice %arg2[%mul3A_20, %dma_wait3A_22] : memref<2560x128xi32, #tpu.memory_space<hbm>> -> memref<80x128xi32, #tpu.memory_space<hbm>>
    tpu.wait_dma2 semaphore(%arg12 : memref<!tpu.dma_semaphore, #tpu.memory_space<semaphore_mem>>) src(%dma_wait3A_23 : memref<80x128xi32, #tpu.memory_space<hbm>>) dst(%arg4 : memref<80x128xi32, #tpu.memory_space<vmem>>)
    %barrier3A = arith.constant 0 : index
    tpu.barrier barrier_id(%barrier3A)
    %scan3A_24 = arith.constant 0 : i32
    %scan3A_25 = arith.constant 0 : i32
    %scan3A_26 = arith.constant 20 : i32
    %scan3A_27 = arith.addi %scan3A_25, %scan3A_26 : i32
    %scan3A_28 = arith.constant 1 : i32
    scf.for %scan3A_63 = %scan3A_25 to %scan3A_27 step %scan3A_28  : i32 {
      %mul3A_64 = arith.constant 4 : i32
      %mul3A_65 = arith.muli %mul3A_64, %scan3A_63 : i32
      %add3A_66 = arith.constant 0 : i32
      %add3A_67 = arith.addi %mul3A_65, %add3A_66 : i32
      %gt3A = arith.constant 0 : i32
      %gt3A_68 = arith.cmpi sgt, %scan3A_63, %gt3A : i32
      %convert_element_type3A = arith.extui %gt3A_68 : i1 to i32
      %cond3A = arith.constant 0 : i32
      %cond3A_69 = arith.cmpi ne, %convert_element_type3A, %cond3A : i32
      scf.if %cond3A_69 {
        %sub3A = arith.constant 4 : i32
        %sub3A_121 = arith.subi %add3A_67, %sub3A : i32
        %dma_wait3A_122 = arith.constant 0 : i32
        %dma_wait3A_123 = tpu.memref_slice %arg4[%sub3A_121, %dma_wait3A_122] : memref<80x128xi32, #tpu.memory_space<vmem>> -> memref<1x128xi32, #tpu.memory_space<vmem>>
        %dma_wait3A_124 = tpu.memref_squeeze %dma_wait3A_123 : memref<1x128xi32, #tpu.memory_space<vmem>> -> memref<128xi32, #tpu.memory_space<vmem>>
        %dma_wait3A_125 = arith.constant 0 : i32
        %dma_wait3A_126 = arith.constant 0 : i32
        %dma_wait3A_127 = tpu.memref_slice %arg7[%dma_wait3A_125, %dma_wait3A_126] : memref<10240x16xf32, #tpu.memory_space<vmem_shared>> -> memref<10240x16xf32, #tpu.memory_space<vmem_shared>>
        tpu.wait_indirect_dma semaphore(%arg8 : memref<!tpu.dma_semaphore, #tpu.memory_space<semaphore_mem>>) src(%arg5 : memref<128x16xf32, #tpu.memory_space<vmem>>) dst(%dma_wait3A_127 : memref<10240x16xf32, #tpu.memory_space<vmem_shared>>)
      } else {
      }
      %dma_start3A_70 = arith.constant 0 : i32
      %dma_start3A_71 = tpu.memref_slice %arg4[%add3A_67, %dma_start3A_70] : memref<80x128xi32, #tpu.memory_space<vmem>> -> memref<1x128xi32, #tpu.memory_space<vmem>>
      %dma_start3A_72 = tpu.memref_squeeze %dma_start3A_71 : memref<1x128xi32, #tpu.memory_space<vmem>> -> memref<128xi32, #tpu.memory_space<vmem>>
      %dma_start3A_73 = arith.constant 0 : i32
      %dma_start3A_74 = arith.constant 0 : i32
      %dma_start3A_75 = tpu.memref_slice %arg7[%dma_start3A_73, %dma_start3A_74] : memref<10240x16xf32, #tpu.memory_space<vmem_shared>> -> memref<10240x16xf32, #tpu.memory_space<vmem_shared>>
      tpu.enqueue_indirect_dma source(%arg5 : memref<128x16xf32, #tpu.memory_space<vmem>>) target(%dma_start3A_75 : memref<10240x16xf32, #tpu.memory_space<vmem_shared>>) offsets(%dma_start3A_72 : memref<128xi32, #tpu.memory_space<vmem>>) semaphore(%arg8 : memref<!tpu.dma_semaphore, #tpu.memory_space<semaphore_mem>>) {add = true}
      %mul3A_76 = arith.constant 4 : i32
      %mul3A_77 = arith.muli %mul3A_76, %scan3A_63 : i32
      %add3A_78 = arith.constant 1 : i32
      %add3A_79 = arith.addi %mul3A_77, %add3A_78 : i32
      %gt3A_80 = arith.constant 0 : i32
      %gt3A_81 = arith.cmpi sgt, %scan3A_63, %gt3A_80 : i32
      %convert_element_type3A_82 = arith.extui %gt3A_81 : i1 to i32
      %cond3A_83 = arith.constant 0 : i32
      %cond3A_84 = arith.cmpi ne, %convert_element_type3A_82, %cond3A_83 : i32
      scf.if %cond3A_84 {
        %sub3A = arith.constant 4 : i32
        %sub3A_121 = arith.subi %add3A_79, %sub3A : i32
        %dma_wait3A_122 = arith.constant 0 : i32
        %dma_wait3A_123 = tpu.memref_slice %arg4[%sub3A_121, %dma_wait3A_122] : memref<80x128xi32, #tpu.memory_space<vmem>> -> memref<1x128xi32, #tpu.memory_space<vmem>>
        %dma_wait3A_124 = tpu.memref_squeeze %dma_wait3A_123 : memref<1x128xi32, #tpu.memory_space<vmem>> -> memref<128xi32, #tpu.memory_space<vmem>>
        %dma_wait3A_125 = arith.constant 0 : i32
        %dma_wait3A_126 = arith.constant 0 : i32
        %dma_wait3A_127 = tpu.memref_slice %arg7[%dma_wait3A_125, %dma_wait3A_126] : memref<10240x16xf32, #tpu.memory_space<vmem_shared>> -> memref<10240x16xf32, #tpu.memory_space<vmem_shared>>
        tpu.wait_indirect_dma semaphore(%arg9 : memref<!tpu.dma_semaphore, #tpu.memory_space<semaphore_mem>>) src(%arg5 : memref<128x16xf32, #tpu.memory_space<vmem>>) dst(%dma_wait3A_127 : memref<10240x16xf32, #tpu.memory_space<vmem_shared>>)
      } else {
      }
      %dma_start3A_85 = arith.constant 0 : i32
      %dma_start3A_86 = tpu.memref_slice %arg4[%add3A_79, %dma_start3A_85] : memref<80x128xi32, #tpu.memory_space<vmem>> -> memref<1x128xi32, #tpu.memory_space<vmem>>
      %dma_start3A_87 = tpu.memref_squeeze %dma_start3A_86 : memref<1x128xi32, #tpu.memory_space<vmem>> -> memref<128xi32, #tpu.memory_space<vmem>>
      %dma_start3A_88 = arith.constant 0 : i32
      %dma_start3A_89 = arith.constant 0 : i32
      %dma_start3A_90 = tpu.memref_slice %arg7[%dma_start3A_88, %dma_start3A_89] : memref<10240x16xf32, #tpu.memory_space<vmem_shared>> -> memref<10240x16xf32, #tpu.memory_space<vmem_shared>>
      tpu.enqueue_indirect_dma source(%arg5 : memref<128x16xf32, #tpu.memory_space<vmem>>) target(%dma_start3A_90 : memref<10240x16xf32, #tpu.memory_space<vmem_shared>>) offsets(%dma_start3A_87 : memref<128xi32, #tpu.memory_space<vmem>>) semaphore(%arg9 : memref<!tpu.dma_semaphore, #tpu.memory_space<semaphore_mem>>) {add = true}
      %mul3A_91 = arith.constant 4 : i32
      %mul3A_92 = arith.muli %mul3A_91, %scan3A_63 : i32
      %add3A_93 = arith.constant 2 : i32
      %add3A_94 = arith.addi %mul3A_92, %add3A_93 : i32
      %gt3A_95 = arith.constant 0 : i32
      %gt3A_96 = arith.cmpi sgt, %scan3A_63, %gt3A_95 : i32
      %convert_element_type3A_97 = arith.extui %gt3A_96 : i1 to i32
      %cond3A_98 = arith.constant 0 : i32
      %cond3A_99 = arith.cmpi ne, %convert_element_type3A_97, %cond3A_98 : i32
      scf.if %cond3A_99 {
        %sub3A = arith.constant 4 : i32
        %sub3A_121 = arith.subi %add3A_94, %sub3A : i32
        %dma_wait3A_122 = arith.constant 0 : i32
        %dma_wait3A_123 = tpu.memref_slice %arg4[%sub3A_121, %dma_wait3A_122] : memref<80x128xi32, #tpu.memory_space<vmem>> -> memref<1x128xi32, #tpu.memory_space<vmem>>
        %dma_wait3A_124 = tpu.memref_squeeze %dma_wait3A_123 : memref<1x128xi32, #tpu.memory_space<vmem>> -> memref<128xi32, #tpu.memory_space<vmem>>
        %dma_wait3A_125 = arith.constant 0 : i32
        %dma_wait3A_126 = arith.constant 0 : i32
        %dma_wait3A_127 = tpu.memref_slice %arg7[%dma_wait3A_125, %dma_wait3A_126] : memref<10240x16xf32, #tpu.memory_space<vmem_shared>> -> memref<10240x16xf32, #tpu.memory_space<vmem_shared>>
        tpu.wait_indirect_dma semaphore(%arg10 : memref<!tpu.dma_semaphore, #tpu.memory_space<semaphore_mem>>) src(%arg5 : memref<128x16xf32, #tpu.memory_space<vmem>>) dst(%dma_wait3A_127 : memref<10240x16xf32, #tpu.memory_space<vmem_shared>>)
      } else {
      }
      %dma_start3A_100 = arith.constant 0 : i32
      %dma_start3A_101 = tpu.memref_slice %arg4[%add3A_94, %dma_start3A_100] : memref<80x128xi32, #tpu.memory_space<vmem>> -> memref<1x128xi32, #tpu.memory_space<vmem>>
      %dma_start3A_102 = tpu.memref_squeeze %dma_start3A_101 : memref<1x128xi32, #tpu.memory_space<vmem>> -> memref<128xi32, #tpu.memory_space<vmem>>
      %dma_start3A_103 = arith.constant 0 : i32
      %dma_start3A_104 = arith.constant 0 : i32
      %dma_start3A_105 = tpu.memref_slice %arg7[%dma_start3A_103, %dma_start3A_104] : memref<10240x16xf32, #tpu.memory_space<vmem_shared>> -> memref<10240x16xf32, #tpu.memory_space<vmem_shared>>
      tpu.enqueue_indirect_dma source(%arg5 : memref<128x16xf32, #tpu.memory_space<vmem>>) target(%dma_start3A_105 : memref<10240x16xf32, #tpu.memory_space<vmem_shared>>) offsets(%dma_start3A_102 : memref<128xi32, #tpu.memory_space<vmem>>) semaphore(%arg10 : memref<!tpu.dma_semaphore, #tpu.memory_space<semaphore_mem>>) {add = true}
      %mul3A_106 = arith.constant 4 : i32
      %mul3A_107 = arith.muli %mul3A_106, %scan3A_63 : i32
      %add3A_108 = arith.constant 3 : i32
      %add3A_109 = arith.addi %mul3A_107, %add3A_108 : i32
      %gt3A_110 = arith.constant 0 : i32
      %gt3A_111 = arith.cmpi sgt, %scan3A_63, %gt3A_110 : i32
      %convert_element_type3A_112 = arith.extui %gt3A_111 : i1 to i32
      %cond3A_113 = arith.constant 0 : i32
      %cond3A_114 = arith.cmpi ne, %convert_element_type3A_112, %cond3A_113 : i32
      scf.if %cond3A_114 {
        %sub3A = arith.constant 4 : i32
        %sub3A_121 = arith.subi %add3A_109, %sub3A : i32
        %dma_wait3A_122 = arith.constant 0 : i32
        %dma_wait3A_123 = tpu.memref_slice %arg4[%sub3A_121, %dma_wait3A_122] : memref<80x128xi32, #tpu.memory_space<vmem>> -> memref<1x128xi32, #tpu.memory_space<vmem>>
        %dma_wait3A_124 = tpu.memref_squeeze %dma_wait3A_123 : memref<1x128xi32, #tpu.memory_space<vmem>> -> memref<128xi32, #tpu.memory_space<vmem>>
        %dma_wait3A_125 = arith.constant 0 : i32
        %dma_wait3A_126 = arith.constant 0 : i32
        %dma_wait3A_127 = tpu.memref_slice %arg7[%dma_wait3A_125, %dma_wait3A_126] : memref<10240x16xf32, #tpu.memory_space<vmem_shared>> -> memref<10240x16xf32, #tpu.memory_space<vmem_shared>>
        tpu.wait_indirect_dma semaphore(%arg11 : memref<!tpu.dma_semaphore, #tpu.memory_space<semaphore_mem>>) src(%arg5 : memref<128x16xf32, #tpu.memory_space<vmem>>) dst(%dma_wait3A_127 : memref<10240x16xf32, #tpu.memory_space<vmem_shared>>)
      } else {
      }
      %dma_start3A_115 = arith.constant 0 : i32
      %dma_start3A_116 = tpu.memref_slice %arg4[%add3A_109, %dma_start3A_115] : memref<80x128xi32, #tpu.memory_space<vmem>> -> memref<1x128xi32, #tpu.memory_space<vmem>>
      %dma_start3A_117 = tpu.memref_squeeze %dma_start3A_116 : memref<1x128xi32, #tpu.memory_space<vmem>> -> memref<128xi32, #tpu.memory_space<vmem>>
      %dma_start3A_118 = arith.constant 0 : i32
      %dma_start3A_119 = arith.constant 0 : i32
      %dma_start3A_120 = tpu.memref_slice %arg7[%dma_start3A_118, %dma_start3A_119] : memref<10240x16xf32, #tpu.memory_space<vmem_shared>> -> memref<10240x16xf32, #tpu.memory_space<vmem_shared>>
      tpu.enqueue_indirect_dma source(%arg5 : memref<128x16xf32, #tpu.memory_space<vmem>>) target(%dma_start3A_120 : memref<10240x16xf32, #tpu.memory_space<vmem_shared>>) offsets(%dma_start3A_117 : memref<128xi32, #tpu.memory_space<vmem>>) semaphore(%arg11 : memref<!tpu.dma_semaphore, #tpu.memory_space<semaphore_mem>>) {add = true}
    }
    %scan3A_29 = arith.constant 20 : i32
    %dma_wait3A_30 = arith.constant 76 : i32
    %dma_wait3A_31 = arith.constant 0 : i32
    %dma_wait3A_32 = tpu.memref_slice %arg4[%dma_wait3A_30, %dma_wait3A_31] : memref<80x128xi32, #tpu.memory_space<vmem>> -> memref<1x128xi32, #tpu.memory_space<vmem>>
    %dma_wait3A_33 = tpu.memref_squeeze %dma_wait3A_32 : memref<1x128xi32, #tpu.memory_space<vmem>> -> memref<128xi32, #tpu.memory_space<vmem>>
    %dma_wait3A_34 = arith.constant 0 : i32
    %dma_wait3A_35 = arith.constant 0 : i32
    %dma_wait3A_36 = tpu.memref_slice %arg7[%dma_wait3A_34, %dma_wait3A_35] : memref<10240x16xf32, #tpu.memory_space<vmem_shared>> -> memref<10240x16xf32, #tpu.memory_space<vmem_shared>>
    tpu.wait_indirect_dma semaphore(%arg8 : memref<!tpu.dma_semaphore, #tpu.memory_space<semaphore_mem>>) src(%arg5 : memref<128x16xf32, #tpu.memory_space<vmem>>) dst(%dma_wait3A_36 : memref<10240x16xf32, #tpu.memory_space<vmem_shared>>)
    %dma_wait3A_37 = arith.constant 77 : i32
    %dma_wait3A_38 = arith.constant 0 : i32
    %dma_wait3A_39 = tpu.memref_slice %arg4[%dma_wait3A_37, %dma_wait3A_38] : memref<80x128xi32, #tpu.memory_space<vmem>> -> memref<1x128xi32, #tpu.memory_space<vmem>>
    %dma_wait3A_40 = tpu.memref_squeeze %dma_wait3A_39 : memref<1x128xi32, #tpu.memory_space<vmem>> -> memref<128xi32, #tpu.memory_space<vmem>>
    %dma_wait3A_41 = arith.constant 0 : i32
    %dma_wait3A_42 = arith.constant 0 : i32
    %dma_wait3A_43 = tpu.memref_slice %arg7[%dma_wait3A_41, %dma_wait3A_42] : memref<10240x16xf32, #tpu.memory_space<vmem_shared>> -> memref<10240x16xf32, #tpu.memory_space<vmem_shared>>
    tpu.wait_indirect_dma semaphore(%arg9 : memref<!tpu.dma_semaphore, #tpu.memory_space<semaphore_mem>>) src(%arg5 : memref<128x16xf32, #tpu.memory_space<vmem>>) dst(%dma_wait3A_43 : memref<10240x16xf32, #tpu.memory_space<vmem_shared>>)
    %dma_wait3A_44 = arith.constant 78 : i32
    %dma_wait3A_45 = arith.constant 0 : i32
    %dma_wait3A_46 = tpu.memref_slice %arg4[%dma_wait3A_44, %dma_wait3A_45] : memref<80x128xi32, #tpu.memory_space<vmem>> -> memref<1x128xi32, #tpu.memory_space<vmem>>
    %dma_wait3A_47 = tpu.memref_squeeze %dma_wait3A_46 : memref<1x128xi32, #tpu.memory_space<vmem>> -> memref<128xi32, #tpu.memory_space<vmem>>
    %dma_wait3A_48 = arith.constant 0 : i32
    %dma_wait3A_49 = arith.constant 0 : i32
    %dma_wait3A_50 = tpu.memref_slice %arg7[%dma_wait3A_48, %dma_wait3A_49] : memref<10240x16xf32, #tpu.memory_space<vmem_shared>> -> memref<10240x16xf32, #tpu.memory_space<vmem_shared>>
    tpu.wait_indirect_dma semaphore(%arg10 : memref<!tpu.dma_semaphore, #tpu.memory_space<semaphore_mem>>) src(%arg5 : memref<128x16xf32, #tpu.memory_space<vmem>>) dst(%dma_wait3A_50 : memref<10240x16xf32, #tpu.memory_space<vmem_shared>>)
    %dma_wait3A_51 = arith.constant 79 : i32
    %dma_wait3A_52 = arith.constant 0 : i32
    %dma_wait3A_53 = tpu.memref_slice %arg4[%dma_wait3A_51, %dma_wait3A_52] : memref<80x128xi32, #tpu.memory_space<vmem>> -> memref<1x128xi32, #tpu.memory_space<vmem>>
    %dma_wait3A_54 = tpu.memref_squeeze %dma_wait3A_53 : memref<1x128xi32, #tpu.memory_space<vmem>> -> memref<128xi32, #tpu.memory_space<vmem>>
    %dma_wait3A_55 = arith.constant 0 : i32
    %dma_wait3A_56 = arith.constant 0 : i32
    %dma_wait3A_57 = tpu.memref_slice %arg7[%dma_wait3A_55, %dma_wait3A_56] : memref<10240x16xf32, #tpu.memory_space<vmem_shared>> -> memref<10240x16xf32, #tpu.memory_space<vmem_shared>>
    tpu.wait_indirect_dma semaphore(%arg11 : memref<!tpu.dma_semaphore, #tpu.memory_space<semaphore_mem>>) src(%arg5 : memref<128x16xf32, #tpu.memory_space<vmem>>) dst(%dma_wait3A_57 : memref<10240x16xf32, #tpu.memory_space<vmem_shared>>)
    %barrier3A_58 = arith.constant 0 : index
    tpu.barrier barrier_id(%barrier3A_58)
    %mul3A_59 = arith.constant 640 : i32
    %mul3A_60 = arith.muli %arg1, %mul3A_59 : i32
    %mul3A_61 = arith.constant 640 : i32
    %mul3A_62 = arith.muli %arg1, %mul3A_61 : i32
    "tpu.region"() ({
      %run_scoped3A = tpu.sem_alloc : memref<!tpu.dma_semaphore, #tpu.memory_space<semaphore_mem>>
      %dma_start3A_63 = arith.constant 0 : i32
      %dma_start3A_64 = tpu.memref_slice %arg3[%arg0, %mul3A_62, %dma_start3A_63] : memref<2x10240x16xf32, #tpu.memory_space<hbm>> -> memref<1x640x16xf32, #tpu.memory_space<hbm>>
      %dma_start3A_65 = tpu.memref_squeeze %dma_start3A_64 : memref<1x640x16xf32, #tpu.memory_space<hbm>> -> memref<640x16xf32, #tpu.memory_space<hbm>>
      %dma_start3A_66 = arith.constant 0 : i32
      %dma_start3A_67 = tpu.memref_slice %arg7[%mul3A_60, %dma_start3A_66] : memref<10240x16xf32, #tpu.memory_space<vmem_shared>> -> memref<640x16xf32, #tpu.memory_space<vmem_shared>>
      tpu.enqueue_dma source(%dma_start3A_67 : memref<640x16xf32, #tpu.memory_space<vmem_shared>>) target(%dma_start3A_65 : memref<640x16xf32, #tpu.memory_space<hbm>>) target_semaphore(%run_scoped3A : memref<!tpu.dma_semaphore, #tpu.memory_space<semaphore_mem>>)
      %dma_wait3A_68 = arith.constant 0 : i32
      %dma_wait3A_69 = tpu.memref_slice %arg3[%arg0, %mul3A_62, %dma_wait3A_68] : memref<2x10240x16xf32, #tpu.memory_space<hbm>> -> memref<1x640x16xf32, #tpu.memory_space<hbm>>
      %dma_wait3A_70 = tpu.memref_squeeze %dma_wait3A_69 : memref<1x640x16xf32, #tpu.memory_space<hbm>> -> memref<640x16xf32, #tpu.memory_space<hbm>>
      %dma_wait3A_71 = arith.constant 0 : i32
      %dma_wait3A_72 = tpu.memref_slice %arg7[%mul3A_60, %dma_wait3A_71] : memref<10240x16xf32, #tpu.memory_space<vmem_shared>> -> memref<640x16xf32, #tpu.memory_space<vmem_shared>>
      tpu.wait_dma2 semaphore(%run_scoped3A : memref<!tpu.dma_semaphore, #tpu.memory_space<semaphore_mem>>) src(%dma_wait3A_72 : memref<640x16xf32, #tpu.memory_space<vmem_shared>>) dst(%dma_wait3A_70 : memref<640x16xf32, #tpu.memory_space<hbm>>)
      tpu.yield
    }) : () -> ()
    return
  }
}

#map = affine_map<(d0, d1) -> (0, 0, 0)>
#map1 = affine_map<(d0, d1) -> (0, 0)>
module attributes {stable_mosaic.version = 14 : i64} {
  func.func @_mp_body(%arg0: i32, %arg1: i32, %arg2: memref<2x10000x64xf32, #tpu.memory_space<hbm>>, %arg3: memref<2560x128xi32, #tpu.memory_space<hbm>>, %arg4: memref<2560x128xi32, #tpu.memory_space<hbm>>, %arg5: memref<2x10000x64xf32, #tpu.memory_space<hbm>>, %arg6: memref<80x128xi32, #tpu.memory_space<vmem>>, %arg7: memref<80x128xi32, #tpu.memory_space<vmem>>, %arg8: memref<128x64xf32, #tpu.memory_space<vmem>>, %arg9: memref<128x64xf32, #tpu.memory_space<vmem>>, %arg10: memref<128x64xf32, #tpu.memory_space<vmem>>, %arg11: memref<128x64xf32, #tpu.memory_space<vmem>>, %arg12: memref<128x64xf32, #tpu.memory_space<vmem>>, %arg13: memref<128x64xf32, #tpu.memory_space<vmem>>, %arg14: memref<128x64xf32, #tpu.memory_space<vmem>>, %arg15: memref<128x64xf32, #tpu.memory_space<vmem>>, %arg16: memref<10048x64xf32, #tpu.memory_space<vmem_shared>>, %arg17: memref<!tpu.dma_semaphore, #tpu.memory_space<semaphore_mem>>, %arg18: memref<!tpu.dma_semaphore, #tpu.memory_space<semaphore_mem>>, %arg19: memref<!tpu.dma_semaphore, #tpu.memory_space<semaphore_mem>>, %arg20: memref<!tpu.dma_semaphore, #tpu.memory_space<semaphore_mem>>, %arg21: memref<!tpu.dma_semaphore, #tpu.memory_space<semaphore_mem>>, %arg22: memref<!tpu.dma_semaphore, #tpu.memory_space<semaphore_mem>>, %arg23: memref<!tpu.dma_semaphore, #tpu.memory_space<semaphore_mem>>, %arg24: memref<!tpu.dma_semaphore, #tpu.memory_space<semaphore_mem>>, %arg25: memref<!tpu.dma_semaphore, #tpu.memory_space<semaphore_mem>>, %arg26: memref<!tpu.dma_semaphore, #tpu.memory_space<semaphore_mem>>, %arg27: memref<!tpu.dma_semaphore, #tpu.memory_space<semaphore_mem>>, %arg28: memref<!tpu.dma_semaphore, #tpu.memory_space<semaphore_mem>>, %arg29: memref<!tpu.dma_semaphore, #tpu.memory_space<semaphore_mem>>, %arg30: memref<!tpu.dma_semaphore, #tpu.memory_space<semaphore_mem>>, %arg31: memref<!tpu.dma_semaphore, #tpu.memory_space<semaphore_mem>>, %arg32: memref<!tpu.dma_semaphore, #tpu.memory_space<semaphore_mem>>, %arg33: memref<!tpu.dma_semaphore, #tpu.memory_space<semaphore_mem>>) attributes {dimension_semantics = [#tpu.dimension_semantics<core_parallel>, #tpu.dimension_semantics<subcore_parallel>], iteration_bounds = array<i64: 2, 16>, scalar_prefetch = 0 : i64, scratch_operands = 28 : i64, tpu.core_type = #tpu.core_type<sc_vector_subcore>, window_params = [{transform_indices = #map}, {transform_indices = #map1}, {transform_indices = #map1}, {transform_indices = #map}]} {
    %mul3A = arith.constant 625 : i32
    %mul3A_0 = arith.muli %arg1, %mul3A : i32
    %mul3A_1 = arith.constant 160 : i32
    %mul3A_2 = arith.muli %arg1, %mul3A_1 : i32
    %add3A = arith.constant 0 : i32
    %add3A_3 = arith.addi %mul3A_2, %add3A : i32
    %dma_start3A = arith.constant 0 : i32
    %dma_start3A_4 = tpu.memref_slice %arg3[%add3A_3, %dma_start3A] : memref<2560x128xi32, #tpu.memory_space<hbm>> -> memref<80x128xi32, #tpu.memory_space<hbm>>
    %dma_start3A_5 = arith.constant 0 : i32
    %dma_start3A_6 = tpu.memref_slice %arg3[%add3A_3, %dma_start3A_5] : memref<2560x128xi32, #tpu.memory_space<hbm>> -> memref<80x128xi32, #tpu.memory_space<hbm>>
    tpu.enqueue_dma source(%dma_start3A_6 : memref<80x128xi32, #tpu.memory_space<hbm>>) target(%arg6 : memref<80x128xi32, #tpu.memory_space<vmem>>) target_semaphore(%arg33 : memref<!tpu.dma_semaphore, #tpu.memory_space<semaphore_mem>>)
    %dma_start3A_7 = arith.constant 0 : i32
    %dma_start3A_8 = tpu.memref_slice %arg4[%add3A_3, %dma_start3A_7] : memref<2560x128xi32, #tpu.memory_space<hbm>> -> memref<80x128xi32, #tpu.memory_space<hbm>>
    %dma_start3A_9 = arith.constant 0 : i32
    %dma_start3A_10 = tpu.memref_slice %arg4[%add3A_3, %dma_start3A_9] : memref<2560x128xi32, #tpu.memory_space<hbm>> -> memref<80x128xi32, #tpu.memory_space<hbm>>
    tpu.enqueue_dma source(%dma_start3A_10 : memref<80x128xi32, #tpu.memory_space<hbm>>) target(%arg7 : memref<80x128xi32, #tpu.memory_space<vmem>>) target_semaphore(%arg33 : memref<!tpu.dma_semaphore, #tpu.memory_space<semaphore_mem>>)
    "tpu.region"() ({
      %run_scoped3A = tpu.sem_alloc : memref<!tpu.dma_semaphore, #tpu.memory_space<semaphore_mem>>
      %dma_start3A_202 = arith.constant 0 : i32
      %dma_start3A_203 = tpu.memref_slice %arg16[%mul3A_0, %dma_start3A_202] : memref<10048x64xf32, #tpu.memory_space<vmem_shared>> -> memref<625x64xf32, #tpu.memory_space<vmem_shared>>
      %dma_start3A_204 = arith.constant 0 : i32
      %dma_start3A_205 = tpu.memref_slice %arg2[%arg0, %mul3A_0, %dma_start3A_204] : memref<2x10000x64xf32, #tpu.memory_space<hbm>> -> memref<1x625x64xf32, #tpu.memory_space<hbm>>
      %dma_start3A_206 = tpu.memref_squeeze %dma_start3A_205 : memref<1x625x64xf32, #tpu.memory_space<hbm>> -> memref<625x64xf32, #tpu.memory_space<hbm>>
      tpu.enqueue_dma source(%dma_start3A_206 : memref<625x64xf32, #tpu.memory_space<hbm>>) target(%dma_start3A_203 : memref<625x64xf32, #tpu.memory_space<vmem_shared>>) target_semaphore(%run_scoped3A : memref<!tpu.dma_semaphore, #tpu.memory_space<semaphore_mem>>)
      %dma_wait3A_207 = arith.constant 0 : i32
      %dma_wait3A_208 = tpu.memref_slice %arg16[%mul3A_0, %dma_wait3A_207] : memref<10048x64xf32, #tpu.memory_space<vmem_shared>> -> memref<625x64xf32, #tpu.memory_space<vmem_shared>>
      %dma_wait3A_209 = arith.constant 0 : i32
      %dma_wait3A_210 = tpu.memref_slice %arg2[%arg0, %mul3A_0, %dma_wait3A_209] : memref<2x10000x64xf32, #tpu.memory_space<hbm>> -> memref<1x625x64xf32, #tpu.memory_space<hbm>>
      %dma_wait3A_211 = tpu.memref_squeeze %dma_wait3A_210 : memref<1x625x64xf32, #tpu.memory_space<hbm>> -> memref<625x64xf32, #tpu.memory_space<hbm>>
      tpu.wait_dma2 semaphore(%run_scoped3A : memref<!tpu.dma_semaphore, #tpu.memory_space<semaphore_mem>>) src(%dma_wait3A_211 : memref<625x64xf32, #tpu.memory_space<hbm>>) dst(%dma_wait3A_208 : memref<625x64xf32, #tpu.memory_space<vmem_shared>>)
      tpu.yield
    }) : () -> ()
    %mul3A_11 = arith.constant 160 : i32
    %mul3A_12 = arith.muli %arg1, %mul3A_11 : i32
    %add3A_13 = arith.constant 0 : i32
    %add3A_14 = arith.addi %mul3A_12, %add3A_13 : i32
    %dma_wait3A = arith.constant 0 : i32
    %dma_wait3A_15 = tpu.memref_slice %arg3[%add3A_14, %dma_wait3A] : memref<2560x128xi32, #tpu.memory_space<hbm>> -> memref<80x128xi32, #tpu.memory_space<hbm>>
    %dma_wait3A_16 = arith.constant 0 : i32
    %dma_wait3A_17 = tpu.memref_slice %arg3[%add3A_14, %dma_wait3A_16] : memref<2560x128xi32, #tpu.memory_space<hbm>> -> memref<80x128xi32, #tpu.memory_space<hbm>>
    tpu.wait_dma2 semaphore(%arg33 : memref<!tpu.dma_semaphore, #tpu.memory_space<semaphore_mem>>) src(%dma_wait3A_17 : memref<80x128xi32, #tpu.memory_space<hbm>>) dst(%arg6 : memref<80x128xi32, #tpu.memory_space<vmem>>)
    %dma_wait3A_18 = arith.constant 0 : i32
    %dma_wait3A_19 = tpu.memref_slice %arg4[%add3A_14, %dma_wait3A_18] : memref<2560x128xi32, #tpu.memory_space<hbm>> -> memref<80x128xi32, #tpu.memory_space<hbm>>
    %dma_wait3A_20 = arith.constant 0 : i32
    %dma_wait3A_21 = tpu.memref_slice %arg4[%add3A_14, %dma_wait3A_20] : memref<2560x128xi32, #tpu.memory_space<hbm>> -> memref<80x128xi32, #tpu.memory_space<hbm>>
    tpu.wait_dma2 semaphore(%arg33 : memref<!tpu.dma_semaphore, #tpu.memory_space<semaphore_mem>>) src(%dma_wait3A_21 : memref<80x128xi32, #tpu.memory_space<hbm>>) dst(%arg7 : memref<80x128xi32, #tpu.memory_space<vmem>>)
    %barrier3A = arith.constant 0 : index
    tpu.barrier barrier_id(%barrier3A)
    %dma_start3A_22 = arith.constant 0 : i32
    %dma_start3A_23 = arith.constant 0 : i32
    %dma_start3A_24 = tpu.memref_slice %arg6[%dma_start3A_22, %dma_start3A_23] : memref<80x128xi32, #tpu.memory_space<vmem>> -> memref<1x128xi32, #tpu.memory_space<vmem>>
    %dma_start3A_25 = tpu.memref_squeeze %dma_start3A_24 : memref<1x128xi32, #tpu.memory_space<vmem>> -> memref<128xi32, #tpu.memory_space<vmem>>
    %dma_start3A_26 = arith.constant 0 : i32
    %dma_start3A_27 = arith.constant 0 : i32
    %dma_start3A_28 = tpu.memref_slice %arg2[%arg0, %dma_start3A_26, %dma_start3A_27] : memref<2x10000x64xf32, #tpu.memory_space<hbm>> -> memref<1x10000x64xf32, #tpu.memory_space<hbm>>
    %dma_start3A_29 = tpu.memref_squeeze %dma_start3A_28 : memref<1x10000x64xf32, #tpu.memory_space<hbm>> -> memref<10000x64xf32, #tpu.memory_space<hbm>>
    %dma_start3A_30 = arith.constant 0 : i32
    %dma_start3A_31 = arith.constant 0 : i32
    %dma_start3A_32 = tpu.memref_slice %dma_start3A_29[%dma_start3A_30, %dma_start3A_31] : memref<10000x64xf32, #tpu.memory_space<hbm>> -> memref<10000x64xf32, #tpu.memory_space<hbm>>
    tpu.enqueue_indirect_dma source(%dma_start3A_32 : memref<10000x64xf32, #tpu.memory_space<hbm>>) target(%arg8 : memref<128x64xf32, #tpu.memory_space<vmem>>) offsets(%dma_start3A_25 : memref<128xi32, #tpu.memory_space<vmem>>) semaphore(%arg17 : memref<!tpu.dma_semaphore, #tpu.memory_space<semaphore_mem>>)
    %dma_start3A_33 = arith.constant 1 : i32
    %dma_start3A_34 = arith.constant 0 : i32
    %dma_start3A_35 = tpu.memref_slice %arg6[%dma_start3A_33, %dma_start3A_34] : memref<80x128xi32, #tpu.memory_space<vmem>> -> memref<1x128xi32, #tpu.memory_space<vmem>>
    %dma_start3A_36 = tpu.memref_squeeze %dma_start3A_35 : memref<1x128xi32, #tpu.memory_space<vmem>> -> memref<128xi32, #tpu.memory_space<vmem>>
    %dma_start3A_37 = arith.constant 0 : i32
    %dma_start3A_38 = arith.constant 0 : i32
    %dma_start3A_39 = tpu.memref_slice %arg2[%arg0, %dma_start3A_37, %dma_start3A_38] : memref<2x10000x64xf32, #tpu.memory_space<hbm>> -> memref<1x10000x64xf32, #tpu.memory_space<hbm>>
    %dma_start3A_40 = tpu.memref_squeeze %dma_start3A_39 : memref<1x10000x64xf32, #tpu.memory_space<hbm>> -> memref<10000x64xf32, #tpu.memory_space<hbm>>
    %dma_start3A_41 = arith.constant 0 : i32
    %dma_start3A_42 = arith.constant 0 : i32
    %dma_start3A_43 = tpu.memref_slice %dma_start3A_40[%dma_start3A_41, %dma_start3A_42] : memref<10000x64xf32, #tpu.memory_space<hbm>> -> memref<10000x64xf32, #tpu.memory_space<hbm>>
    tpu.enqueue_indirect_dma source(%dma_start3A_43 : memref<10000x64xf32, #tpu.memory_space<hbm>>) target(%arg9 : memref<128x64xf32, #tpu.memory_space<vmem>>) offsets(%dma_start3A_36 : memref<128xi32, #tpu.memory_space<vmem>>) semaphore(%arg18 : memref<!tpu.dma_semaphore, #tpu.memory_space<semaphore_mem>>)
    %dma_start3A_44 = arith.constant 2 : i32
    %dma_start3A_45 = arith.constant 0 : i32
    %dma_start3A_46 = tpu.memref_slice %arg6[%dma_start3A_44, %dma_start3A_45] : memref<80x128xi32, #tpu.memory_space<vmem>> -> memref<1x128xi32, #tpu.memory_space<vmem>>
    %dma_start3A_47 = tpu.memref_squeeze %dma_start3A_46 : memref<1x128xi32, #tpu.memory_space<vmem>> -> memref<128xi32, #tpu.memory_space<vmem>>
    %dma_start3A_48 = arith.constant 0 : i32
    %dma_start3A_49 = arith.constant 0 : i32
    %dma_start3A_50 = tpu.memref_slice %arg2[%arg0, %dma_start3A_48, %dma_start3A_49] : memref<2x10000x64xf32, #tpu.memory_space<hbm>> -> memref<1x10000x64xf32, #tpu.memory_space<hbm>>
    %dma_start3A_51 = tpu.memref_squeeze %dma_start3A_50 : memref<1x10000x64xf32, #tpu.memory_space<hbm>> -> memref<10000x64xf32, #tpu.memory_space<hbm>>
    %dma_start3A_52 = arith.constant 0 : i32
    %dma_start3A_53 = arith.constant 0 : i32
    %dma_start3A_54 = tpu.memref_slice %dma_start3A_51[%dma_start3A_52, %dma_start3A_53] : memref<10000x64xf32, #tpu.memory_space<hbm>> -> memref<10000x64xf32, #tpu.memory_space<hbm>>
    tpu.enqueue_indirect_dma source(%dma_start3A_54 : memref<10000x64xf32, #tpu.memory_space<hbm>>) target(%arg10 : memref<128x64xf32, #tpu.memory_space<vmem>>) offsets(%dma_start3A_47 : memref<128xi32, #tpu.memory_space<vmem>>) semaphore(%arg19 : memref<!tpu.dma_semaphore, #tpu.memory_space<semaphore_mem>>)
    %dma_start3A_55 = arith.constant 3 : i32
    %dma_start3A_56 = arith.constant 0 : i32
    %dma_start3A_57 = tpu.memref_slice %arg6[%dma_start3A_55, %dma_start3A_56] : memref<80x128xi32, #tpu.memory_space<vmem>> -> memref<1x128xi32, #tpu.memory_space<vmem>>
    %dma_start3A_58 = tpu.memref_squeeze %dma_start3A_57 : memref<1x128xi32, #tpu.memory_space<vmem>> -> memref<128xi32, #tpu.memory_space<vmem>>
    %dma_start3A_59 = arith.constant 0 : i32
    %dma_start3A_60 = arith.constant 0 : i32
    %dma_start3A_61 = tpu.memref_slice %arg2[%arg0, %dma_start3A_59, %dma_start3A_60] : memref<2x10000x64xf32, #tpu.memory_space<hbm>> -> memref<1x10000x64xf32, #tpu.memory_space<hbm>>
    %dma_start3A_62 = tpu.memref_squeeze %dma_start3A_61 : memref<1x10000x64xf32, #tpu.memory_space<hbm>> -> memref<10000x64xf32, #tpu.memory_space<hbm>>
    %dma_start3A_63 = arith.constant 0 : i32
    %dma_start3A_64 = arith.constant 0 : i32
    %dma_start3A_65 = tpu.memref_slice %dma_start3A_62[%dma_start3A_63, %dma_start3A_64] : memref<10000x64xf32, #tpu.memory_space<hbm>> -> memref<10000x64xf32, #tpu.memory_space<hbm>>
    tpu.enqueue_indirect_dma source(%dma_start3A_65 : memref<10000x64xf32, #tpu.memory_space<hbm>>) target(%arg11 : memref<128x64xf32, #tpu.memory_space<vmem>>) offsets(%dma_start3A_58 : memref<128xi32, #tpu.memory_space<vmem>>) semaphore(%arg20 : memref<!tpu.dma_semaphore, #tpu.memory_space<semaphore_mem>>)
    %scan3A = arith.constant 0 : i32
    %scan3A_66 = arith.constant 0 : i32
    %scan3A_67 = arith.constant 10 : i32
    %scan3A_68 = arith.addi %scan3A_66, %scan3A_67 : i32
    %scan3A_69 = arith.constant 1 : i32
    scf.for %scan3A_202 = %scan3A_66 to %scan3A_68 step %scan3A_69  : i32 {
      %mul3A_203 = arith.constant 8 : i32
      %mul3A_204 = arith.muli %mul3A_203, %scan3A_202 : i32
      %add3A_205 = arith.constant 0 : i32
      %add3A_206 = arith.addi %mul3A_204, %add3A_205 : i32
      %dma_wait3A_207 = arith.constant 0 : i32
      %dma_wait3A_208 = tpu.memref_slice %arg6[%add3A_206, %dma_wait3A_207] : memref<80x128xi32, #tpu.memory_space<vmem>> -> memref<1x128xi32, #tpu.memory_space<vmem>>
      %dma_wait3A_209 = tpu.memref_squeeze %dma_wait3A_208 : memref<1x128xi32, #tpu.memory_space<vmem>> -> memref<128xi32, #tpu.memory_space<vmem>>
      %dma_wait3A_210 = arith.constant 0 : i32
      %dma_wait3A_211 = arith.constant 0 : i32
      %dma_wait3A_212 = tpu.memref_slice %arg2[%arg0, %dma_wait3A_210, %dma_wait3A_211] : memref<2x10000x64xf32, #tpu.memory_space<hbm>> -> memref<1x10000x64xf32, #tpu.memory_space<hbm>>
      %dma_wait3A_213 = tpu.memref_squeeze %dma_wait3A_212 : memref<1x10000x64xf32, #tpu.memory_space<hbm>> -> memref<10000x64xf32, #tpu.memory_space<hbm>>
      %dma_wait3A_214 = arith.constant 0 : i32
      %dma_wait3A_215 = arith.constant 0 : i32
      %dma_wait3A_216 = tpu.memref_slice %dma_wait3A_213[%dma_wait3A_214, %dma_wait3A_215] : memref<10000x64xf32, #tpu.memory_space<hbm>> -> memref<10000x64xf32, #tpu.memory_space<hbm>>
      tpu.wait_indirect_dma semaphore(%arg17 : memref<!tpu.dma_semaphore, #tpu.memory_space<semaphore_mem>>) src(%dma_wait3A_216 : memref<10000x64xf32, #tpu.memory_space<hbm>>) dst(%arg8 : memref<128x64xf32, #tpu.memory_space<vmem>>)
      %dma_start3A_217 = arith.constant 0 : i32
      %dma_start3A_218 = tpu.memref_slice %arg7[%add3A_206, %dma_start3A_217] : memref<80x128xi32, #tpu.memory_space<vmem>> -> memref<1x128xi32, #tpu.memory_space<vmem>>
      %dma_start3A_219 = tpu.memref_squeeze %dma_start3A_218 : memref<1x128xi32, #tpu.memory_space<vmem>> -> memref<128xi32, #tpu.memory_space<vmem>>
      %dma_start3A_220 = arith.constant 0 : i32
      %dma_start3A_221 = arith.constant 0 : i32
      %dma_start3A_222 = tpu.memref_slice %arg16[%dma_start3A_220, %dma_start3A_221] : memref<10048x64xf32, #tpu.memory_space<vmem_shared>> -> memref<10048x64xf32, #tpu.memory_space<vmem_shared>>
      tpu.enqueue_indirect_dma source(%arg8 : memref<128x64xf32, #tpu.memory_space<vmem>>) target(%dma_start3A_222 : memref<10048x64xf32, #tpu.memory_space<vmem_shared>>) offsets(%dma_start3A_219 : memref<128xi32, #tpu.memory_space<vmem>>) semaphore(%arg25 : memref<!tpu.dma_semaphore, #tpu.memory_space<semaphore_mem>>) {add = true}
      %gt3A = arith.constant 0 : i32
      %gt3A_223 = arith.cmpi sgt, %scan3A_202, %gt3A : i32
      %convert_element_type3A = arith.extui %gt3A_223 : i1 to i32
      %cond3A = arith.constant 0 : i32
      %cond3A_224 = arith.cmpi ne, %convert_element_type3A, %cond3A : i32
      scf.if %cond3A_224 {
        %sub3A_486 = arith.constant 4 : i32
        %sub3A_487 = arith.subi %add3A_206, %sub3A_486 : i32
        %dma_wait3A_488 = arith.constant 0 : i32
        %dma_wait3A_489 = tpu.memref_slice %arg7[%sub3A_487, %dma_wait3A_488] : memref<80x128xi32, #tpu.memory_space<vmem>> -> memref<1x128xi32, #tpu.memory_space<vmem>>
        %dma_wait3A_490 = tpu.memref_squeeze %dma_wait3A_489 : memref<1x128xi32, #tpu.memory_space<vmem>> -> memref<128xi32, #tpu.memory_space<vmem>>
        %dma_wait3A_491 = arith.constant 0 : i32
        %dma_wait3A_492 = arith.constant 0 : i32
        %dma_wait3A_493 = tpu.memref_slice %arg16[%dma_wait3A_491, %dma_wait3A_492] : memref<10048x64xf32, #tpu.memory_space<vmem_shared>> -> memref<10048x64xf32, #tpu.memory_space<vmem_shared>>
        tpu.wait_indirect_dma semaphore(%arg29 : memref<!tpu.dma_semaphore, #tpu.memory_space<semaphore_mem>>) src(%arg12 : memref<128x64xf32, #tpu.memory_space<vmem>>) dst(%dma_wait3A_493 : memref<10048x64xf32, #tpu.memory_space<vmem_shared>>)
      } else {
      }
      %add3A_225 = arith.constant 4 : i32
      %add3A_226 = arith.addi %add3A_206, %add3A_225 : i32
      %dma_start3A_227 = arith.constant 0 : i32
      %dma_start3A_228 = tpu.memref_slice %arg6[%add3A_226, %dma_start3A_227] : memref<80x128xi32, #tpu.memory_space<vmem>> -> memref<1x128xi32, #tpu.memory_space<vmem>>
      %dma_start3A_229 = tpu.memref_squeeze %dma_start3A_228 : memref<1x128xi32, #tpu.memory_space<vmem>> -> memref<128xi32, #tpu.memory_space<vmem>>
      %dma_start3A_230 = arith.constant 0 : i32
      %dma_start3A_231 = arith.constant 0 : i32
      %dma_start3A_232 = tpu.memref_slice %arg2[%arg0, %dma_start3A_230, %dma_start3A_231] : memref<2x10000x64xf32, #tpu.memory_space<hbm>> -> memref<1x10000x64xf32, #tpu.memory_space<hbm>>
      %dma_start3A_233 = tpu.memref_squeeze %dma_start3A_232 : memref<1x10000x64xf32, #tpu.memory_space<hbm>> -> memref<10000x64xf32, #tpu.memory_space<hbm>>
      %dma_start3A_234 = arith.constant 0 : i32
      %dma_start3A_235 = arith.constant 0 : i32
      %dma_start3A_236 = tpu.memref_slice %dma_start3A_233[%dma_start3A_234, %dma_start3A_235] : memref<10000x64xf32, #tpu.memory_space<hbm>> -> memref<10000x64xf32, #tpu.memory_space<hbm>>
      tpu.enqueue_indirect_dma source(%dma_start3A_236 : memref<10000x64xf32, #tpu.memory_space<hbm>>) target(%arg12 : memref<128x64xf32, #tpu.memory_space<vmem>>) offsets(%dma_start3A_229 : memref<128xi32, #tpu.memory_space<vmem>>) semaphore(%arg21 : memref<!tpu.dma_semaphore, #tpu.memory_space<semaphore_mem>>)
      %mul3A_237 = arith.constant 8 : i32
      %mul3A_238 = arith.muli %mul3A_237, %scan3A_202 : i32
      %add3A_239 = arith.constant 1 : i32
      %add3A_240 = arith.addi %mul3A_238, %add3A_239 : i32
      %dma_wait3A_241 = arith.constant 0 : i32
      %dma_wait3A_242 = tpu.memref_slice %arg6[%add3A_240, %dma_wait3A_241] : memref<80x128xi32, #tpu.memory_space<vmem>> -> memref<1x128xi32, #tpu.memory_space<vmem>>
      %dma_wait3A_243 = tpu.memref_squeeze %dma_wait3A_242 : memref<1x128xi32, #tpu.memory_space<vmem>> -> memref<128xi32, #tpu.memory_space<vmem>>
      %dma_wait3A_244 = arith.constant 0 : i32
      %dma_wait3A_245 = arith.constant 0 : i32
      %dma_wait3A_246 = tpu.memref_slice %arg2[%arg0, %dma_wait3A_244, %dma_wait3A_245] : memref<2x10000x64xf32, #tpu.memory_space<hbm>> -> memref<1x10000x64xf32, #tpu.memory_space<hbm>>
      %dma_wait3A_247 = tpu.memref_squeeze %dma_wait3A_246 : memref<1x10000x64xf32, #tpu.memory_space<hbm>> -> memref<10000x64xf32, #tpu.memory_space<hbm>>
      %dma_wait3A_248 = arith.constant 0 : i32
      %dma_wait3A_249 = arith.constant 0 : i32
      %dma_wait3A_250 = tpu.memref_slice %dma_wait3A_247[%dma_wait3A_248, %dma_wait3A_249] : memref<10000x64xf32, #tpu.memory_space<hbm>> -> memref<10000x64xf32, #tpu.memory_space<hbm>>
      tpu.wait_indirect_dma semaphore(%arg18 : memref<!tpu.dma_semaphore, #tpu.memory_space<semaphore_mem>>) src(%dma_wait3A_250 : memref<10000x64xf32, #tpu.memory_space<hbm>>) dst(%arg9 : memref<128x64xf32, #tpu.memory_space<vmem>>)
      %dma_start3A_251 = arith.constant 0 : i32
      %dma_start3A_252 = tpu.memref_slice %arg7[%add3A_240, %dma_start3A_251] : memref<80x128xi32, #tpu.memory_space<vmem>> -> memref<1x128xi32, #tpu.memory_space<vmem>>
      %dma_start3A_253 = tpu.memref_squeeze %dma_start3A_252 : memref<1x128xi32, #tpu.memory_space<vmem>> -> memref<128xi32, #tpu.memory_space<vmem>>
      %dma_start3A_254 = arith.constant 0 : i32
      %dma_start3A_255 = arith.constant 0 : i32
      %dma_start3A_256 = tpu.memref_slice %arg16[%dma_start3A_254, %dma_start3A_255] : memref<10048x64xf32, #tpu.memory_space<vmem_shared>> -> memref<10048x64xf32, #tpu.memory_space<vmem_shared>>
      tpu.enqueue_indirect_dma source(%arg9 : memref<128x64xf32, #tpu.memory_space<vmem>>) target(%dma_start3A_256 : memref<10048x64xf32, #tpu.memory_space<vmem_shared>>) offsets(%dma_start3A_253 : memref<128xi32, #tpu.memory_space<vmem>>) semaphore(%arg26 : memref<!tpu.dma_semaphore, #tpu.memory_space<semaphore_mem>>) {add = true}
      %gt3A_257 = arith.constant 0 : i32
      %gt3A_258 = arith.cmpi sgt, %scan3A_202, %gt3A_257 : i32
      %convert_element_type3A_259 = arith.extui %gt3A_258 : i1 to i32
      %cond3A_260 = arith.constant 0 : i32
      %cond3A_261 = arith.cmpi ne, %convert_element_type3A_259, %cond3A_260 : i32
      scf.if %cond3A_261 {
        %sub3A_486 = arith.constant 4 : i32
        %sub3A_487 = arith.subi %add3A_240, %sub3A_486 : i32
        %dma_wait3A_488 = arith.constant 0 : i32
        %dma_wait3A_489 = tpu.memref_slice %arg7[%sub3A_487, %dma_wait3A_488] : memref<80x128xi32, #tpu.memory_space<vmem>> -> memref<1x128xi32, #tpu.memory_space<vmem>>
        %dma_wait3A_490 = tpu.memref_squeeze %dma_wait3A_489 : memref<1x128xi32, #tpu.memory_space<vmem>> -> memref<128xi32, #tpu.memory_space<vmem>>
        %dma_wait3A_491 = arith.constant 0 : i32
        %dma_wait3A_492 = arith.constant 0 : i32
        %dma_wait3A_493 = tpu.memref_slice %arg16[%dma_wait3A_491, %dma_wait3A_492] : memref<10048x64xf32, #tpu.memory_space<vmem_shared>> -> memref<10048x64xf32, #tpu.memory_space<vmem_shared>>
        tpu.wait_indirect_dma semaphore(%arg30 : memref<!tpu.dma_semaphore, #tpu.memory_space<semaphore_mem>>) src(%arg13 : memref<128x64xf32, #tpu.memory_space<vmem>>) dst(%dma_wait3A_493 : memref<10048x64xf32, #tpu.memory_space<vmem_shared>>)
      } else {
      }
      %add3A_262 = arith.constant 4 : i32
      %add3A_263 = arith.addi %add3A_240, %add3A_262 : i32
      %dma_start3A_264 = arith.constant 0 : i32
      %dma_start3A_265 = tpu.memref_slice %arg6[%add3A_263, %dma_start3A_264] : memref<80x128xi32, #tpu.memory_space<vmem>> -> memref<1x128xi32, #tpu.memory_space<vmem>>
      %dma_start3A_266 = tpu.memref_squeeze %dma_start3A_265 : memref<1x128xi32, #tpu.memory_space<vmem>> -> memref<128xi32, #tpu.memory_space<vmem>>
      %dma_start3A_267 = arith.constant 0 : i32
      %dma_start3A_268 = arith.constant 0 : i32
      %dma_start3A_269 = tpu.memref_slice %arg2[%arg0, %dma_start3A_267, %dma_start3A_268] : memref<2x10000x64xf32, #tpu.memory_space<hbm>> -> memref<1x10000x64xf32, #tpu.memory_space<hbm>>
      %dma_start3A_270 = tpu.memref_squeeze %dma_start3A_269 : memref<1x10000x64xf32, #tpu.memory_space<hbm>> -> memref<10000x64xf32, #tpu.memory_space<hbm>>
      %dma_start3A_271 = arith.constant 0 : i32
      %dma_start3A_272 = arith.constant 0 : i32
      %dma_start3A_273 = tpu.memref_slice %dma_start3A_270[%dma_start3A_271, %dma_start3A_272] : memref<10000x64xf32, #tpu.memory_space<hbm>> -> memref<10000x64xf32, #tpu.memory_space<hbm>>
      tpu.enqueue_indirect_dma source(%dma_start3A_273 : memref<10000x64xf32, #tpu.memory_space<hbm>>) target(%arg13 : memref<128x64xf32, #tpu.memory_space<vmem>>) offsets(%dma_start3A_266 : memref<128xi32, #tpu.memory_space<vmem>>) semaphore(%arg22 : memref<!tpu.dma_semaphore, #tpu.memory_space<semaphore_mem>>)
      %mul3A_274 = arith.constant 8 : i32
      %mul3A_275 = arith.muli %mul3A_274, %scan3A_202 : i32
      %add3A_276 = arith.constant 2 : i32
      %add3A_277 = arith.addi %mul3A_275, %add3A_276 : i32
      %dma_wait3A_278 = arith.constant 0 : i32
      %dma_wait3A_279 = tpu.memref_slice %arg6[%add3A_277, %dma_wait3A_278] : memref<80x128xi32, #tpu.memory_space<vmem>> -> memref<1x128xi32, #tpu.memory_space<vmem>>
      %dma_wait3A_280 = tpu.memref_squeeze %dma_wait3A_279 : memref<1x128xi32, #tpu.memory_space<vmem>> -> memref<128xi32, #tpu.memory_space<vmem>>
      %dma_wait3A_281 = arith.constant 0 : i32
      %dma_wait3A_282 = arith.constant 0 : i32
      %dma_wait3A_283 = tpu.memref_slice %arg2[%arg0, %dma_wait3A_281, %dma_wait3A_282] : memref<2x10000x64xf32, #tpu.memory_space<hbm>> -> memref<1x10000x64xf32, #tpu.memory_space<hbm>>
      %dma_wait3A_284 = tpu.memref_squeeze %dma_wait3A_283 : memref<1x10000x64xf32, #tpu.memory_space<hbm>> -> memref<10000x64xf32, #tpu.memory_space<hbm>>
      %dma_wait3A_285 = arith.constant 0 : i32
      %dma_wait3A_286 = arith.constant 0 : i32
      %dma_wait3A_287 = tpu.memref_slice %dma_wait3A_284[%dma_wait3A_285, %dma_wait3A_286] : memref<10000x64xf32, #tpu.memory_space<hbm>> -> memref<10000x64xf32, #tpu.memory_space<hbm>>
      tpu.wait_indirect_dma semaphore(%arg19 : memref<!tpu.dma_semaphore, #tpu.memory_space<semaphore_mem>>) src(%dma_wait3A_287 : memref<10000x64xf32, #tpu.memory_space<hbm>>) dst(%arg10 : memref<128x64xf32, #tpu.memory_space<vmem>>)
      %dma_start3A_288 = arith.constant 0 : i32
      %dma_start3A_289 = tpu.memref_slice %arg7[%add3A_277, %dma_start3A_288] : memref<80x128xi32, #tpu.memory_space<vmem>> -> memref<1x128xi32, #tpu.memory_space<vmem>>
      %dma_start3A_290 = tpu.memref_squeeze %dma_start3A_289 : memref<1x128xi32, #tpu.memory_space<vmem>> -> memref<128xi32, #tpu.memory_space<vmem>>
      %dma_start3A_291 = arith.constant 0 : i32
      %dma_start3A_292 = arith.constant 0 : i32
      %dma_start3A_293 = tpu.memref_slice %arg16[%dma_start3A_291, %dma_start3A_292] : memref<10048x64xf32, #tpu.memory_space<vmem_shared>> -> memref<10048x64xf32, #tpu.memory_space<vmem_shared>>
      tpu.enqueue_indirect_dma source(%arg10 : memref<128x64xf32, #tpu.memory_space<vmem>>) target(%dma_start3A_293 : memref<10048x64xf32, #tpu.memory_space<vmem_shared>>) offsets(%dma_start3A_290 : memref<128xi32, #tpu.memory_space<vmem>>) semaphore(%arg27 : memref<!tpu.dma_semaphore, #tpu.memory_space<semaphore_mem>>) {add = true}
      %gt3A_294 = arith.constant 0 : i32
      %gt3A_295 = arith.cmpi sgt, %scan3A_202, %gt3A_294 : i32
      %convert_element_type3A_296 = arith.extui %gt3A_295 : i1 to i32
      %cond3A_297 = arith.constant 0 : i32
      %cond3A_298 = arith.cmpi ne, %convert_element_type3A_296, %cond3A_297 : i32
      scf.if %cond3A_298 {
        %sub3A_486 = arith.constant 4 : i32
        %sub3A_487 = arith.subi %add3A_277, %sub3A_486 : i32
        %dma_wait3A_488 = arith.constant 0 : i32
        %dma_wait3A_489 = tpu.memref_slice %arg7[%sub3A_487, %dma_wait3A_488] : memref<80x128xi32, #tpu.memory_space<vmem>> -> memref<1x128xi32, #tpu.memory_space<vmem>>
        %dma_wait3A_490 = tpu.memref_squeeze %dma_wait3A_489 : memref<1x128xi32, #tpu.memory_space<vmem>> -> memref<128xi32, #tpu.memory_space<vmem>>
        %dma_wait3A_491 = arith.constant 0 : i32
        %dma_wait3A_492 = arith.constant 0 : i32
        %dma_wait3A_493 = tpu.memref_slice %arg16[%dma_wait3A_491, %dma_wait3A_492] : memref<10048x64xf32, #tpu.memory_space<vmem_shared>> -> memref<10048x64xf32, #tpu.memory_space<vmem_shared>>
        tpu.wait_indirect_dma semaphore(%arg31 : memref<!tpu.dma_semaphore, #tpu.memory_space<semaphore_mem>>) src(%arg14 : memref<128x64xf32, #tpu.memory_space<vmem>>) dst(%dma_wait3A_493 : memref<10048x64xf32, #tpu.memory_space<vmem_shared>>)
      } else {
      }
      %add3A_299 = arith.constant 4 : i32
      %add3A_300 = arith.addi %add3A_277, %add3A_299 : i32
      %dma_start3A_301 = arith.constant 0 : i32
      %dma_start3A_302 = tpu.memref_slice %arg6[%add3A_300, %dma_start3A_301] : memref<80x128xi32, #tpu.memory_space<vmem>> -> memref<1x128xi32, #tpu.memory_space<vmem>>
      %dma_start3A_303 = tpu.memref_squeeze %dma_start3A_302 : memref<1x128xi32, #tpu.memory_space<vmem>> -> memref<128xi32, #tpu.memory_space<vmem>>
      %dma_start3A_304 = arith.constant 0 : i32
      %dma_start3A_305 = arith.constant 0 : i32
      %dma_start3A_306 = tpu.memref_slice %arg2[%arg0, %dma_start3A_304, %dma_start3A_305] : memref<2x10000x64xf32, #tpu.memory_space<hbm>> -> memref<1x10000x64xf32, #tpu.memory_space<hbm>>
      %dma_start3A_307 = tpu.memref_squeeze %dma_start3A_306 : memref<1x10000x64xf32, #tpu.memory_space<hbm>> -> memref<10000x64xf32, #tpu.memory_space<hbm>>
      %dma_start3A_308 = arith.constant 0 : i32
      %dma_start3A_309 = arith.constant 0 : i32
      %dma_start3A_310 = tpu.memref_slice %dma_start3A_307[%dma_start3A_308, %dma_start3A_309] : memref<10000x64xf32, #tpu.memory_space<hbm>> -> memref<10000x64xf32, #tpu.memory_space<hbm>>
      tpu.enqueue_indirect_dma source(%dma_start3A_310 : memref<10000x64xf32, #tpu.memory_space<hbm>>) target(%arg14 : memref<128x64xf32, #tpu.memory_space<vmem>>) offsets(%dma_start3A_303 : memref<128xi32, #tpu.memory_space<vmem>>) semaphore(%arg23 : memref<!tpu.dma_semaphore, #tpu.memory_space<semaphore_mem>>)
      %mul3A_311 = arith.constant 8 : i32
      %mul3A_312 = arith.muli %mul3A_311, %scan3A_202 : i32
      %add3A_313 = arith.constant 3 : i32
      %add3A_314 = arith.addi %mul3A_312, %add3A_313 : i32
      %dma_wait3A_315 = arith.constant 0 : i32
      %dma_wait3A_316 = tpu.memref_slice %arg6[%add3A_314, %dma_wait3A_315] : memref<80x128xi32, #tpu.memory_space<vmem>> -> memref<1x128xi32, #tpu.memory_space<vmem>>
      %dma_wait3A_317 = tpu.memref_squeeze %dma_wait3A_316 : memref<1x128xi32, #tpu.memory_space<vmem>> -> memref<128xi32, #tpu.memory_space<vmem>>
      %dma_wait3A_318 = arith.constant 0 : i32
      %dma_wait3A_319 = arith.constant 0 : i32
      %dma_wait3A_320 = tpu.memref_slice %arg2[%arg0, %dma_wait3A_318, %dma_wait3A_319] : memref<2x10000x64xf32, #tpu.memory_space<hbm>> -> memref<1x10000x64xf32, #tpu.memory_space<hbm>>
      %dma_wait3A_321 = tpu.memref_squeeze %dma_wait3A_320 : memref<1x10000x64xf32, #tpu.memory_space<hbm>> -> memref<10000x64xf32, #tpu.memory_space<hbm>>
      %dma_wait3A_322 = arith.constant 0 : i32
      %dma_wait3A_323 = arith.constant 0 : i32
      %dma_wait3A_324 = tpu.memref_slice %dma_wait3A_321[%dma_wait3A_322, %dma_wait3A_323] : memref<10000x64xf32, #tpu.memory_space<hbm>> -> memref<10000x64xf32, #tpu.memory_space<hbm>>
      tpu.wait_indirect_dma semaphore(%arg20 : memref<!tpu.dma_semaphore, #tpu.memory_space<semaphore_mem>>) src(%dma_wait3A_324 : memref<10000x64xf32, #tpu.memory_space<hbm>>) dst(%arg11 : memref<128x64xf32, #tpu.memory_space<vmem>>)
      %dma_start3A_325 = arith.constant 0 : i32
      %dma_start3A_326 = tpu.memref_slice %arg7[%add3A_314, %dma_start3A_325] : memref<80x128xi32, #tpu.memory_space<vmem>> -> memref<1x128xi32, #tpu.memory_space<vmem>>
      %dma_start3A_327 = tpu.memref_squeeze %dma_start3A_326 : memref<1x128xi32, #tpu.memory_space<vmem>> -> memref<128xi32, #tpu.memory_space<vmem>>
      %dma_start3A_328 = arith.constant 0 : i32
      %dma_start3A_329 = arith.constant 0 : i32
      %dma_start3A_330 = tpu.memref_slice %arg16[%dma_start3A_328, %dma_start3A_329] : memref<10048x64xf32, #tpu.memory_space<vmem_shared>> -> memref<10048x64xf32, #tpu.memory_space<vmem_shared>>
      tpu.enqueue_indirect_dma source(%arg11 : memref<128x64xf32, #tpu.memory_space<vmem>>) target(%dma_start3A_330 : memref<10048x64xf32, #tpu.memory_space<vmem_shared>>) offsets(%dma_start3A_327 : memref<128xi32, #tpu.memory_space<vmem>>) semaphore(%arg28 : memref<!tpu.dma_semaphore, #tpu.memory_space<semaphore_mem>>) {add = true}
      %gt3A_331 = arith.constant 0 : i32
      %gt3A_332 = arith.cmpi sgt, %scan3A_202, %gt3A_331 : i32
      %convert_element_type3A_333 = arith.extui %gt3A_332 : i1 to i32
      %cond3A_334 = arith.constant 0 : i32
      %cond3A_335 = arith.cmpi ne, %convert_element_type3A_333, %cond3A_334 : i32
      scf.if %cond3A_335 {
        %sub3A_486 = arith.constant 4 : i32
        %sub3A_487 = arith.subi %add3A_314, %sub3A_486 : i32
        %dma_wait3A_488 = arith.constant 0 : i32
        %dma_wait3A_489 = tpu.memref_slice %arg7[%sub3A_487, %dma_wait3A_488] : memref<80x128xi32, #tpu.memory_space<vmem>> -> memref<1x128xi32, #tpu.memory_space<vmem>>
        %dma_wait3A_490 = tpu.memref_squeeze %dma_wait3A_489 : memref<1x128xi32, #tpu.memory_space<vmem>> -> memref<128xi32, #tpu.memory_space<vmem>>
        %dma_wait3A_491 = arith.constant 0 : i32
        %dma_wait3A_492 = arith.constant 0 : i32
        %dma_wait3A_493 = tpu.memref_slice %arg16[%dma_wait3A_491, %dma_wait3A_492] : memref<10048x64xf32, #tpu.memory_space<vmem_shared>> -> memref<10048x64xf32, #tpu.memory_space<vmem_shared>>
        tpu.wait_indirect_dma semaphore(%arg32 : memref<!tpu.dma_semaphore, #tpu.memory_space<semaphore_mem>>) src(%arg15 : memref<128x64xf32, #tpu.memory_space<vmem>>) dst(%dma_wait3A_493 : memref<10048x64xf32, #tpu.memory_space<vmem_shared>>)
      } else {
      }
      %add3A_336 = arith.constant 4 : i32
      %add3A_337 = arith.addi %add3A_314, %add3A_336 : i32
      %dma_start3A_338 = arith.constant 0 : i32
      %dma_start3A_339 = tpu.memref_slice %arg6[%add3A_337, %dma_start3A_338] : memref<80x128xi32, #tpu.memory_space<vmem>> -> memref<1x128xi32, #tpu.memory_space<vmem>>
      %dma_start3A_340 = tpu.memref_squeeze %dma_start3A_339 : memref<1x128xi32, #tpu.memory_space<vmem>> -> memref<128xi32, #tpu.memory_space<vmem>>
      %dma_start3A_341 = arith.constant 0 : i32
      %dma_start3A_342 = arith.constant 0 : i32
      %dma_start3A_343 = tpu.memref_slice %arg2[%arg0, %dma_start3A_341, %dma_start3A_342] : memref<2x10000x64xf32, #tpu.memory_space<hbm>> -> memref<1x10000x64xf32, #tpu.memory_space<hbm>>
      %dma_start3A_344 = tpu.memref_squeeze %dma_start3A_343 : memref<1x10000x64xf32, #tpu.memory_space<hbm>> -> memref<10000x64xf32, #tpu.memory_space<hbm>>
      %dma_start3A_345 = arith.constant 0 : i32
      %dma_start3A_346 = arith.constant 0 : i32
      %dma_start3A_347 = tpu.memref_slice %dma_start3A_344[%dma_start3A_345, %dma_start3A_346] : memref<10000x64xf32, #tpu.memory_space<hbm>> -> memref<10000x64xf32, #tpu.memory_space<hbm>>
      tpu.enqueue_indirect_dma source(%dma_start3A_347 : memref<10000x64xf32, #tpu.memory_space<hbm>>) target(%arg15 : memref<128x64xf32, #tpu.memory_space<vmem>>) offsets(%dma_start3A_340 : memref<128xi32, #tpu.memory_space<vmem>>) semaphore(%arg24 : memref<!tpu.dma_semaphore, #tpu.memory_space<semaphore_mem>>)
      %mul3A_348 = arith.constant 8 : i32
      %mul3A_349 = arith.muli %mul3A_348, %scan3A_202 : i32
      %add3A_350 = arith.constant 4 : i32
      %add3A_351 = arith.addi %mul3A_349, %add3A_350 : i32
      %dma_wait3A_352 = arith.constant 0 : i32
      %dma_wait3A_353 = tpu.memref_slice %arg6[%add3A_351, %dma_wait3A_352] : memref<80x128xi32, #tpu.memory_space<vmem>> -> memref<1x128xi32, #tpu.memory_space<vmem>>
      %dma_wait3A_354 = tpu.memref_squeeze %dma_wait3A_353 : memref<1x128xi32, #tpu.memory_space<vmem>> -> memref<128xi32, #tpu.memory_space<vmem>>
      %dma_wait3A_355 = arith.constant 0 : i32
      %dma_wait3A_356 = arith.constant 0 : i32
      %dma_wait3A_357 = tpu.memref_slice %arg2[%arg0, %dma_wait3A_355, %dma_wait3A_356] : memref<2x10000x64xf32, #tpu.memory_space<hbm>> -> memref<1x10000x64xf32, #tpu.memory_space<hbm>>
      %dma_wait3A_358 = tpu.memref_squeeze %dma_wait3A_357 : memref<1x10000x64xf32, #tpu.memory_space<hbm>> -> memref<10000x64xf32, #tpu.memory_space<hbm>>
      %dma_wait3A_359 = arith.constant 0 : i32
      %dma_wait3A_360 = arith.constant 0 : i32
      %dma_wait3A_361 = tpu.memref_slice %dma_wait3A_358[%dma_wait3A_359, %dma_wait3A_360] : memref<10000x64xf32, #tpu.memory_space<hbm>> -> memref<10000x64xf32, #tpu.memory_space<hbm>>
      tpu.wait_indirect_dma semaphore(%arg21 : memref<!tpu.dma_semaphore, #tpu.memory_space<semaphore_mem>>) src(%dma_wait3A_361 : memref<10000x64xf32, #tpu.memory_space<hbm>>) dst(%arg12 : memref<128x64xf32, #tpu.memory_space<vmem>>)
      %dma_start3A_362 = arith.constant 0 : i32
      %dma_start3A_363 = tpu.memref_slice %arg7[%add3A_351, %dma_start3A_362] : memref<80x128xi32, #tpu.memory_space<vmem>> -> memref<1x128xi32, #tpu.memory_space<vmem>>
      %dma_start3A_364 = tpu.memref_squeeze %dma_start3A_363 : memref<1x128xi32, #tpu.memory_space<vmem>> -> memref<128xi32, #tpu.memory_space<vmem>>
      %dma_start3A_365 = arith.constant 0 : i32
      %dma_start3A_366 = arith.constant 0 : i32
      %dma_start3A_367 = tpu.memref_slice %arg16[%dma_start3A_365, %dma_start3A_366] : memref<10048x64xf32, #tpu.memory_space<vmem_shared>> -> memref<10048x64xf32, #tpu.memory_space<vmem_shared>>
      tpu.enqueue_indirect_dma source(%arg12 : memref<128x64xf32, #tpu.memory_space<vmem>>) target(%dma_start3A_367 : memref<10048x64xf32, #tpu.memory_space<vmem_shared>>) offsets(%dma_start3A_364 : memref<128xi32, #tpu.memory_space<vmem>>) semaphore(%arg29 : memref<!tpu.dma_semaphore, #tpu.memory_space<semaphore_mem>>) {add = true}
      %sub3A = arith.constant 4 : i32
      %sub3A_368 = arith.subi %add3A_351, %sub3A : i32
      %dma_wait3A_369 = arith.constant 0 : i32
      %dma_wait3A_370 = tpu.memref_slice %arg7[%sub3A_368, %dma_wait3A_369] : memref<80x128xi32, #tpu.memory_space<vmem>> -> memref<1x128xi32, #tpu.memory_space<vmem>>
      %dma_wait3A_371 = tpu.memref_squeeze %dma_wait3A_370 : memref<1x128xi32, #tpu.memory_space<vmem>> -> memref<128xi32, #tpu.memory_space<vmem>>
      %dma_wait3A_372 = arith.constant 0 : i32
      %dma_wait3A_373 = arith.constant 0 : i32
      %dma_wait3A_374 = tpu.memref_slice %arg16[%dma_wait3A_372, %dma_wait3A_373] : memref<10048x64xf32, #tpu.memory_space<vmem_shared>> -> memref<10048x64xf32, #tpu.memory_space<vmem_shared>>
      tpu.wait_indirect_dma semaphore(%arg25 : memref<!tpu.dma_semaphore, #tpu.memory_space<semaphore_mem>>) src(%arg8 : memref<128x64xf32, #tpu.memory_space<vmem>>) dst(%dma_wait3A_374 : memref<10048x64xf32, #tpu.memory_space<vmem_shared>>)
      %add3A_375 = arith.constant 1 : i32
      %add3A_376 = arith.addi %scan3A_202, %add3A_375 : i32
      %lt3A = arith.constant 10 : i32
      %lt3A_377 = arith.cmpi slt, %add3A_376, %lt3A : i32
      %convert_element_type3A_378 = arith.extui %lt3A_377 : i1 to i32
      %cond3A_379 = arith.constant 0 : i32
      %cond3A_380 = arith.cmpi ne, %convert_element_type3A_378, %cond3A_379 : i32
      scf.if %cond3A_380 {
        %add3A_486 = arith.constant 4 : i32
        %add3A_487 = arith.addi %add3A_351, %add3A_486 : i32
        %dma_start3A_488 = arith.constant 0 : i32
        %dma_start3A_489 = tpu.memref_slice %arg6[%add3A_487, %dma_start3A_488] : memref<80x128xi32, #tpu.memory_space<vmem>> -> memref<1x128xi32, #tpu.memory_space<vmem>>
        %dma_start3A_490 = tpu.memref_squeeze %dma_start3A_489 : memref<1x128xi32, #tpu.memory_space<vmem>> -> memref<128xi32, #tpu.memory_space<vmem>>
        %dma_start3A_491 = arith.constant 0 : i32
        %dma_start3A_492 = arith.constant 0 : i32
        %dma_start3A_493 = tpu.memref_slice %arg2[%arg0, %dma_start3A_491, %dma_start3A_492] : memref<2x10000x64xf32, #tpu.memory_space<hbm>> -> memref<1x10000x64xf32, #tpu.memory_space<hbm>>
        %dma_start3A_494 = tpu.memref_squeeze %dma_start3A_493 : memref<1x10000x64xf32, #tpu.memory_space<hbm>> -> memref<10000x64xf32, #tpu.memory_space<hbm>>
        %dma_start3A_495 = arith.constant 0 : i32
        %dma_start3A_496 = arith.constant 0 : i32
        %dma_start3A_497 = tpu.memref_slice %dma_start3A_494[%dma_start3A_495, %dma_start3A_496] : memref<10000x64xf32, #tpu.memory_space<hbm>> -> memref<10000x64xf32, #tpu.memory_space<hbm>>
        tpu.enqueue_indirect_dma source(%dma_start3A_497 : memref<10000x64xf32, #tpu.memory_space<hbm>>) target(%arg8 : memref<128x64xf32, #tpu.memory_space<vmem>>) offsets(%dma_start3A_490 : memref<128xi32, #tpu.memory_space<vmem>>) semaphore(%arg17 : memref<!tpu.dma_semaphore, #tpu.memory_space<semaphore_mem>>)
      } else {
      }
      %mul3A_381 = arith.constant 8 : i32
      %mul3A_382 = arith.muli %mul3A_381, %scan3A_202 : i32
      %add3A_383 = arith.constant 5 : i32
      %add3A_384 = arith.addi %mul3A_382, %add3A_383 : i32
      %dma_wait3A_385 = arith.constant 0 : i32
      %dma_wait3A_386 = tpu.memref_slice %arg6[%add3A_384, %dma_wait3A_385] : memref<80x128xi32, #tpu.memory_space<vmem>> -> memref<1x128xi32, #tpu.memory_space<vmem>>
      %dma_wait3A_387 = tpu.memref_squeeze %dma_wait3A_386 : memref<1x128xi32, #tpu.memory_space<vmem>> -> memref<128xi32, #tpu.memory_space<vmem>>
      %dma_wait3A_388 = arith.constant 0 : i32
      %dma_wait3A_389 = arith.constant 0 : i32
      %dma_wait3A_390 = tpu.memref_slice %arg2[%arg0, %dma_wait3A_388, %dma_wait3A_389] : memref<2x10000x64xf32, #tpu.memory_space<hbm>> -> memref<1x10000x64xf32, #tpu.memory_space<hbm>>
      %dma_wait3A_391 = tpu.memref_squeeze %dma_wait3A_390 : memref<1x10000x64xf32, #tpu.memory_space<hbm>> -> memref<10000x64xf32, #tpu.memory_space<hbm>>
      %dma_wait3A_392 = arith.constant 0 : i32
      %dma_wait3A_393 = arith.constant 0 : i32
      %dma_wait3A_394 = tpu.memref_slice %dma_wait3A_391[%dma_wait3A_392, %dma_wait3A_393] : memref<10000x64xf32, #tpu.memory_space<hbm>> -> memref<10000x64xf32, #tpu.memory_space<hbm>>
      tpu.wait_indirect_dma semaphore(%arg22 : memref<!tpu.dma_semaphore, #tpu.memory_space<semaphore_mem>>) src(%dma_wait3A_394 : memref<10000x64xf32, #tpu.memory_space<hbm>>) dst(%arg13 : memref<128x64xf32, #tpu.memory_space<vmem>>)
      %dma_start3A_395 = arith.constant 0 : i32
      %dma_start3A_396 = tpu.memref_slice %arg7[%add3A_384, %dma_start3A_395] : memref<80x128xi32, #tpu.memory_space<vmem>> -> memref<1x128xi32, #tpu.memory_space<vmem>>
      %dma_start3A_397 = tpu.memref_squeeze %dma_start3A_396 : memref<1x128xi32, #tpu.memory_space<vmem>> -> memref<128xi32, #tpu.memory_space<vmem>>
      %dma_start3A_398 = arith.constant 0 : i32
      %dma_start3A_399 = arith.constant 0 : i32
      %dma_start3A_400 = tpu.memref_slice %arg16[%dma_start3A_398, %dma_start3A_399] : memref<10048x64xf32, #tpu.memory_space<vmem_shared>> -> memref<10048x64xf32, #tpu.memory_space<vmem_shared>>
      tpu.enqueue_indirect_dma source(%arg13 : memref<128x64xf32, #tpu.memory_space<vmem>>) target(%dma_start3A_400 : memref<10048x64xf32, #tpu.memory_space<vmem_shared>>) offsets(%dma_start3A_397 : memref<128xi32, #tpu.memory_space<vmem>>) semaphore(%arg30 : memref<!tpu.dma_semaphore, #tpu.memory_space<semaphore_mem>>) {add = true}
      %sub3A_401 = arith.constant 4 : i32
      %sub3A_402 = arith.subi %add3A_384, %sub3A_401 : i32
      %dma_wait3A_403 = arith.constant 0 : i32
      %dma_wait3A_404 = tpu.memref_slice %arg7[%sub3A_402, %dma_wait3A_403] : memref<80x128xi32, #tpu.memory_space<vmem>> -> memref<1x128xi32, #tpu.memory_space<vmem>>
      %dma_wait3A_405 = tpu.memref_squeeze %dma_wait3A_404 : memref<1x128xi32, #tpu.memory_space<vmem>> -> memref<128xi32, #tpu.memory_space<vmem>>
      %dma_wait3A_406 = arith.constant 0 : i32
      %dma_wait3A_407 = arith.constant 0 : i32
      %dma_wait3A_408 = tpu.memref_slice %arg16[%dma_wait3A_406, %dma_wait3A_407] : memref<10048x64xf32, #tpu.memory_space<vmem_shared>> -> memref<10048x64xf32, #tpu.memory_space<vmem_shared>>
      tpu.wait_indirect_dma semaphore(%arg26 : memref<!tpu.dma_semaphore, #tpu.memory_space<semaphore_mem>>) src(%arg9 : memref<128x64xf32, #tpu.memory_space<vmem>>) dst(%dma_wait3A_408 : memref<10048x64xf32, #tpu.memory_space<vmem_shared>>)
      %add3A_409 = arith.constant 1 : i32
      %add3A_410 = arith.addi %scan3A_202, %add3A_409 : i32
      %lt3A_411 = arith.constant 10 : i32
      %lt3A_412 = arith.cmpi slt, %add3A_410, %lt3A_411 : i32
      %convert_element_type3A_413 = arith.extui %lt3A_412 : i1 to i32
      %cond3A_414 = arith.constant 0 : i32
      %cond3A_415 = arith.cmpi ne, %convert_element_type3A_413, %cond3A_414 : i32
      scf.if %cond3A_415 {
        %add3A_486 = arith.constant 4 : i32
        %add3A_487 = arith.addi %add3A_384, %add3A_486 : i32
        %dma_start3A_488 = arith.constant 0 : i32
        %dma_start3A_489 = tpu.memref_slice %arg6[%add3A_487, %dma_start3A_488] : memref<80x128xi32, #tpu.memory_space<vmem>> -> memref<1x128xi32, #tpu.memory_space<vmem>>
        %dma_start3A_490 = tpu.memref_squeeze %dma_start3A_489 : memref<1x128xi32, #tpu.memory_space<vmem>> -> memref<128xi32, #tpu.memory_space<vmem>>
        %dma_start3A_491 = arith.constant 0 : i32
        %dma_start3A_492 = arith.constant 0 : i32
        %dma_start3A_493 = tpu.memref_slice %arg2[%arg0, %dma_start3A_491, %dma_start3A_492] : memref<2x10000x64xf32, #tpu.memory_space<hbm>> -> memref<1x10000x64xf32, #tpu.memory_space<hbm>>
        %dma_start3A_494 = tpu.memref_squeeze %dma_start3A_493 : memref<1x10000x64xf32, #tpu.memory_space<hbm>> -> memref<10000x64xf32, #tpu.memory_space<hbm>>
        %dma_start3A_495 = arith.constant 0 : i32
        %dma_start3A_496 = arith.constant 0 : i32
        %dma_start3A_497 = tpu.memref_slice %dma_start3A_494[%dma_start3A_495, %dma_start3A_496] : memref<10000x64xf32, #tpu.memory_space<hbm>> -> memref<10000x64xf32, #tpu.memory_space<hbm>>
        tpu.enqueue_indirect_dma source(%dma_start3A_497 : memref<10000x64xf32, #tpu.memory_space<hbm>>) target(%arg9 : memref<128x64xf32, #tpu.memory_space<vmem>>) offsets(%dma_start3A_490 : memref<128xi32, #tpu.memory_space<vmem>>) semaphore(%arg18 : memref<!tpu.dma_semaphore, #tpu.memory_space<semaphore_mem>>)
      } else {
      }
      %mul3A_416 = arith.constant 8 : i32
      %mul3A_417 = arith.muli %mul3A_416, %scan3A_202 : i32
      %add3A_418 = arith.constant 6 : i32
      %add3A_419 = arith.addi %mul3A_417, %add3A_418 : i32
      %dma_wait3A_420 = arith.constant 0 : i32
      %dma_wait3A_421 = tpu.memref_slice %arg6[%add3A_419, %dma_wait3A_420] : memref<80x128xi32, #tpu.memory_space<vmem>> -> memref<1x128xi32, #tpu.memory_space<vmem>>
      %dma_wait3A_422 = tpu.memref_squeeze %dma_wait3A_421 : memref<1x128xi32, #tpu.memory_space<vmem>> -> memref<128xi32, #tpu.memory_space<vmem>>
      %dma_wait3A_423 = arith.constant 0 : i32
      %dma_wait3A_424 = arith.constant 0 : i32
      %dma_wait3A_425 = tpu.memref_slice %arg2[%arg0, %dma_wait3A_423, %dma_wait3A_424] : memref<2x10000x64xf32, #tpu.memory_space<hbm>> -> memref<1x10000x64xf32, #tpu.memory_space<hbm>>
      %dma_wait3A_426 = tpu.memref_squeeze %dma_wait3A_425 : memref<1x10000x64xf32, #tpu.memory_space<hbm>> -> memref<10000x64xf32, #tpu.memory_space<hbm>>
      %dma_wait3A_427 = arith.constant 0 : i32
      %dma_wait3A_428 = arith.constant 0 : i32
      %dma_wait3A_429 = tpu.memref_slice %dma_wait3A_426[%dma_wait3A_427, %dma_wait3A_428] : memref<10000x64xf32, #tpu.memory_space<hbm>> -> memref<10000x64xf32, #tpu.memory_space<hbm>>
      tpu.wait_indirect_dma semaphore(%arg23 : memref<!tpu.dma_semaphore, #tpu.memory_space<semaphore_mem>>) src(%dma_wait3A_429 : memref<10000x64xf32, #tpu.memory_space<hbm>>) dst(%arg14 : memref<128x64xf32, #tpu.memory_space<vmem>>)
      %dma_start3A_430 = arith.constant 0 : i32
      %dma_start3A_431 = tpu.memref_slice %arg7[%add3A_419, %dma_start3A_430] : memref<80x128xi32, #tpu.memory_space<vmem>> -> memref<1x128xi32, #tpu.memory_space<vmem>>
      %dma_start3A_432 = tpu.memref_squeeze %dma_start3A_431 : memref<1x128xi32, #tpu.memory_space<vmem>> -> memref<128xi32, #tpu.memory_space<vmem>>
      %dma_start3A_433 = arith.constant 0 : i32
      %dma_start3A_434 = arith.constant 0 : i32
      %dma_start3A_435 = tpu.memref_slice %arg16[%dma_start3A_433, %dma_start3A_434] : memref<10048x64xf32, #tpu.memory_space<vmem_shared>> -> memref<10048x64xf32, #tpu.memory_space<vmem_shared>>
      tpu.enqueue_indirect_dma source(%arg14 : memref<128x64xf32, #tpu.memory_space<vmem>>) target(%dma_start3A_435 : memref<10048x64xf32, #tpu.memory_space<vmem_shared>>) offsets(%dma_start3A_432 : memref<128xi32, #tpu.memory_space<vmem>>) semaphore(%arg31 : memref<!tpu.dma_semaphore, #tpu.memory_space<semaphore_mem>>) {add = true}
      %sub3A_436 = arith.constant 4 : i32
      %sub3A_437 = arith.subi %add3A_419, %sub3A_436 : i32
      %dma_wait3A_438 = arith.constant 0 : i32
      %dma_wait3A_439 = tpu.memref_slice %arg7[%sub3A_437, %dma_wait3A_438] : memref<80x128xi32, #tpu.memory_space<vmem>> -> memref<1x128xi32, #tpu.memory_space<vmem>>
      %dma_wait3A_440 = tpu.memref_squeeze %dma_wait3A_439 : memref<1x128xi32, #tpu.memory_space<vmem>> -> memref<128xi32, #tpu.memory_space<vmem>>
      %dma_wait3A_441 = arith.constant 0 : i32
      %dma_wait3A_442 = arith.constant 0 : i32
      %dma_wait3A_443 = tpu.memref_slice %arg16[%dma_wait3A_441, %dma_wait3A_442] : memref<10048x64xf32, #tpu.memory_space<vmem_shared>> -> memref<10048x64xf32, #tpu.memory_space<vmem_shared>>
      tpu.wait_indirect_dma semaphore(%arg27 : memref<!tpu.dma_semaphore, #tpu.memory_space<semaphore_mem>>) src(%arg10 : memref<128x64xf32, #tpu.memory_space<vmem>>) dst(%dma_wait3A_443 : memref<10048x64xf32, #tpu.memory_space<vmem_shared>>)
      %add3A_444 = arith.constant 1 : i32
      %add3A_445 = arith.addi %scan3A_202, %add3A_444 : i32
      %lt3A_446 = arith.constant 10 : i32
      %lt3A_447 = arith.cmpi slt, %add3A_445, %lt3A_446 : i32
      %convert_element_type3A_448 = arith.extui %lt3A_447 : i1 to i32
      %cond3A_449 = arith.constant 0 : i32
      %cond3A_450 = arith.cmpi ne, %convert_element_type3A_448, %cond3A_449 : i32
      scf.if %cond3A_450 {
        %add3A_486 = arith.constant 4 : i32
        %add3A_487 = arith.addi %add3A_419, %add3A_486 : i32
        %dma_start3A_488 = arith.constant 0 : i32
        %dma_start3A_489 = tpu.memref_slice %arg6[%add3A_487, %dma_start3A_488] : memref<80x128xi32, #tpu.memory_space<vmem>> -> memref<1x128xi32, #tpu.memory_space<vmem>>
        %dma_start3A_490 = tpu.memref_squeeze %dma_start3A_489 : memref<1x128xi32, #tpu.memory_space<vmem>> -> memref<128xi32, #tpu.memory_space<vmem>>
        %dma_start3A_491 = arith.constant 0 : i32
        %dma_start3A_492 = arith.constant 0 : i32
        %dma_start3A_493 = tpu.memref_slice %arg2[%arg0, %dma_start3A_491, %dma_start3A_492] : memref<2x10000x64xf32, #tpu.memory_space<hbm>> -> memref<1x10000x64xf32, #tpu.memory_space<hbm>>
        %dma_start3A_494 = tpu.memref_squeeze %dma_start3A_493 : memref<1x10000x64xf32, #tpu.memory_space<hbm>> -> memref<10000x64xf32, #tpu.memory_space<hbm>>
        %dma_start3A_495 = arith.constant 0 : i32
        %dma_start3A_496 = arith.constant 0 : i32
        %dma_start3A_497 = tpu.memref_slice %dma_start3A_494[%dma_start3A_495, %dma_start3A_496] : memref<10000x64xf32, #tpu.memory_space<hbm>> -> memref<10000x64xf32, #tpu.memory_space<hbm>>
        tpu.enqueue_indirect_dma source(%dma_start3A_497 : memref<10000x64xf32, #tpu.memory_space<hbm>>) target(%arg10 : memref<128x64xf32, #tpu.memory_space<vmem>>) offsets(%dma_start3A_490 : memref<128xi32, #tpu.memory_space<vmem>>) semaphore(%arg19 : memref<!tpu.dma_semaphore, #tpu.memory_space<semaphore_mem>>)
      } else {
      }
      %mul3A_451 = arith.constant 8 : i32
      %mul3A_452 = arith.muli %mul3A_451, %scan3A_202 : i32
      %add3A_453 = arith.constant 7 : i32
      %add3A_454 = arith.addi %mul3A_452, %add3A_453 : i32
      %dma_wait3A_455 = arith.constant 0 : i32
      %dma_wait3A_456 = tpu.memref_slice %arg6[%add3A_454, %dma_wait3A_455] : memref<80x128xi32, #tpu.memory_space<vmem>> -> memref<1x128xi32, #tpu.memory_space<vmem>>
      %dma_wait3A_457 = tpu.memref_squeeze %dma_wait3A_456 : memref<1x128xi32, #tpu.memory_space<vmem>> -> memref<128xi32, #tpu.memory_space<vmem>>
      %dma_wait3A_458 = arith.constant 0 : i32
      %dma_wait3A_459 = arith.constant 0 : i32
      %dma_wait3A_460 = tpu.memref_slice %arg2[%arg0, %dma_wait3A_458, %dma_wait3A_459] : memref<2x10000x64xf32, #tpu.memory_space<hbm>> -> memref<1x10000x64xf32, #tpu.memory_space<hbm>>
      %dma_wait3A_461 = tpu.memref_squeeze %dma_wait3A_460 : memref<1x10000x64xf32, #tpu.memory_space<hbm>> -> memref<10000x64xf32, #tpu.memory_space<hbm>>
      %dma_wait3A_462 = arith.constant 0 : i32
      %dma_wait3A_463 = arith.constant 0 : i32
      %dma_wait3A_464 = tpu.memref_slice %dma_wait3A_461[%dma_wait3A_462, %dma_wait3A_463] : memref<10000x64xf32, #tpu.memory_space<hbm>> -> memref<10000x64xf32, #tpu.memory_space<hbm>>
      tpu.wait_indirect_dma semaphore(%arg24 : memref<!tpu.dma_semaphore, #tpu.memory_space<semaphore_mem>>) src(%dma_wait3A_464 : memref<10000x64xf32, #tpu.memory_space<hbm>>) dst(%arg15 : memref<128x64xf32, #tpu.memory_space<vmem>>)
      %dma_start3A_465 = arith.constant 0 : i32
      %dma_start3A_466 = tpu.memref_slice %arg7[%add3A_454, %dma_start3A_465] : memref<80x128xi32, #tpu.memory_space<vmem>> -> memref<1x128xi32, #tpu.memory_space<vmem>>
      %dma_start3A_467 = tpu.memref_squeeze %dma_start3A_466 : memref<1x128xi32, #tpu.memory_space<vmem>> -> memref<128xi32, #tpu.memory_space<vmem>>
      %dma_start3A_468 = arith.constant 0 : i32
      %dma_start3A_469 = arith.constant 0 : i32
      %dma_start3A_470 = tpu.memref_slice %arg16[%dma_start3A_468, %dma_start3A_469] : memref<10048x64xf32, #tpu.memory_space<vmem_shared>> -> memref<10048x64xf32, #tpu.memory_space<vmem_shared>>
      tpu.enqueue_indirect_dma source(%arg15 : memref<128x64xf32, #tpu.memory_space<vmem>>) target(%dma_start3A_470 : memref<10048x64xf32, #tpu.memory_space<vmem_shared>>) offsets(%dma_start3A_467 : memref<128xi32, #tpu.memory_space<vmem>>) semaphore(%arg32 : memref<!tpu.dma_semaphore, #tpu.memory_space<semaphore_mem>>) {add = true}
      %sub3A_471 = arith.constant 4 : i32
      %sub3A_472 = arith.subi %add3A_454, %sub3A_471 : i32
      %dma_wait3A_473 = arith.constant 0 : i32
      %dma_wait3A_474 = tpu.memref_slice %arg7[%sub3A_472, %dma_wait3A_473] : memref<80x128xi32, #tpu.memory_space<vmem>> -> memref<1x128xi32, #tpu.memory_space<vmem>>
      %dma_wait3A_475 = tpu.memref_squeeze %dma_wait3A_474 : memref<1x128xi32, #tpu.memory_space<vmem>> -> memref<128xi32, #tpu.memory_space<vmem>>
      %dma_wait3A_476 = arith.constant 0 : i32
      %dma_wait3A_477 = arith.constant 0 : i32
      %dma_wait3A_478 = tpu.memref_slice %arg16[%dma_wait3A_476, %dma_wait3A_477] : memref<10048x64xf32, #tpu.memory_space<vmem_shared>> -> memref<10048x64xf32, #tpu.memory_space<vmem_shared>>
      tpu.wait_indirect_dma semaphore(%arg28 : memref<!tpu.dma_semaphore, #tpu.memory_space<semaphore_mem>>) src(%arg11 : memref<128x64xf32, #tpu.memory_space<vmem>>) dst(%dma_wait3A_478 : memref<10048x64xf32, #tpu.memory_space<vmem_shared>>)
      %add3A_479 = arith.constant 1 : i32
      %add3A_480 = arith.addi %scan3A_202, %add3A_479 : i32
      %lt3A_481 = arith.constant 10 : i32
      %lt3A_482 = arith.cmpi slt, %add3A_480, %lt3A_481 : i32
      %convert_element_type3A_483 = arith.extui %lt3A_482 : i1 to i32
      %cond3A_484 = arith.constant 0 : i32
      %cond3A_485 = arith.cmpi ne, %convert_element_type3A_483, %cond3A_484 : i32
      scf.if %cond3A_485 {
        %add3A_486 = arith.constant 4 : i32
        %add3A_487 = arith.addi %add3A_454, %add3A_486 : i32
        %dma_start3A_488 = arith.constant 0 : i32
        %dma_start3A_489 = tpu.memref_slice %arg6[%add3A_487, %dma_start3A_488] : memref<80x128xi32, #tpu.memory_space<vmem>> -> memref<1x128xi32, #tpu.memory_space<vmem>>
        %dma_start3A_490 = tpu.memref_squeeze %dma_start3A_489 : memref<1x128xi32, #tpu.memory_space<vmem>> -> memref<128xi32, #tpu.memory_space<vmem>>
        %dma_start3A_491 = arith.constant 0 : i32
        %dma_start3A_492 = arith.constant 0 : i32
        %dma_start3A_493 = tpu.memref_slice %arg2[%arg0, %dma_start3A_491, %dma_start3A_492] : memref<2x10000x64xf32, #tpu.memory_space<hbm>> -> memref<1x10000x64xf32, #tpu.memory_space<hbm>>
        %dma_start3A_494 = tpu.memref_squeeze %dma_start3A_493 : memref<1x10000x64xf32, #tpu.memory_space<hbm>> -> memref<10000x64xf32, #tpu.memory_space<hbm>>
        %dma_start3A_495 = arith.constant 0 : i32
        %dma_start3A_496 = arith.constant 0 : i32
        %dma_start3A_497 = tpu.memref_slice %dma_start3A_494[%dma_start3A_495, %dma_start3A_496] : memref<10000x64xf32, #tpu.memory_space<hbm>> -> memref<10000x64xf32, #tpu.memory_space<hbm>>
        tpu.enqueue_indirect_dma source(%dma_start3A_497 : memref<10000x64xf32, #tpu.memory_space<hbm>>) target(%arg11 : memref<128x64xf32, #tpu.memory_space<vmem>>) offsets(%dma_start3A_490 : memref<128xi32, #tpu.memory_space<vmem>>) semaphore(%arg20 : memref<!tpu.dma_semaphore, #tpu.memory_space<semaphore_mem>>)
      } else {
      }
    }
    %scan3A_70 = arith.constant 10 : i32
    %dma_wait3A_71 = arith.constant 76 : i32
    %dma_wait3A_72 = arith.constant 0 : i32
    %dma_wait3A_73 = tpu.memref_slice %arg7[%dma_wait3A_71, %dma_wait3A_72] : memref<80x128xi32, #tpu.memory_space<vmem>> -> memref<1x128xi32, #tpu.memory_space<vmem>>
    %dma_wait3A_74 = tpu.memref_squeeze %dma_wait3A_73 : memref<1x128xi32, #tpu.memory_space<vmem>> -> memref<128xi32, #tpu.memory_space<vmem>>
    %dma_wait3A_75 = arith.constant 0 : i32
    %dma_wait3A_76 = arith.constant 0 : i32
    %dma_wait3A_77 = tpu.memref_slice %arg16[%dma_wait3A_75, %dma_wait3A_76] : memref<10048x64xf32, #tpu.memory_space<vmem_shared>> -> memref<10048x64xf32, #tpu.memory_space<vmem_shared>>
    tpu.wait_indirect_dma semaphore(%arg29 : memref<!tpu.dma_semaphore, #tpu.memory_space<semaphore_mem>>) src(%arg12 : memref<128x64xf32, #tpu.memory_space<vmem>>) dst(%dma_wait3A_77 : memref<10048x64xf32, #tpu.memory_space<vmem_shared>>)
    %dma_wait3A_78 = arith.constant 77 : i32
    %dma_wait3A_79 = arith.constant 0 : i32
    %dma_wait3A_80 = tpu.memref_slice %arg7[%dma_wait3A_78, %dma_wait3A_79] : memref<80x128xi32, #tpu.memory_space<vmem>> -> memref<1x128xi32, #tpu.memory_space<vmem>>
    %dma_wait3A_81 = tpu.memref_squeeze %dma_wait3A_80 : memref<1x128xi32, #tpu.memory_space<vmem>> -> memref<128xi32, #tpu.memory_space<vmem>>
    %dma_wait3A_82 = arith.constant 0 : i32
    %dma_wait3A_83 = arith.constant 0 : i32
    %dma_wait3A_84 = tpu.memref_slice %arg16[%dma_wait3A_82, %dma_wait3A_83] : memref<10048x64xf32, #tpu.memory_space<vmem_shared>> -> memref<10048x64xf32, #tpu.memory_space<vmem_shared>>
    tpu.wait_indirect_dma semaphore(%arg30 : memref<!tpu.dma_semaphore, #tpu.memory_space<semaphore_mem>>) src(%arg13 : memref<128x64xf32, #tpu.memory_space<vmem>>) dst(%dma_wait3A_84 : memref<10048x64xf32, #tpu.memory_space<vmem_shared>>)
    %dma_wait3A_85 = arith.constant 78 : i32
    %dma_wait3A_86 = arith.constant 0 : i32
    %dma_wait3A_87 = tpu.memref_slice %arg7[%dma_wait3A_85, %dma_wait3A_86] : memref<80x128xi32, #tpu.memory_space<vmem>> -> memref<1x128xi32, #tpu.memory_space<vmem>>
    %dma_wait3A_88 = tpu.memref_squeeze %dma_wait3A_87 : memref<1x128xi32, #tpu.memory_space<vmem>> -> memref<128xi32, #tpu.memory_space<vmem>>
    %dma_wait3A_89 = arith.constant 0 : i32
    %dma_wait3A_90 = arith.constant 0 : i32
    %dma_wait3A_91 = tpu.memref_slice %arg16[%dma_wait3A_89, %dma_wait3A_90] : memref<10048x64xf32, #tpu.memory_space<vmem_shared>> -> memref<10048x64xf32, #tpu.memory_space<vmem_shared>>
    tpu.wait_indirect_dma semaphore(%arg31 : memref<!tpu.dma_semaphore, #tpu.memory_space<semaphore_mem>>) src(%arg14 : memref<128x64xf32, #tpu.memory_space<vmem>>) dst(%dma_wait3A_91 : memref<10048x64xf32, #tpu.memory_space<vmem_shared>>)
    %dma_wait3A_92 = arith.constant 79 : i32
    %dma_wait3A_93 = arith.constant 0 : i32
    %dma_wait3A_94 = tpu.memref_slice %arg7[%dma_wait3A_92, %dma_wait3A_93] : memref<80x128xi32, #tpu.memory_space<vmem>> -> memref<1x128xi32, #tpu.memory_space<vmem>>
    %dma_wait3A_95 = tpu.memref_squeeze %dma_wait3A_94 : memref<1x128xi32, #tpu.memory_space<vmem>> -> memref<128xi32, #tpu.memory_space<vmem>>
    %dma_wait3A_96 = arith.constant 0 : i32
    %dma_wait3A_97 = arith.constant 0 : i32
    %dma_wait3A_98 = tpu.memref_slice %arg16[%dma_wait3A_96, %dma_wait3A_97] : memref<10048x64xf32, #tpu.memory_space<vmem_shared>> -> memref<10048x64xf32, #tpu.memory_space<vmem_shared>>
    tpu.wait_indirect_dma semaphore(%arg32 : memref<!tpu.dma_semaphore, #tpu.memory_space<semaphore_mem>>) src(%arg15 : memref<128x64xf32, #tpu.memory_space<vmem>>) dst(%dma_wait3A_98 : memref<10048x64xf32, #tpu.memory_space<vmem_shared>>)
    %mul3A_99 = arith.constant 160 : i32
    %mul3A_100 = arith.muli %arg1, %mul3A_99 : i32
    %add3A_101 = arith.constant 80 : i32
    %add3A_102 = arith.addi %mul3A_100, %add3A_101 : i32
    %dma_start3A_103 = arith.constant 0 : i32
    %dma_start3A_104 = tpu.memref_slice %arg3[%add3A_102, %dma_start3A_103] : memref<2560x128xi32, #tpu.memory_space<hbm>> -> memref<80x128xi32, #tpu.memory_space<hbm>>
    %dma_start3A_105 = arith.constant 0 : i32
    %dma_start3A_106 = tpu.memref_slice %arg3[%add3A_102, %dma_start3A_105] : memref<2560x128xi32, #tpu.memory_space<hbm>> -> memref<80x128xi32, #tpu.memory_space<hbm>>
    tpu.enqueue_dma source(%dma_start3A_106 : memref<80x128xi32, #tpu.memory_space<hbm>>) target(%arg6 : memref<80x128xi32, #tpu.memory_space<vmem>>) target_semaphore(%arg33 : memref<!tpu.dma_semaphore, #tpu.memory_space<semaphore_mem>>)
    %dma_start3A_107 = arith.constant 0 : i32
    %dma_start3A_108 = tpu.memref_slice %arg4[%add3A_102, %dma_start3A_107] : memref<2560x128xi32, #tpu.memory_space<hbm>> -> memref<80x128xi32, #tpu.memory_space<hbm>>
    %dma_start3A_109 = arith.constant 0 : i32
    %dma_start3A_110 = tpu.memref_slice %arg4[%add3A_102, %dma_start3A_109] : memref<2560x128xi32, #tpu.memory_space<hbm>> -> memref<80x128xi32, #tpu.memory_space<hbm>>
    tpu.enqueue_dma source(%dma_start3A_110 : memref<80x128xi32, #tpu.memory_space<hbm>>) target(%arg7 : memref<80x128xi32, #tpu.memory_space<vmem>>) target_semaphore(%arg33 : memref<!tpu.dma_semaphore, #tpu.memory_space<semaphore_mem>>)
    %mul3A_111 = arith.constant 160 : i32
    %mul3A_112 = arith.muli %arg1, %mul3A_111 : i32
    %add3A_113 = arith.constant 80 : i32
    %add3A_114 = arith.addi %mul3A_112, %add3A_113 : i32
    %dma_wait3A_115 = arith.constant 0 : i32
    %dma_wait3A_116 = tpu.memref_slice %arg3[%add3A_114, %dma_wait3A_115] : memref<2560x128xi32, #tpu.memory_space<hbm>> -> memref<80x128xi32, #tpu.memory_space<hbm>>
    %dma_wait3A_117 = arith.constant 0 : i32
    %dma_wait3A_118 = tpu.memref_slice %arg3[%add3A_114, %dma_wait3A_117] : memref<2560x128xi32, #tpu.memory_space<hbm>> -> memref<80x128xi32, #tpu.memory_space<hbm>>
    tpu.wait_dma2 semaphore(%arg33 : memref<!tpu.dma_semaphore, #tpu.memory_space<semaphore_mem>>) src(%dma_wait3A_118 : memref<80x128xi32, #tpu.memory_space<hbm>>) dst(%arg6 : memref<80x128xi32, #tpu.memory_space<vmem>>)
    %dma_wait3A_119 = arith.constant 0 : i32
    %dma_wait3A_120 = tpu.memref_slice %arg4[%add3A_114, %dma_wait3A_119] : memref<2560x128xi32, #tpu.memory_space<hbm>> -> memref<80x128xi32, #tpu.memory_space<hbm>>
    %dma_wait3A_121 = arith.constant 0 : i32
    %dma_wait3A_122 = tpu.memref_slice %arg4[%add3A_114, %dma_wait3A_121] : memref<2560x128xi32, #tpu.memory_space<hbm>> -> memref<80x128xi32, #tpu.memory_space<hbm>>
    tpu.wait_dma2 semaphore(%arg33 : memref<!tpu.dma_semaphore, #tpu.memory_space<semaphore_mem>>) src(%dma_wait3A_122 : memref<80x128xi32, #tpu.memory_space<hbm>>) dst(%arg7 : memref<80x128xi32, #tpu.memory_space<vmem>>)
    %dma_start3A_123 = arith.constant 0 : i32
    %dma_start3A_124 = arith.constant 0 : i32
    %dma_start3A_125 = tpu.memref_slice %arg6[%dma_start3A_123, %dma_start3A_124] : memref<80x128xi32, #tpu.memory_space<vmem>> -> memref<1x128xi32, #tpu.memory_space<vmem>>
    %dma_start3A_126 = tpu.memref_squeeze %dma_start3A_125 : memref<1x128xi32, #tpu.memory_space<vmem>> -> memref<128xi32, #tpu.memory_space<vmem>>
    %dma_start3A_127 = arith.constant 0 : i32
    %dma_start3A_128 = arith.constant 0 : i32
    %dma_start3A_129 = tpu.memref_slice %arg2[%arg0, %dma_start3A_127, %dma_start3A_128] : memref<2x10000x64xf32, #tpu.memory_space<hbm>> -> memref<1x10000x64xf32, #tpu.memory_space<hbm>>
    %dma_start3A_130 = tpu.memref_squeeze %dma_start3A_129 : memref<1x10000x64xf32, #tpu.memory_space<hbm>> -> memref<10000x64xf32, #tpu.memory_space<hbm>>
    %dma_start3A_131 = arith.constant 0 : i32
    %dma_start3A_132 = arith.constant 0 : i32
    %dma_start3A_133 = tpu.memref_slice %dma_start3A_130[%dma_start3A_131, %dma_start3A_132] : memref<10000x64xf32, #tpu.memory_space<hbm>> -> memref<10000x64xf32, #tpu.memory_space<hbm>>
    tpu.enqueue_indirect_dma source(%dma_start3A_133 : memref<10000x64xf32, #tpu.memory_space<hbm>>) target(%arg8 : memref<128x64xf32, #tpu.memory_space<vmem>>) offsets(%dma_start3A_126 : memref<128xi32, #tpu.memory_space<vmem>>) semaphore(%arg17 : memref<!tpu.dma_semaphore, #tpu.memory_space<semaphore_mem>>)
    %dma_start3A_134 = arith.constant 1 : i32
    %dma_start3A_135 = arith.constant 0 : i32
    %dma_start3A_136 = tpu.memref_slice %arg6[%dma_start3A_134, %dma_start3A_135] : memref<80x128xi32, #tpu.memory_space<vmem>> -> memref<1x128xi32, #tpu.memory_space<vmem>>
    %dma_start3A_137 = tpu.memref_squeeze %dma_start3A_136 : memref<1x128xi32, #tpu.memory_space<vmem>> -> memref<128xi32, #tpu.memory_space<vmem>>
    %dma_start3A_138 = arith.constant 0 : i32
    %dma_start3A_139 = arith.constant 0 : i32
    %dma_start3A_140 = tpu.memref_slice %arg2[%arg0, %dma_start3A_138, %dma_start3A_139] : memref<2x10000x64xf32, #tpu.memory_space<hbm>> -> memref<1x10000x64xf32, #tpu.memory_space<hbm>>
    %dma_start3A_141 = tpu.memref_squeeze %dma_start3A_140 : memref<1x10000x64xf32, #tpu.memory_space<hbm>> -> memref<10000x64xf32, #tpu.memory_space<hbm>>
    %dma_start3A_142 = arith.constant 0 : i32
    %dma_start3A_143 = arith.constant 0 : i32
    %dma_start3A_144 = tpu.memref_slice %dma_start3A_141[%dma_start3A_142, %dma_start3A_143] : memref<10000x64xf32, #tpu.memory_space<hbm>> -> memref<10000x64xf32, #tpu.memory_space<hbm>>
    tpu.enqueue_indirect_dma source(%dma_start3A_144 : memref<10000x64xf32, #tpu.memory_space<hbm>>) target(%arg9 : memref<128x64xf32, #tpu.memory_space<vmem>>) offsets(%dma_start3A_137 : memref<128xi32, #tpu.memory_space<vmem>>) semaphore(%arg18 : memref<!tpu.dma_semaphore, #tpu.memory_space<semaphore_mem>>)
    %dma_start3A_145 = arith.constant 2 : i32
    %dma_start3A_146 = arith.constant 0 : i32
    %dma_start3A_147 = tpu.memref_slice %arg6[%dma_start3A_145, %dma_start3A_146] : memref<80x128xi32, #tpu.memory_space<vmem>> -> memref<1x128xi32, #tpu.memory_space<vmem>>
    %dma_start3A_148 = tpu.memref_squeeze %dma_start3A_147 : memref<1x128xi32, #tpu.memory_space<vmem>> -> memref<128xi32, #tpu.memory_space<vmem>>
    %dma_start3A_149 = arith.constant 0 : i32
    %dma_start3A_150 = arith.constant 0 : i32
    %dma_start3A_151 = tpu.memref_slice %arg2[%arg0, %dma_start3A_149, %dma_start3A_150] : memref<2x10000x64xf32, #tpu.memory_space<hbm>> -> memref<1x10000x64xf32, #tpu.memory_space<hbm>>
    %dma_start3A_152 = tpu.memref_squeeze %dma_start3A_151 : memref<1x10000x64xf32, #tpu.memory_space<hbm>> -> memref<10000x64xf32, #tpu.memory_space<hbm>>
    %dma_start3A_153 = arith.constant 0 : i32
    %dma_start3A_154 = arith.constant 0 : i32
    %dma_start3A_155 = tpu.memref_slice %dma_start3A_152[%dma_start3A_153, %dma_start3A_154] : memref<10000x64xf32, #tpu.memory_space<hbm>> -> memref<10000x64xf32, #tpu.memory_space<hbm>>
    tpu.enqueue_indirect_dma source(%dma_start3A_155 : memref<10000x64xf32, #tpu.memory_space<hbm>>) target(%arg10 : memref<128x64xf32, #tpu.memory_space<vmem>>) offsets(%dma_start3A_148 : memref<128xi32, #tpu.memory_space<vmem>>) semaphore(%arg19 : memref<!tpu.dma_semaphore, #tpu.memory_space<semaphore_mem>>)
    %dma_start3A_156 = arith.constant 3 : i32
    %dma_start3A_157 = arith.constant 0 : i32
    %dma_start3A_158 = tpu.memref_slice %arg6[%dma_start3A_156, %dma_start3A_157] : memref<80x128xi32, #tpu.memory_space<vmem>> -> memref<1x128xi32, #tpu.memory_space<vmem>>
    %dma_start3A_159 = tpu.memref_squeeze %dma_start3A_158 : memref<1x128xi32, #tpu.memory_space<vmem>> -> memref<128xi32, #tpu.memory_space<vmem>>
    %dma_start3A_160 = arith.constant 0 : i32
    %dma_start3A_161 = arith.constant 0 : i32
    %dma_start3A_162 = tpu.memref_slice %arg2[%arg0, %dma_start3A_160, %dma_start3A_161] : memref<2x10000x64xf32, #tpu.memory_space<hbm>> -> memref<1x10000x64xf32, #tpu.memory_space<hbm>>
    %dma_start3A_163 = tpu.memref_squeeze %dma_start3A_162 : memref<1x10000x64xf32, #tpu.memory_space<hbm>> -> memref<10000x64xf32, #tpu.memory_space<hbm>>
    %dma_start3A_164 = arith.constant 0 : i32
    %dma_start3A_165 = arith.constant 0 : i32
    %dma_start3A_166 = tpu.memref_slice %dma_start3A_163[%dma_start3A_164, %dma_start3A_165] : memref<10000x64xf32, #tpu.memory_space<hbm>> -> memref<10000x64xf32, #tpu.memory_space<hbm>>
    tpu.enqueue_indirect_dma source(%dma_start3A_166 : memref<10000x64xf32, #tpu.memory_space<hbm>>) target(%arg11 : memref<128x64xf32, #tpu.memory_space<vmem>>) offsets(%dma_start3A_159 : memref<128xi32, #tpu.memory_space<vmem>>) semaphore(%arg20 : memref<!tpu.dma_semaphore, #tpu.memory_space<semaphore_mem>>)
    %scan3A_167 = arith.constant 0 : i32
    %scan3A_168 = arith.constant 0 : i32
    %scan3A_169 = arith.constant 10 : i32
    %scan3A_170 = arith.addi %scan3A_168, %scan3A_169 : i32
    %scan3A_171 = arith.constant 1 : i32
    scf.for %scan3A_202 = %scan3A_168 to %scan3A_170 step %scan3A_171  : i32 {
      %mul3A_203 = arith.constant 8 : i32
      %mul3A_204 = arith.muli %mul3A_203, %scan3A_202 : i32
      %add3A_205 = arith.constant 0 : i32
      %add3A_206 = arith.addi %mul3A_204, %add3A_205 : i32
      %dma_wait3A_207 = arith.constant 0 : i32
      %dma_wait3A_208 = tpu.memref_slice %arg6[%add3A_206, %dma_wait3A_207] : memref<80x128xi32, #tpu.memory_space<vmem>> -> memref<1x128xi32, #tpu.memory_space<vmem>>
      %dma_wait3A_209 = tpu.memref_squeeze %dma_wait3A_208 : memref<1x128xi32, #tpu.memory_space<vmem>> -> memref<128xi32, #tpu.memory_space<vmem>>
      %dma_wait3A_210 = arith.constant 0 : i32
      %dma_wait3A_211 = arith.constant 0 : i32
      %dma_wait3A_212 = tpu.memref_slice %arg2[%arg0, %dma_wait3A_210, %dma_wait3A_211] : memref<2x10000x64xf32, #tpu.memory_space<hbm>> -> memref<1x10000x64xf32, #tpu.memory_space<hbm>>
      %dma_wait3A_213 = tpu.memref_squeeze %dma_wait3A_212 : memref<1x10000x64xf32, #tpu.memory_space<hbm>> -> memref<10000x64xf32, #tpu.memory_space<hbm>>
      %dma_wait3A_214 = arith.constant 0 : i32
      %dma_wait3A_215 = arith.constant 0 : i32
      %dma_wait3A_216 = tpu.memref_slice %dma_wait3A_213[%dma_wait3A_214, %dma_wait3A_215] : memref<10000x64xf32, #tpu.memory_space<hbm>> -> memref<10000x64xf32, #tpu.memory_space<hbm>>
      tpu.wait_indirect_dma semaphore(%arg17 : memref<!tpu.dma_semaphore, #tpu.memory_space<semaphore_mem>>) src(%dma_wait3A_216 : memref<10000x64xf32, #tpu.memory_space<hbm>>) dst(%arg8 : memref<128x64xf32, #tpu.memory_space<vmem>>)
      %dma_start3A_217 = arith.constant 0 : i32
      %dma_start3A_218 = tpu.memref_slice %arg7[%add3A_206, %dma_start3A_217] : memref<80x128xi32, #tpu.memory_space<vmem>> -> memref<1x128xi32, #tpu.memory_space<vmem>>
      %dma_start3A_219 = tpu.memref_squeeze %dma_start3A_218 : memref<1x128xi32, #tpu.memory_space<vmem>> -> memref<128xi32, #tpu.memory_space<vmem>>
      %dma_start3A_220 = arith.constant 0 : i32
      %dma_start3A_221 = arith.constant 0 : i32
      %dma_start3A_222 = tpu.memref_slice %arg16[%dma_start3A_220, %dma_start3A_221] : memref<10048x64xf32, #tpu.memory_space<vmem_shared>> -> memref<10048x64xf32, #tpu.memory_space<vmem_shared>>
      tpu.enqueue_indirect_dma source(%arg8 : memref<128x64xf32, #tpu.memory_space<vmem>>) target(%dma_start3A_222 : memref<10048x64xf32, #tpu.memory_space<vmem_shared>>) offsets(%dma_start3A_219 : memref<128xi32, #tpu.memory_space<vmem>>) semaphore(%arg25 : memref<!tpu.dma_semaphore, #tpu.memory_space<semaphore_mem>>) {add = true}
      %gt3A = arith.constant 0 : i32
      %gt3A_223 = arith.cmpi sgt, %scan3A_202, %gt3A : i32
      %convert_element_type3A = arith.extui %gt3A_223 : i1 to i32
      %cond3A = arith.constant 0 : i32
      %cond3A_224 = arith.cmpi ne, %convert_element_type3A, %cond3A : i32
      scf.if %cond3A_224 {
        %sub3A_486 = arith.constant 4 : i32
        %sub3A_487 = arith.subi %add3A_206, %sub3A_486 : i32
        %dma_wait3A_488 = arith.constant 0 : i32
        %dma_wait3A_489 = tpu.memref_slice %arg7[%sub3A_487, %dma_wait3A_488] : memref<80x128xi32, #tpu.memory_space<vmem>> -> memref<1x128xi32, #tpu.memory_space<vmem>>
        %dma_wait3A_490 = tpu.memref_squeeze %dma_wait3A_489 : memref<1x128xi32, #tpu.memory_space<vmem>> -> memref<128xi32, #tpu.memory_space<vmem>>
        %dma_wait3A_491 = arith.constant 0 : i32
        %dma_wait3A_492 = arith.constant 0 : i32
        %dma_wait3A_493 = tpu.memref_slice %arg16[%dma_wait3A_491, %dma_wait3A_492] : memref<10048x64xf32, #tpu.memory_space<vmem_shared>> -> memref<10048x64xf32, #tpu.memory_space<vmem_shared>>
        tpu.wait_indirect_dma semaphore(%arg29 : memref<!tpu.dma_semaphore, #tpu.memory_space<semaphore_mem>>) src(%arg12 : memref<128x64xf32, #tpu.memory_space<vmem>>) dst(%dma_wait3A_493 : memref<10048x64xf32, #tpu.memory_space<vmem_shared>>)
      } else {
      }
      %add3A_225 = arith.constant 4 : i32
      %add3A_226 = arith.addi %add3A_206, %add3A_225 : i32
      %dma_start3A_227 = arith.constant 0 : i32
      %dma_start3A_228 = tpu.memref_slice %arg6[%add3A_226, %dma_start3A_227] : memref<80x128xi32, #tpu.memory_space<vmem>> -> memref<1x128xi32, #tpu.memory_space<vmem>>
      %dma_start3A_229 = tpu.memref_squeeze %dma_start3A_228 : memref<1x128xi32, #tpu.memory_space<vmem>> -> memref<128xi32, #tpu.memory_space<vmem>>
      %dma_start3A_230 = arith.constant 0 : i32
      %dma_start3A_231 = arith.constant 0 : i32
      %dma_start3A_232 = tpu.memref_slice %arg2[%arg0, %dma_start3A_230, %dma_start3A_231] : memref<2x10000x64xf32, #tpu.memory_space<hbm>> -> memref<1x10000x64xf32, #tpu.memory_space<hbm>>
      %dma_start3A_233 = tpu.memref_squeeze %dma_start3A_232 : memref<1x10000x64xf32, #tpu.memory_space<hbm>> -> memref<10000x64xf32, #tpu.memory_space<hbm>>
      %dma_start3A_234 = arith.constant 0 : i32
      %dma_start3A_235 = arith.constant 0 : i32
      %dma_start3A_236 = tpu.memref_slice %dma_start3A_233[%dma_start3A_234, %dma_start3A_235] : memref<10000x64xf32, #tpu.memory_space<hbm>> -> memref<10000x64xf32, #tpu.memory_space<hbm>>
      tpu.enqueue_indirect_dma source(%dma_start3A_236 : memref<10000x64xf32, #tpu.memory_space<hbm>>) target(%arg12 : memref<128x64xf32, #tpu.memory_space<vmem>>) offsets(%dma_start3A_229 : memref<128xi32, #tpu.memory_space<vmem>>) semaphore(%arg21 : memref<!tpu.dma_semaphore, #tpu.memory_space<semaphore_mem>>)
      %mul3A_237 = arith.constant 8 : i32
      %mul3A_238 = arith.muli %mul3A_237, %scan3A_202 : i32
      %add3A_239 = arith.constant 1 : i32
      %add3A_240 = arith.addi %mul3A_238, %add3A_239 : i32
      %dma_wait3A_241 = arith.constant 0 : i32
      %dma_wait3A_242 = tpu.memref_slice %arg6[%add3A_240, %dma_wait3A_241] : memref<80x128xi32, #tpu.memory_space<vmem>> -> memref<1x128xi32, #tpu.memory_space<vmem>>
      %dma_wait3A_243 = tpu.memref_squeeze %dma_wait3A_242 : memref<1x128xi32, #tpu.memory_space<vmem>> -> memref<128xi32, #tpu.memory_space<vmem>>
      %dma_wait3A_244 = arith.constant 0 : i32
      %dma_wait3A_245 = arith.constant 0 : i32
      %dma_wait3A_246 = tpu.memref_slice %arg2[%arg0, %dma_wait3A_244, %dma_wait3A_245] : memref<2x10000x64xf32, #tpu.memory_space<hbm>> -> memref<1x10000x64xf32, #tpu.memory_space<hbm>>
      %dma_wait3A_247 = tpu.memref_squeeze %dma_wait3A_246 : memref<1x10000x64xf32, #tpu.memory_space<hbm>> -> memref<10000x64xf32, #tpu.memory_space<hbm>>
      %dma_wait3A_248 = arith.constant 0 : i32
      %dma_wait3A_249 = arith.constant 0 : i32
      %dma_wait3A_250 = tpu.memref_slice %dma_wait3A_247[%dma_wait3A_248, %dma_wait3A_249] : memref<10000x64xf32, #tpu.memory_space<hbm>> -> memref<10000x64xf32, #tpu.memory_space<hbm>>
      tpu.wait_indirect_dma semaphore(%arg18 : memref<!tpu.dma_semaphore, #tpu.memory_space<semaphore_mem>>) src(%dma_wait3A_250 : memref<10000x64xf32, #tpu.memory_space<hbm>>) dst(%arg9 : memref<128x64xf32, #tpu.memory_space<vmem>>)
      %dma_start3A_251 = arith.constant 0 : i32
      %dma_start3A_252 = tpu.memref_slice %arg7[%add3A_240, %dma_start3A_251] : memref<80x128xi32, #tpu.memory_space<vmem>> -> memref<1x128xi32, #tpu.memory_space<vmem>>
      %dma_start3A_253 = tpu.memref_squeeze %dma_start3A_252 : memref<1x128xi32, #tpu.memory_space<vmem>> -> memref<128xi32, #tpu.memory_space<vmem>>
      %dma_start3A_254 = arith.constant 0 : i32
      %dma_start3A_255 = arith.constant 0 : i32
      %dma_start3A_256 = tpu.memref_slice %arg16[%dma_start3A_254, %dma_start3A_255] : memref<10048x64xf32, #tpu.memory_space<vmem_shared>> -> memref<10048x64xf32, #tpu.memory_space<vmem_shared>>
      tpu.enqueue_indirect_dma source(%arg9 : memref<128x64xf32, #tpu.memory_space<vmem>>) target(%dma_start3A_256 : memref<10048x64xf32, #tpu.memory_space<vmem_shared>>) offsets(%dma_start3A_253 : memref<128xi32, #tpu.memory_space<vmem>>) semaphore(%arg26 : memref<!tpu.dma_semaphore, #tpu.memory_space<semaphore_mem>>) {add = true}
      %gt3A_257 = arith.constant 0 : i32
      %gt3A_258 = arith.cmpi sgt, %scan3A_202, %gt3A_257 : i32
      %convert_element_type3A_259 = arith.extui %gt3A_258 : i1 to i32
      %cond3A_260 = arith.constant 0 : i32
      %cond3A_261 = arith.cmpi ne, %convert_element_type3A_259, %cond3A_260 : i32
      scf.if %cond3A_261 {
        %sub3A_486 = arith.constant 4 : i32
        %sub3A_487 = arith.subi %add3A_240, %sub3A_486 : i32
        %dma_wait3A_488 = arith.constant 0 : i32
        %dma_wait3A_489 = tpu.memref_slice %arg7[%sub3A_487, %dma_wait3A_488] : memref<80x128xi32, #tpu.memory_space<vmem>> -> memref<1x128xi32, #tpu.memory_space<vmem>>
        %dma_wait3A_490 = tpu.memref_squeeze %dma_wait3A_489 : memref<1x128xi32, #tpu.memory_space<vmem>> -> memref<128xi32, #tpu.memory_space<vmem>>
        %dma_wait3A_491 = arith.constant 0 : i32
        %dma_wait3A_492 = arith.constant 0 : i32
        %dma_wait3A_493 = tpu.memref_slice %arg16[%dma_wait3A_491, %dma_wait3A_492] : memref<10048x64xf32, #tpu.memory_space<vmem_shared>> -> memref<10048x64xf32, #tpu.memory_space<vmem_shared>>
        tpu.wait_indirect_dma semaphore(%arg30 : memref<!tpu.dma_semaphore, #tpu.memory_space<semaphore_mem>>) src(%arg13 : memref<128x64xf32, #tpu.memory_space<vmem>>) dst(%dma_wait3A_493 : memref<10048x64xf32, #tpu.memory_space<vmem_shared>>)
      } else {
      }
      %add3A_262 = arith.constant 4 : i32
      %add3A_263 = arith.addi %add3A_240, %add3A_262 : i32
      %dma_start3A_264 = arith.constant 0 : i32
      %dma_start3A_265 = tpu.memref_slice %arg6[%add3A_263, %dma_start3A_264] : memref<80x128xi32, #tpu.memory_space<vmem>> -> memref<1x128xi32, #tpu.memory_space<vmem>>
      %dma_start3A_266 = tpu.memref_squeeze %dma_start3A_265 : memref<1x128xi32, #tpu.memory_space<vmem>> -> memref<128xi32, #tpu.memory_space<vmem>>
      %dma_start3A_267 = arith.constant 0 : i32
      %dma_start3A_268 = arith.constant 0 : i32
      %dma_start3A_269 = tpu.memref_slice %arg2[%arg0, %dma_start3A_267, %dma_start3A_268] : memref<2x10000x64xf32, #tpu.memory_space<hbm>> -> memref<1x10000x64xf32, #tpu.memory_space<hbm>>
      %dma_start3A_270 = tpu.memref_squeeze %dma_start3A_269 : memref<1x10000x64xf32, #tpu.memory_space<hbm>> -> memref<10000x64xf32, #tpu.memory_space<hbm>>
      %dma_start3A_271 = arith.constant 0 : i32
      %dma_start3A_272 = arith.constant 0 : i32
      %dma_start3A_273 = tpu.memref_slice %dma_start3A_270[%dma_start3A_271, %dma_start3A_272] : memref<10000x64xf32, #tpu.memory_space<hbm>> -> memref<10000x64xf32, #tpu.memory_space<hbm>>
      tpu.enqueue_indirect_dma source(%dma_start3A_273 : memref<10000x64xf32, #tpu.memory_space<hbm>>) target(%arg13 : memref<128x64xf32, #tpu.memory_space<vmem>>) offsets(%dma_start3A_266 : memref<128xi32, #tpu.memory_space<vmem>>) semaphore(%arg22 : memref<!tpu.dma_semaphore, #tpu.memory_space<semaphore_mem>>)
      %mul3A_274 = arith.constant 8 : i32
      %mul3A_275 = arith.muli %mul3A_274, %scan3A_202 : i32
      %add3A_276 = arith.constant 2 : i32
      %add3A_277 = arith.addi %mul3A_275, %add3A_276 : i32
      %dma_wait3A_278 = arith.constant 0 : i32
      %dma_wait3A_279 = tpu.memref_slice %arg6[%add3A_277, %dma_wait3A_278] : memref<80x128xi32, #tpu.memory_space<vmem>> -> memref<1x128xi32, #tpu.memory_space<vmem>>
      %dma_wait3A_280 = tpu.memref_squeeze %dma_wait3A_279 : memref<1x128xi32, #tpu.memory_space<vmem>> -> memref<128xi32, #tpu.memory_space<vmem>>
      %dma_wait3A_281 = arith.constant 0 : i32
      %dma_wait3A_282 = arith.constant 0 : i32
      %dma_wait3A_283 = tpu.memref_slice %arg2[%arg0, %dma_wait3A_281, %dma_wait3A_282] : memref<2x10000x64xf32, #tpu.memory_space<hbm>> -> memref<1x10000x64xf32, #tpu.memory_space<hbm>>
      %dma_wait3A_284 = tpu.memref_squeeze %dma_wait3A_283 : memref<1x10000x64xf32, #tpu.memory_space<hbm>> -> memref<10000x64xf32, #tpu.memory_space<hbm>>
      %dma_wait3A_285 = arith.constant 0 : i32
      %dma_wait3A_286 = arith.constant 0 : i32
      %dma_wait3A_287 = tpu.memref_slice %dma_wait3A_284[%dma_wait3A_285, %dma_wait3A_286] : memref<10000x64xf32, #tpu.memory_space<hbm>> -> memref<10000x64xf32, #tpu.memory_space<hbm>>
      tpu.wait_indirect_dma semaphore(%arg19 : memref<!tpu.dma_semaphore, #tpu.memory_space<semaphore_mem>>) src(%dma_wait3A_287 : memref<10000x64xf32, #tpu.memory_space<hbm>>) dst(%arg10 : memref<128x64xf32, #tpu.memory_space<vmem>>)
      %dma_start3A_288 = arith.constant 0 : i32
      %dma_start3A_289 = tpu.memref_slice %arg7[%add3A_277, %dma_start3A_288] : memref<80x128xi32, #tpu.memory_space<vmem>> -> memref<1x128xi32, #tpu.memory_space<vmem>>
      %dma_start3A_290 = tpu.memref_squeeze %dma_start3A_289 : memref<1x128xi32, #tpu.memory_space<vmem>> -> memref<128xi32, #tpu.memory_space<vmem>>
      %dma_start3A_291 = arith.constant 0 : i32
      %dma_start3A_292 = arith.constant 0 : i32
      %dma_start3A_293 = tpu.memref_slice %arg16[%dma_start3A_291, %dma_start3A_292] : memref<10048x64xf32, #tpu.memory_space<vmem_shared>> -> memref<10048x64xf32, #tpu.memory_space<vmem_shared>>
      tpu.enqueue_indirect_dma source(%arg10 : memref<128x64xf32, #tpu.memory_space<vmem>>) target(%dma_start3A_293 : memref<10048x64xf32, #tpu.memory_space<vmem_shared>>) offsets(%dma_start3A_290 : memref<128xi32, #tpu.memory_space<vmem>>) semaphore(%arg27 : memref<!tpu.dma_semaphore, #tpu.memory_space<semaphore_mem>>) {add = true}
      %gt3A_294 = arith.constant 0 : i32
      %gt3A_295 = arith.cmpi sgt, %scan3A_202, %gt3A_294 : i32
      %convert_element_type3A_296 = arith.extui %gt3A_295 : i1 to i32
      %cond3A_297 = arith.constant 0 : i32
      %cond3A_298 = arith.cmpi ne, %convert_element_type3A_296, %cond3A_297 : i32
      scf.if %cond3A_298 {
        %sub3A_486 = arith.constant 4 : i32
        %sub3A_487 = arith.subi %add3A_277, %sub3A_486 : i32
        %dma_wait3A_488 = arith.constant 0 : i32
        %dma_wait3A_489 = tpu.memref_slice %arg7[%sub3A_487, %dma_wait3A_488] : memref<80x128xi32, #tpu.memory_space<vmem>> -> memref<1x128xi32, #tpu.memory_space<vmem>>
        %dma_wait3A_490 = tpu.memref_squeeze %dma_wait3A_489 : memref<1x128xi32, #tpu.memory_space<vmem>> -> memref<128xi32, #tpu.memory_space<vmem>>
        %dma_wait3A_491 = arith.constant 0 : i32
        %dma_wait3A_492 = arith.constant 0 : i32
        %dma_wait3A_493 = tpu.memref_slice %arg16[%dma_wait3A_491, %dma_wait3A_492] : memref<10048x64xf32, #tpu.memory_space<vmem_shared>> -> memref<10048x64xf32, #tpu.memory_space<vmem_shared>>
        tpu.wait_indirect_dma semaphore(%arg31 : memref<!tpu.dma_semaphore, #tpu.memory_space<semaphore_mem>>) src(%arg14 : memref<128x64xf32, #tpu.memory_space<vmem>>) dst(%dma_wait3A_493 : memref<10048x64xf32, #tpu.memory_space<vmem_shared>>)
      } else {
      }
      %add3A_299 = arith.constant 4 : i32
      %add3A_300 = arith.addi %add3A_277, %add3A_299 : i32
      %dma_start3A_301 = arith.constant 0 : i32
      %dma_start3A_302 = tpu.memref_slice %arg6[%add3A_300, %dma_start3A_301] : memref<80x128xi32, #tpu.memory_space<vmem>> -> memref<1x128xi32, #tpu.memory_space<vmem>>
      %dma_start3A_303 = tpu.memref_squeeze %dma_start3A_302 : memref<1x128xi32, #tpu.memory_space<vmem>> -> memref<128xi32, #tpu.memory_space<vmem>>
      %dma_start3A_304 = arith.constant 0 : i32
      %dma_start3A_305 = arith.constant 0 : i32
      %dma_start3A_306 = tpu.memref_slice %arg2[%arg0, %dma_start3A_304, %dma_start3A_305] : memref<2x10000x64xf32, #tpu.memory_space<hbm>> -> memref<1x10000x64xf32, #tpu.memory_space<hbm>>
      %dma_start3A_307 = tpu.memref_squeeze %dma_start3A_306 : memref<1x10000x64xf32, #tpu.memory_space<hbm>> -> memref<10000x64xf32, #tpu.memory_space<hbm>>
      %dma_start3A_308 = arith.constant 0 : i32
      %dma_start3A_309 = arith.constant 0 : i32
      %dma_start3A_310 = tpu.memref_slice %dma_start3A_307[%dma_start3A_308, %dma_start3A_309] : memref<10000x64xf32, #tpu.memory_space<hbm>> -> memref<10000x64xf32, #tpu.memory_space<hbm>>
      tpu.enqueue_indirect_dma source(%dma_start3A_310 : memref<10000x64xf32, #tpu.memory_space<hbm>>) target(%arg14 : memref<128x64xf32, #tpu.memory_space<vmem>>) offsets(%dma_start3A_303 : memref<128xi32, #tpu.memory_space<vmem>>) semaphore(%arg23 : memref<!tpu.dma_semaphore, #tpu.memory_space<semaphore_mem>>)
      %mul3A_311 = arith.constant 8 : i32
      %mul3A_312 = arith.muli %mul3A_311, %scan3A_202 : i32
      %add3A_313 = arith.constant 3 : i32
      %add3A_314 = arith.addi %mul3A_312, %add3A_313 : i32
      %dma_wait3A_315 = arith.constant 0 : i32
      %dma_wait3A_316 = tpu.memref_slice %arg6[%add3A_314, %dma_wait3A_315] : memref<80x128xi32, #tpu.memory_space<vmem>> -> memref<1x128xi32, #tpu.memory_space<vmem>>
      %dma_wait3A_317 = tpu.memref_squeeze %dma_wait3A_316 : memref<1x128xi32, #tpu.memory_space<vmem>> -> memref<128xi32, #tpu.memory_space<vmem>>
      %dma_wait3A_318 = arith.constant 0 : i32
      %dma_wait3A_319 = arith.constant 0 : i32
      %dma_wait3A_320 = tpu.memref_slice %arg2[%arg0, %dma_wait3A_318, %dma_wait3A_319] : memref<2x10000x64xf32, #tpu.memory_space<hbm>> -> memref<1x10000x64xf32, #tpu.memory_space<hbm>>
      %dma_wait3A_321 = tpu.memref_squeeze %dma_wait3A_320 : memref<1x10000x64xf32, #tpu.memory_space<hbm>> -> memref<10000x64xf32, #tpu.memory_space<hbm>>
      %dma_wait3A_322 = arith.constant 0 : i32
      %dma_wait3A_323 = arith.constant 0 : i32
      %dma_wait3A_324 = tpu.memref_slice %dma_wait3A_321[%dma_wait3A_322, %dma_wait3A_323] : memref<10000x64xf32, #tpu.memory_space<hbm>> -> memref<10000x64xf32, #tpu.memory_space<hbm>>
      tpu.wait_indirect_dma semaphore(%arg20 : memref<!tpu.dma_semaphore, #tpu.memory_space<semaphore_mem>>) src(%dma_wait3A_324 : memref<10000x64xf32, #tpu.memory_space<hbm>>) dst(%arg11 : memref<128x64xf32, #tpu.memory_space<vmem>>)
      %dma_start3A_325 = arith.constant 0 : i32
      %dma_start3A_326 = tpu.memref_slice %arg7[%add3A_314, %dma_start3A_325] : memref<80x128xi32, #tpu.memory_space<vmem>> -> memref<1x128xi32, #tpu.memory_space<vmem>>
      %dma_start3A_327 = tpu.memref_squeeze %dma_start3A_326 : memref<1x128xi32, #tpu.memory_space<vmem>> -> memref<128xi32, #tpu.memory_space<vmem>>
      %dma_start3A_328 = arith.constant 0 : i32
      %dma_start3A_329 = arith.constant 0 : i32
      %dma_start3A_330 = tpu.memref_slice %arg16[%dma_start3A_328, %dma_start3A_329] : memref<10048x64xf32, #tpu.memory_space<vmem_shared>> -> memref<10048x64xf32, #tpu.memory_space<vmem_shared>>
      tpu.enqueue_indirect_dma source(%arg11 : memref<128x64xf32, #tpu.memory_space<vmem>>) target(%dma_start3A_330 : memref<10048x64xf32, #tpu.memory_space<vmem_shared>>) offsets(%dma_start3A_327 : memref<128xi32, #tpu.memory_space<vmem>>) semaphore(%arg28 : memref<!tpu.dma_semaphore, #tpu.memory_space<semaphore_mem>>) {add = true}
      %gt3A_331 = arith.constant 0 : i32
      %gt3A_332 = arith.cmpi sgt, %scan3A_202, %gt3A_331 : i32
      %convert_element_type3A_333 = arith.extui %gt3A_332 : i1 to i32
      %cond3A_334 = arith.constant 0 : i32
      %cond3A_335 = arith.cmpi ne, %convert_element_type3A_333, %cond3A_334 : i32
      scf.if %cond3A_335 {
        %sub3A_486 = arith.constant 4 : i32
        %sub3A_487 = arith.subi %add3A_314, %sub3A_486 : i32
        %dma_wait3A_488 = arith.constant 0 : i32
        %dma_wait3A_489 = tpu.memref_slice %arg7[%sub3A_487, %dma_wait3A_488] : memref<80x128xi32, #tpu.memory_space<vmem>> -> memref<1x128xi32, #tpu.memory_space<vmem>>
        %dma_wait3A_490 = tpu.memref_squeeze %dma_wait3A_489 : memref<1x128xi32, #tpu.memory_space<vmem>> -> memref<128xi32, #tpu.memory_space<vmem>>
        %dma_wait3A_491 = arith.constant 0 : i32
        %dma_wait3A_492 = arith.constant 0 : i32
        %dma_wait3A_493 = tpu.memref_slice %arg16[%dma_wait3A_491, %dma_wait3A_492] : memref<10048x64xf32, #tpu.memory_space<vmem_shared>> -> memref<10048x64xf32, #tpu.memory_space<vmem_shared>>
        tpu.wait_indirect_dma semaphore(%arg32 : memref<!tpu.dma_semaphore, #tpu.memory_space<semaphore_mem>>) src(%arg15 : memref<128x64xf32, #tpu.memory_space<vmem>>) dst(%dma_wait3A_493 : memref<10048x64xf32, #tpu.memory_space<vmem_shared>>)
      } else {
      }
      %add3A_336 = arith.constant 4 : i32
      %add3A_337 = arith.addi %add3A_314, %add3A_336 : i32
      %dma_start3A_338 = arith.constant 0 : i32
      %dma_start3A_339 = tpu.memref_slice %arg6[%add3A_337, %dma_start3A_338] : memref<80x128xi32, #tpu.memory_space<vmem>> -> memref<1x128xi32, #tpu.memory_space<vmem>>
      %dma_start3A_340 = tpu.memref_squeeze %dma_start3A_339 : memref<1x128xi32, #tpu.memory_space<vmem>> -> memref<128xi32, #tpu.memory_space<vmem>>
      %dma_start3A_341 = arith.constant 0 : i32
      %dma_start3A_342 = arith.constant 0 : i32
      %dma_start3A_343 = tpu.memref_slice %arg2[%arg0, %dma_start3A_341, %dma_start3A_342] : memref<2x10000x64xf32, #tpu.memory_space<hbm>> -> memref<1x10000x64xf32, #tpu.memory_space<hbm>>
      %dma_start3A_344 = tpu.memref_squeeze %dma_start3A_343 : memref<1x10000x64xf32, #tpu.memory_space<hbm>> -> memref<10000x64xf32, #tpu.memory_space<hbm>>
      %dma_start3A_345 = arith.constant 0 : i32
      %dma_start3A_346 = arith.constant 0 : i32
      %dma_start3A_347 = tpu.memref_slice %dma_start3A_344[%dma_start3A_345, %dma_start3A_346] : memref<10000x64xf32, #tpu.memory_space<hbm>> -> memref<10000x64xf32, #tpu.memory_space<hbm>>
      tpu.enqueue_indirect_dma source(%dma_start3A_347 : memref<10000x64xf32, #tpu.memory_space<hbm>>) target(%arg15 : memref<128x64xf32, #tpu.memory_space<vmem>>) offsets(%dma_start3A_340 : memref<128xi32, #tpu.memory_space<vmem>>) semaphore(%arg24 : memref<!tpu.dma_semaphore, #tpu.memory_space<semaphore_mem>>)
      %mul3A_348 = arith.constant 8 : i32
      %mul3A_349 = arith.muli %mul3A_348, %scan3A_202 : i32
      %add3A_350 = arith.constant 4 : i32
      %add3A_351 = arith.addi %mul3A_349, %add3A_350 : i32
      %dma_wait3A_352 = arith.constant 0 : i32
      %dma_wait3A_353 = tpu.memref_slice %arg6[%add3A_351, %dma_wait3A_352] : memref<80x128xi32, #tpu.memory_space<vmem>> -> memref<1x128xi32, #tpu.memory_space<vmem>>
      %dma_wait3A_354 = tpu.memref_squeeze %dma_wait3A_353 : memref<1x128xi32, #tpu.memory_space<vmem>> -> memref<128xi32, #tpu.memory_space<vmem>>
      %dma_wait3A_355 = arith.constant 0 : i32
      %dma_wait3A_356 = arith.constant 0 : i32
      %dma_wait3A_357 = tpu.memref_slice %arg2[%arg0, %dma_wait3A_355, %dma_wait3A_356] : memref<2x10000x64xf32, #tpu.memory_space<hbm>> -> memref<1x10000x64xf32, #tpu.memory_space<hbm>>
      %dma_wait3A_358 = tpu.memref_squeeze %dma_wait3A_357 : memref<1x10000x64xf32, #tpu.memory_space<hbm>> -> memref<10000x64xf32, #tpu.memory_space<hbm>>
      %dma_wait3A_359 = arith.constant 0 : i32
      %dma_wait3A_360 = arith.constant 0 : i32
      %dma_wait3A_361 = tpu.memref_slice %dma_wait3A_358[%dma_wait3A_359, %dma_wait3A_360] : memref<10000x64xf32, #tpu.memory_space<hbm>> -> memref<10000x64xf32, #tpu.memory_space<hbm>>
      tpu.wait_indirect_dma semaphore(%arg21 : memref<!tpu.dma_semaphore, #tpu.memory_space<semaphore_mem>>) src(%dma_wait3A_361 : memref<10000x64xf32, #tpu.memory_space<hbm>>) dst(%arg12 : memref<128x64xf32, #tpu.memory_space<vmem>>)
      %dma_start3A_362 = arith.constant 0 : i32
      %dma_start3A_363 = tpu.memref_slice %arg7[%add3A_351, %dma_start3A_362] : memref<80x128xi32, #tpu.memory_space<vmem>> -> memref<1x128xi32, #tpu.memory_space<vmem>>
      %dma_start3A_364 = tpu.memref_squeeze %dma_start3A_363 : memref<1x128xi32, #tpu.memory_space<vmem>> -> memref<128xi32, #tpu.memory_space<vmem>>
      %dma_start3A_365 = arith.constant 0 : i32
      %dma_start3A_366 = arith.constant 0 : i32
      %dma_start3A_367 = tpu.memref_slice %arg16[%dma_start3A_365, %dma_start3A_366] : memref<10048x64xf32, #tpu.memory_space<vmem_shared>> -> memref<10048x64xf32, #tpu.memory_space<vmem_shared>>
      tpu.enqueue_indirect_dma source(%arg12 : memref<128x64xf32, #tpu.memory_space<vmem>>) target(%dma_start3A_367 : memref<10048x64xf32, #tpu.memory_space<vmem_shared>>) offsets(%dma_start3A_364 : memref<128xi32, #tpu.memory_space<vmem>>) semaphore(%arg29 : memref<!tpu.dma_semaphore, #tpu.memory_space<semaphore_mem>>) {add = true}
      %sub3A = arith.constant 4 : i32
      %sub3A_368 = arith.subi %add3A_351, %sub3A : i32
      %dma_wait3A_369 = arith.constant 0 : i32
      %dma_wait3A_370 = tpu.memref_slice %arg7[%sub3A_368, %dma_wait3A_369] : memref<80x128xi32, #tpu.memory_space<vmem>> -> memref<1x128xi32, #tpu.memory_space<vmem>>
      %dma_wait3A_371 = tpu.memref_squeeze %dma_wait3A_370 : memref<1x128xi32, #tpu.memory_space<vmem>> -> memref<128xi32, #tpu.memory_space<vmem>>
      %dma_wait3A_372 = arith.constant 0 : i32
      %dma_wait3A_373 = arith.constant 0 : i32
      %dma_wait3A_374 = tpu.memref_slice %arg16[%dma_wait3A_372, %dma_wait3A_373] : memref<10048x64xf32, #tpu.memory_space<vmem_shared>> -> memref<10048x64xf32, #tpu.memory_space<vmem_shared>>
      tpu.wait_indirect_dma semaphore(%arg25 : memref<!tpu.dma_semaphore, #tpu.memory_space<semaphore_mem>>) src(%arg8 : memref<128x64xf32, #tpu.memory_space<vmem>>) dst(%dma_wait3A_374 : memref<10048x64xf32, #tpu.memory_space<vmem_shared>>)
      %add3A_375 = arith.constant 1 : i32
      %add3A_376 = arith.addi %scan3A_202, %add3A_375 : i32
      %lt3A = arith.constant 10 : i32
      %lt3A_377 = arith.cmpi slt, %add3A_376, %lt3A : i32
      %convert_element_type3A_378 = arith.extui %lt3A_377 : i1 to i32
      %cond3A_379 = arith.constant 0 : i32
      %cond3A_380 = arith.cmpi ne, %convert_element_type3A_378, %cond3A_379 : i32
      scf.if %cond3A_380 {
        %add3A_486 = arith.constant 4 : i32
        %add3A_487 = arith.addi %add3A_351, %add3A_486 : i32
        %dma_start3A_488 = arith.constant 0 : i32
        %dma_start3A_489 = tpu.memref_slice %arg6[%add3A_487, %dma_start3A_488] : memref<80x128xi32, #tpu.memory_space<vmem>> -> memref<1x128xi32, #tpu.memory_space<vmem>>
        %dma_start3A_490 = tpu.memref_squeeze %dma_start3A_489 : memref<1x128xi32, #tpu.memory_space<vmem>> -> memref<128xi32, #tpu.memory_space<vmem>>
        %dma_start3A_491 = arith.constant 0 : i32
        %dma_start3A_492 = arith.constant 0 : i32
        %dma_start3A_493 = tpu.memref_slice %arg2[%arg0, %dma_start3A_491, %dma_start3A_492] : memref<2x10000x64xf32, #tpu.memory_space<hbm>> -> memref<1x10000x64xf32, #tpu.memory_space<hbm>>
        %dma_start3A_494 = tpu.memref_squeeze %dma_start3A_493 : memref<1x10000x64xf32, #tpu.memory_space<hbm>> -> memref<10000x64xf32, #tpu.memory_space<hbm>>
        %dma_start3A_495 = arith.constant 0 : i32
        %dma_start3A_496 = arith.constant 0 : i32
        %dma_start3A_497 = tpu.memref_slice %dma_start3A_494[%dma_start3A_495, %dma_start3A_496] : memref<10000x64xf32, #tpu.memory_space<hbm>> -> memref<10000x64xf32, #tpu.memory_space<hbm>>
        tpu.enqueue_indirect_dma source(%dma_start3A_497 : memref<10000x64xf32, #tpu.memory_space<hbm>>) target(%arg8 : memref<128x64xf32, #tpu.memory_space<vmem>>) offsets(%dma_start3A_490 : memref<128xi32, #tpu.memory_space<vmem>>) semaphore(%arg17 : memref<!tpu.dma_semaphore, #tpu.memory_space<semaphore_mem>>)
      } else {
      }
      %mul3A_381 = arith.constant 8 : i32
      %mul3A_382 = arith.muli %mul3A_381, %scan3A_202 : i32
      %add3A_383 = arith.constant 5 : i32
      %add3A_384 = arith.addi %mul3A_382, %add3A_383 : i32
      %dma_wait3A_385 = arith.constant 0 : i32
      %dma_wait3A_386 = tpu.memref_slice %arg6[%add3A_384, %dma_wait3A_385] : memref<80x128xi32, #tpu.memory_space<vmem>> -> memref<1x128xi32, #tpu.memory_space<vmem>>
      %dma_wait3A_387 = tpu.memref_squeeze %dma_wait3A_386 : memref<1x128xi32, #tpu.memory_space<vmem>> -> memref<128xi32, #tpu.memory_space<vmem>>
      %dma_wait3A_388 = arith.constant 0 : i32
      %dma_wait3A_389 = arith.constant 0 : i32
      %dma_wait3A_390 = tpu.memref_slice %arg2[%arg0, %dma_wait3A_388, %dma_wait3A_389] : memref<2x10000x64xf32, #tpu.memory_space<hbm>> -> memref<1x10000x64xf32, #tpu.memory_space<hbm>>
      %dma_wait3A_391 = tpu.memref_squeeze %dma_wait3A_390 : memref<1x10000x64xf32, #tpu.memory_space<hbm>> -> memref<10000x64xf32, #tpu.memory_space<hbm>>
      %dma_wait3A_392 = arith.constant 0 : i32
      %dma_wait3A_393 = arith.constant 0 : i32
      %dma_wait3A_394 = tpu.memref_slice %dma_wait3A_391[%dma_wait3A_392, %dma_wait3A_393] : memref<10000x64xf32, #tpu.memory_space<hbm>> -> memref<10000x64xf32, #tpu.memory_space<hbm>>
      tpu.wait_indirect_dma semaphore(%arg22 : memref<!tpu.dma_semaphore, #tpu.memory_space<semaphore_mem>>) src(%dma_wait3A_394 : memref<10000x64xf32, #tpu.memory_space<hbm>>) dst(%arg13 : memref<128x64xf32, #tpu.memory_space<vmem>>)
      %dma_start3A_395 = arith.constant 0 : i32
      %dma_start3A_396 = tpu.memref_slice %arg7[%add3A_384, %dma_start3A_395] : memref<80x128xi32, #tpu.memory_space<vmem>> -> memref<1x128xi32, #tpu.memory_space<vmem>>
      %dma_start3A_397 = tpu.memref_squeeze %dma_start3A_396 : memref<1x128xi32, #tpu.memory_space<vmem>> -> memref<128xi32, #tpu.memory_space<vmem>>
      %dma_start3A_398 = arith.constant 0 : i32
      %dma_start3A_399 = arith.constant 0 : i32
      %dma_start3A_400 = tpu.memref_slice %arg16[%dma_start3A_398, %dma_start3A_399] : memref<10048x64xf32, #tpu.memory_space<vmem_shared>> -> memref<10048x64xf32, #tpu.memory_space<vmem_shared>>
      tpu.enqueue_indirect_dma source(%arg13 : memref<128x64xf32, #tpu.memory_space<vmem>>) target(%dma_start3A_400 : memref<10048x64xf32, #tpu.memory_space<vmem_shared>>) offsets(%dma_start3A_397 : memref<128xi32, #tpu.memory_space<vmem>>) semaphore(%arg30 : memref<!tpu.dma_semaphore, #tpu.memory_space<semaphore_mem>>) {add = true}
      %sub3A_401 = arith.constant 4 : i32
      %sub3A_402 = arith.subi %add3A_384, %sub3A_401 : i32
      %dma_wait3A_403 = arith.constant 0 : i32
      %dma_wait3A_404 = tpu.memref_slice %arg7[%sub3A_402, %dma_wait3A_403] : memref<80x128xi32, #tpu.memory_space<vmem>> -> memref<1x128xi32, #tpu.memory_space<vmem>>
      %dma_wait3A_405 = tpu.memref_squeeze %dma_wait3A_404 : memref<1x128xi32, #tpu.memory_space<vmem>> -> memref<128xi32, #tpu.memory_space<vmem>>
      %dma_wait3A_406 = arith.constant 0 : i32
      %dma_wait3A_407 = arith.constant 0 : i32
      %dma_wait3A_408 = tpu.memref_slice %arg16[%dma_wait3A_406, %dma_wait3A_407] : memref<10048x64xf32, #tpu.memory_space<vmem_shared>> -> memref<10048x64xf32, #tpu.memory_space<vmem_shared>>
      tpu.wait_indirect_dma semaphore(%arg26 : memref<!tpu.dma_semaphore, #tpu.memory_space<semaphore_mem>>) src(%arg9 : memref<128x64xf32, #tpu.memory_space<vmem>>) dst(%dma_wait3A_408 : memref<10048x64xf32, #tpu.memory_space<vmem_shared>>)
      %add3A_409 = arith.constant 1 : i32
      %add3A_410 = arith.addi %scan3A_202, %add3A_409 : i32
      %lt3A_411 = arith.constant 10 : i32
      %lt3A_412 = arith.cmpi slt, %add3A_410, %lt3A_411 : i32
      %convert_element_type3A_413 = arith.extui %lt3A_412 : i1 to i32
      %cond3A_414 = arith.constant 0 : i32
      %cond3A_415 = arith.cmpi ne, %convert_element_type3A_413, %cond3A_414 : i32
      scf.if %cond3A_415 {
        %add3A_486 = arith.constant 4 : i32
        %add3A_487 = arith.addi %add3A_384, %add3A_486 : i32
        %dma_start3A_488 = arith.constant 0 : i32
        %dma_start3A_489 = tpu.memref_slice %arg6[%add3A_487, %dma_start3A_488] : memref<80x128xi32, #tpu.memory_space<vmem>> -> memref<1x128xi32, #tpu.memory_space<vmem>>
        %dma_start3A_490 = tpu.memref_squeeze %dma_start3A_489 : memref<1x128xi32, #tpu.memory_space<vmem>> -> memref<128xi32, #tpu.memory_space<vmem>>
        %dma_start3A_491 = arith.constant 0 : i32
        %dma_start3A_492 = arith.constant 0 : i32
        %dma_start3A_493 = tpu.memref_slice %arg2[%arg0, %dma_start3A_491, %dma_start3A_492] : memref<2x10000x64xf32, #tpu.memory_space<hbm>> -> memref<1x10000x64xf32, #tpu.memory_space<hbm>>
        %dma_start3A_494 = tpu.memref_squeeze %dma_start3A_493 : memref<1x10000x64xf32, #tpu.memory_space<hbm>> -> memref<10000x64xf32, #tpu.memory_space<hbm>>
        %dma_start3A_495 = arith.constant 0 : i32
        %dma_start3A_496 = arith.constant 0 : i32
        %dma_start3A_497 = tpu.memref_slice %dma_start3A_494[%dma_start3A_495, %dma_start3A_496] : memref<10000x64xf32, #tpu.memory_space<hbm>> -> memref<10000x64xf32, #tpu.memory_space<hbm>>
        tpu.enqueue_indirect_dma source(%dma_start3A_497 : memref<10000x64xf32, #tpu.memory_space<hbm>>) target(%arg9 : memref<128x64xf32, #tpu.memory_space<vmem>>) offsets(%dma_start3A_490 : memref<128xi32, #tpu.memory_space<vmem>>) semaphore(%arg18 : memref<!tpu.dma_semaphore, #tpu.memory_space<semaphore_mem>>)
      } else {
      }
      %mul3A_416 = arith.constant 8 : i32
      %mul3A_417 = arith.muli %mul3A_416, %scan3A_202 : i32
      %add3A_418 = arith.constant 6 : i32
      %add3A_419 = arith.addi %mul3A_417, %add3A_418 : i32
      %dma_wait3A_420 = arith.constant 0 : i32
      %dma_wait3A_421 = tpu.memref_slice %arg6[%add3A_419, %dma_wait3A_420] : memref<80x128xi32, #tpu.memory_space<vmem>> -> memref<1x128xi32, #tpu.memory_space<vmem>>
      %dma_wait3A_422 = tpu.memref_squeeze %dma_wait3A_421 : memref<1x128xi32, #tpu.memory_space<vmem>> -> memref<128xi32, #tpu.memory_space<vmem>>
      %dma_wait3A_423 = arith.constant 0 : i32
      %dma_wait3A_424 = arith.constant 0 : i32
      %dma_wait3A_425 = tpu.memref_slice %arg2[%arg0, %dma_wait3A_423, %dma_wait3A_424] : memref<2x10000x64xf32, #tpu.memory_space<hbm>> -> memref<1x10000x64xf32, #tpu.memory_space<hbm>>
      %dma_wait3A_426 = tpu.memref_squeeze %dma_wait3A_425 : memref<1x10000x64xf32, #tpu.memory_space<hbm>> -> memref<10000x64xf32, #tpu.memory_space<hbm>>
      %dma_wait3A_427 = arith.constant 0 : i32
      %dma_wait3A_428 = arith.constant 0 : i32
      %dma_wait3A_429 = tpu.memref_slice %dma_wait3A_426[%dma_wait3A_427, %dma_wait3A_428] : memref<10000x64xf32, #tpu.memory_space<hbm>> -> memref<10000x64xf32, #tpu.memory_space<hbm>>
      tpu.wait_indirect_dma semaphore(%arg23 : memref<!tpu.dma_semaphore, #tpu.memory_space<semaphore_mem>>) src(%dma_wait3A_429 : memref<10000x64xf32, #tpu.memory_space<hbm>>) dst(%arg14 : memref<128x64xf32, #tpu.memory_space<vmem>>)
      %dma_start3A_430 = arith.constant 0 : i32
      %dma_start3A_431 = tpu.memref_slice %arg7[%add3A_419, %dma_start3A_430] : memref<80x128xi32, #tpu.memory_space<vmem>> -> memref<1x128xi32, #tpu.memory_space<vmem>>
      %dma_start3A_432 = tpu.memref_squeeze %dma_start3A_431 : memref<1x128xi32, #tpu.memory_space<vmem>> -> memref<128xi32, #tpu.memory_space<vmem>>
      %dma_start3A_433 = arith.constant 0 : i32
      %dma_start3A_434 = arith.constant 0 : i32
      %dma_start3A_435 = tpu.memref_slice %arg16[%dma_start3A_433, %dma_start3A_434] : memref<10048x64xf32, #tpu.memory_space<vmem_shared>> -> memref<10048x64xf32, #tpu.memory_space<vmem_shared>>
      tpu.enqueue_indirect_dma source(%arg14 : memref<128x64xf32, #tpu.memory_space<vmem>>) target(%dma_start3A_435 : memref<10048x64xf32, #tpu.memory_space<vmem_shared>>) offsets(%dma_start3A_432 : memref<128xi32, #tpu.memory_space<vmem>>) semaphore(%arg31 : memref<!tpu.dma_semaphore, #tpu.memory_space<semaphore_mem>>) {add = true}
      %sub3A_436 = arith.constant 4 : i32
      %sub3A_437 = arith.subi %add3A_419, %sub3A_436 : i32
      %dma_wait3A_438 = arith.constant 0 : i32
      %dma_wait3A_439 = tpu.memref_slice %arg7[%sub3A_437, %dma_wait3A_438] : memref<80x128xi32, #tpu.memory_space<vmem>> -> memref<1x128xi32, #tpu.memory_space<vmem>>
      %dma_wait3A_440 = tpu.memref_squeeze %dma_wait3A_439 : memref<1x128xi32, #tpu.memory_space<vmem>> -> memref<128xi32, #tpu.memory_space<vmem>>
      %dma_wait3A_441 = arith.constant 0 : i32
      %dma_wait3A_442 = arith.constant 0 : i32
      %dma_wait3A_443 = tpu.memref_slice %arg16[%dma_wait3A_441, %dma_wait3A_442] : memref<10048x64xf32, #tpu.memory_space<vmem_shared>> -> memref<10048x64xf32, #tpu.memory_space<vmem_shared>>
      tpu.wait_indirect_dma semaphore(%arg27 : memref<!tpu.dma_semaphore, #tpu.memory_space<semaphore_mem>>) src(%arg10 : memref<128x64xf32, #tpu.memory_space<vmem>>) dst(%dma_wait3A_443 : memref<10048x64xf32, #tpu.memory_space<vmem_shared>>)
      %add3A_444 = arith.constant 1 : i32
      %add3A_445 = arith.addi %scan3A_202, %add3A_444 : i32
      %lt3A_446 = arith.constant 10 : i32
      %lt3A_447 = arith.cmpi slt, %add3A_445, %lt3A_446 : i32
      %convert_element_type3A_448 = arith.extui %lt3A_447 : i1 to i32
      %cond3A_449 = arith.constant 0 : i32
      %cond3A_450 = arith.cmpi ne, %convert_element_type3A_448, %cond3A_449 : i32
      scf.if %cond3A_450 {
        %add3A_486 = arith.constant 4 : i32
        %add3A_487 = arith.addi %add3A_419, %add3A_486 : i32
        %dma_start3A_488 = arith.constant 0 : i32
        %dma_start3A_489 = tpu.memref_slice %arg6[%add3A_487, %dma_start3A_488] : memref<80x128xi32, #tpu.memory_space<vmem>> -> memref<1x128xi32, #tpu.memory_space<vmem>>
        %dma_start3A_490 = tpu.memref_squeeze %dma_start3A_489 : memref<1x128xi32, #tpu.memory_space<vmem>> -> memref<128xi32, #tpu.memory_space<vmem>>
        %dma_start3A_491 = arith.constant 0 : i32
        %dma_start3A_492 = arith.constant 0 : i32
        %dma_start3A_493 = tpu.memref_slice %arg2[%arg0, %dma_start3A_491, %dma_start3A_492] : memref<2x10000x64xf32, #tpu.memory_space<hbm>> -> memref<1x10000x64xf32, #tpu.memory_space<hbm>>
        %dma_start3A_494 = tpu.memref_squeeze %dma_start3A_493 : memref<1x10000x64xf32, #tpu.memory_space<hbm>> -> memref<10000x64xf32, #tpu.memory_space<hbm>>
        %dma_start3A_495 = arith.constant 0 : i32
        %dma_start3A_496 = arith.constant 0 : i32
        %dma_start3A_497 = tpu.memref_slice %dma_start3A_494[%dma_start3A_495, %dma_start3A_496] : memref<10000x64xf32, #tpu.memory_space<hbm>> -> memref<10000x64xf32, #tpu.memory_space<hbm>>
        tpu.enqueue_indirect_dma source(%dma_start3A_497 : memref<10000x64xf32, #tpu.memory_space<hbm>>) target(%arg10 : memref<128x64xf32, #tpu.memory_space<vmem>>) offsets(%dma_start3A_490 : memref<128xi32, #tpu.memory_space<vmem>>) semaphore(%arg19 : memref<!tpu.dma_semaphore, #tpu.memory_space<semaphore_mem>>)
      } else {
      }
      %mul3A_451 = arith.constant 8 : i32
      %mul3A_452 = arith.muli %mul3A_451, %scan3A_202 : i32
      %add3A_453 = arith.constant 7 : i32
      %add3A_454 = arith.addi %mul3A_452, %add3A_453 : i32
      %dma_wait3A_455 = arith.constant 0 : i32
      %dma_wait3A_456 = tpu.memref_slice %arg6[%add3A_454, %dma_wait3A_455] : memref<80x128xi32, #tpu.memory_space<vmem>> -> memref<1x128xi32, #tpu.memory_space<vmem>>
      %dma_wait3A_457 = tpu.memref_squeeze %dma_wait3A_456 : memref<1x128xi32, #tpu.memory_space<vmem>> -> memref<128xi32, #tpu.memory_space<vmem>>
      %dma_wait3A_458 = arith.constant 0 : i32
      %dma_wait3A_459 = arith.constant 0 : i32
      %dma_wait3A_460 = tpu.memref_slice %arg2[%arg0, %dma_wait3A_458, %dma_wait3A_459] : memref<2x10000x64xf32, #tpu.memory_space<hbm>> -> memref<1x10000x64xf32, #tpu.memory_space<hbm>>
      %dma_wait3A_461 = tpu.memref_squeeze %dma_wait3A_460 : memref<1x10000x64xf32, #tpu.memory_space<hbm>> -> memref<10000x64xf32, #tpu.memory_space<hbm>>
      %dma_wait3A_462 = arith.constant 0 : i32
      %dma_wait3A_463 = arith.constant 0 : i32
      %dma_wait3A_464 = tpu.memref_slice %dma_wait3A_461[%dma_wait3A_462, %dma_wait3A_463] : memref<10000x64xf32, #tpu.memory_space<hbm>> -> memref<10000x64xf32, #tpu.memory_space<hbm>>
      tpu.wait_indirect_dma semaphore(%arg24 : memref<!tpu.dma_semaphore, #tpu.memory_space<semaphore_mem>>) src(%dma_wait3A_464 : memref<10000x64xf32, #tpu.memory_space<hbm>>) dst(%arg15 : memref<128x64xf32, #tpu.memory_space<vmem>>)
      %dma_start3A_465 = arith.constant 0 : i32
      %dma_start3A_466 = tpu.memref_slice %arg7[%add3A_454, %dma_start3A_465] : memref<80x128xi32, #tpu.memory_space<vmem>> -> memref<1x128xi32, #tpu.memory_space<vmem>>
      %dma_start3A_467 = tpu.memref_squeeze %dma_start3A_466 : memref<1x128xi32, #tpu.memory_space<vmem>> -> memref<128xi32, #tpu.memory_space<vmem>>
      %dma_start3A_468 = arith.constant 0 : i32
      %dma_start3A_469 = arith.constant 0 : i32
      %dma_start3A_470 = tpu.memref_slice %arg16[%dma_start3A_468, %dma_start3A_469] : memref<10048x64xf32, #tpu.memory_space<vmem_shared>> -> memref<10048x64xf32, #tpu.memory_space<vmem_shared>>
      tpu.enqueue_indirect_dma source(%arg15 : memref<128x64xf32, #tpu.memory_space<vmem>>) target(%dma_start3A_470 : memref<10048x64xf32, #tpu.memory_space<vmem_shared>>) offsets(%dma_start3A_467 : memref<128xi32, #tpu.memory_space<vmem>>) semaphore(%arg32 : memref<!tpu.dma_semaphore, #tpu.memory_space<semaphore_mem>>) {add = true}
      %sub3A_471 = arith.constant 4 : i32
      %sub3A_472 = arith.subi %add3A_454, %sub3A_471 : i32
      %dma_wait3A_473 = arith.constant 0 : i32
      %dma_wait3A_474 = tpu.memref_slice %arg7[%sub3A_472, %dma_wait3A_473] : memref<80x128xi32, #tpu.memory_space<vmem>> -> memref<1x128xi32, #tpu.memory_space<vmem>>
      %dma_wait3A_475 = tpu.memref_squeeze %dma_wait3A_474 : memref<1x128xi32, #tpu.memory_space<vmem>> -> memref<128xi32, #tpu.memory_space<vmem>>
      %dma_wait3A_476 = arith.constant 0 : i32
      %dma_wait3A_477 = arith.constant 0 : i32
      %dma_wait3A_478 = tpu.memref_slice %arg16[%dma_wait3A_476, %dma_wait3A_477] : memref<10048x64xf32, #tpu.memory_space<vmem_shared>> -> memref<10048x64xf32, #tpu.memory_space<vmem_shared>>
      tpu.wait_indirect_dma semaphore(%arg28 : memref<!tpu.dma_semaphore, #tpu.memory_space<semaphore_mem>>) src(%arg11 : memref<128x64xf32, #tpu.memory_space<vmem>>) dst(%dma_wait3A_478 : memref<10048x64xf32, #tpu.memory_space<vmem_shared>>)
      %add3A_479 = arith.constant 1 : i32
      %add3A_480 = arith.addi %scan3A_202, %add3A_479 : i32
      %lt3A_481 = arith.constant 10 : i32
      %lt3A_482 = arith.cmpi slt, %add3A_480, %lt3A_481 : i32
      %convert_element_type3A_483 = arith.extui %lt3A_482 : i1 to i32
      %cond3A_484 = arith.constant 0 : i32
      %cond3A_485 = arith.cmpi ne, %convert_element_type3A_483, %cond3A_484 : i32
      scf.if %cond3A_485 {
        %add3A_486 = arith.constant 4 : i32
        %add3A_487 = arith.addi %add3A_454, %add3A_486 : i32
        %dma_start3A_488 = arith.constant 0 : i32
        %dma_start3A_489 = tpu.memref_slice %arg6[%add3A_487, %dma_start3A_488] : memref<80x128xi32, #tpu.memory_space<vmem>> -> memref<1x128xi32, #tpu.memory_space<vmem>>
        %dma_start3A_490 = tpu.memref_squeeze %dma_start3A_489 : memref<1x128xi32, #tpu.memory_space<vmem>> -> memref<128xi32, #tpu.memory_space<vmem>>
        %dma_start3A_491 = arith.constant 0 : i32
        %dma_start3A_492 = arith.constant 0 : i32
        %dma_start3A_493 = tpu.memref_slice %arg2[%arg0, %dma_start3A_491, %dma_start3A_492] : memref<2x10000x64xf32, #tpu.memory_space<hbm>> -> memref<1x10000x64xf32, #tpu.memory_space<hbm>>
        %dma_start3A_494 = tpu.memref_squeeze %dma_start3A_493 : memref<1x10000x64xf32, #tpu.memory_space<hbm>> -> memref<10000x64xf32, #tpu.memory_space<hbm>>
        %dma_start3A_495 = arith.constant 0 : i32
        %dma_start3A_496 = arith.constant 0 : i32
        %dma_start3A_497 = tpu.memref_slice %dma_start3A_494[%dma_start3A_495, %dma_start3A_496] : memref<10000x64xf32, #tpu.memory_space<hbm>> -> memref<10000x64xf32, #tpu.memory_space<hbm>>
        tpu.enqueue_indirect_dma source(%dma_start3A_497 : memref<10000x64xf32, #tpu.memory_space<hbm>>) target(%arg11 : memref<128x64xf32, #tpu.memory_space<vmem>>) offsets(%dma_start3A_490 : memref<128xi32, #tpu.memory_space<vmem>>) semaphore(%arg20 : memref<!tpu.dma_semaphore, #tpu.memory_space<semaphore_mem>>)
      } else {
      }
    }
    %scan3A_172 = arith.constant 10 : i32
    %dma_wait3A_173 = arith.constant 76 : i32
    %dma_wait3A_174 = arith.constant 0 : i32
    %dma_wait3A_175 = tpu.memref_slice %arg7[%dma_wait3A_173, %dma_wait3A_174] : memref<80x128xi32, #tpu.memory_space<vmem>> -> memref<1x128xi32, #tpu.memory_space<vmem>>
    %dma_wait3A_176 = tpu.memref_squeeze %dma_wait3A_175 : memref<1x128xi32, #tpu.memory_space<vmem>> -> memref<128xi32, #tpu.memory_space<vmem>>
    %dma_wait3A_177 = arith.constant 0 : i32
    %dma_wait3A_178 = arith.constant 0 : i32
    %dma_wait3A_179 = tpu.memref_slice %arg16[%dma_wait3A_177, %dma_wait3A_178] : memref<10048x64xf32, #tpu.memory_space<vmem_shared>> -> memref<10048x64xf32, #tpu.memory_space<vmem_shared>>
    tpu.wait_indirect_dma semaphore(%arg29 : memref<!tpu.dma_semaphore, #tpu.memory_space<semaphore_mem>>) src(%arg12 : memref<128x64xf32, #tpu.memory_space<vmem>>) dst(%dma_wait3A_179 : memref<10048x64xf32, #tpu.memory_space<vmem_shared>>)
    %dma_wait3A_180 = arith.constant 77 : i32
    %dma_wait3A_181 = arith.constant 0 : i32
    %dma_wait3A_182 = tpu.memref_slice %arg7[%dma_wait3A_180, %dma_wait3A_181] : memref<80x128xi32, #tpu.memory_space<vmem>> -> memref<1x128xi32, #tpu.memory_space<vmem>>
    %dma_wait3A_183 = tpu.memref_squeeze %dma_wait3A_182 : memref<1x128xi32, #tpu.memory_space<vmem>> -> memref<128xi32, #tpu.memory_space<vmem>>
    %dma_wait3A_184 = arith.constant 0 : i32
    %dma_wait3A_185 = arith.constant 0 : i32
    %dma_wait3A_186 = tpu.memref_slice %arg16[%dma_wait3A_184, %dma_wait3A_185] : memref<10048x64xf32, #tpu.memory_space<vmem_shared>> -> memref<10048x64xf32, #tpu.memory_space<vmem_shared>>
    tpu.wait_indirect_dma semaphore(%arg30 : memref<!tpu.dma_semaphore, #tpu.memory_space<semaphore_mem>>) src(%arg13 : memref<128x64xf32, #tpu.memory_space<vmem>>) dst(%dma_wait3A_186 : memref<10048x64xf32, #tpu.memory_space<vmem_shared>>)
    %dma_wait3A_187 = arith.constant 78 : i32
    %dma_wait3A_188 = arith.constant 0 : i32
    %dma_wait3A_189 = tpu.memref_slice %arg7[%dma_wait3A_187, %dma_wait3A_188] : memref<80x128xi32, #tpu.memory_space<vmem>> -> memref<1x128xi32, #tpu.memory_space<vmem>>
    %dma_wait3A_190 = tpu.memref_squeeze %dma_wait3A_189 : memref<1x128xi32, #tpu.memory_space<vmem>> -> memref<128xi32, #tpu.memory_space<vmem>>
    %dma_wait3A_191 = arith.constant 0 : i32
    %dma_wait3A_192 = arith.constant 0 : i32
    %dma_wait3A_193 = tpu.memref_slice %arg16[%dma_wait3A_191, %dma_wait3A_192] : memref<10048x64xf32, #tpu.memory_space<vmem_shared>> -> memref<10048x64xf32, #tpu.memory_space<vmem_shared>>
    tpu.wait_indirect_dma semaphore(%arg31 : memref<!tpu.dma_semaphore, #tpu.memory_space<semaphore_mem>>) src(%arg14 : memref<128x64xf32, #tpu.memory_space<vmem>>) dst(%dma_wait3A_193 : memref<10048x64xf32, #tpu.memory_space<vmem_shared>>)
    %dma_wait3A_194 = arith.constant 79 : i32
    %dma_wait3A_195 = arith.constant 0 : i32
    %dma_wait3A_196 = tpu.memref_slice %arg7[%dma_wait3A_194, %dma_wait3A_195] : memref<80x128xi32, #tpu.memory_space<vmem>> -> memref<1x128xi32, #tpu.memory_space<vmem>>
    %dma_wait3A_197 = tpu.memref_squeeze %dma_wait3A_196 : memref<1x128xi32, #tpu.memory_space<vmem>> -> memref<128xi32, #tpu.memory_space<vmem>>
    %dma_wait3A_198 = arith.constant 0 : i32
    %dma_wait3A_199 = arith.constant 0 : i32
    %dma_wait3A_200 = tpu.memref_slice %arg16[%dma_wait3A_198, %dma_wait3A_199] : memref<10048x64xf32, #tpu.memory_space<vmem_shared>> -> memref<10048x64xf32, #tpu.memory_space<vmem_shared>>
    tpu.wait_indirect_dma semaphore(%arg32 : memref<!tpu.dma_semaphore, #tpu.memory_space<semaphore_mem>>) src(%arg15 : memref<128x64xf32, #tpu.memory_space<vmem>>) dst(%dma_wait3A_200 : memref<10048x64xf32, #tpu.memory_space<vmem_shared>>)
    %barrier3A_201 = arith.constant 0 : index
    tpu.barrier barrier_id(%barrier3A_201)
    "tpu.region"() ({
      %run_scoped3A = tpu.sem_alloc : memref<!tpu.dma_semaphore, #tpu.memory_space<semaphore_mem>>
      %dma_start3A_202 = arith.constant 0 : i32
      %dma_start3A_203 = tpu.memref_slice %arg5[%arg0, %mul3A_0, %dma_start3A_202] : memref<2x10000x64xf32, #tpu.memory_space<hbm>> -> memref<1x625x64xf32, #tpu.memory_space<hbm>>
      %dma_start3A_204 = tpu.memref_squeeze %dma_start3A_203 : memref<1x625x64xf32, #tpu.memory_space<hbm>> -> memref<625x64xf32, #tpu.memory_space<hbm>>
      %dma_start3A_205 = arith.constant 0 : i32
      %dma_start3A_206 = tpu.memref_slice %arg16[%mul3A_0, %dma_start3A_205] : memref<10048x64xf32, #tpu.memory_space<vmem_shared>> -> memref<625x64xf32, #tpu.memory_space<vmem_shared>>
      tpu.enqueue_dma source(%dma_start3A_206 : memref<625x64xf32, #tpu.memory_space<vmem_shared>>) target(%dma_start3A_204 : memref<625x64xf32, #tpu.memory_space<hbm>>) target_semaphore(%run_scoped3A : memref<!tpu.dma_semaphore, #tpu.memory_space<semaphore_mem>>)
      %dma_wait3A_207 = arith.constant 0 : i32
      %dma_wait3A_208 = tpu.memref_slice %arg5[%arg0, %mul3A_0, %dma_wait3A_207] : memref<2x10000x64xf32, #tpu.memory_space<hbm>> -> memref<1x625x64xf32, #tpu.memory_space<hbm>>
      %dma_wait3A_209 = tpu.memref_squeeze %dma_wait3A_208 : memref<1x625x64xf32, #tpu.memory_space<hbm>> -> memref<625x64xf32, #tpu.memory_space<hbm>>
      %dma_wait3A_210 = arith.constant 0 : i32
      %dma_wait3A_211 = tpu.memref_slice %arg16[%mul3A_0, %dma_wait3A_210] : memref<10048x64xf32, #tpu.memory_space<vmem_shared>> -> memref<625x64xf32, #tpu.memory_space<vmem_shared>>
      tpu.wait_dma2 semaphore(%run_scoped3A : memref<!tpu.dma_semaphore, #tpu.memory_space<semaphore_mem>>) src(%dma_wait3A_211 : memref<625x64xf32, #tpu.memory_space<vmem_shared>>) dst(%dma_wait3A_209 : memref<625x64xf32, #tpu.memory_space<hbm>>)
      tpu.yield
    }) : () -> ()
    return
  }
}

#map = affine_map<(d0, d1) -> (0, 0, 0)>
#map1 = affine_map<(d0, d1) -> (0, 0)>
module attributes {stable_mosaic.version = 14 : i64} {
  func.func @_mp_body(%arg0: i32, %arg1: i32, %arg2: memref<2x10000x64xf32, #tpu.memory_space<hbm>>, %arg3: memref<2560x128xi32, #tpu.memory_space<hbm>>, %arg4: memref<2560x128xi32, #tpu.memory_space<hbm>>, %arg5: memref<2x10000x64xf32, #tpu.memory_space<hbm>>, %arg6: memref<80x128xi32, #tpu.memory_space<vmem>>, %arg7: memref<80x128xi32, #tpu.memory_space<vmem>>, %arg8: memref<128x64xf32, #tpu.memory_space<vmem>>, %arg9: memref<128x64xf32, #tpu.memory_space<vmem>>, %arg10: memref<128x64xf32, #tpu.memory_space<vmem>>, %arg11: memref<128x64xf32, #tpu.memory_space<vmem>>, %arg12: memref<128x64xf32, #tpu.memory_space<vmem>>, %arg13: memref<128x64xf32, #tpu.memory_space<vmem>>, %arg14: memref<128x64xf32, #tpu.memory_space<vmem>>, %arg15: memref<128x64xf32, #tpu.memory_space<vmem>>, %arg16: memref<10048x64xf32, #tpu.memory_space<vmem_shared>>, %arg17: memref<!tpu.dma_semaphore, #tpu.memory_space<semaphore_mem>>, %arg18: memref<!tpu.dma_semaphore, #tpu.memory_space<semaphore_mem>>, %arg19: memref<!tpu.dma_semaphore, #tpu.memory_space<semaphore_mem>>, %arg20: memref<!tpu.dma_semaphore, #tpu.memory_space<semaphore_mem>>, %arg21: memref<!tpu.dma_semaphore, #tpu.memory_space<semaphore_mem>>, %arg22: memref<!tpu.dma_semaphore, #tpu.memory_space<semaphore_mem>>, %arg23: memref<!tpu.dma_semaphore, #tpu.memory_space<semaphore_mem>>, %arg24: memref<!tpu.dma_semaphore, #tpu.memory_space<semaphore_mem>>, %arg25: memref<!tpu.dma_semaphore, #tpu.memory_space<semaphore_mem>>, %arg26: memref<!tpu.dma_semaphore, #tpu.memory_space<semaphore_mem>>, %arg27: memref<!tpu.dma_semaphore, #tpu.memory_space<semaphore_mem>>, %arg28: memref<!tpu.dma_semaphore, #tpu.memory_space<semaphore_mem>>, %arg29: memref<!tpu.dma_semaphore, #tpu.memory_space<semaphore_mem>>, %arg30: memref<!tpu.dma_semaphore, #tpu.memory_space<semaphore_mem>>, %arg31: memref<!tpu.dma_semaphore, #tpu.memory_space<semaphore_mem>>, %arg32: memref<!tpu.dma_semaphore, #tpu.memory_space<semaphore_mem>>, %arg33: memref<!tpu.dma_semaphore, #tpu.memory_space<semaphore_mem>>) attributes {dimension_semantics = [#tpu.dimension_semantics<core_parallel>, #tpu.dimension_semantics<subcore_parallel>], iteration_bounds = array<i64: 2, 16>, scalar_prefetch = 0 : i64, scratch_operands = 28 : i64, tpu.core_type = #tpu.core_type<sc_vector_subcore>, window_params = [{transform_indices = #map}, {transform_indices = #map1}, {transform_indices = #map1}, {transform_indices = #map}]} {
    %mul3A = arith.constant 625 : i32
    %mul3A_0 = arith.muli %arg1, %mul3A : i32
    %mul3A_1 = arith.constant 160 : i32
    %mul3A_2 = arith.muli %arg1, %mul3A_1 : i32
    %add3A = arith.constant 0 : i32
    %add3A_3 = arith.addi %mul3A_2, %add3A : i32
    %dma_start3A = arith.constant 0 : i32
    %dma_start3A_4 = tpu.memref_slice %arg3[%add3A_3, %dma_start3A] : memref<2560x128xi32, #tpu.memory_space<hbm>> -> memref<80x128xi32, #tpu.memory_space<hbm>>
    %dma_start3A_5 = arith.constant 0 : i32
    %dma_start3A_6 = tpu.memref_slice %arg3[%add3A_3, %dma_start3A_5] : memref<2560x128xi32, #tpu.memory_space<hbm>> -> memref<80x128xi32, #tpu.memory_space<hbm>>
    tpu.enqueue_dma source(%dma_start3A_6 : memref<80x128xi32, #tpu.memory_space<hbm>>) target(%arg6 : memref<80x128xi32, #tpu.memory_space<vmem>>) target_semaphore(%arg33 : memref<!tpu.dma_semaphore, #tpu.memory_space<semaphore_mem>>)
    %dma_start3A_7 = arith.constant 0 : i32
    %dma_start3A_8 = tpu.memref_slice %arg4[%add3A_3, %dma_start3A_7] : memref<2560x128xi32, #tpu.memory_space<hbm>> -> memref<80x128xi32, #tpu.memory_space<hbm>>
    %dma_start3A_9 = arith.constant 0 : i32
    %dma_start3A_10 = tpu.memref_slice %arg4[%add3A_3, %dma_start3A_9] : memref<2560x128xi32, #tpu.memory_space<hbm>> -> memref<80x128xi32, #tpu.memory_space<hbm>>
    tpu.enqueue_dma source(%dma_start3A_10 : memref<80x128xi32, #tpu.memory_space<hbm>>) target(%arg7 : memref<80x128xi32, #tpu.memory_space<vmem>>) target_semaphore(%arg33 : memref<!tpu.dma_semaphore, #tpu.memory_space<semaphore_mem>>)
    "tpu.region"() ({
      %run_scoped3A = tpu.sem_alloc : memref<!tpu.dma_semaphore, #tpu.memory_space<semaphore_mem>>
      %dma_start3A_202 = arith.constant 0 : i32
      %dma_start3A_203 = tpu.memref_slice %arg16[%mul3A_0, %dma_start3A_202] : memref<10048x64xf32, #tpu.memory_space<vmem_shared>> -> memref<625x64xf32, #tpu.memory_space<vmem_shared>>
      %dma_start3A_204 = arith.constant 0 : i32
      %dma_start3A_205 = tpu.memref_slice %arg2[%arg0, %mul3A_0, %dma_start3A_204] : memref<2x10000x64xf32, #tpu.memory_space<hbm>> -> memref<1x625x64xf32, #tpu.memory_space<hbm>>
      %dma_start3A_206 = tpu.memref_squeeze %dma_start3A_205 : memref<1x625x64xf32, #tpu.memory_space<hbm>> -> memref<625x64xf32, #tpu.memory_space<hbm>>
      tpu.enqueue_dma source(%dma_start3A_206 : memref<625x64xf32, #tpu.memory_space<hbm>>) target(%dma_start3A_203 : memref<625x64xf32, #tpu.memory_space<vmem_shared>>) target_semaphore(%run_scoped3A : memref<!tpu.dma_semaphore, #tpu.memory_space<semaphore_mem>>)
      %dma_wait3A_207 = arith.constant 0 : i32
      %dma_wait3A_208 = tpu.memref_slice %arg16[%mul3A_0, %dma_wait3A_207] : memref<10048x64xf32, #tpu.memory_space<vmem_shared>> -> memref<625x64xf32, #tpu.memory_space<vmem_shared>>
      %dma_wait3A_209 = arith.constant 0 : i32
      %dma_wait3A_210 = tpu.memref_slice %arg2[%arg0, %mul3A_0, %dma_wait3A_209] : memref<2x10000x64xf32, #tpu.memory_space<hbm>> -> memref<1x625x64xf32, #tpu.memory_space<hbm>>
      %dma_wait3A_211 = tpu.memref_squeeze %dma_wait3A_210 : memref<1x625x64xf32, #tpu.memory_space<hbm>> -> memref<625x64xf32, #tpu.memory_space<hbm>>
      tpu.wait_dma2 semaphore(%run_scoped3A : memref<!tpu.dma_semaphore, #tpu.memory_space<semaphore_mem>>) src(%dma_wait3A_211 : memref<625x64xf32, #tpu.memory_space<hbm>>) dst(%dma_wait3A_208 : memref<625x64xf32, #tpu.memory_space<vmem_shared>>)
      tpu.yield
    }) : () -> ()
    %mul3A_11 = arith.constant 160 : i32
    %mul3A_12 = arith.muli %arg1, %mul3A_11 : i32
    %add3A_13 = arith.constant 0 : i32
    %add3A_14 = arith.addi %mul3A_12, %add3A_13 : i32
    %dma_wait3A = arith.constant 0 : i32
    %dma_wait3A_15 = tpu.memref_slice %arg3[%add3A_14, %dma_wait3A] : memref<2560x128xi32, #tpu.memory_space<hbm>> -> memref<80x128xi32, #tpu.memory_space<hbm>>
    %dma_wait3A_16 = arith.constant 0 : i32
    %dma_wait3A_17 = tpu.memref_slice %arg3[%add3A_14, %dma_wait3A_16] : memref<2560x128xi32, #tpu.memory_space<hbm>> -> memref<80x128xi32, #tpu.memory_space<hbm>>
    tpu.wait_dma2 semaphore(%arg33 : memref<!tpu.dma_semaphore, #tpu.memory_space<semaphore_mem>>) src(%dma_wait3A_17 : memref<80x128xi32, #tpu.memory_space<hbm>>) dst(%arg6 : memref<80x128xi32, #tpu.memory_space<vmem>>)
    %dma_wait3A_18 = arith.constant 0 : i32
    %dma_wait3A_19 = tpu.memref_slice %arg4[%add3A_14, %dma_wait3A_18] : memref<2560x128xi32, #tpu.memory_space<hbm>> -> memref<80x128xi32, #tpu.memory_space<hbm>>
    %dma_wait3A_20 = arith.constant 0 : i32
    %dma_wait3A_21 = tpu.memref_slice %arg4[%add3A_14, %dma_wait3A_20] : memref<2560x128xi32, #tpu.memory_space<hbm>> -> memref<80x128xi32, #tpu.memory_space<hbm>>
    tpu.wait_dma2 semaphore(%arg33 : memref<!tpu.dma_semaphore, #tpu.memory_space<semaphore_mem>>) src(%dma_wait3A_21 : memref<80x128xi32, #tpu.memory_space<hbm>>) dst(%arg7 : memref<80x128xi32, #tpu.memory_space<vmem>>)
    %barrier3A = arith.constant 0 : index
    tpu.barrier barrier_id(%barrier3A)
    %dma_start3A_22 = arith.constant 0 : i32
    %dma_start3A_23 = arith.constant 0 : i32
    %dma_start3A_24 = tpu.memref_slice %arg6[%dma_start3A_22, %dma_start3A_23] : memref<80x128xi32, #tpu.memory_space<vmem>> -> memref<1x128xi32, #tpu.memory_space<vmem>>
    %dma_start3A_25 = tpu.memref_squeeze %dma_start3A_24 : memref<1x128xi32, #tpu.memory_space<vmem>> -> memref<128xi32, #tpu.memory_space<vmem>>
    %dma_start3A_26 = arith.constant 0 : i32
    %dma_start3A_27 = arith.constant 0 : i32
    %dma_start3A_28 = tpu.memref_slice %arg2[%arg0, %dma_start3A_26, %dma_start3A_27] : memref<2x10000x64xf32, #tpu.memory_space<hbm>> -> memref<1x10000x64xf32, #tpu.memory_space<hbm>>
    %dma_start3A_29 = tpu.memref_squeeze %dma_start3A_28 : memref<1x10000x64xf32, #tpu.memory_space<hbm>> -> memref<10000x64xf32, #tpu.memory_space<hbm>>
    %dma_start3A_30 = arith.constant 0 : i32
    %dma_start3A_31 = arith.constant 0 : i32
    %dma_start3A_32 = tpu.memref_slice %dma_start3A_29[%dma_start3A_30, %dma_start3A_31] : memref<10000x64xf32, #tpu.memory_space<hbm>> -> memref<10000x64xf32, #tpu.memory_space<hbm>>
    tpu.enqueue_indirect_dma source(%dma_start3A_32 : memref<10000x64xf32, #tpu.memory_space<hbm>>) target(%arg8 : memref<128x64xf32, #tpu.memory_space<vmem>>) offsets(%dma_start3A_25 : memref<128xi32, #tpu.memory_space<vmem>>) semaphore(%arg17 : memref<!tpu.dma_semaphore, #tpu.memory_space<semaphore_mem>>)
    %dma_start3A_33 = arith.constant 1 : i32
    %dma_start3A_34 = arith.constant 0 : i32
    %dma_start3A_35 = tpu.memref_slice %arg6[%dma_start3A_33, %dma_start3A_34] : memref<80x128xi32, #tpu.memory_space<vmem>> -> memref<1x128xi32, #tpu.memory_space<vmem>>
    %dma_start3A_36 = tpu.memref_squeeze %dma_start3A_35 : memref<1x128xi32, #tpu.memory_space<vmem>> -> memref<128xi32, #tpu.memory_space<vmem>>
    %dma_start3A_37 = arith.constant 0 : i32
    %dma_start3A_38 = arith.constant 0 : i32
    %dma_start3A_39 = tpu.memref_slice %arg2[%arg0, %dma_start3A_37, %dma_start3A_38] : memref<2x10000x64xf32, #tpu.memory_space<hbm>> -> memref<1x10000x64xf32, #tpu.memory_space<hbm>>
    %dma_start3A_40 = tpu.memref_squeeze %dma_start3A_39 : memref<1x10000x64xf32, #tpu.memory_space<hbm>> -> memref<10000x64xf32, #tpu.memory_space<hbm>>
    %dma_start3A_41 = arith.constant 0 : i32
    %dma_start3A_42 = arith.constant 0 : i32
    %dma_start3A_43 = tpu.memref_slice %dma_start3A_40[%dma_start3A_41, %dma_start3A_42] : memref<10000x64xf32, #tpu.memory_space<hbm>> -> memref<10000x64xf32, #tpu.memory_space<hbm>>
    tpu.enqueue_indirect_dma source(%dma_start3A_43 : memref<10000x64xf32, #tpu.memory_space<hbm>>) target(%arg9 : memref<128x64xf32, #tpu.memory_space<vmem>>) offsets(%dma_start3A_36 : memref<128xi32, #tpu.memory_space<vmem>>) semaphore(%arg18 : memref<!tpu.dma_semaphore, #tpu.memory_space<semaphore_mem>>)
    %dma_start3A_44 = arith.constant 2 : i32
    %dma_start3A_45 = arith.constant 0 : i32
    %dma_start3A_46 = tpu.memref_slice %arg6[%dma_start3A_44, %dma_start3A_45] : memref<80x128xi32, #tpu.memory_space<vmem>> -> memref<1x128xi32, #tpu.memory_space<vmem>>
    %dma_start3A_47 = tpu.memref_squeeze %dma_start3A_46 : memref<1x128xi32, #tpu.memory_space<vmem>> -> memref<128xi32, #tpu.memory_space<vmem>>
    %dma_start3A_48 = arith.constant 0 : i32
    %dma_start3A_49 = arith.constant 0 : i32
    %dma_start3A_50 = tpu.memref_slice %arg2[%arg0, %dma_start3A_48, %dma_start3A_49] : memref<2x10000x64xf32, #tpu.memory_space<hbm>> -> memref<1x10000x64xf32, #tpu.memory_space<hbm>>
    %dma_start3A_51 = tpu.memref_squeeze %dma_start3A_50 : memref<1x10000x64xf32, #tpu.memory_space<hbm>> -> memref<10000x64xf32, #tpu.memory_space<hbm>>
    %dma_start3A_52 = arith.constant 0 : i32
    %dma_start3A_53 = arith.constant 0 : i32
    %dma_start3A_54 = tpu.memref_slice %dma_start3A_51[%dma_start3A_52, %dma_start3A_53] : memref<10000x64xf32, #tpu.memory_space<hbm>> -> memref<10000x64xf32, #tpu.memory_space<hbm>>
    tpu.enqueue_indirect_dma source(%dma_start3A_54 : memref<10000x64xf32, #tpu.memory_space<hbm>>) target(%arg10 : memref<128x64xf32, #tpu.memory_space<vmem>>) offsets(%dma_start3A_47 : memref<128xi32, #tpu.memory_space<vmem>>) semaphore(%arg19 : memref<!tpu.dma_semaphore, #tpu.memory_space<semaphore_mem>>)
    %dma_start3A_55 = arith.constant 3 : i32
    %dma_start3A_56 = arith.constant 0 : i32
    %dma_start3A_57 = tpu.memref_slice %arg6[%dma_start3A_55, %dma_start3A_56] : memref<80x128xi32, #tpu.memory_space<vmem>> -> memref<1x128xi32, #tpu.memory_space<vmem>>
    %dma_start3A_58 = tpu.memref_squeeze %dma_start3A_57 : memref<1x128xi32, #tpu.memory_space<vmem>> -> memref<128xi32, #tpu.memory_space<vmem>>
    %dma_start3A_59 = arith.constant 0 : i32
    %dma_start3A_60 = arith.constant 0 : i32
    %dma_start3A_61 = tpu.memref_slice %arg2[%arg0, %dma_start3A_59, %dma_start3A_60] : memref<2x10000x64xf32, #tpu.memory_space<hbm>> -> memref<1x10000x64xf32, #tpu.memory_space<hbm>>
    %dma_start3A_62 = tpu.memref_squeeze %dma_start3A_61 : memref<1x10000x64xf32, #tpu.memory_space<hbm>> -> memref<10000x64xf32, #tpu.memory_space<hbm>>
    %dma_start3A_63 = arith.constant 0 : i32
    %dma_start3A_64 = arith.constant 0 : i32
    %dma_start3A_65 = tpu.memref_slice %dma_start3A_62[%dma_start3A_63, %dma_start3A_64] : memref<10000x64xf32, #tpu.memory_space<hbm>> -> memref<10000x64xf32, #tpu.memory_space<hbm>>
    tpu.enqueue_indirect_dma source(%dma_start3A_65 : memref<10000x64xf32, #tpu.memory_space<hbm>>) target(%arg11 : memref<128x64xf32, #tpu.memory_space<vmem>>) offsets(%dma_start3A_58 : memref<128xi32, #tpu.memory_space<vmem>>) semaphore(%arg20 : memref<!tpu.dma_semaphore, #tpu.memory_space<semaphore_mem>>)
    %scan3A = arith.constant 0 : i32
    %scan3A_66 = arith.constant 0 : i32
    %scan3A_67 = arith.constant 10 : i32
    %scan3A_68 = arith.addi %scan3A_66, %scan3A_67 : i32
    %scan3A_69 = arith.constant 1 : i32
    scf.for %scan3A_202 = %scan3A_66 to %scan3A_68 step %scan3A_69  : i32 {
      %mul3A_203 = arith.constant 8 : i32
      %mul3A_204 = arith.muli %mul3A_203, %scan3A_202 : i32
      %add3A_205 = arith.constant 0 : i32
      %add3A_206 = arith.addi %mul3A_204, %add3A_205 : i32
      %dma_wait3A_207 = arith.constant 0 : i32
      %dma_wait3A_208 = tpu.memref_slice %arg6[%add3A_206, %dma_wait3A_207] : memref<80x128xi32, #tpu.memory_space<vmem>> -> memref<1x128xi32, #tpu.memory_space<vmem>>
      %dma_wait3A_209 = tpu.memref_squeeze %dma_wait3A_208 : memref<1x128xi32, #tpu.memory_space<vmem>> -> memref<128xi32, #tpu.memory_space<vmem>>
      %dma_wait3A_210 = arith.constant 0 : i32
      %dma_wait3A_211 = arith.constant 0 : i32
      %dma_wait3A_212 = tpu.memref_slice %arg2[%arg0, %dma_wait3A_210, %dma_wait3A_211] : memref<2x10000x64xf32, #tpu.memory_space<hbm>> -> memref<1x10000x64xf32, #tpu.memory_space<hbm>>
      %dma_wait3A_213 = tpu.memref_squeeze %dma_wait3A_212 : memref<1x10000x64xf32, #tpu.memory_space<hbm>> -> memref<10000x64xf32, #tpu.memory_space<hbm>>
      %dma_wait3A_214 = arith.constant 0 : i32
      %dma_wait3A_215 = arith.constant 0 : i32
      %dma_wait3A_216 = tpu.memref_slice %dma_wait3A_213[%dma_wait3A_214, %dma_wait3A_215] : memref<10000x64xf32, #tpu.memory_space<hbm>> -> memref<10000x64xf32, #tpu.memory_space<hbm>>
      tpu.wait_indirect_dma semaphore(%arg17 : memref<!tpu.dma_semaphore, #tpu.memory_space<semaphore_mem>>) src(%dma_wait3A_216 : memref<10000x64xf32, #tpu.memory_space<hbm>>) dst(%arg8 : memref<128x64xf32, #tpu.memory_space<vmem>>)
      %dma_start3A_217 = arith.constant 0 : i32
      %dma_start3A_218 = tpu.memref_slice %arg7[%add3A_206, %dma_start3A_217] : memref<80x128xi32, #tpu.memory_space<vmem>> -> memref<1x128xi32, #tpu.memory_space<vmem>>
      %dma_start3A_219 = tpu.memref_squeeze %dma_start3A_218 : memref<1x128xi32, #tpu.memory_space<vmem>> -> memref<128xi32, #tpu.memory_space<vmem>>
      %dma_start3A_220 = arith.constant 0 : i32
      %dma_start3A_221 = arith.constant 0 : i32
      %dma_start3A_222 = tpu.memref_slice %arg16[%dma_start3A_220, %dma_start3A_221] : memref<10048x64xf32, #tpu.memory_space<vmem_shared>> -> memref<10048x64xf32, #tpu.memory_space<vmem_shared>>
      tpu.enqueue_indirect_dma source(%arg8 : memref<128x64xf32, #tpu.memory_space<vmem>>) target(%dma_start3A_222 : memref<10048x64xf32, #tpu.memory_space<vmem_shared>>) offsets(%dma_start3A_219 : memref<128xi32, #tpu.memory_space<vmem>>) semaphore(%arg25 : memref<!tpu.dma_semaphore, #tpu.memory_space<semaphore_mem>>) {add = true}
      %gt3A = arith.constant 0 : i32
      %gt3A_223 = arith.cmpi sgt, %scan3A_202, %gt3A : i32
      %convert_element_type3A = arith.extui %gt3A_223 : i1 to i32
      %cond3A = arith.constant 0 : i32
      %cond3A_224 = arith.cmpi ne, %convert_element_type3A, %cond3A : i32
      scf.if %cond3A_224 {
        %sub3A_486 = arith.constant 4 : i32
        %sub3A_487 = arith.subi %add3A_206, %sub3A_486 : i32
        %dma_wait3A_488 = arith.constant 0 : i32
        %dma_wait3A_489 = tpu.memref_slice %arg7[%sub3A_487, %dma_wait3A_488] : memref<80x128xi32, #tpu.memory_space<vmem>> -> memref<1x128xi32, #tpu.memory_space<vmem>>
        %dma_wait3A_490 = tpu.memref_squeeze %dma_wait3A_489 : memref<1x128xi32, #tpu.memory_space<vmem>> -> memref<128xi32, #tpu.memory_space<vmem>>
        %dma_wait3A_491 = arith.constant 0 : i32
        %dma_wait3A_492 = arith.constant 0 : i32
        %dma_wait3A_493 = tpu.memref_slice %arg16[%dma_wait3A_491, %dma_wait3A_492] : memref<10048x64xf32, #tpu.memory_space<vmem_shared>> -> memref<10048x64xf32, #tpu.memory_space<vmem_shared>>
        tpu.wait_indirect_dma semaphore(%arg29 : memref<!tpu.dma_semaphore, #tpu.memory_space<semaphore_mem>>) src(%arg12 : memref<128x64xf32, #tpu.memory_space<vmem>>) dst(%dma_wait3A_493 : memref<10048x64xf32, #tpu.memory_space<vmem_shared>>)
      } else {
      }
      %add3A_225 = arith.constant 4 : i32
      %add3A_226 = arith.addi %add3A_206, %add3A_225 : i32
      %dma_start3A_227 = arith.constant 0 : i32
      %dma_start3A_228 = tpu.memref_slice %arg6[%add3A_226, %dma_start3A_227] : memref<80x128xi32, #tpu.memory_space<vmem>> -> memref<1x128xi32, #tpu.memory_space<vmem>>
      %dma_start3A_229 = tpu.memref_squeeze %dma_start3A_228 : memref<1x128xi32, #tpu.memory_space<vmem>> -> memref<128xi32, #tpu.memory_space<vmem>>
      %dma_start3A_230 = arith.constant 0 : i32
      %dma_start3A_231 = arith.constant 0 : i32
      %dma_start3A_232 = tpu.memref_slice %arg2[%arg0, %dma_start3A_230, %dma_start3A_231] : memref<2x10000x64xf32, #tpu.memory_space<hbm>> -> memref<1x10000x64xf32, #tpu.memory_space<hbm>>
      %dma_start3A_233 = tpu.memref_squeeze %dma_start3A_232 : memref<1x10000x64xf32, #tpu.memory_space<hbm>> -> memref<10000x64xf32, #tpu.memory_space<hbm>>
      %dma_start3A_234 = arith.constant 0 : i32
      %dma_start3A_235 = arith.constant 0 : i32
      %dma_start3A_236 = tpu.memref_slice %dma_start3A_233[%dma_start3A_234, %dma_start3A_235] : memref<10000x64xf32, #tpu.memory_space<hbm>> -> memref<10000x64xf32, #tpu.memory_space<hbm>>
      tpu.enqueue_indirect_dma source(%dma_start3A_236 : memref<10000x64xf32, #tpu.memory_space<hbm>>) target(%arg12 : memref<128x64xf32, #tpu.memory_space<vmem>>) offsets(%dma_start3A_229 : memref<128xi32, #tpu.memory_space<vmem>>) semaphore(%arg21 : memref<!tpu.dma_semaphore, #tpu.memory_space<semaphore_mem>>)
      %mul3A_237 = arith.constant 8 : i32
      %mul3A_238 = arith.muli %mul3A_237, %scan3A_202 : i32
      %add3A_239 = arith.constant 1 : i32
      %add3A_240 = arith.addi %mul3A_238, %add3A_239 : i32
      %dma_wait3A_241 = arith.constant 0 : i32
      %dma_wait3A_242 = tpu.memref_slice %arg6[%add3A_240, %dma_wait3A_241] : memref<80x128xi32, #tpu.memory_space<vmem>> -> memref<1x128xi32, #tpu.memory_space<vmem>>
      %dma_wait3A_243 = tpu.memref_squeeze %dma_wait3A_242 : memref<1x128xi32, #tpu.memory_space<vmem>> -> memref<128xi32, #tpu.memory_space<vmem>>
      %dma_wait3A_244 = arith.constant 0 : i32
      %dma_wait3A_245 = arith.constant 0 : i32
      %dma_wait3A_246 = tpu.memref_slice %arg2[%arg0, %dma_wait3A_244, %dma_wait3A_245] : memref<2x10000x64xf32, #tpu.memory_space<hbm>> -> memref<1x10000x64xf32, #tpu.memory_space<hbm>>
      %dma_wait3A_247 = tpu.memref_squeeze %dma_wait3A_246 : memref<1x10000x64xf32, #tpu.memory_space<hbm>> -> memref<10000x64xf32, #tpu.memory_space<hbm>>
      %dma_wait3A_248 = arith.constant 0 : i32
      %dma_wait3A_249 = arith.constant 0 : i32
      %dma_wait3A_250 = tpu.memref_slice %dma_wait3A_247[%dma_wait3A_248, %dma_wait3A_249] : memref<10000x64xf32, #tpu.memory_space<hbm>> -> memref<10000x64xf32, #tpu.memory_space<hbm>>
      tpu.wait_indirect_dma semaphore(%arg18 : memref<!tpu.dma_semaphore, #tpu.memory_space<semaphore_mem>>) src(%dma_wait3A_250 : memref<10000x64xf32, #tpu.memory_space<hbm>>) dst(%arg9 : memref<128x64xf32, #tpu.memory_space<vmem>>)
      %dma_start3A_251 = arith.constant 0 : i32
      %dma_start3A_252 = tpu.memref_slice %arg7[%add3A_240, %dma_start3A_251] : memref<80x128xi32, #tpu.memory_space<vmem>> -> memref<1x128xi32, #tpu.memory_space<vmem>>
      %dma_start3A_253 = tpu.memref_squeeze %dma_start3A_252 : memref<1x128xi32, #tpu.memory_space<vmem>> -> memref<128xi32, #tpu.memory_space<vmem>>
      %dma_start3A_254 = arith.constant 0 : i32
      %dma_start3A_255 = arith.constant 0 : i32
      %dma_start3A_256 = tpu.memref_slice %arg16[%dma_start3A_254, %dma_start3A_255] : memref<10048x64xf32, #tpu.memory_space<vmem_shared>> -> memref<10048x64xf32, #tpu.memory_space<vmem_shared>>
      tpu.enqueue_indirect_dma source(%arg9 : memref<128x64xf32, #tpu.memory_space<vmem>>) target(%dma_start3A_256 : memref<10048x64xf32, #tpu.memory_space<vmem_shared>>) offsets(%dma_start3A_253 : memref<128xi32, #tpu.memory_space<vmem>>) semaphore(%arg26 : memref<!tpu.dma_semaphore, #tpu.memory_space<semaphore_mem>>) {add = true}
      %gt3A_257 = arith.constant 0 : i32
      %gt3A_258 = arith.cmpi sgt, %scan3A_202, %gt3A_257 : i32
      %convert_element_type3A_259 = arith.extui %gt3A_258 : i1 to i32
      %cond3A_260 = arith.constant 0 : i32
      %cond3A_261 = arith.cmpi ne, %convert_element_type3A_259, %cond3A_260 : i32
      scf.if %cond3A_261 {
        %sub3A_486 = arith.constant 4 : i32
        %sub3A_487 = arith.subi %add3A_240, %sub3A_486 : i32
        %dma_wait3A_488 = arith.constant 0 : i32
        %dma_wait3A_489 = tpu.memref_slice %arg7[%sub3A_487, %dma_wait3A_488] : memref<80x128xi32, #tpu.memory_space<vmem>> -> memref<1x128xi32, #tpu.memory_space<vmem>>
        %dma_wait3A_490 = tpu.memref_squeeze %dma_wait3A_489 : memref<1x128xi32, #tpu.memory_space<vmem>> -> memref<128xi32, #tpu.memory_space<vmem>>
        %dma_wait3A_491 = arith.constant 0 : i32
        %dma_wait3A_492 = arith.constant 0 : i32
        %dma_wait3A_493 = tpu.memref_slice %arg16[%dma_wait3A_491, %dma_wait3A_492] : memref<10048x64xf32, #tpu.memory_space<vmem_shared>> -> memref<10048x64xf32, #tpu.memory_space<vmem_shared>>
        tpu.wait_indirect_dma semaphore(%arg30 : memref<!tpu.dma_semaphore, #tpu.memory_space<semaphore_mem>>) src(%arg13 : memref<128x64xf32, #tpu.memory_space<vmem>>) dst(%dma_wait3A_493 : memref<10048x64xf32, #tpu.memory_space<vmem_shared>>)
      } else {
      }
      %add3A_262 = arith.constant 4 : i32
      %add3A_263 = arith.addi %add3A_240, %add3A_262 : i32
      %dma_start3A_264 = arith.constant 0 : i32
      %dma_start3A_265 = tpu.memref_slice %arg6[%add3A_263, %dma_start3A_264] : memref<80x128xi32, #tpu.memory_space<vmem>> -> memref<1x128xi32, #tpu.memory_space<vmem>>
      %dma_start3A_266 = tpu.memref_squeeze %dma_start3A_265 : memref<1x128xi32, #tpu.memory_space<vmem>> -> memref<128xi32, #tpu.memory_space<vmem>>
      %dma_start3A_267 = arith.constant 0 : i32
      %dma_start3A_268 = arith.constant 0 : i32
      %dma_start3A_269 = tpu.memref_slice %arg2[%arg0, %dma_start3A_267, %dma_start3A_268] : memref<2x10000x64xf32, #tpu.memory_space<hbm>> -> memref<1x10000x64xf32, #tpu.memory_space<hbm>>
      %dma_start3A_270 = tpu.memref_squeeze %dma_start3A_269 : memref<1x10000x64xf32, #tpu.memory_space<hbm>> -> memref<10000x64xf32, #tpu.memory_space<hbm>>
      %dma_start3A_271 = arith.constant 0 : i32
      %dma_start3A_272 = arith.constant 0 : i32
      %dma_start3A_273 = tpu.memref_slice %dma_start3A_270[%dma_start3A_271, %dma_start3A_272] : memref<10000x64xf32, #tpu.memory_space<hbm>> -> memref<10000x64xf32, #tpu.memory_space<hbm>>
      tpu.enqueue_indirect_dma source(%dma_start3A_273 : memref<10000x64xf32, #tpu.memory_space<hbm>>) target(%arg13 : memref<128x64xf32, #tpu.memory_space<vmem>>) offsets(%dma_start3A_266 : memref<128xi32, #tpu.memory_space<vmem>>) semaphore(%arg22 : memref<!tpu.dma_semaphore, #tpu.memory_space<semaphore_mem>>)
      %mul3A_274 = arith.constant 8 : i32
      %mul3A_275 = arith.muli %mul3A_274, %scan3A_202 : i32
      %add3A_276 = arith.constant 2 : i32
      %add3A_277 = arith.addi %mul3A_275, %add3A_276 : i32
      %dma_wait3A_278 = arith.constant 0 : i32
      %dma_wait3A_279 = tpu.memref_slice %arg6[%add3A_277, %dma_wait3A_278] : memref<80x128xi32, #tpu.memory_space<vmem>> -> memref<1x128xi32, #tpu.memory_space<vmem>>
      %dma_wait3A_280 = tpu.memref_squeeze %dma_wait3A_279 : memref<1x128xi32, #tpu.memory_space<vmem>> -> memref<128xi32, #tpu.memory_space<vmem>>
      %dma_wait3A_281 = arith.constant 0 : i32
      %dma_wait3A_282 = arith.constant 0 : i32
      %dma_wait3A_283 = tpu.memref_slice %arg2[%arg0, %dma_wait3A_281, %dma_wait3A_282] : memref<2x10000x64xf32, #tpu.memory_space<hbm>> -> memref<1x10000x64xf32, #tpu.memory_space<hbm>>
      %dma_wait3A_284 = tpu.memref_squeeze %dma_wait3A_283 : memref<1x10000x64xf32, #tpu.memory_space<hbm>> -> memref<10000x64xf32, #tpu.memory_space<hbm>>
      %dma_wait3A_285 = arith.constant 0 : i32
      %dma_wait3A_286 = arith.constant 0 : i32
      %dma_wait3A_287 = tpu.memref_slice %dma_wait3A_284[%dma_wait3A_285, %dma_wait3A_286] : memref<10000x64xf32, #tpu.memory_space<hbm>> -> memref<10000x64xf32, #tpu.memory_space<hbm>>
      tpu.wait_indirect_dma semaphore(%arg19 : memref<!tpu.dma_semaphore, #tpu.memory_space<semaphore_mem>>) src(%dma_wait3A_287 : memref<10000x64xf32, #tpu.memory_space<hbm>>) dst(%arg10 : memref<128x64xf32, #tpu.memory_space<vmem>>)
      %dma_start3A_288 = arith.constant 0 : i32
      %dma_start3A_289 = tpu.memref_slice %arg7[%add3A_277, %dma_start3A_288] : memref<80x128xi32, #tpu.memory_space<vmem>> -> memref<1x128xi32, #tpu.memory_space<vmem>>
      %dma_start3A_290 = tpu.memref_squeeze %dma_start3A_289 : memref<1x128xi32, #tpu.memory_space<vmem>> -> memref<128xi32, #tpu.memory_space<vmem>>
      %dma_start3A_291 = arith.constant 0 : i32
      %dma_start3A_292 = arith.constant 0 : i32
      %dma_start3A_293 = tpu.memref_slice %arg16[%dma_start3A_291, %dma_start3A_292] : memref<10048x64xf32, #tpu.memory_space<vmem_shared>> -> memref<10048x64xf32, #tpu.memory_space<vmem_shared>>
      tpu.enqueue_indirect_dma source(%arg10 : memref<128x64xf32, #tpu.memory_space<vmem>>) target(%dma_start3A_293 : memref<10048x64xf32, #tpu.memory_space<vmem_shared>>) offsets(%dma_start3A_290 : memref<128xi32, #tpu.memory_space<vmem>>) semaphore(%arg27 : memref<!tpu.dma_semaphore, #tpu.memory_space<semaphore_mem>>) {add = true}
      %gt3A_294 = arith.constant 0 : i32
      %gt3A_295 = arith.cmpi sgt, %scan3A_202, %gt3A_294 : i32
      %convert_element_type3A_296 = arith.extui %gt3A_295 : i1 to i32
      %cond3A_297 = arith.constant 0 : i32
      %cond3A_298 = arith.cmpi ne, %convert_element_type3A_296, %cond3A_297 : i32
      scf.if %cond3A_298 {
        %sub3A_486 = arith.constant 4 : i32
        %sub3A_487 = arith.subi %add3A_277, %sub3A_486 : i32
        %dma_wait3A_488 = arith.constant 0 : i32
        %dma_wait3A_489 = tpu.memref_slice %arg7[%sub3A_487, %dma_wait3A_488] : memref<80x128xi32, #tpu.memory_space<vmem>> -> memref<1x128xi32, #tpu.memory_space<vmem>>
        %dma_wait3A_490 = tpu.memref_squeeze %dma_wait3A_489 : memref<1x128xi32, #tpu.memory_space<vmem>> -> memref<128xi32, #tpu.memory_space<vmem>>
        %dma_wait3A_491 = arith.constant 0 : i32
        %dma_wait3A_492 = arith.constant 0 : i32
        %dma_wait3A_493 = tpu.memref_slice %arg16[%dma_wait3A_491, %dma_wait3A_492] : memref<10048x64xf32, #tpu.memory_space<vmem_shared>> -> memref<10048x64xf32, #tpu.memory_space<vmem_shared>>
        tpu.wait_indirect_dma semaphore(%arg31 : memref<!tpu.dma_semaphore, #tpu.memory_space<semaphore_mem>>) src(%arg14 : memref<128x64xf32, #tpu.memory_space<vmem>>) dst(%dma_wait3A_493 : memref<10048x64xf32, #tpu.memory_space<vmem_shared>>)
      } else {
      }
      %add3A_299 = arith.constant 4 : i32
      %add3A_300 = arith.addi %add3A_277, %add3A_299 : i32
      %dma_start3A_301 = arith.constant 0 : i32
      %dma_start3A_302 = tpu.memref_slice %arg6[%add3A_300, %dma_start3A_301] : memref<80x128xi32, #tpu.memory_space<vmem>> -> memref<1x128xi32, #tpu.memory_space<vmem>>
      %dma_start3A_303 = tpu.memref_squeeze %dma_start3A_302 : memref<1x128xi32, #tpu.memory_space<vmem>> -> memref<128xi32, #tpu.memory_space<vmem>>
      %dma_start3A_304 = arith.constant 0 : i32
      %dma_start3A_305 = arith.constant 0 : i32
      %dma_start3A_306 = tpu.memref_slice %arg2[%arg0, %dma_start3A_304, %dma_start3A_305] : memref<2x10000x64xf32, #tpu.memory_space<hbm>> -> memref<1x10000x64xf32, #tpu.memory_space<hbm>>
      %dma_start3A_307 = tpu.memref_squeeze %dma_start3A_306 : memref<1x10000x64xf32, #tpu.memory_space<hbm>> -> memref<10000x64xf32, #tpu.memory_space<hbm>>
      %dma_start3A_308 = arith.constant 0 : i32
      %dma_start3A_309 = arith.constant 0 : i32
      %dma_start3A_310 = tpu.memref_slice %dma_start3A_307[%dma_start3A_308, %dma_start3A_309] : memref<10000x64xf32, #tpu.memory_space<hbm>> -> memref<10000x64xf32, #tpu.memory_space<hbm>>
      tpu.enqueue_indirect_dma source(%dma_start3A_310 : memref<10000x64xf32, #tpu.memory_space<hbm>>) target(%arg14 : memref<128x64xf32, #tpu.memory_space<vmem>>) offsets(%dma_start3A_303 : memref<128xi32, #tpu.memory_space<vmem>>) semaphore(%arg23 : memref<!tpu.dma_semaphore, #tpu.memory_space<semaphore_mem>>)
      %mul3A_311 = arith.constant 8 : i32
      %mul3A_312 = arith.muli %mul3A_311, %scan3A_202 : i32
      %add3A_313 = arith.constant 3 : i32
      %add3A_314 = arith.addi %mul3A_312, %add3A_313 : i32
      %dma_wait3A_315 = arith.constant 0 : i32
      %dma_wait3A_316 = tpu.memref_slice %arg6[%add3A_314, %dma_wait3A_315] : memref<80x128xi32, #tpu.memory_space<vmem>> -> memref<1x128xi32, #tpu.memory_space<vmem>>
      %dma_wait3A_317 = tpu.memref_squeeze %dma_wait3A_316 : memref<1x128xi32, #tpu.memory_space<vmem>> -> memref<128xi32, #tpu.memory_space<vmem>>
      %dma_wait3A_318 = arith.constant 0 : i32
      %dma_wait3A_319 = arith.constant 0 : i32
      %dma_wait3A_320 = tpu.memref_slice %arg2[%arg0, %dma_wait3A_318, %dma_wait3A_319] : memref<2x10000x64xf32, #tpu.memory_space<hbm>> -> memref<1x10000x64xf32, #tpu.memory_space<hbm>>
      %dma_wait3A_321 = tpu.memref_squeeze %dma_wait3A_320 : memref<1x10000x64xf32, #tpu.memory_space<hbm>> -> memref<10000x64xf32, #tpu.memory_space<hbm>>
      %dma_wait3A_322 = arith.constant 0 : i32
      %dma_wait3A_323 = arith.constant 0 : i32
      %dma_wait3A_324 = tpu.memref_slice %dma_wait3A_321[%dma_wait3A_322, %dma_wait3A_323] : memref<10000x64xf32, #tpu.memory_space<hbm>> -> memref<10000x64xf32, #tpu.memory_space<hbm>>
      tpu.wait_indirect_dma semaphore(%arg20 : memref<!tpu.dma_semaphore, #tpu.memory_space<semaphore_mem>>) src(%dma_wait3A_324 : memref<10000x64xf32, #tpu.memory_space<hbm>>) dst(%arg11 : memref<128x64xf32, #tpu.memory_space<vmem>>)
      %dma_start3A_325 = arith.constant 0 : i32
      %dma_start3A_326 = tpu.memref_slice %arg7[%add3A_314, %dma_start3A_325] : memref<80x128xi32, #tpu.memory_space<vmem>> -> memref<1x128xi32, #tpu.memory_space<vmem>>
      %dma_start3A_327 = tpu.memref_squeeze %dma_start3A_326 : memref<1x128xi32, #tpu.memory_space<vmem>> -> memref<128xi32, #tpu.memory_space<vmem>>
      %dma_start3A_328 = arith.constant 0 : i32
      %dma_start3A_329 = arith.constant 0 : i32
      %dma_start3A_330 = tpu.memref_slice %arg16[%dma_start3A_328, %dma_start3A_329] : memref<10048x64xf32, #tpu.memory_space<vmem_shared>> -> memref<10048x64xf32, #tpu.memory_space<vmem_shared>>
      tpu.enqueue_indirect_dma source(%arg11 : memref<128x64xf32, #tpu.memory_space<vmem>>) target(%dma_start3A_330 : memref<10048x64xf32, #tpu.memory_space<vmem_shared>>) offsets(%dma_start3A_327 : memref<128xi32, #tpu.memory_space<vmem>>) semaphore(%arg28 : memref<!tpu.dma_semaphore, #tpu.memory_space<semaphore_mem>>) {add = true}
      %gt3A_331 = arith.constant 0 : i32
      %gt3A_332 = arith.cmpi sgt, %scan3A_202, %gt3A_331 : i32
      %convert_element_type3A_333 = arith.extui %gt3A_332 : i1 to i32
      %cond3A_334 = arith.constant 0 : i32
      %cond3A_335 = arith.cmpi ne, %convert_element_type3A_333, %cond3A_334 : i32
      scf.if %cond3A_335 {
        %sub3A_486 = arith.constant 4 : i32
        %sub3A_487 = arith.subi %add3A_314, %sub3A_486 : i32
        %dma_wait3A_488 = arith.constant 0 : i32
        %dma_wait3A_489 = tpu.memref_slice %arg7[%sub3A_487, %dma_wait3A_488] : memref<80x128xi32, #tpu.memory_space<vmem>> -> memref<1x128xi32, #tpu.memory_space<vmem>>
        %dma_wait3A_490 = tpu.memref_squeeze %dma_wait3A_489 : memref<1x128xi32, #tpu.memory_space<vmem>> -> memref<128xi32, #tpu.memory_space<vmem>>
        %dma_wait3A_491 = arith.constant 0 : i32
        %dma_wait3A_492 = arith.constant 0 : i32
        %dma_wait3A_493 = tpu.memref_slice %arg16[%dma_wait3A_491, %dma_wait3A_492] : memref<10048x64xf32, #tpu.memory_space<vmem_shared>> -> memref<10048x64xf32, #tpu.memory_space<vmem_shared>>
        tpu.wait_indirect_dma semaphore(%arg32 : memref<!tpu.dma_semaphore, #tpu.memory_space<semaphore_mem>>) src(%arg15 : memref<128x64xf32, #tpu.memory_space<vmem>>) dst(%dma_wait3A_493 : memref<10048x64xf32, #tpu.memory_space<vmem_shared>>)
      } else {
      }
      %add3A_336 = arith.constant 4 : i32
      %add3A_337 = arith.addi %add3A_314, %add3A_336 : i32
      %dma_start3A_338 = arith.constant 0 : i32
      %dma_start3A_339 = tpu.memref_slice %arg6[%add3A_337, %dma_start3A_338] : memref<80x128xi32, #tpu.memory_space<vmem>> -> memref<1x128xi32, #tpu.memory_space<vmem>>
      %dma_start3A_340 = tpu.memref_squeeze %dma_start3A_339 : memref<1x128xi32, #tpu.memory_space<vmem>> -> memref<128xi32, #tpu.memory_space<vmem>>
      %dma_start3A_341 = arith.constant 0 : i32
      %dma_start3A_342 = arith.constant 0 : i32
      %dma_start3A_343 = tpu.memref_slice %arg2[%arg0, %dma_start3A_341, %dma_start3A_342] : memref<2x10000x64xf32, #tpu.memory_space<hbm>> -> memref<1x10000x64xf32, #tpu.memory_space<hbm>>
      %dma_start3A_344 = tpu.memref_squeeze %dma_start3A_343 : memref<1x10000x64xf32, #tpu.memory_space<hbm>> -> memref<10000x64xf32, #tpu.memory_space<hbm>>
      %dma_start3A_345 = arith.constant 0 : i32
      %dma_start3A_346 = arith.constant 0 : i32
      %dma_start3A_347 = tpu.memref_slice %dma_start3A_344[%dma_start3A_345, %dma_start3A_346] : memref<10000x64xf32, #tpu.memory_space<hbm>> -> memref<10000x64xf32, #tpu.memory_space<hbm>>
      tpu.enqueue_indirect_dma source(%dma_start3A_347 : memref<10000x64xf32, #tpu.memory_space<hbm>>) target(%arg15 : memref<128x64xf32, #tpu.memory_space<vmem>>) offsets(%dma_start3A_340 : memref<128xi32, #tpu.memory_space<vmem>>) semaphore(%arg24 : memref<!tpu.dma_semaphore, #tpu.memory_space<semaphore_mem>>)
      %mul3A_348 = arith.constant 8 : i32
      %mul3A_349 = arith.muli %mul3A_348, %scan3A_202 : i32
      %add3A_350 = arith.constant 4 : i32
      %add3A_351 = arith.addi %mul3A_349, %add3A_350 : i32
      %dma_wait3A_352 = arith.constant 0 : i32
      %dma_wait3A_353 = tpu.memref_slice %arg6[%add3A_351, %dma_wait3A_352] : memref<80x128xi32, #tpu.memory_space<vmem>> -> memref<1x128xi32, #tpu.memory_space<vmem>>
      %dma_wait3A_354 = tpu.memref_squeeze %dma_wait3A_353 : memref<1x128xi32, #tpu.memory_space<vmem>> -> memref<128xi32, #tpu.memory_space<vmem>>
      %dma_wait3A_355 = arith.constant 0 : i32
      %dma_wait3A_356 = arith.constant 0 : i32
      %dma_wait3A_357 = tpu.memref_slice %arg2[%arg0, %dma_wait3A_355, %dma_wait3A_356] : memref<2x10000x64xf32, #tpu.memory_space<hbm>> -> memref<1x10000x64xf32, #tpu.memory_space<hbm>>
      %dma_wait3A_358 = tpu.memref_squeeze %dma_wait3A_357 : memref<1x10000x64xf32, #tpu.memory_space<hbm>> -> memref<10000x64xf32, #tpu.memory_space<hbm>>
      %dma_wait3A_359 = arith.constant 0 : i32
      %dma_wait3A_360 = arith.constant 0 : i32
      %dma_wait3A_361 = tpu.memref_slice %dma_wait3A_358[%dma_wait3A_359, %dma_wait3A_360] : memref<10000x64xf32, #tpu.memory_space<hbm>> -> memref<10000x64xf32, #tpu.memory_space<hbm>>
      tpu.wait_indirect_dma semaphore(%arg21 : memref<!tpu.dma_semaphore, #tpu.memory_space<semaphore_mem>>) src(%dma_wait3A_361 : memref<10000x64xf32, #tpu.memory_space<hbm>>) dst(%arg12 : memref<128x64xf32, #tpu.memory_space<vmem>>)
      %dma_start3A_362 = arith.constant 0 : i32
      %dma_start3A_363 = tpu.memref_slice %arg7[%add3A_351, %dma_start3A_362] : memref<80x128xi32, #tpu.memory_space<vmem>> -> memref<1x128xi32, #tpu.memory_space<vmem>>
      %dma_start3A_364 = tpu.memref_squeeze %dma_start3A_363 : memref<1x128xi32, #tpu.memory_space<vmem>> -> memref<128xi32, #tpu.memory_space<vmem>>
      %dma_start3A_365 = arith.constant 0 : i32
      %dma_start3A_366 = arith.constant 0 : i32
      %dma_start3A_367 = tpu.memref_slice %arg16[%dma_start3A_365, %dma_start3A_366] : memref<10048x64xf32, #tpu.memory_space<vmem_shared>> -> memref<10048x64xf32, #tpu.memory_space<vmem_shared>>
      tpu.enqueue_indirect_dma source(%arg12 : memref<128x64xf32, #tpu.memory_space<vmem>>) target(%dma_start3A_367 : memref<10048x64xf32, #tpu.memory_space<vmem_shared>>) offsets(%dma_start3A_364 : memref<128xi32, #tpu.memory_space<vmem>>) semaphore(%arg29 : memref<!tpu.dma_semaphore, #tpu.memory_space<semaphore_mem>>) {add = true}
      %sub3A = arith.constant 4 : i32
      %sub3A_368 = arith.subi %add3A_351, %sub3A : i32
      %dma_wait3A_369 = arith.constant 0 : i32
      %dma_wait3A_370 = tpu.memref_slice %arg7[%sub3A_368, %dma_wait3A_369] : memref<80x128xi32, #tpu.memory_space<vmem>> -> memref<1x128xi32, #tpu.memory_space<vmem>>
      %dma_wait3A_371 = tpu.memref_squeeze %dma_wait3A_370 : memref<1x128xi32, #tpu.memory_space<vmem>> -> memref<128xi32, #tpu.memory_space<vmem>>
      %dma_wait3A_372 = arith.constant 0 : i32
      %dma_wait3A_373 = arith.constant 0 : i32
      %dma_wait3A_374 = tpu.memref_slice %arg16[%dma_wait3A_372, %dma_wait3A_373] : memref<10048x64xf32, #tpu.memory_space<vmem_shared>> -> memref<10048x64xf32, #tpu.memory_space<vmem_shared>>
      tpu.wait_indirect_dma semaphore(%arg25 : memref<!tpu.dma_semaphore, #tpu.memory_space<semaphore_mem>>) src(%arg8 : memref<128x64xf32, #tpu.memory_space<vmem>>) dst(%dma_wait3A_374 : memref<10048x64xf32, #tpu.memory_space<vmem_shared>>)
      %add3A_375 = arith.constant 1 : i32
      %add3A_376 = arith.addi %scan3A_202, %add3A_375 : i32
      %lt3A = arith.constant 10 : i32
      %lt3A_377 = arith.cmpi slt, %add3A_376, %lt3A : i32
      %convert_element_type3A_378 = arith.extui %lt3A_377 : i1 to i32
      %cond3A_379 = arith.constant 0 : i32
      %cond3A_380 = arith.cmpi ne, %convert_element_type3A_378, %cond3A_379 : i32
      scf.if %cond3A_380 {
        %add3A_486 = arith.constant 4 : i32
        %add3A_487 = arith.addi %add3A_351, %add3A_486 : i32
        %dma_start3A_488 = arith.constant 0 : i32
        %dma_start3A_489 = tpu.memref_slice %arg6[%add3A_487, %dma_start3A_488] : memref<80x128xi32, #tpu.memory_space<vmem>> -> memref<1x128xi32, #tpu.memory_space<vmem>>
        %dma_start3A_490 = tpu.memref_squeeze %dma_start3A_489 : memref<1x128xi32, #tpu.memory_space<vmem>> -> memref<128xi32, #tpu.memory_space<vmem>>
        %dma_start3A_491 = arith.constant 0 : i32
        %dma_start3A_492 = arith.constant 0 : i32
        %dma_start3A_493 = tpu.memref_slice %arg2[%arg0, %dma_start3A_491, %dma_start3A_492] : memref<2x10000x64xf32, #tpu.memory_space<hbm>> -> memref<1x10000x64xf32, #tpu.memory_space<hbm>>
        %dma_start3A_494 = tpu.memref_squeeze %dma_start3A_493 : memref<1x10000x64xf32, #tpu.memory_space<hbm>> -> memref<10000x64xf32, #tpu.memory_space<hbm>>
        %dma_start3A_495 = arith.constant 0 : i32
        %dma_start3A_496 = arith.constant 0 : i32
        %dma_start3A_497 = tpu.memref_slice %dma_start3A_494[%dma_start3A_495, %dma_start3A_496] : memref<10000x64xf32, #tpu.memory_space<hbm>> -> memref<10000x64xf32, #tpu.memory_space<hbm>>
        tpu.enqueue_indirect_dma source(%dma_start3A_497 : memref<10000x64xf32, #tpu.memory_space<hbm>>) target(%arg8 : memref<128x64xf32, #tpu.memory_space<vmem>>) offsets(%dma_start3A_490 : memref<128xi32, #tpu.memory_space<vmem>>) semaphore(%arg17 : memref<!tpu.dma_semaphore, #tpu.memory_space<semaphore_mem>>)
      } else {
      }
      %mul3A_381 = arith.constant 8 : i32
      %mul3A_382 = arith.muli %mul3A_381, %scan3A_202 : i32
      %add3A_383 = arith.constant 5 : i32
      %add3A_384 = arith.addi %mul3A_382, %add3A_383 : i32
      %dma_wait3A_385 = arith.constant 0 : i32
      %dma_wait3A_386 = tpu.memref_slice %arg6[%add3A_384, %dma_wait3A_385] : memref<80x128xi32, #tpu.memory_space<vmem>> -> memref<1x128xi32, #tpu.memory_space<vmem>>
      %dma_wait3A_387 = tpu.memref_squeeze %dma_wait3A_386 : memref<1x128xi32, #tpu.memory_space<vmem>> -> memref<128xi32, #tpu.memory_space<vmem>>
      %dma_wait3A_388 = arith.constant 0 : i32
      %dma_wait3A_389 = arith.constant 0 : i32
      %dma_wait3A_390 = tpu.memref_slice %arg2[%arg0, %dma_wait3A_388, %dma_wait3A_389] : memref<2x10000x64xf32, #tpu.memory_space<hbm>> -> memref<1x10000x64xf32, #tpu.memory_space<hbm>>
      %dma_wait3A_391 = tpu.memref_squeeze %dma_wait3A_390 : memref<1x10000x64xf32, #tpu.memory_space<hbm>> -> memref<10000x64xf32, #tpu.memory_space<hbm>>
      %dma_wait3A_392 = arith.constant 0 : i32
      %dma_wait3A_393 = arith.constant 0 : i32
      %dma_wait3A_394 = tpu.memref_slice %dma_wait3A_391[%dma_wait3A_392, %dma_wait3A_393] : memref<10000x64xf32, #tpu.memory_space<hbm>> -> memref<10000x64xf32, #tpu.memory_space<hbm>>
      tpu.wait_indirect_dma semaphore(%arg22 : memref<!tpu.dma_semaphore, #tpu.memory_space<semaphore_mem>>) src(%dma_wait3A_394 : memref<10000x64xf32, #tpu.memory_space<hbm>>) dst(%arg13 : memref<128x64xf32, #tpu.memory_space<vmem>>)
      %dma_start3A_395 = arith.constant 0 : i32
      %dma_start3A_396 = tpu.memref_slice %arg7[%add3A_384, %dma_start3A_395] : memref<80x128xi32, #tpu.memory_space<vmem>> -> memref<1x128xi32, #tpu.memory_space<vmem>>
      %dma_start3A_397 = tpu.memref_squeeze %dma_start3A_396 : memref<1x128xi32, #tpu.memory_space<vmem>> -> memref<128xi32, #tpu.memory_space<vmem>>
      %dma_start3A_398 = arith.constant 0 : i32
      %dma_start3A_399 = arith.constant 0 : i32
      %dma_start3A_400 = tpu.memref_slice %arg16[%dma_start3A_398, %dma_start3A_399] : memref<10048x64xf32, #tpu.memory_space<vmem_shared>> -> memref<10048x64xf32, #tpu.memory_space<vmem_shared>>
      tpu.enqueue_indirect_dma source(%arg13 : memref<128x64xf32, #tpu.memory_space<vmem>>) target(%dma_start3A_400 : memref<10048x64xf32, #tpu.memory_space<vmem_shared>>) offsets(%dma_start3A_397 : memref<128xi32, #tpu.memory_space<vmem>>) semaphore(%arg30 : memref<!tpu.dma_semaphore, #tpu.memory_space<semaphore_mem>>) {add = true}
      %sub3A_401 = arith.constant 4 : i32
      %sub3A_402 = arith.subi %add3A_384, %sub3A_401 : i32
      %dma_wait3A_403 = arith.constant 0 : i32
      %dma_wait3A_404 = tpu.memref_slice %arg7[%sub3A_402, %dma_wait3A_403] : memref<80x128xi32, #tpu.memory_space<vmem>> -> memref<1x128xi32, #tpu.memory_space<vmem>>
      %dma_wait3A_405 = tpu.memref_squeeze %dma_wait3A_404 : memref<1x128xi32, #tpu.memory_space<vmem>> -> memref<128xi32, #tpu.memory_space<vmem>>
      %dma_wait3A_406 = arith.constant 0 : i32
      %dma_wait3A_407 = arith.constant 0 : i32
      %dma_wait3A_408 = tpu.memref_slice %arg16[%dma_wait3A_406, %dma_wait3A_407] : memref<10048x64xf32, #tpu.memory_space<vmem_shared>> -> memref<10048x64xf32, #tpu.memory_space<vmem_shared>>
      tpu.wait_indirect_dma semaphore(%arg26 : memref<!tpu.dma_semaphore, #tpu.memory_space<semaphore_mem>>) src(%arg9 : memref<128x64xf32, #tpu.memory_space<vmem>>) dst(%dma_wait3A_408 : memref<10048x64xf32, #tpu.memory_space<vmem_shared>>)
      %add3A_409 = arith.constant 1 : i32
      %add3A_410 = arith.addi %scan3A_202, %add3A_409 : i32
      %lt3A_411 = arith.constant 10 : i32
      %lt3A_412 = arith.cmpi slt, %add3A_410, %lt3A_411 : i32
      %convert_element_type3A_413 = arith.extui %lt3A_412 : i1 to i32
      %cond3A_414 = arith.constant 0 : i32
      %cond3A_415 = arith.cmpi ne, %convert_element_type3A_413, %cond3A_414 : i32
      scf.if %cond3A_415 {
        %add3A_486 = arith.constant 4 : i32
        %add3A_487 = arith.addi %add3A_384, %add3A_486 : i32
        %dma_start3A_488 = arith.constant 0 : i32
        %dma_start3A_489 = tpu.memref_slice %arg6[%add3A_487, %dma_start3A_488] : memref<80x128xi32, #tpu.memory_space<vmem>> -> memref<1x128xi32, #tpu.memory_space<vmem>>
        %dma_start3A_490 = tpu.memref_squeeze %dma_start3A_489 : memref<1x128xi32, #tpu.memory_space<vmem>> -> memref<128xi32, #tpu.memory_space<vmem>>
        %dma_start3A_491 = arith.constant 0 : i32
        %dma_start3A_492 = arith.constant 0 : i32
        %dma_start3A_493 = tpu.memref_slice %arg2[%arg0, %dma_start3A_491, %dma_start3A_492] : memref<2x10000x64xf32, #tpu.memory_space<hbm>> -> memref<1x10000x64xf32, #tpu.memory_space<hbm>>
        %dma_start3A_494 = tpu.memref_squeeze %dma_start3A_493 : memref<1x10000x64xf32, #tpu.memory_space<hbm>> -> memref<10000x64xf32, #tpu.memory_space<hbm>>
        %dma_start3A_495 = arith.constant 0 : i32
        %dma_start3A_496 = arith.constant 0 : i32
        %dma_start3A_497 = tpu.memref_slice %dma_start3A_494[%dma_start3A_495, %dma_start3A_496] : memref<10000x64xf32, #tpu.memory_space<hbm>> -> memref<10000x64xf32, #tpu.memory_space<hbm>>
        tpu.enqueue_indirect_dma source(%dma_start3A_497 : memref<10000x64xf32, #tpu.memory_space<hbm>>) target(%arg9 : memref<128x64xf32, #tpu.memory_space<vmem>>) offsets(%dma_start3A_490 : memref<128xi32, #tpu.memory_space<vmem>>) semaphore(%arg18 : memref<!tpu.dma_semaphore, #tpu.memory_space<semaphore_mem>>)
      } else {
      }
      %mul3A_416 = arith.constant 8 : i32
      %mul3A_417 = arith.muli %mul3A_416, %scan3A_202 : i32
      %add3A_418 = arith.constant 6 : i32
      %add3A_419 = arith.addi %mul3A_417, %add3A_418 : i32
      %dma_wait3A_420 = arith.constant 0 : i32
      %dma_wait3A_421 = tpu.memref_slice %arg6[%add3A_419, %dma_wait3A_420] : memref<80x128xi32, #tpu.memory_space<vmem>> -> memref<1x128xi32, #tpu.memory_space<vmem>>
      %dma_wait3A_422 = tpu.memref_squeeze %dma_wait3A_421 : memref<1x128xi32, #tpu.memory_space<vmem>> -> memref<128xi32, #tpu.memory_space<vmem>>
      %dma_wait3A_423 = arith.constant 0 : i32
      %dma_wait3A_424 = arith.constant 0 : i32
      %dma_wait3A_425 = tpu.memref_slice %arg2[%arg0, %dma_wait3A_423, %dma_wait3A_424] : memref<2x10000x64xf32, #tpu.memory_space<hbm>> -> memref<1x10000x64xf32, #tpu.memory_space<hbm>>
      %dma_wait3A_426 = tpu.memref_squeeze %dma_wait3A_425 : memref<1x10000x64xf32, #tpu.memory_space<hbm>> -> memref<10000x64xf32, #tpu.memory_space<hbm>>
      %dma_wait3A_427 = arith.constant 0 : i32
      %dma_wait3A_428 = arith.constant 0 : i32
      %dma_wait3A_429 = tpu.memref_slice %dma_wait3A_426[%dma_wait3A_427, %dma_wait3A_428] : memref<10000x64xf32, #tpu.memory_space<hbm>> -> memref<10000x64xf32, #tpu.memory_space<hbm>>
      tpu.wait_indirect_dma semaphore(%arg23 : memref<!tpu.dma_semaphore, #tpu.memory_space<semaphore_mem>>) src(%dma_wait3A_429 : memref<10000x64xf32, #tpu.memory_space<hbm>>) dst(%arg14 : memref<128x64xf32, #tpu.memory_space<vmem>>)
      %dma_start3A_430 = arith.constant 0 : i32
      %dma_start3A_431 = tpu.memref_slice %arg7[%add3A_419, %dma_start3A_430] : memref<80x128xi32, #tpu.memory_space<vmem>> -> memref<1x128xi32, #tpu.memory_space<vmem>>
      %dma_start3A_432 = tpu.memref_squeeze %dma_start3A_431 : memref<1x128xi32, #tpu.memory_space<vmem>> -> memref<128xi32, #tpu.memory_space<vmem>>
      %dma_start3A_433 = arith.constant 0 : i32
      %dma_start3A_434 = arith.constant 0 : i32
      %dma_start3A_435 = tpu.memref_slice %arg16[%dma_start3A_433, %dma_start3A_434] : memref<10048x64xf32, #tpu.memory_space<vmem_shared>> -> memref<10048x64xf32, #tpu.memory_space<vmem_shared>>
      tpu.enqueue_indirect_dma source(%arg14 : memref<128x64xf32, #tpu.memory_space<vmem>>) target(%dma_start3A_435 : memref<10048x64xf32, #tpu.memory_space<vmem_shared>>) offsets(%dma_start3A_432 : memref<128xi32, #tpu.memory_space<vmem>>) semaphore(%arg31 : memref<!tpu.dma_semaphore, #tpu.memory_space<semaphore_mem>>) {add = true}
      %sub3A_436 = arith.constant 4 : i32
      %sub3A_437 = arith.subi %add3A_419, %sub3A_436 : i32
      %dma_wait3A_438 = arith.constant 0 : i32
      %dma_wait3A_439 = tpu.memref_slice %arg7[%sub3A_437, %dma_wait3A_438] : memref<80x128xi32, #tpu.memory_space<vmem>> -> memref<1x128xi32, #tpu.memory_space<vmem>>
      %dma_wait3A_440 = tpu.memref_squeeze %dma_wait3A_439 : memref<1x128xi32, #tpu.memory_space<vmem>> -> memref<128xi32, #tpu.memory_space<vmem>>
      %dma_wait3A_441 = arith.constant 0 : i32
      %dma_wait3A_442 = arith.constant 0 : i32
      %dma_wait3A_443 = tpu.memref_slice %arg16[%dma_wait3A_441, %dma_wait3A_442] : memref<10048x64xf32, #tpu.memory_space<vmem_shared>> -> memref<10048x64xf32, #tpu.memory_space<vmem_shared>>
      tpu.wait_indirect_dma semaphore(%arg27 : memref<!tpu.dma_semaphore, #tpu.memory_space<semaphore_mem>>) src(%arg10 : memref<128x64xf32, #tpu.memory_space<vmem>>) dst(%dma_wait3A_443 : memref<10048x64xf32, #tpu.memory_space<vmem_shared>>)
      %add3A_444 = arith.constant 1 : i32
      %add3A_445 = arith.addi %scan3A_202, %add3A_444 : i32
      %lt3A_446 = arith.constant 10 : i32
      %lt3A_447 = arith.cmpi slt, %add3A_445, %lt3A_446 : i32
      %convert_element_type3A_448 = arith.extui %lt3A_447 : i1 to i32
      %cond3A_449 = arith.constant 0 : i32
      %cond3A_450 = arith.cmpi ne, %convert_element_type3A_448, %cond3A_449 : i32
      scf.if %cond3A_450 {
        %add3A_486 = arith.constant 4 : i32
        %add3A_487 = arith.addi %add3A_419, %add3A_486 : i32
        %dma_start3A_488 = arith.constant 0 : i32
        %dma_start3A_489 = tpu.memref_slice %arg6[%add3A_487, %dma_start3A_488] : memref<80x128xi32, #tpu.memory_space<vmem>> -> memref<1x128xi32, #tpu.memory_space<vmem>>
        %dma_start3A_490 = tpu.memref_squeeze %dma_start3A_489 : memref<1x128xi32, #tpu.memory_space<vmem>> -> memref<128xi32, #tpu.memory_space<vmem>>
        %dma_start3A_491 = arith.constant 0 : i32
        %dma_start3A_492 = arith.constant 0 : i32
        %dma_start3A_493 = tpu.memref_slice %arg2[%arg0, %dma_start3A_491, %dma_start3A_492] : memref<2x10000x64xf32, #tpu.memory_space<hbm>> -> memref<1x10000x64xf32, #tpu.memory_space<hbm>>
        %dma_start3A_494 = tpu.memref_squeeze %dma_start3A_493 : memref<1x10000x64xf32, #tpu.memory_space<hbm>> -> memref<10000x64xf32, #tpu.memory_space<hbm>>
        %dma_start3A_495 = arith.constant 0 : i32
        %dma_start3A_496 = arith.constant 0 : i32
        %dma_start3A_497 = tpu.memref_slice %dma_start3A_494[%dma_start3A_495, %dma_start3A_496] : memref<10000x64xf32, #tpu.memory_space<hbm>> -> memref<10000x64xf32, #tpu.memory_space<hbm>>
        tpu.enqueue_indirect_dma source(%dma_start3A_497 : memref<10000x64xf32, #tpu.memory_space<hbm>>) target(%arg10 : memref<128x64xf32, #tpu.memory_space<vmem>>) offsets(%dma_start3A_490 : memref<128xi32, #tpu.memory_space<vmem>>) semaphore(%arg19 : memref<!tpu.dma_semaphore, #tpu.memory_space<semaphore_mem>>)
      } else {
      }
      %mul3A_451 = arith.constant 8 : i32
      %mul3A_452 = arith.muli %mul3A_451, %scan3A_202 : i32
      %add3A_453 = arith.constant 7 : i32
      %add3A_454 = arith.addi %mul3A_452, %add3A_453 : i32
      %dma_wait3A_455 = arith.constant 0 : i32
      %dma_wait3A_456 = tpu.memref_slice %arg6[%add3A_454, %dma_wait3A_455] : memref<80x128xi32, #tpu.memory_space<vmem>> -> memref<1x128xi32, #tpu.memory_space<vmem>>
      %dma_wait3A_457 = tpu.memref_squeeze %dma_wait3A_456 : memref<1x128xi32, #tpu.memory_space<vmem>> -> memref<128xi32, #tpu.memory_space<vmem>>
      %dma_wait3A_458 = arith.constant 0 : i32
      %dma_wait3A_459 = arith.constant 0 : i32
      %dma_wait3A_460 = tpu.memref_slice %arg2[%arg0, %dma_wait3A_458, %dma_wait3A_459] : memref<2x10000x64xf32, #tpu.memory_space<hbm>> -> memref<1x10000x64xf32, #tpu.memory_space<hbm>>
      %dma_wait3A_461 = tpu.memref_squeeze %dma_wait3A_460 : memref<1x10000x64xf32, #tpu.memory_space<hbm>> -> memref<10000x64xf32, #tpu.memory_space<hbm>>
      %dma_wait3A_462 = arith.constant 0 : i32
      %dma_wait3A_463 = arith.constant 0 : i32
      %dma_wait3A_464 = tpu.memref_slice %dma_wait3A_461[%dma_wait3A_462, %dma_wait3A_463] : memref<10000x64xf32, #tpu.memory_space<hbm>> -> memref<10000x64xf32, #tpu.memory_space<hbm>>
      tpu.wait_indirect_dma semaphore(%arg24 : memref<!tpu.dma_semaphore, #tpu.memory_space<semaphore_mem>>) src(%dma_wait3A_464 : memref<10000x64xf32, #tpu.memory_space<hbm>>) dst(%arg15 : memref<128x64xf32, #tpu.memory_space<vmem>>)
      %dma_start3A_465 = arith.constant 0 : i32
      %dma_start3A_466 = tpu.memref_slice %arg7[%add3A_454, %dma_start3A_465] : memref<80x128xi32, #tpu.memory_space<vmem>> -> memref<1x128xi32, #tpu.memory_space<vmem>>
      %dma_start3A_467 = tpu.memref_squeeze %dma_start3A_466 : memref<1x128xi32, #tpu.memory_space<vmem>> -> memref<128xi32, #tpu.memory_space<vmem>>
      %dma_start3A_468 = arith.constant 0 : i32
      %dma_start3A_469 = arith.constant 0 : i32
      %dma_start3A_470 = tpu.memref_slice %arg16[%dma_start3A_468, %dma_start3A_469] : memref<10048x64xf32, #tpu.memory_space<vmem_shared>> -> memref<10048x64xf32, #tpu.memory_space<vmem_shared>>
      tpu.enqueue_indirect_dma source(%arg15 : memref<128x64xf32, #tpu.memory_space<vmem>>) target(%dma_start3A_470 : memref<10048x64xf32, #tpu.memory_space<vmem_shared>>) offsets(%dma_start3A_467 : memref<128xi32, #tpu.memory_space<vmem>>) semaphore(%arg32 : memref<!tpu.dma_semaphore, #tpu.memory_space<semaphore_mem>>) {add = true}
      %sub3A_471 = arith.constant 4 : i32
      %sub3A_472 = arith.subi %add3A_454, %sub3A_471 : i32
      %dma_wait3A_473 = arith.constant 0 : i32
      %dma_wait3A_474 = tpu.memref_slice %arg7[%sub3A_472, %dma_wait3A_473] : memref<80x128xi32, #tpu.memory_space<vmem>> -> memref<1x128xi32, #tpu.memory_space<vmem>>
      %dma_wait3A_475 = tpu.memref_squeeze %dma_wait3A_474 : memref<1x128xi32, #tpu.memory_space<vmem>> -> memref<128xi32, #tpu.memory_space<vmem>>
      %dma_wait3A_476 = arith.constant 0 : i32
      %dma_wait3A_477 = arith.constant 0 : i32
      %dma_wait3A_478 = tpu.memref_slice %arg16[%dma_wait3A_476, %dma_wait3A_477] : memref<10048x64xf32, #tpu.memory_space<vmem_shared>> -> memref<10048x64xf32, #tpu.memory_space<vmem_shared>>
      tpu.wait_indirect_dma semaphore(%arg28 : memref<!tpu.dma_semaphore, #tpu.memory_space<semaphore_mem>>) src(%arg11 : memref<128x64xf32, #tpu.memory_space<vmem>>) dst(%dma_wait3A_478 : memref<10048x64xf32, #tpu.memory_space<vmem_shared>>)
      %add3A_479 = arith.constant 1 : i32
      %add3A_480 = arith.addi %scan3A_202, %add3A_479 : i32
      %lt3A_481 = arith.constant 10 : i32
      %lt3A_482 = arith.cmpi slt, %add3A_480, %lt3A_481 : i32
      %convert_element_type3A_483 = arith.extui %lt3A_482 : i1 to i32
      %cond3A_484 = arith.constant 0 : i32
      %cond3A_485 = arith.cmpi ne, %convert_element_type3A_483, %cond3A_484 : i32
      scf.if %cond3A_485 {
        %add3A_486 = arith.constant 4 : i32
        %add3A_487 = arith.addi %add3A_454, %add3A_486 : i32
        %dma_start3A_488 = arith.constant 0 : i32
        %dma_start3A_489 = tpu.memref_slice %arg6[%add3A_487, %dma_start3A_488] : memref<80x128xi32, #tpu.memory_space<vmem>> -> memref<1x128xi32, #tpu.memory_space<vmem>>
        %dma_start3A_490 = tpu.memref_squeeze %dma_start3A_489 : memref<1x128xi32, #tpu.memory_space<vmem>> -> memref<128xi32, #tpu.memory_space<vmem>>
        %dma_start3A_491 = arith.constant 0 : i32
        %dma_start3A_492 = arith.constant 0 : i32
        %dma_start3A_493 = tpu.memref_slice %arg2[%arg0, %dma_start3A_491, %dma_start3A_492] : memref<2x10000x64xf32, #tpu.memory_space<hbm>> -> memref<1x10000x64xf32, #tpu.memory_space<hbm>>
        %dma_start3A_494 = tpu.memref_squeeze %dma_start3A_493 : memref<1x10000x64xf32, #tpu.memory_space<hbm>> -> memref<10000x64xf32, #tpu.memory_space<hbm>>
        %dma_start3A_495 = arith.constant 0 : i32
        %dma_start3A_496 = arith.constant 0 : i32
        %dma_start3A_497 = tpu.memref_slice %dma_start3A_494[%dma_start3A_495, %dma_start3A_496] : memref<10000x64xf32, #tpu.memory_space<hbm>> -> memref<10000x64xf32, #tpu.memory_space<hbm>>
        tpu.enqueue_indirect_dma source(%dma_start3A_497 : memref<10000x64xf32, #tpu.memory_space<hbm>>) target(%arg11 : memref<128x64xf32, #tpu.memory_space<vmem>>) offsets(%dma_start3A_490 : memref<128xi32, #tpu.memory_space<vmem>>) semaphore(%arg20 : memref<!tpu.dma_semaphore, #tpu.memory_space<semaphore_mem>>)
      } else {
      }
    }
    %scan3A_70 = arith.constant 10 : i32
    %dma_wait3A_71 = arith.constant 76 : i32
    %dma_wait3A_72 = arith.constant 0 : i32
    %dma_wait3A_73 = tpu.memref_slice %arg7[%dma_wait3A_71, %dma_wait3A_72] : memref<80x128xi32, #tpu.memory_space<vmem>> -> memref<1x128xi32, #tpu.memory_space<vmem>>
    %dma_wait3A_74 = tpu.memref_squeeze %dma_wait3A_73 : memref<1x128xi32, #tpu.memory_space<vmem>> -> memref<128xi32, #tpu.memory_space<vmem>>
    %dma_wait3A_75 = arith.constant 0 : i32
    %dma_wait3A_76 = arith.constant 0 : i32
    %dma_wait3A_77 = tpu.memref_slice %arg16[%dma_wait3A_75, %dma_wait3A_76] : memref<10048x64xf32, #tpu.memory_space<vmem_shared>> -> memref<10048x64xf32, #tpu.memory_space<vmem_shared>>
    tpu.wait_indirect_dma semaphore(%arg29 : memref<!tpu.dma_semaphore, #tpu.memory_space<semaphore_mem>>) src(%arg12 : memref<128x64xf32, #tpu.memory_space<vmem>>) dst(%dma_wait3A_77 : memref<10048x64xf32, #tpu.memory_space<vmem_shared>>)
    %dma_wait3A_78 = arith.constant 77 : i32
    %dma_wait3A_79 = arith.constant 0 : i32
    %dma_wait3A_80 = tpu.memref_slice %arg7[%dma_wait3A_78, %dma_wait3A_79] : memref<80x128xi32, #tpu.memory_space<vmem>> -> memref<1x128xi32, #tpu.memory_space<vmem>>
    %dma_wait3A_81 = tpu.memref_squeeze %dma_wait3A_80 : memref<1x128xi32, #tpu.memory_space<vmem>> -> memref<128xi32, #tpu.memory_space<vmem>>
    %dma_wait3A_82 = arith.constant 0 : i32
    %dma_wait3A_83 = arith.constant 0 : i32
    %dma_wait3A_84 = tpu.memref_slice %arg16[%dma_wait3A_82, %dma_wait3A_83] : memref<10048x64xf32, #tpu.memory_space<vmem_shared>> -> memref<10048x64xf32, #tpu.memory_space<vmem_shared>>
    tpu.wait_indirect_dma semaphore(%arg30 : memref<!tpu.dma_semaphore, #tpu.memory_space<semaphore_mem>>) src(%arg13 : memref<128x64xf32, #tpu.memory_space<vmem>>) dst(%dma_wait3A_84 : memref<10048x64xf32, #tpu.memory_space<vmem_shared>>)
    %dma_wait3A_85 = arith.constant 78 : i32
    %dma_wait3A_86 = arith.constant 0 : i32
    %dma_wait3A_87 = tpu.memref_slice %arg7[%dma_wait3A_85, %dma_wait3A_86] : memref<80x128xi32, #tpu.memory_space<vmem>> -> memref<1x128xi32, #tpu.memory_space<vmem>>
    %dma_wait3A_88 = tpu.memref_squeeze %dma_wait3A_87 : memref<1x128xi32, #tpu.memory_space<vmem>> -> memref<128xi32, #tpu.memory_space<vmem>>
    %dma_wait3A_89 = arith.constant 0 : i32
    %dma_wait3A_90 = arith.constant 0 : i32
    %dma_wait3A_91 = tpu.memref_slice %arg16[%dma_wait3A_89, %dma_wait3A_90] : memref<10048x64xf32, #tpu.memory_space<vmem_shared>> -> memref<10048x64xf32, #tpu.memory_space<vmem_shared>>
    tpu.wait_indirect_dma semaphore(%arg31 : memref<!tpu.dma_semaphore, #tpu.memory_space<semaphore_mem>>) src(%arg14 : memref<128x64xf32, #tpu.memory_space<vmem>>) dst(%dma_wait3A_91 : memref<10048x64xf32, #tpu.memory_space<vmem_shared>>)
    %dma_wait3A_92 = arith.constant 79 : i32
    %dma_wait3A_93 = arith.constant 0 : i32
    %dma_wait3A_94 = tpu.memref_slice %arg7[%dma_wait3A_92, %dma_wait3A_93] : memref<80x128xi32, #tpu.memory_space<vmem>> -> memref<1x128xi32, #tpu.memory_space<vmem>>
    %dma_wait3A_95 = tpu.memref_squeeze %dma_wait3A_94 : memref<1x128xi32, #tpu.memory_space<vmem>> -> memref<128xi32, #tpu.memory_space<vmem>>
    %dma_wait3A_96 = arith.constant 0 : i32
    %dma_wait3A_97 = arith.constant 0 : i32
    %dma_wait3A_98 = tpu.memref_slice %arg16[%dma_wait3A_96, %dma_wait3A_97] : memref<10048x64xf32, #tpu.memory_space<vmem_shared>> -> memref<10048x64xf32, #tpu.memory_space<vmem_shared>>
    tpu.wait_indirect_dma semaphore(%arg32 : memref<!tpu.dma_semaphore, #tpu.memory_space<semaphore_mem>>) src(%arg15 : memref<128x64xf32, #tpu.memory_space<vmem>>) dst(%dma_wait3A_98 : memref<10048x64xf32, #tpu.memory_space<vmem_shared>>)
    %mul3A_99 = arith.constant 160 : i32
    %mul3A_100 = arith.muli %arg1, %mul3A_99 : i32
    %add3A_101 = arith.constant 80 : i32
    %add3A_102 = arith.addi %mul3A_100, %add3A_101 : i32
    %dma_start3A_103 = arith.constant 0 : i32
    %dma_start3A_104 = tpu.memref_slice %arg3[%add3A_102, %dma_start3A_103] : memref<2560x128xi32, #tpu.memory_space<hbm>> -> memref<80x128xi32, #tpu.memory_space<hbm>>
    %dma_start3A_105 = arith.constant 0 : i32
    %dma_start3A_106 = tpu.memref_slice %arg3[%add3A_102, %dma_start3A_105] : memref<2560x128xi32, #tpu.memory_space<hbm>> -> memref<80x128xi32, #tpu.memory_space<hbm>>
    tpu.enqueue_dma source(%dma_start3A_106 : memref<80x128xi32, #tpu.memory_space<hbm>>) target(%arg6 : memref<80x128xi32, #tpu.memory_space<vmem>>) target_semaphore(%arg33 : memref<!tpu.dma_semaphore, #tpu.memory_space<semaphore_mem>>)
    %dma_start3A_107 = arith.constant 0 : i32
    %dma_start3A_108 = tpu.memref_slice %arg4[%add3A_102, %dma_start3A_107] : memref<2560x128xi32, #tpu.memory_space<hbm>> -> memref<80x128xi32, #tpu.memory_space<hbm>>
    %dma_start3A_109 = arith.constant 0 : i32
    %dma_start3A_110 = tpu.memref_slice %arg4[%add3A_102, %dma_start3A_109] : memref<2560x128xi32, #tpu.memory_space<hbm>> -> memref<80x128xi32, #tpu.memory_space<hbm>>
    tpu.enqueue_dma source(%dma_start3A_110 : memref<80x128xi32, #tpu.memory_space<hbm>>) target(%arg7 : memref<80x128xi32, #tpu.memory_space<vmem>>) target_semaphore(%arg33 : memref<!tpu.dma_semaphore, #tpu.memory_space<semaphore_mem>>)
    %mul3A_111 = arith.constant 160 : i32
    %mul3A_112 = arith.muli %arg1, %mul3A_111 : i32
    %add3A_113 = arith.constant 80 : i32
    %add3A_114 = arith.addi %mul3A_112, %add3A_113 : i32
    %dma_wait3A_115 = arith.constant 0 : i32
    %dma_wait3A_116 = tpu.memref_slice %arg3[%add3A_114, %dma_wait3A_115] : memref<2560x128xi32, #tpu.memory_space<hbm>> -> memref<80x128xi32, #tpu.memory_space<hbm>>
    %dma_wait3A_117 = arith.constant 0 : i32
    %dma_wait3A_118 = tpu.memref_slice %arg3[%add3A_114, %dma_wait3A_117] : memref<2560x128xi32, #tpu.memory_space<hbm>> -> memref<80x128xi32, #tpu.memory_space<hbm>>
    tpu.wait_dma2 semaphore(%arg33 : memref<!tpu.dma_semaphore, #tpu.memory_space<semaphore_mem>>) src(%dma_wait3A_118 : memref<80x128xi32, #tpu.memory_space<hbm>>) dst(%arg6 : memref<80x128xi32, #tpu.memory_space<vmem>>)
    %dma_wait3A_119 = arith.constant 0 : i32
    %dma_wait3A_120 = tpu.memref_slice %arg4[%add3A_114, %dma_wait3A_119] : memref<2560x128xi32, #tpu.memory_space<hbm>> -> memref<80x128xi32, #tpu.memory_space<hbm>>
    %dma_wait3A_121 = arith.constant 0 : i32
    %dma_wait3A_122 = tpu.memref_slice %arg4[%add3A_114, %dma_wait3A_121] : memref<2560x128xi32, #tpu.memory_space<hbm>> -> memref<80x128xi32, #tpu.memory_space<hbm>>
    tpu.wait_dma2 semaphore(%arg33 : memref<!tpu.dma_semaphore, #tpu.memory_space<semaphore_mem>>) src(%dma_wait3A_122 : memref<80x128xi32, #tpu.memory_space<hbm>>) dst(%arg7 : memref<80x128xi32, #tpu.memory_space<vmem>>)
    %dma_start3A_123 = arith.constant 0 : i32
    %dma_start3A_124 = arith.constant 0 : i32
    %dma_start3A_125 = tpu.memref_slice %arg6[%dma_start3A_123, %dma_start3A_124] : memref<80x128xi32, #tpu.memory_space<vmem>> -> memref<1x128xi32, #tpu.memory_space<vmem>>
    %dma_start3A_126 = tpu.memref_squeeze %dma_start3A_125 : memref<1x128xi32, #tpu.memory_space<vmem>> -> memref<128xi32, #tpu.memory_space<vmem>>
    %dma_start3A_127 = arith.constant 0 : i32
    %dma_start3A_128 = arith.constant 0 : i32
    %dma_start3A_129 = tpu.memref_slice %arg2[%arg0, %dma_start3A_127, %dma_start3A_128] : memref<2x10000x64xf32, #tpu.memory_space<hbm>> -> memref<1x10000x64xf32, #tpu.memory_space<hbm>>
    %dma_start3A_130 = tpu.memref_squeeze %dma_start3A_129 : memref<1x10000x64xf32, #tpu.memory_space<hbm>> -> memref<10000x64xf32, #tpu.memory_space<hbm>>
    %dma_start3A_131 = arith.constant 0 : i32
    %dma_start3A_132 = arith.constant 0 : i32
    %dma_start3A_133 = tpu.memref_slice %dma_start3A_130[%dma_start3A_131, %dma_start3A_132] : memref<10000x64xf32, #tpu.memory_space<hbm>> -> memref<10000x64xf32, #tpu.memory_space<hbm>>
    tpu.enqueue_indirect_dma source(%dma_start3A_133 : memref<10000x64xf32, #tpu.memory_space<hbm>>) target(%arg8 : memref<128x64xf32, #tpu.memory_space<vmem>>) offsets(%dma_start3A_126 : memref<128xi32, #tpu.memory_space<vmem>>) semaphore(%arg17 : memref<!tpu.dma_semaphore, #tpu.memory_space<semaphore_mem>>)
    %dma_start3A_134 = arith.constant 1 : i32
    %dma_start3A_135 = arith.constant 0 : i32
    %dma_start3A_136 = tpu.memref_slice %arg6[%dma_start3A_134, %dma_start3A_135] : memref<80x128xi32, #tpu.memory_space<vmem>> -> memref<1x128xi32, #tpu.memory_space<vmem>>
    %dma_start3A_137 = tpu.memref_squeeze %dma_start3A_136 : memref<1x128xi32, #tpu.memory_space<vmem>> -> memref<128xi32, #tpu.memory_space<vmem>>
    %dma_start3A_138 = arith.constant 0 : i32
    %dma_start3A_139 = arith.constant 0 : i32
    %dma_start3A_140 = tpu.memref_slice %arg2[%arg0, %dma_start3A_138, %dma_start3A_139] : memref<2x10000x64xf32, #tpu.memory_space<hbm>> -> memref<1x10000x64xf32, #tpu.memory_space<hbm>>
    %dma_start3A_141 = tpu.memref_squeeze %dma_start3A_140 : memref<1x10000x64xf32, #tpu.memory_space<hbm>> -> memref<10000x64xf32, #tpu.memory_space<hbm>>
    %dma_start3A_142 = arith.constant 0 : i32
    %dma_start3A_143 = arith.constant 0 : i32
    %dma_start3A_144 = tpu.memref_slice %dma_start3A_141[%dma_start3A_142, %dma_start3A_143] : memref<10000x64xf32, #tpu.memory_space<hbm>> -> memref<10000x64xf32, #tpu.memory_space<hbm>>
    tpu.enqueue_indirect_dma source(%dma_start3A_144 : memref<10000x64xf32, #tpu.memory_space<hbm>>) target(%arg9 : memref<128x64xf32, #tpu.memory_space<vmem>>) offsets(%dma_start3A_137 : memref<128xi32, #tpu.memory_space<vmem>>) semaphore(%arg18 : memref<!tpu.dma_semaphore, #tpu.memory_space<semaphore_mem>>)
    %dma_start3A_145 = arith.constant 2 : i32
    %dma_start3A_146 = arith.constant 0 : i32
    %dma_start3A_147 = tpu.memref_slice %arg6[%dma_start3A_145, %dma_start3A_146] : memref<80x128xi32, #tpu.memory_space<vmem>> -> memref<1x128xi32, #tpu.memory_space<vmem>>
    %dma_start3A_148 = tpu.memref_squeeze %dma_start3A_147 : memref<1x128xi32, #tpu.memory_space<vmem>> -> memref<128xi32, #tpu.memory_space<vmem>>
    %dma_start3A_149 = arith.constant 0 : i32
    %dma_start3A_150 = arith.constant 0 : i32
    %dma_start3A_151 = tpu.memref_slice %arg2[%arg0, %dma_start3A_149, %dma_start3A_150] : memref<2x10000x64xf32, #tpu.memory_space<hbm>> -> memref<1x10000x64xf32, #tpu.memory_space<hbm>>
    %dma_start3A_152 = tpu.memref_squeeze %dma_start3A_151 : memref<1x10000x64xf32, #tpu.memory_space<hbm>> -> memref<10000x64xf32, #tpu.memory_space<hbm>>
    %dma_start3A_153 = arith.constant 0 : i32
    %dma_start3A_154 = arith.constant 0 : i32
    %dma_start3A_155 = tpu.memref_slice %dma_start3A_152[%dma_start3A_153, %dma_start3A_154] : memref<10000x64xf32, #tpu.memory_space<hbm>> -> memref<10000x64xf32, #tpu.memory_space<hbm>>
    tpu.enqueue_indirect_dma source(%dma_start3A_155 : memref<10000x64xf32, #tpu.memory_space<hbm>>) target(%arg10 : memref<128x64xf32, #tpu.memory_space<vmem>>) offsets(%dma_start3A_148 : memref<128xi32, #tpu.memory_space<vmem>>) semaphore(%arg19 : memref<!tpu.dma_semaphore, #tpu.memory_space<semaphore_mem>>)
    %dma_start3A_156 = arith.constant 3 : i32
    %dma_start3A_157 = arith.constant 0 : i32
    %dma_start3A_158 = tpu.memref_slice %arg6[%dma_start3A_156, %dma_start3A_157] : memref<80x128xi32, #tpu.memory_space<vmem>> -> memref<1x128xi32, #tpu.memory_space<vmem>>
    %dma_start3A_159 = tpu.memref_squeeze %dma_start3A_158 : memref<1x128xi32, #tpu.memory_space<vmem>> -> memref<128xi32, #tpu.memory_space<vmem>>
    %dma_start3A_160 = arith.constant 0 : i32
    %dma_start3A_161 = arith.constant 0 : i32
    %dma_start3A_162 = tpu.memref_slice %arg2[%arg0, %dma_start3A_160, %dma_start3A_161] : memref<2x10000x64xf32, #tpu.memory_space<hbm>> -> memref<1x10000x64xf32, #tpu.memory_space<hbm>>
    %dma_start3A_163 = tpu.memref_squeeze %dma_start3A_162 : memref<1x10000x64xf32, #tpu.memory_space<hbm>> -> memref<10000x64xf32, #tpu.memory_space<hbm>>
    %dma_start3A_164 = arith.constant 0 : i32
    %dma_start3A_165 = arith.constant 0 : i32
    %dma_start3A_166 = tpu.memref_slice %dma_start3A_163[%dma_start3A_164, %dma_start3A_165] : memref<10000x64xf32, #tpu.memory_space<hbm>> -> memref<10000x64xf32, #tpu.memory_space<hbm>>
    tpu.enqueue_indirect_dma source(%dma_start3A_166 : memref<10000x64xf32, #tpu.memory_space<hbm>>) target(%arg11 : memref<128x64xf32, #tpu.memory_space<vmem>>) offsets(%dma_start3A_159 : memref<128xi32, #tpu.memory_space<vmem>>) semaphore(%arg20 : memref<!tpu.dma_semaphore, #tpu.memory_space<semaphore_mem>>)
    %scan3A_167 = arith.constant 0 : i32
    %scan3A_168 = arith.constant 0 : i32
    %scan3A_169 = arith.constant 10 : i32
    %scan3A_170 = arith.addi %scan3A_168, %scan3A_169 : i32
    %scan3A_171 = arith.constant 1 : i32
    scf.for %scan3A_202 = %scan3A_168 to %scan3A_170 step %scan3A_171  : i32 {
      %mul3A_203 = arith.constant 8 : i32
      %mul3A_204 = arith.muli %mul3A_203, %scan3A_202 : i32
      %add3A_205 = arith.constant 0 : i32
      %add3A_206 = arith.addi %mul3A_204, %add3A_205 : i32
      %dma_wait3A_207 = arith.constant 0 : i32
      %dma_wait3A_208 = tpu.memref_slice %arg6[%add3A_206, %dma_wait3A_207] : memref<80x128xi32, #tpu.memory_space<vmem>> -> memref<1x128xi32, #tpu.memory_space<vmem>>
      %dma_wait3A_209 = tpu.memref_squeeze %dma_wait3A_208 : memref<1x128xi32, #tpu.memory_space<vmem>> -> memref<128xi32, #tpu.memory_space<vmem>>
      %dma_wait3A_210 = arith.constant 0 : i32
      %dma_wait3A_211 = arith.constant 0 : i32
      %dma_wait3A_212 = tpu.memref_slice %arg2[%arg0, %dma_wait3A_210, %dma_wait3A_211] : memref<2x10000x64xf32, #tpu.memory_space<hbm>> -> memref<1x10000x64xf32, #tpu.memory_space<hbm>>
      %dma_wait3A_213 = tpu.memref_squeeze %dma_wait3A_212 : memref<1x10000x64xf32, #tpu.memory_space<hbm>> -> memref<10000x64xf32, #tpu.memory_space<hbm>>
      %dma_wait3A_214 = arith.constant 0 : i32
      %dma_wait3A_215 = arith.constant 0 : i32
      %dma_wait3A_216 = tpu.memref_slice %dma_wait3A_213[%dma_wait3A_214, %dma_wait3A_215] : memref<10000x64xf32, #tpu.memory_space<hbm>> -> memref<10000x64xf32, #tpu.memory_space<hbm>>
      tpu.wait_indirect_dma semaphore(%arg17 : memref<!tpu.dma_semaphore, #tpu.memory_space<semaphore_mem>>) src(%dma_wait3A_216 : memref<10000x64xf32, #tpu.memory_space<hbm>>) dst(%arg8 : memref<128x64xf32, #tpu.memory_space<vmem>>)
      %dma_start3A_217 = arith.constant 0 : i32
      %dma_start3A_218 = tpu.memref_slice %arg7[%add3A_206, %dma_start3A_217] : memref<80x128xi32, #tpu.memory_space<vmem>> -> memref<1x128xi32, #tpu.memory_space<vmem>>
      %dma_start3A_219 = tpu.memref_squeeze %dma_start3A_218 : memref<1x128xi32, #tpu.memory_space<vmem>> -> memref<128xi32, #tpu.memory_space<vmem>>
      %dma_start3A_220 = arith.constant 0 : i32
      %dma_start3A_221 = arith.constant 0 : i32
      %dma_start3A_222 = tpu.memref_slice %arg16[%dma_start3A_220, %dma_start3A_221] : memref<10048x64xf32, #tpu.memory_space<vmem_shared>> -> memref<10048x64xf32, #tpu.memory_space<vmem_shared>>
      tpu.enqueue_indirect_dma source(%arg8 : memref<128x64xf32, #tpu.memory_space<vmem>>) target(%dma_start3A_222 : memref<10048x64xf32, #tpu.memory_space<vmem_shared>>) offsets(%dma_start3A_219 : memref<128xi32, #tpu.memory_space<vmem>>) semaphore(%arg25 : memref<!tpu.dma_semaphore, #tpu.memory_space<semaphore_mem>>) {add = true}
      %gt3A = arith.constant 0 : i32
      %gt3A_223 = arith.cmpi sgt, %scan3A_202, %gt3A : i32
      %convert_element_type3A = arith.extui %gt3A_223 : i1 to i32
      %cond3A = arith.constant 0 : i32
      %cond3A_224 = arith.cmpi ne, %convert_element_type3A, %cond3A : i32
      scf.if %cond3A_224 {
        %sub3A_486 = arith.constant 4 : i32
        %sub3A_487 = arith.subi %add3A_206, %sub3A_486 : i32
        %dma_wait3A_488 = arith.constant 0 : i32
        %dma_wait3A_489 = tpu.memref_slice %arg7[%sub3A_487, %dma_wait3A_488] : memref<80x128xi32, #tpu.memory_space<vmem>> -> memref<1x128xi32, #tpu.memory_space<vmem>>
        %dma_wait3A_490 = tpu.memref_squeeze %dma_wait3A_489 : memref<1x128xi32, #tpu.memory_space<vmem>> -> memref<128xi32, #tpu.memory_space<vmem>>
        %dma_wait3A_491 = arith.constant 0 : i32
        %dma_wait3A_492 = arith.constant 0 : i32
        %dma_wait3A_493 = tpu.memref_slice %arg16[%dma_wait3A_491, %dma_wait3A_492] : memref<10048x64xf32, #tpu.memory_space<vmem_shared>> -> memref<10048x64xf32, #tpu.memory_space<vmem_shared>>
        tpu.wait_indirect_dma semaphore(%arg29 : memref<!tpu.dma_semaphore, #tpu.memory_space<semaphore_mem>>) src(%arg12 : memref<128x64xf32, #tpu.memory_space<vmem>>) dst(%dma_wait3A_493 : memref<10048x64xf32, #tpu.memory_space<vmem_shared>>)
      } else {
      }
      %add3A_225 = arith.constant 4 : i32
      %add3A_226 = arith.addi %add3A_206, %add3A_225 : i32
      %dma_start3A_227 = arith.constant 0 : i32
      %dma_start3A_228 = tpu.memref_slice %arg6[%add3A_226, %dma_start3A_227] : memref<80x128xi32, #tpu.memory_space<vmem>> -> memref<1x128xi32, #tpu.memory_space<vmem>>
      %dma_start3A_229 = tpu.memref_squeeze %dma_start3A_228 : memref<1x128xi32, #tpu.memory_space<vmem>> -> memref<128xi32, #tpu.memory_space<vmem>>
      %dma_start3A_230 = arith.constant 0 : i32
      %dma_start3A_231 = arith.constant 0 : i32
      %dma_start3A_232 = tpu.memref_slice %arg2[%arg0, %dma_start3A_230, %dma_start3A_231] : memref<2x10000x64xf32, #tpu.memory_space<hbm>> -> memref<1x10000x64xf32, #tpu.memory_space<hbm>>
      %dma_start3A_233 = tpu.memref_squeeze %dma_start3A_232 : memref<1x10000x64xf32, #tpu.memory_space<hbm>> -> memref<10000x64xf32, #tpu.memory_space<hbm>>
      %dma_start3A_234 = arith.constant 0 : i32
      %dma_start3A_235 = arith.constant 0 : i32
      %dma_start3A_236 = tpu.memref_slice %dma_start3A_233[%dma_start3A_234, %dma_start3A_235] : memref<10000x64xf32, #tpu.memory_space<hbm>> -> memref<10000x64xf32, #tpu.memory_space<hbm>>
      tpu.enqueue_indirect_dma source(%dma_start3A_236 : memref<10000x64xf32, #tpu.memory_space<hbm>>) target(%arg12 : memref<128x64xf32, #tpu.memory_space<vmem>>) offsets(%dma_start3A_229 : memref<128xi32, #tpu.memory_space<vmem>>) semaphore(%arg21 : memref<!tpu.dma_semaphore, #tpu.memory_space<semaphore_mem>>)
      %mul3A_237 = arith.constant 8 : i32
      %mul3A_238 = arith.muli %mul3A_237, %scan3A_202 : i32
      %add3A_239 = arith.constant 1 : i32
      %add3A_240 = arith.addi %mul3A_238, %add3A_239 : i32
      %dma_wait3A_241 = arith.constant 0 : i32
      %dma_wait3A_242 = tpu.memref_slice %arg6[%add3A_240, %dma_wait3A_241] : memref<80x128xi32, #tpu.memory_space<vmem>> -> memref<1x128xi32, #tpu.memory_space<vmem>>
      %dma_wait3A_243 = tpu.memref_squeeze %dma_wait3A_242 : memref<1x128xi32, #tpu.memory_space<vmem>> -> memref<128xi32, #tpu.memory_space<vmem>>
      %dma_wait3A_244 = arith.constant 0 : i32
      %dma_wait3A_245 = arith.constant 0 : i32
      %dma_wait3A_246 = tpu.memref_slice %arg2[%arg0, %dma_wait3A_244, %dma_wait3A_245] : memref<2x10000x64xf32, #tpu.memory_space<hbm>> -> memref<1x10000x64xf32, #tpu.memory_space<hbm>>
      %dma_wait3A_247 = tpu.memref_squeeze %dma_wait3A_246 : memref<1x10000x64xf32, #tpu.memory_space<hbm>> -> memref<10000x64xf32, #tpu.memory_space<hbm>>
      %dma_wait3A_248 = arith.constant 0 : i32
      %dma_wait3A_249 = arith.constant 0 : i32
      %dma_wait3A_250 = tpu.memref_slice %dma_wait3A_247[%dma_wait3A_248, %dma_wait3A_249] : memref<10000x64xf32, #tpu.memory_space<hbm>> -> memref<10000x64xf32, #tpu.memory_space<hbm>>
      tpu.wait_indirect_dma semaphore(%arg18 : memref<!tpu.dma_semaphore, #tpu.memory_space<semaphore_mem>>) src(%dma_wait3A_250 : memref<10000x64xf32, #tpu.memory_space<hbm>>) dst(%arg9 : memref<128x64xf32, #tpu.memory_space<vmem>>)
      %dma_start3A_251 = arith.constant 0 : i32
      %dma_start3A_252 = tpu.memref_slice %arg7[%add3A_240, %dma_start3A_251] : memref<80x128xi32, #tpu.memory_space<vmem>> -> memref<1x128xi32, #tpu.memory_space<vmem>>
      %dma_start3A_253 = tpu.memref_squeeze %dma_start3A_252 : memref<1x128xi32, #tpu.memory_space<vmem>> -> memref<128xi32, #tpu.memory_space<vmem>>
      %dma_start3A_254 = arith.constant 0 : i32
      %dma_start3A_255 = arith.constant 0 : i32
      %dma_start3A_256 = tpu.memref_slice %arg16[%dma_start3A_254, %dma_start3A_255] : memref<10048x64xf32, #tpu.memory_space<vmem_shared>> -> memref<10048x64xf32, #tpu.memory_space<vmem_shared>>
      tpu.enqueue_indirect_dma source(%arg9 : memref<128x64xf32, #tpu.memory_space<vmem>>) target(%dma_start3A_256 : memref<10048x64xf32, #tpu.memory_space<vmem_shared>>) offsets(%dma_start3A_253 : memref<128xi32, #tpu.memory_space<vmem>>) semaphore(%arg26 : memref<!tpu.dma_semaphore, #tpu.memory_space<semaphore_mem>>) {add = true}
      %gt3A_257 = arith.constant 0 : i32
      %gt3A_258 = arith.cmpi sgt, %scan3A_202, %gt3A_257 : i32
      %convert_element_type3A_259 = arith.extui %gt3A_258 : i1 to i32
      %cond3A_260 = arith.constant 0 : i32
      %cond3A_261 = arith.cmpi ne, %convert_element_type3A_259, %cond3A_260 : i32
      scf.if %cond3A_261 {
        %sub3A_486 = arith.constant 4 : i32
        %sub3A_487 = arith.subi %add3A_240, %sub3A_486 : i32
        %dma_wait3A_488 = arith.constant 0 : i32
        %dma_wait3A_489 = tpu.memref_slice %arg7[%sub3A_487, %dma_wait3A_488] : memref<80x128xi32, #tpu.memory_space<vmem>> -> memref<1x128xi32, #tpu.memory_space<vmem>>
        %dma_wait3A_490 = tpu.memref_squeeze %dma_wait3A_489 : memref<1x128xi32, #tpu.memory_space<vmem>> -> memref<128xi32, #tpu.memory_space<vmem>>
        %dma_wait3A_491 = arith.constant 0 : i32
        %dma_wait3A_492 = arith.constant 0 : i32
        %dma_wait3A_493 = tpu.memref_slice %arg16[%dma_wait3A_491, %dma_wait3A_492] : memref<10048x64xf32, #tpu.memory_space<vmem_shared>> -> memref<10048x64xf32, #tpu.memory_space<vmem_shared>>
        tpu.wait_indirect_dma semaphore(%arg30 : memref<!tpu.dma_semaphore, #tpu.memory_space<semaphore_mem>>) src(%arg13 : memref<128x64xf32, #tpu.memory_space<vmem>>) dst(%dma_wait3A_493 : memref<10048x64xf32, #tpu.memory_space<vmem_shared>>)
      } else {
      }
      %add3A_262 = arith.constant 4 : i32
      %add3A_263 = arith.addi %add3A_240, %add3A_262 : i32
      %dma_start3A_264 = arith.constant 0 : i32
      %dma_start3A_265 = tpu.memref_slice %arg6[%add3A_263, %dma_start3A_264] : memref<80x128xi32, #tpu.memory_space<vmem>> -> memref<1x128xi32, #tpu.memory_space<vmem>>
      %dma_start3A_266 = tpu.memref_squeeze %dma_start3A_265 : memref<1x128xi32, #tpu.memory_space<vmem>> -> memref<128xi32, #tpu.memory_space<vmem>>
      %dma_start3A_267 = arith.constant 0 : i32
      %dma_start3A_268 = arith.constant 0 : i32
      %dma_start3A_269 = tpu.memref_slice %arg2[%arg0, %dma_start3A_267, %dma_start3A_268] : memref<2x10000x64xf32, #tpu.memory_space<hbm>> -> memref<1x10000x64xf32, #tpu.memory_space<hbm>>
      %dma_start3A_270 = tpu.memref_squeeze %dma_start3A_269 : memref<1x10000x64xf32, #tpu.memory_space<hbm>> -> memref<10000x64xf32, #tpu.memory_space<hbm>>
      %dma_start3A_271 = arith.constant 0 : i32
      %dma_start3A_272 = arith.constant 0 : i32
      %dma_start3A_273 = tpu.memref_slice %dma_start3A_270[%dma_start3A_271, %dma_start3A_272] : memref<10000x64xf32, #tpu.memory_space<hbm>> -> memref<10000x64xf32, #tpu.memory_space<hbm>>
      tpu.enqueue_indirect_dma source(%dma_start3A_273 : memref<10000x64xf32, #tpu.memory_space<hbm>>) target(%arg13 : memref<128x64xf32, #tpu.memory_space<vmem>>) offsets(%dma_start3A_266 : memref<128xi32, #tpu.memory_space<vmem>>) semaphore(%arg22 : memref<!tpu.dma_semaphore, #tpu.memory_space<semaphore_mem>>)
      %mul3A_274 = arith.constant 8 : i32
      %mul3A_275 = arith.muli %mul3A_274, %scan3A_202 : i32
      %add3A_276 = arith.constant 2 : i32
      %add3A_277 = arith.addi %mul3A_275, %add3A_276 : i32
      %dma_wait3A_278 = arith.constant 0 : i32
      %dma_wait3A_279 = tpu.memref_slice %arg6[%add3A_277, %dma_wait3A_278] : memref<80x128xi32, #tpu.memory_space<vmem>> -> memref<1x128xi32, #tpu.memory_space<vmem>>
      %dma_wait3A_280 = tpu.memref_squeeze %dma_wait3A_279 : memref<1x128xi32, #tpu.memory_space<vmem>> -> memref<128xi32, #tpu.memory_space<vmem>>
      %dma_wait3A_281 = arith.constant 0 : i32
      %dma_wait3A_282 = arith.constant 0 : i32
      %dma_wait3A_283 = tpu.memref_slice %arg2[%arg0, %dma_wait3A_281, %dma_wait3A_282] : memref<2x10000x64xf32, #tpu.memory_space<hbm>> -> memref<1x10000x64xf32, #tpu.memory_space<hbm>>
      %dma_wait3A_284 = tpu.memref_squeeze %dma_wait3A_283 : memref<1x10000x64xf32, #tpu.memory_space<hbm>> -> memref<10000x64xf32, #tpu.memory_space<hbm>>
      %dma_wait3A_285 = arith.constant 0 : i32
      %dma_wait3A_286 = arith.constant 0 : i32
      %dma_wait3A_287 = tpu.memref_slice %dma_wait3A_284[%dma_wait3A_285, %dma_wait3A_286] : memref<10000x64xf32, #tpu.memory_space<hbm>> -> memref<10000x64xf32, #tpu.memory_space<hbm>>
      tpu.wait_indirect_dma semaphore(%arg19 : memref<!tpu.dma_semaphore, #tpu.memory_space<semaphore_mem>>) src(%dma_wait3A_287 : memref<10000x64xf32, #tpu.memory_space<hbm>>) dst(%arg10 : memref<128x64xf32, #tpu.memory_space<vmem>>)
      %dma_start3A_288 = arith.constant 0 : i32
      %dma_start3A_289 = tpu.memref_slice %arg7[%add3A_277, %dma_start3A_288] : memref<80x128xi32, #tpu.memory_space<vmem>> -> memref<1x128xi32, #tpu.memory_space<vmem>>
      %dma_start3A_290 = tpu.memref_squeeze %dma_start3A_289 : memref<1x128xi32, #tpu.memory_space<vmem>> -> memref<128xi32, #tpu.memory_space<vmem>>
      %dma_start3A_291 = arith.constant 0 : i32
      %dma_start3A_292 = arith.constant 0 : i32
      %dma_start3A_293 = tpu.memref_slice %arg16[%dma_start3A_291, %dma_start3A_292] : memref<10048x64xf32, #tpu.memory_space<vmem_shared>> -> memref<10048x64xf32, #tpu.memory_space<vmem_shared>>
      tpu.enqueue_indirect_dma source(%arg10 : memref<128x64xf32, #tpu.memory_space<vmem>>) target(%dma_start3A_293 : memref<10048x64xf32, #tpu.memory_space<vmem_shared>>) offsets(%dma_start3A_290 : memref<128xi32, #tpu.memory_space<vmem>>) semaphore(%arg27 : memref<!tpu.dma_semaphore, #tpu.memory_space<semaphore_mem>>) {add = true}
      %gt3A_294 = arith.constant 0 : i32
      %gt3A_295 = arith.cmpi sgt, %scan3A_202, %gt3A_294 : i32
      %convert_element_type3A_296 = arith.extui %gt3A_295 : i1 to i32
      %cond3A_297 = arith.constant 0 : i32
      %cond3A_298 = arith.cmpi ne, %convert_element_type3A_296, %cond3A_297 : i32
      scf.if %cond3A_298 {
        %sub3A_486 = arith.constant 4 : i32
        %sub3A_487 = arith.subi %add3A_277, %sub3A_486 : i32
        %dma_wait3A_488 = arith.constant 0 : i32
        %dma_wait3A_489 = tpu.memref_slice %arg7[%sub3A_487, %dma_wait3A_488] : memref<80x128xi32, #tpu.memory_space<vmem>> -> memref<1x128xi32, #tpu.memory_space<vmem>>
        %dma_wait3A_490 = tpu.memref_squeeze %dma_wait3A_489 : memref<1x128xi32, #tpu.memory_space<vmem>> -> memref<128xi32, #tpu.memory_space<vmem>>
        %dma_wait3A_491 = arith.constant 0 : i32
        %dma_wait3A_492 = arith.constant 0 : i32
        %dma_wait3A_493 = tpu.memref_slice %arg16[%dma_wait3A_491, %dma_wait3A_492] : memref<10048x64xf32, #tpu.memory_space<vmem_shared>> -> memref<10048x64xf32, #tpu.memory_space<vmem_shared>>
        tpu.wait_indirect_dma semaphore(%arg31 : memref<!tpu.dma_semaphore, #tpu.memory_space<semaphore_mem>>) src(%arg14 : memref<128x64xf32, #tpu.memory_space<vmem>>) dst(%dma_wait3A_493 : memref<10048x64xf32, #tpu.memory_space<vmem_shared>>)
      } else {
      }
      %add3A_299 = arith.constant 4 : i32
      %add3A_300 = arith.addi %add3A_277, %add3A_299 : i32
      %dma_start3A_301 = arith.constant 0 : i32
      %dma_start3A_302 = tpu.memref_slice %arg6[%add3A_300, %dma_start3A_301] : memref<80x128xi32, #tpu.memory_space<vmem>> -> memref<1x128xi32, #tpu.memory_space<vmem>>
      %dma_start3A_303 = tpu.memref_squeeze %dma_start3A_302 : memref<1x128xi32, #tpu.memory_space<vmem>> -> memref<128xi32, #tpu.memory_space<vmem>>
      %dma_start3A_304 = arith.constant 0 : i32
      %dma_start3A_305 = arith.constant 0 : i32
      %dma_start3A_306 = tpu.memref_slice %arg2[%arg0, %dma_start3A_304, %dma_start3A_305] : memref<2x10000x64xf32, #tpu.memory_space<hbm>> -> memref<1x10000x64xf32, #tpu.memory_space<hbm>>
      %dma_start3A_307 = tpu.memref_squeeze %dma_start3A_306 : memref<1x10000x64xf32, #tpu.memory_space<hbm>> -> memref<10000x64xf32, #tpu.memory_space<hbm>>
      %dma_start3A_308 = arith.constant 0 : i32
      %dma_start3A_309 = arith.constant 0 : i32
      %dma_start3A_310 = tpu.memref_slice %dma_start3A_307[%dma_start3A_308, %dma_start3A_309] : memref<10000x64xf32, #tpu.memory_space<hbm>> -> memref<10000x64xf32, #tpu.memory_space<hbm>>
      tpu.enqueue_indirect_dma source(%dma_start3A_310 : memref<10000x64xf32, #tpu.memory_space<hbm>>) target(%arg14 : memref<128x64xf32, #tpu.memory_space<vmem>>) offsets(%dma_start3A_303 : memref<128xi32, #tpu.memory_space<vmem>>) semaphore(%arg23 : memref<!tpu.dma_semaphore, #tpu.memory_space<semaphore_mem>>)
      %mul3A_311 = arith.constant 8 : i32
      %mul3A_312 = arith.muli %mul3A_311, %scan3A_202 : i32
      %add3A_313 = arith.constant 3 : i32
      %add3A_314 = arith.addi %mul3A_312, %add3A_313 : i32
      %dma_wait3A_315 = arith.constant 0 : i32
      %dma_wait3A_316 = tpu.memref_slice %arg6[%add3A_314, %dma_wait3A_315] : memref<80x128xi32, #tpu.memory_space<vmem>> -> memref<1x128xi32, #tpu.memory_space<vmem>>
      %dma_wait3A_317 = tpu.memref_squeeze %dma_wait3A_316 : memref<1x128xi32, #tpu.memory_space<vmem>> -> memref<128xi32, #tpu.memory_space<vmem>>
      %dma_wait3A_318 = arith.constant 0 : i32
      %dma_wait3A_319 = arith.constant 0 : i32
      %dma_wait3A_320 = tpu.memref_slice %arg2[%arg0, %dma_wait3A_318, %dma_wait3A_319] : memref<2x10000x64xf32, #tpu.memory_space<hbm>> -> memref<1x10000x64xf32, #tpu.memory_space<hbm>>
      %dma_wait3A_321 = tpu.memref_squeeze %dma_wait3A_320 : memref<1x10000x64xf32, #tpu.memory_space<hbm>> -> memref<10000x64xf32, #tpu.memory_space<hbm>>
      %dma_wait3A_322 = arith.constant 0 : i32
      %dma_wait3A_323 = arith.constant 0 : i32
      %dma_wait3A_324 = tpu.memref_slice %dma_wait3A_321[%dma_wait3A_322, %dma_wait3A_323] : memref<10000x64xf32, #tpu.memory_space<hbm>> -> memref<10000x64xf32, #tpu.memory_space<hbm>>
      tpu.wait_indirect_dma semaphore(%arg20 : memref<!tpu.dma_semaphore, #tpu.memory_space<semaphore_mem>>) src(%dma_wait3A_324 : memref<10000x64xf32, #tpu.memory_space<hbm>>) dst(%arg11 : memref<128x64xf32, #tpu.memory_space<vmem>>)
      %dma_start3A_325 = arith.constant 0 : i32
      %dma_start3A_326 = tpu.memref_slice %arg7[%add3A_314, %dma_start3A_325] : memref<80x128xi32, #tpu.memory_space<vmem>> -> memref<1x128xi32, #tpu.memory_space<vmem>>
      %dma_start3A_327 = tpu.memref_squeeze %dma_start3A_326 : memref<1x128xi32, #tpu.memory_space<vmem>> -> memref<128xi32, #tpu.memory_space<vmem>>
      %dma_start3A_328 = arith.constant 0 : i32
      %dma_start3A_329 = arith.constant 0 : i32
      %dma_start3A_330 = tpu.memref_slice %arg16[%dma_start3A_328, %dma_start3A_329] : memref<10048x64xf32, #tpu.memory_space<vmem_shared>> -> memref<10048x64xf32, #tpu.memory_space<vmem_shared>>
      tpu.enqueue_indirect_dma source(%arg11 : memref<128x64xf32, #tpu.memory_space<vmem>>) target(%dma_start3A_330 : memref<10048x64xf32, #tpu.memory_space<vmem_shared>>) offsets(%dma_start3A_327 : memref<128xi32, #tpu.memory_space<vmem>>) semaphore(%arg28 : memref<!tpu.dma_semaphore, #tpu.memory_space<semaphore_mem>>) {add = true}
      %gt3A_331 = arith.constant 0 : i32
      %gt3A_332 = arith.cmpi sgt, %scan3A_202, %gt3A_331 : i32
      %convert_element_type3A_333 = arith.extui %gt3A_332 : i1 to i32
      %cond3A_334 = arith.constant 0 : i32
      %cond3A_335 = arith.cmpi ne, %convert_element_type3A_333, %cond3A_334 : i32
      scf.if %cond3A_335 {
        %sub3A_486 = arith.constant 4 : i32
        %sub3A_487 = arith.subi %add3A_314, %sub3A_486 : i32
        %dma_wait3A_488 = arith.constant 0 : i32
        %dma_wait3A_489 = tpu.memref_slice %arg7[%sub3A_487, %dma_wait3A_488] : memref<80x128xi32, #tpu.memory_space<vmem>> -> memref<1x128xi32, #tpu.memory_space<vmem>>
        %dma_wait3A_490 = tpu.memref_squeeze %dma_wait3A_489 : memref<1x128xi32, #tpu.memory_space<vmem>> -> memref<128xi32, #tpu.memory_space<vmem>>
        %dma_wait3A_491 = arith.constant 0 : i32
        %dma_wait3A_492 = arith.constant 0 : i32
        %dma_wait3A_493 = tpu.memref_slice %arg16[%dma_wait3A_491, %dma_wait3A_492] : memref<10048x64xf32, #tpu.memory_space<vmem_shared>> -> memref<10048x64xf32, #tpu.memory_space<vmem_shared>>
        tpu.wait_indirect_dma semaphore(%arg32 : memref<!tpu.dma_semaphore, #tpu.memory_space<semaphore_mem>>) src(%arg15 : memref<128x64xf32, #tpu.memory_space<vmem>>) dst(%dma_wait3A_493 : memref<10048x64xf32, #tpu.memory_space<vmem_shared>>)
      } else {
      }
      %add3A_336 = arith.constant 4 : i32
      %add3A_337 = arith.addi %add3A_314, %add3A_336 : i32
      %dma_start3A_338 = arith.constant 0 : i32
      %dma_start3A_339 = tpu.memref_slice %arg6[%add3A_337, %dma_start3A_338] : memref<80x128xi32, #tpu.memory_space<vmem>> -> memref<1x128xi32, #tpu.memory_space<vmem>>
      %dma_start3A_340 = tpu.memref_squeeze %dma_start3A_339 : memref<1x128xi32, #tpu.memory_space<vmem>> -> memref<128xi32, #tpu.memory_space<vmem>>
      %dma_start3A_341 = arith.constant 0 : i32
      %dma_start3A_342 = arith.constant 0 : i32
      %dma_start3A_343 = tpu.memref_slice %arg2[%arg0, %dma_start3A_341, %dma_start3A_342] : memref<2x10000x64xf32, #tpu.memory_space<hbm>> -> memref<1x10000x64xf32, #tpu.memory_space<hbm>>
      %dma_start3A_344 = tpu.memref_squeeze %dma_start3A_343 : memref<1x10000x64xf32, #tpu.memory_space<hbm>> -> memref<10000x64xf32, #tpu.memory_space<hbm>>
      %dma_start3A_345 = arith.constant 0 : i32
      %dma_start3A_346 = arith.constant 0 : i32
      %dma_start3A_347 = tpu.memref_slice %dma_start3A_344[%dma_start3A_345, %dma_start3A_346] : memref<10000x64xf32, #tpu.memory_space<hbm>> -> memref<10000x64xf32, #tpu.memory_space<hbm>>
      tpu.enqueue_indirect_dma source(%dma_start3A_347 : memref<10000x64xf32, #tpu.memory_space<hbm>>) target(%arg15 : memref<128x64xf32, #tpu.memory_space<vmem>>) offsets(%dma_start3A_340 : memref<128xi32, #tpu.memory_space<vmem>>) semaphore(%arg24 : memref<!tpu.dma_semaphore, #tpu.memory_space<semaphore_mem>>)
      %mul3A_348 = arith.constant 8 : i32
      %mul3A_349 = arith.muli %mul3A_348, %scan3A_202 : i32
      %add3A_350 = arith.constant 4 : i32
      %add3A_351 = arith.addi %mul3A_349, %add3A_350 : i32
      %dma_wait3A_352 = arith.constant 0 : i32
      %dma_wait3A_353 = tpu.memref_slice %arg6[%add3A_351, %dma_wait3A_352] : memref<80x128xi32, #tpu.memory_space<vmem>> -> memref<1x128xi32, #tpu.memory_space<vmem>>
      %dma_wait3A_354 = tpu.memref_squeeze %dma_wait3A_353 : memref<1x128xi32, #tpu.memory_space<vmem>> -> memref<128xi32, #tpu.memory_space<vmem>>
      %dma_wait3A_355 = arith.constant 0 : i32
      %dma_wait3A_356 = arith.constant 0 : i32
      %dma_wait3A_357 = tpu.memref_slice %arg2[%arg0, %dma_wait3A_355, %dma_wait3A_356] : memref<2x10000x64xf32, #tpu.memory_space<hbm>> -> memref<1x10000x64xf32, #tpu.memory_space<hbm>>
      %dma_wait3A_358 = tpu.memref_squeeze %dma_wait3A_357 : memref<1x10000x64xf32, #tpu.memory_space<hbm>> -> memref<10000x64xf32, #tpu.memory_space<hbm>>
      %dma_wait3A_359 = arith.constant 0 : i32
      %dma_wait3A_360 = arith.constant 0 : i32
      %dma_wait3A_361 = tpu.memref_slice %dma_wait3A_358[%dma_wait3A_359, %dma_wait3A_360] : memref<10000x64xf32, #tpu.memory_space<hbm>> -> memref<10000x64xf32, #tpu.memory_space<hbm>>
      tpu.wait_indirect_dma semaphore(%arg21 : memref<!tpu.dma_semaphore, #tpu.memory_space<semaphore_mem>>) src(%dma_wait3A_361 : memref<10000x64xf32, #tpu.memory_space<hbm>>) dst(%arg12 : memref<128x64xf32, #tpu.memory_space<vmem>>)
      %dma_start3A_362 = arith.constant 0 : i32
      %dma_start3A_363 = tpu.memref_slice %arg7[%add3A_351, %dma_start3A_362] : memref<80x128xi32, #tpu.memory_space<vmem>> -> memref<1x128xi32, #tpu.memory_space<vmem>>
      %dma_start3A_364 = tpu.memref_squeeze %dma_start3A_363 : memref<1x128xi32, #tpu.memory_space<vmem>> -> memref<128xi32, #tpu.memory_space<vmem>>
      %dma_start3A_365 = arith.constant 0 : i32
      %dma_start3A_366 = arith.constant 0 : i32
      %dma_start3A_367 = tpu.memref_slice %arg16[%dma_start3A_365, %dma_start3A_366] : memref<10048x64xf32, #tpu.memory_space<vmem_shared>> -> memref<10048x64xf32, #tpu.memory_space<vmem_shared>>
      tpu.enqueue_indirect_dma source(%arg12 : memref<128x64xf32, #tpu.memory_space<vmem>>) target(%dma_start3A_367 : memref<10048x64xf32, #tpu.memory_space<vmem_shared>>) offsets(%dma_start3A_364 : memref<128xi32, #tpu.memory_space<vmem>>) semaphore(%arg29 : memref<!tpu.dma_semaphore, #tpu.memory_space<semaphore_mem>>) {add = true}
      %sub3A = arith.constant 4 : i32
      %sub3A_368 = arith.subi %add3A_351, %sub3A : i32
      %dma_wait3A_369 = arith.constant 0 : i32
      %dma_wait3A_370 = tpu.memref_slice %arg7[%sub3A_368, %dma_wait3A_369] : memref<80x128xi32, #tpu.memory_space<vmem>> -> memref<1x128xi32, #tpu.memory_space<vmem>>
      %dma_wait3A_371 = tpu.memref_squeeze %dma_wait3A_370 : memref<1x128xi32, #tpu.memory_space<vmem>> -> memref<128xi32, #tpu.memory_space<vmem>>
      %dma_wait3A_372 = arith.constant 0 : i32
      %dma_wait3A_373 = arith.constant 0 : i32
      %dma_wait3A_374 = tpu.memref_slice %arg16[%dma_wait3A_372, %dma_wait3A_373] : memref<10048x64xf32, #tpu.memory_space<vmem_shared>> -> memref<10048x64xf32, #tpu.memory_space<vmem_shared>>
      tpu.wait_indirect_dma semaphore(%arg25 : memref<!tpu.dma_semaphore, #tpu.memory_space<semaphore_mem>>) src(%arg8 : memref<128x64xf32, #tpu.memory_space<vmem>>) dst(%dma_wait3A_374 : memref<10048x64xf32, #tpu.memory_space<vmem_shared>>)
      %add3A_375 = arith.constant 1 : i32
      %add3A_376 = arith.addi %scan3A_202, %add3A_375 : i32
      %lt3A = arith.constant 10 : i32
      %lt3A_377 = arith.cmpi slt, %add3A_376, %lt3A : i32
      %convert_element_type3A_378 = arith.extui %lt3A_377 : i1 to i32
      %cond3A_379 = arith.constant 0 : i32
      %cond3A_380 = arith.cmpi ne, %convert_element_type3A_378, %cond3A_379 : i32
      scf.if %cond3A_380 {
        %add3A_486 = arith.constant 4 : i32
        %add3A_487 = arith.addi %add3A_351, %add3A_486 : i32
        %dma_start3A_488 = arith.constant 0 : i32
        %dma_start3A_489 = tpu.memref_slice %arg6[%add3A_487, %dma_start3A_488] : memref<80x128xi32, #tpu.memory_space<vmem>> -> memref<1x128xi32, #tpu.memory_space<vmem>>
        %dma_start3A_490 = tpu.memref_squeeze %dma_start3A_489 : memref<1x128xi32, #tpu.memory_space<vmem>> -> memref<128xi32, #tpu.memory_space<vmem>>
        %dma_start3A_491 = arith.constant 0 : i32
        %dma_start3A_492 = arith.constant 0 : i32
        %dma_start3A_493 = tpu.memref_slice %arg2[%arg0, %dma_start3A_491, %dma_start3A_492] : memref<2x10000x64xf32, #tpu.memory_space<hbm>> -> memref<1x10000x64xf32, #tpu.memory_space<hbm>>
        %dma_start3A_494 = tpu.memref_squeeze %dma_start3A_493 : memref<1x10000x64xf32, #tpu.memory_space<hbm>> -> memref<10000x64xf32, #tpu.memory_space<hbm>>
        %dma_start3A_495 = arith.constant 0 : i32
        %dma_start3A_496 = arith.constant 0 : i32
        %dma_start3A_497 = tpu.memref_slice %dma_start3A_494[%dma_start3A_495, %dma_start3A_496] : memref<10000x64xf32, #tpu.memory_space<hbm>> -> memref<10000x64xf32, #tpu.memory_space<hbm>>
        tpu.enqueue_indirect_dma source(%dma_start3A_497 : memref<10000x64xf32, #tpu.memory_space<hbm>>) target(%arg8 : memref<128x64xf32, #tpu.memory_space<vmem>>) offsets(%dma_start3A_490 : memref<128xi32, #tpu.memory_space<vmem>>) semaphore(%arg17 : memref<!tpu.dma_semaphore, #tpu.memory_space<semaphore_mem>>)
      } else {
      }
      %mul3A_381 = arith.constant 8 : i32
      %mul3A_382 = arith.muli %mul3A_381, %scan3A_202 : i32
      %add3A_383 = arith.constant 5 : i32
      %add3A_384 = arith.addi %mul3A_382, %add3A_383 : i32
      %dma_wait3A_385 = arith.constant 0 : i32
      %dma_wait3A_386 = tpu.memref_slice %arg6[%add3A_384, %dma_wait3A_385] : memref<80x128xi32, #tpu.memory_space<vmem>> -> memref<1x128xi32, #tpu.memory_space<vmem>>
      %dma_wait3A_387 = tpu.memref_squeeze %dma_wait3A_386 : memref<1x128xi32, #tpu.memory_space<vmem>> -> memref<128xi32, #tpu.memory_space<vmem>>
      %dma_wait3A_388 = arith.constant 0 : i32
      %dma_wait3A_389 = arith.constant 0 : i32
      %dma_wait3A_390 = tpu.memref_slice %arg2[%arg0, %dma_wait3A_388, %dma_wait3A_389] : memref<2x10000x64xf32, #tpu.memory_space<hbm>> -> memref<1x10000x64xf32, #tpu.memory_space<hbm>>
      %dma_wait3A_391 = tpu.memref_squeeze %dma_wait3A_390 : memref<1x10000x64xf32, #tpu.memory_space<hbm>> -> memref<10000x64xf32, #tpu.memory_space<hbm>>
      %dma_wait3A_392 = arith.constant 0 : i32
      %dma_wait3A_393 = arith.constant 0 : i32
      %dma_wait3A_394 = tpu.memref_slice %dma_wait3A_391[%dma_wait3A_392, %dma_wait3A_393] : memref<10000x64xf32, #tpu.memory_space<hbm>> -> memref<10000x64xf32, #tpu.memory_space<hbm>>
      tpu.wait_indirect_dma semaphore(%arg22 : memref<!tpu.dma_semaphore, #tpu.memory_space<semaphore_mem>>) src(%dma_wait3A_394 : memref<10000x64xf32, #tpu.memory_space<hbm>>) dst(%arg13 : memref<128x64xf32, #tpu.memory_space<vmem>>)
      %dma_start3A_395 = arith.constant 0 : i32
      %dma_start3A_396 = tpu.memref_slice %arg7[%add3A_384, %dma_start3A_395] : memref<80x128xi32, #tpu.memory_space<vmem>> -> memref<1x128xi32, #tpu.memory_space<vmem>>
      %dma_start3A_397 = tpu.memref_squeeze %dma_start3A_396 : memref<1x128xi32, #tpu.memory_space<vmem>> -> memref<128xi32, #tpu.memory_space<vmem>>
      %dma_start3A_398 = arith.constant 0 : i32
      %dma_start3A_399 = arith.constant 0 : i32
      %dma_start3A_400 = tpu.memref_slice %arg16[%dma_start3A_398, %dma_start3A_399] : memref<10048x64xf32, #tpu.memory_space<vmem_shared>> -> memref<10048x64xf32, #tpu.memory_space<vmem_shared>>
      tpu.enqueue_indirect_dma source(%arg13 : memref<128x64xf32, #tpu.memory_space<vmem>>) target(%dma_start3A_400 : memref<10048x64xf32, #tpu.memory_space<vmem_shared>>) offsets(%dma_start3A_397 : memref<128xi32, #tpu.memory_space<vmem>>) semaphore(%arg30 : memref<!tpu.dma_semaphore, #tpu.memory_space<semaphore_mem>>) {add = true}
      %sub3A_401 = arith.constant 4 : i32
      %sub3A_402 = arith.subi %add3A_384, %sub3A_401 : i32
      %dma_wait3A_403 = arith.constant 0 : i32
      %dma_wait3A_404 = tpu.memref_slice %arg7[%sub3A_402, %dma_wait3A_403] : memref<80x128xi32, #tpu.memory_space<vmem>> -> memref<1x128xi32, #tpu.memory_space<vmem>>
      %dma_wait3A_405 = tpu.memref_squeeze %dma_wait3A_404 : memref<1x128xi32, #tpu.memory_space<vmem>> -> memref<128xi32, #tpu.memory_space<vmem>>
      %dma_wait3A_406 = arith.constant 0 : i32
      %dma_wait3A_407 = arith.constant 0 : i32
      %dma_wait3A_408 = tpu.memref_slice %arg16[%dma_wait3A_406, %dma_wait3A_407] : memref<10048x64xf32, #tpu.memory_space<vmem_shared>> -> memref<10048x64xf32, #tpu.memory_space<vmem_shared>>
      tpu.wait_indirect_dma semaphore(%arg26 : memref<!tpu.dma_semaphore, #tpu.memory_space<semaphore_mem>>) src(%arg9 : memref<128x64xf32, #tpu.memory_space<vmem>>) dst(%dma_wait3A_408 : memref<10048x64xf32, #tpu.memory_space<vmem_shared>>)
      %add3A_409 = arith.constant 1 : i32
      %add3A_410 = arith.addi %scan3A_202, %add3A_409 : i32
      %lt3A_411 = arith.constant 10 : i32
      %lt3A_412 = arith.cmpi slt, %add3A_410, %lt3A_411 : i32
      %convert_element_type3A_413 = arith.extui %lt3A_412 : i1 to i32
      %cond3A_414 = arith.constant 0 : i32
      %cond3A_415 = arith.cmpi ne, %convert_element_type3A_413, %cond3A_414 : i32
      scf.if %cond3A_415 {
        %add3A_486 = arith.constant 4 : i32
        %add3A_487 = arith.addi %add3A_384, %add3A_486 : i32
        %dma_start3A_488 = arith.constant 0 : i32
        %dma_start3A_489 = tpu.memref_slice %arg6[%add3A_487, %dma_start3A_488] : memref<80x128xi32, #tpu.memory_space<vmem>> -> memref<1x128xi32, #tpu.memory_space<vmem>>
        %dma_start3A_490 = tpu.memref_squeeze %dma_start3A_489 : memref<1x128xi32, #tpu.memory_space<vmem>> -> memref<128xi32, #tpu.memory_space<vmem>>
        %dma_start3A_491 = arith.constant 0 : i32
        %dma_start3A_492 = arith.constant 0 : i32
        %dma_start3A_493 = tpu.memref_slice %arg2[%arg0, %dma_start3A_491, %dma_start3A_492] : memref<2x10000x64xf32, #tpu.memory_space<hbm>> -> memref<1x10000x64xf32, #tpu.memory_space<hbm>>
        %dma_start3A_494 = tpu.memref_squeeze %dma_start3A_493 : memref<1x10000x64xf32, #tpu.memory_space<hbm>> -> memref<10000x64xf32, #tpu.memory_space<hbm>>
        %dma_start3A_495 = arith.constant 0 : i32
        %dma_start3A_496 = arith.constant 0 : i32
        %dma_start3A_497 = tpu.memref_slice %dma_start3A_494[%dma_start3A_495, %dma_start3A_496] : memref<10000x64xf32, #tpu.memory_space<hbm>> -> memref<10000x64xf32, #tpu.memory_space<hbm>>
        tpu.enqueue_indirect_dma source(%dma_start3A_497 : memref<10000x64xf32, #tpu.memory_space<hbm>>) target(%arg9 : memref<128x64xf32, #tpu.memory_space<vmem>>) offsets(%dma_start3A_490 : memref<128xi32, #tpu.memory_space<vmem>>) semaphore(%arg18 : memref<!tpu.dma_semaphore, #tpu.memory_space<semaphore_mem>>)
      } else {
      }
      %mul3A_416 = arith.constant 8 : i32
      %mul3A_417 = arith.muli %mul3A_416, %scan3A_202 : i32
      %add3A_418 = arith.constant 6 : i32
      %add3A_419 = arith.addi %mul3A_417, %add3A_418 : i32
      %dma_wait3A_420 = arith.constant 0 : i32
      %dma_wait3A_421 = tpu.memref_slice %arg6[%add3A_419, %dma_wait3A_420] : memref<80x128xi32, #tpu.memory_space<vmem>> -> memref<1x128xi32, #tpu.memory_space<vmem>>
      %dma_wait3A_422 = tpu.memref_squeeze %dma_wait3A_421 : memref<1x128xi32, #tpu.memory_space<vmem>> -> memref<128xi32, #tpu.memory_space<vmem>>
      %dma_wait3A_423 = arith.constant 0 : i32
      %dma_wait3A_424 = arith.constant 0 : i32
      %dma_wait3A_425 = tpu.memref_slice %arg2[%arg0, %dma_wait3A_423, %dma_wait3A_424] : memref<2x10000x64xf32, #tpu.memory_space<hbm>> -> memref<1x10000x64xf32, #tpu.memory_space<hbm>>
      %dma_wait3A_426 = tpu.memref_squeeze %dma_wait3A_425 : memref<1x10000x64xf32, #tpu.memory_space<hbm>> -> memref<10000x64xf32, #tpu.memory_space<hbm>>
      %dma_wait3A_427 = arith.constant 0 : i32
      %dma_wait3A_428 = arith.constant 0 : i32
      %dma_wait3A_429 = tpu.memref_slice %dma_wait3A_426[%dma_wait3A_427, %dma_wait3A_428] : memref<10000x64xf32, #tpu.memory_space<hbm>> -> memref<10000x64xf32, #tpu.memory_space<hbm>>
      tpu.wait_indirect_dma semaphore(%arg23 : memref<!tpu.dma_semaphore, #tpu.memory_space<semaphore_mem>>) src(%dma_wait3A_429 : memref<10000x64xf32, #tpu.memory_space<hbm>>) dst(%arg14 : memref<128x64xf32, #tpu.memory_space<vmem>>)
      %dma_start3A_430 = arith.constant 0 : i32
      %dma_start3A_431 = tpu.memref_slice %arg7[%add3A_419, %dma_start3A_430] : memref<80x128xi32, #tpu.memory_space<vmem>> -> memref<1x128xi32, #tpu.memory_space<vmem>>
      %dma_start3A_432 = tpu.memref_squeeze %dma_start3A_431 : memref<1x128xi32, #tpu.memory_space<vmem>> -> memref<128xi32, #tpu.memory_space<vmem>>
      %dma_start3A_433 = arith.constant 0 : i32
      %dma_start3A_434 = arith.constant 0 : i32
      %dma_start3A_435 = tpu.memref_slice %arg16[%dma_start3A_433, %dma_start3A_434] : memref<10048x64xf32, #tpu.memory_space<vmem_shared>> -> memref<10048x64xf32, #tpu.memory_space<vmem_shared>>
      tpu.enqueue_indirect_dma source(%arg14 : memref<128x64xf32, #tpu.memory_space<vmem>>) target(%dma_start3A_435 : memref<10048x64xf32, #tpu.memory_space<vmem_shared>>) offsets(%dma_start3A_432 : memref<128xi32, #tpu.memory_space<vmem>>) semaphore(%arg31 : memref<!tpu.dma_semaphore, #tpu.memory_space<semaphore_mem>>) {add = true}
      %sub3A_436 = arith.constant 4 : i32
      %sub3A_437 = arith.subi %add3A_419, %sub3A_436 : i32
      %dma_wait3A_438 = arith.constant 0 : i32
      %dma_wait3A_439 = tpu.memref_slice %arg7[%sub3A_437, %dma_wait3A_438] : memref<80x128xi32, #tpu.memory_space<vmem>> -> memref<1x128xi32, #tpu.memory_space<vmem>>
      %dma_wait3A_440 = tpu.memref_squeeze %dma_wait3A_439 : memref<1x128xi32, #tpu.memory_space<vmem>> -> memref<128xi32, #tpu.memory_space<vmem>>
      %dma_wait3A_441 = arith.constant 0 : i32
      %dma_wait3A_442 = arith.constant 0 : i32
      %dma_wait3A_443 = tpu.memref_slice %arg16[%dma_wait3A_441, %dma_wait3A_442] : memref<10048x64xf32, #tpu.memory_space<vmem_shared>> -> memref<10048x64xf32, #tpu.memory_space<vmem_shared>>
      tpu.wait_indirect_dma semaphore(%arg27 : memref<!tpu.dma_semaphore, #tpu.memory_space<semaphore_mem>>) src(%arg10 : memref<128x64xf32, #tpu.memory_space<vmem>>) dst(%dma_wait3A_443 : memref<10048x64xf32, #tpu.memory_space<vmem_shared>>)
      %add3A_444 = arith.constant 1 : i32
      %add3A_445 = arith.addi %scan3A_202, %add3A_444 : i32
      %lt3A_446 = arith.constant 10 : i32
      %lt3A_447 = arith.cmpi slt, %add3A_445, %lt3A_446 : i32
      %convert_element_type3A_448 = arith.extui %lt3A_447 : i1 to i32
      %cond3A_449 = arith.constant 0 : i32
      %cond3A_450 = arith.cmpi ne, %convert_element_type3A_448, %cond3A_449 : i32
      scf.if %cond3A_450 {
        %add3A_486 = arith.constant 4 : i32
        %add3A_487 = arith.addi %add3A_419, %add3A_486 : i32
        %dma_start3A_488 = arith.constant 0 : i32
        %dma_start3A_489 = tpu.memref_slice %arg6[%add3A_487, %dma_start3A_488] : memref<80x128xi32, #tpu.memory_space<vmem>> -> memref<1x128xi32, #tpu.memory_space<vmem>>
        %dma_start3A_490 = tpu.memref_squeeze %dma_start3A_489 : memref<1x128xi32, #tpu.memory_space<vmem>> -> memref<128xi32, #tpu.memory_space<vmem>>
        %dma_start3A_491 = arith.constant 0 : i32
        %dma_start3A_492 = arith.constant 0 : i32
        %dma_start3A_493 = tpu.memref_slice %arg2[%arg0, %dma_start3A_491, %dma_start3A_492] : memref<2x10000x64xf32, #tpu.memory_space<hbm>> -> memref<1x10000x64xf32, #tpu.memory_space<hbm>>
        %dma_start3A_494 = tpu.memref_squeeze %dma_start3A_493 : memref<1x10000x64xf32, #tpu.memory_space<hbm>> -> memref<10000x64xf32, #tpu.memory_space<hbm>>
        %dma_start3A_495 = arith.constant 0 : i32
        %dma_start3A_496 = arith.constant 0 : i32
        %dma_start3A_497 = tpu.memref_slice %dma_start3A_494[%dma_start3A_495, %dma_start3A_496] : memref<10000x64xf32, #tpu.memory_space<hbm>> -> memref<10000x64xf32, #tpu.memory_space<hbm>>
        tpu.enqueue_indirect_dma source(%dma_start3A_497 : memref<10000x64xf32, #tpu.memory_space<hbm>>) target(%arg10 : memref<128x64xf32, #tpu.memory_space<vmem>>) offsets(%dma_start3A_490 : memref<128xi32, #tpu.memory_space<vmem>>) semaphore(%arg19 : memref<!tpu.dma_semaphore, #tpu.memory_space<semaphore_mem>>)
      } else {
      }
      %mul3A_451 = arith.constant 8 : i32
      %mul3A_452 = arith.muli %mul3A_451, %scan3A_202 : i32
      %add3A_453 = arith.constant 7 : i32
      %add3A_454 = arith.addi %mul3A_452, %add3A_453 : i32
      %dma_wait3A_455 = arith.constant 0 : i32
      %dma_wait3A_456 = tpu.memref_slice %arg6[%add3A_454, %dma_wait3A_455] : memref<80x128xi32, #tpu.memory_space<vmem>> -> memref<1x128xi32, #tpu.memory_space<vmem>>
      %dma_wait3A_457 = tpu.memref_squeeze %dma_wait3A_456 : memref<1x128xi32, #tpu.memory_space<vmem>> -> memref<128xi32, #tpu.memory_space<vmem>>
      %dma_wait3A_458 = arith.constant 0 : i32
      %dma_wait3A_459 = arith.constant 0 : i32
      %dma_wait3A_460 = tpu.memref_slice %arg2[%arg0, %dma_wait3A_458, %dma_wait3A_459] : memref<2x10000x64xf32, #tpu.memory_space<hbm>> -> memref<1x10000x64xf32, #tpu.memory_space<hbm>>
      %dma_wait3A_461 = tpu.memref_squeeze %dma_wait3A_460 : memref<1x10000x64xf32, #tpu.memory_space<hbm>> -> memref<10000x64xf32, #tpu.memory_space<hbm>>
      %dma_wait3A_462 = arith.constant 0 : i32
      %dma_wait3A_463 = arith.constant 0 : i32
      %dma_wait3A_464 = tpu.memref_slice %dma_wait3A_461[%dma_wait3A_462, %dma_wait3A_463] : memref<10000x64xf32, #tpu.memory_space<hbm>> -> memref<10000x64xf32, #tpu.memory_space<hbm>>
      tpu.wait_indirect_dma semaphore(%arg24 : memref<!tpu.dma_semaphore, #tpu.memory_space<semaphore_mem>>) src(%dma_wait3A_464 : memref<10000x64xf32, #tpu.memory_space<hbm>>) dst(%arg15 : memref<128x64xf32, #tpu.memory_space<vmem>>)
      %dma_start3A_465 = arith.constant 0 : i32
      %dma_start3A_466 = tpu.memref_slice %arg7[%add3A_454, %dma_start3A_465] : memref<80x128xi32, #tpu.memory_space<vmem>> -> memref<1x128xi32, #tpu.memory_space<vmem>>
      %dma_start3A_467 = tpu.memref_squeeze %dma_start3A_466 : memref<1x128xi32, #tpu.memory_space<vmem>> -> memref<128xi32, #tpu.memory_space<vmem>>
      %dma_start3A_468 = arith.constant 0 : i32
      %dma_start3A_469 = arith.constant 0 : i32
      %dma_start3A_470 = tpu.memref_slice %arg16[%dma_start3A_468, %dma_start3A_469] : memref<10048x64xf32, #tpu.memory_space<vmem_shared>> -> memref<10048x64xf32, #tpu.memory_space<vmem_shared>>
      tpu.enqueue_indirect_dma source(%arg15 : memref<128x64xf32, #tpu.memory_space<vmem>>) target(%dma_start3A_470 : memref<10048x64xf32, #tpu.memory_space<vmem_shared>>) offsets(%dma_start3A_467 : memref<128xi32, #tpu.memory_space<vmem>>) semaphore(%arg32 : memref<!tpu.dma_semaphore, #tpu.memory_space<semaphore_mem>>) {add = true}
      %sub3A_471 = arith.constant 4 : i32
      %sub3A_472 = arith.subi %add3A_454, %sub3A_471 : i32
      %dma_wait3A_473 = arith.constant 0 : i32
      %dma_wait3A_474 = tpu.memref_slice %arg7[%sub3A_472, %dma_wait3A_473] : memref<80x128xi32, #tpu.memory_space<vmem>> -> memref<1x128xi32, #tpu.memory_space<vmem>>
      %dma_wait3A_475 = tpu.memref_squeeze %dma_wait3A_474 : memref<1x128xi32, #tpu.memory_space<vmem>> -> memref<128xi32, #tpu.memory_space<vmem>>
      %dma_wait3A_476 = arith.constant 0 : i32
      %dma_wait3A_477 = arith.constant 0 : i32
      %dma_wait3A_478 = tpu.memref_slice %arg16[%dma_wait3A_476, %dma_wait3A_477] : memref<10048x64xf32, #tpu.memory_space<vmem_shared>> -> memref<10048x64xf32, #tpu.memory_space<vmem_shared>>
      tpu.wait_indirect_dma semaphore(%arg28 : memref<!tpu.dma_semaphore, #tpu.memory_space<semaphore_mem>>) src(%arg11 : memref<128x64xf32, #tpu.memory_space<vmem>>) dst(%dma_wait3A_478 : memref<10048x64xf32, #tpu.memory_space<vmem_shared>>)
      %add3A_479 = arith.constant 1 : i32
      %add3A_480 = arith.addi %scan3A_202, %add3A_479 : i32
      %lt3A_481 = arith.constant 10 : i32
      %lt3A_482 = arith.cmpi slt, %add3A_480, %lt3A_481 : i32
      %convert_element_type3A_483 = arith.extui %lt3A_482 : i1 to i32
      %cond3A_484 = arith.constant 0 : i32
      %cond3A_485 = arith.cmpi ne, %convert_element_type3A_483, %cond3A_484 : i32
      scf.if %cond3A_485 {
        %add3A_486 = arith.constant 4 : i32
        %add3A_487 = arith.addi %add3A_454, %add3A_486 : i32
        %dma_start3A_488 = arith.constant 0 : i32
        %dma_start3A_489 = tpu.memref_slice %arg6[%add3A_487, %dma_start3A_488] : memref<80x128xi32, #tpu.memory_space<vmem>> -> memref<1x128xi32, #tpu.memory_space<vmem>>
        %dma_start3A_490 = tpu.memref_squeeze %dma_start3A_489 : memref<1x128xi32, #tpu.memory_space<vmem>> -> memref<128xi32, #tpu.memory_space<vmem>>
        %dma_start3A_491 = arith.constant 0 : i32
        %dma_start3A_492 = arith.constant 0 : i32
        %dma_start3A_493 = tpu.memref_slice %arg2[%arg0, %dma_start3A_491, %dma_start3A_492] : memref<2x10000x64xf32, #tpu.memory_space<hbm>> -> memref<1x10000x64xf32, #tpu.memory_space<hbm>>
        %dma_start3A_494 = tpu.memref_squeeze %dma_start3A_493 : memref<1x10000x64xf32, #tpu.memory_space<hbm>> -> memref<10000x64xf32, #tpu.memory_space<hbm>>
        %dma_start3A_495 = arith.constant 0 : i32
        %dma_start3A_496 = arith.constant 0 : i32
        %dma_start3A_497 = tpu.memref_slice %dma_start3A_494[%dma_start3A_495, %dma_start3A_496] : memref<10000x64xf32, #tpu.memory_space<hbm>> -> memref<10000x64xf32, #tpu.memory_space<hbm>>
        tpu.enqueue_indirect_dma source(%dma_start3A_497 : memref<10000x64xf32, #tpu.memory_space<hbm>>) target(%arg11 : memref<128x64xf32, #tpu.memory_space<vmem>>) offsets(%dma_start3A_490 : memref<128xi32, #tpu.memory_space<vmem>>) semaphore(%arg20 : memref<!tpu.dma_semaphore, #tpu.memory_space<semaphore_mem>>)
      } else {
      }
    }
    %scan3A_172 = arith.constant 10 : i32
    %dma_wait3A_173 = arith.constant 76 : i32
    %dma_wait3A_174 = arith.constant 0 : i32
    %dma_wait3A_175 = tpu.memref_slice %arg7[%dma_wait3A_173, %dma_wait3A_174] : memref<80x128xi32, #tpu.memory_space<vmem>> -> memref<1x128xi32, #tpu.memory_space<vmem>>
    %dma_wait3A_176 = tpu.memref_squeeze %dma_wait3A_175 : memref<1x128xi32, #tpu.memory_space<vmem>> -> memref<128xi32, #tpu.memory_space<vmem>>
    %dma_wait3A_177 = arith.constant 0 : i32
    %dma_wait3A_178 = arith.constant 0 : i32
    %dma_wait3A_179 = tpu.memref_slice %arg16[%dma_wait3A_177, %dma_wait3A_178] : memref<10048x64xf32, #tpu.memory_space<vmem_shared>> -> memref<10048x64xf32, #tpu.memory_space<vmem_shared>>
    tpu.wait_indirect_dma semaphore(%arg29 : memref<!tpu.dma_semaphore, #tpu.memory_space<semaphore_mem>>) src(%arg12 : memref<128x64xf32, #tpu.memory_space<vmem>>) dst(%dma_wait3A_179 : memref<10048x64xf32, #tpu.memory_space<vmem_shared>>)
    %dma_wait3A_180 = arith.constant 77 : i32
    %dma_wait3A_181 = arith.constant 0 : i32
    %dma_wait3A_182 = tpu.memref_slice %arg7[%dma_wait3A_180, %dma_wait3A_181] : memref<80x128xi32, #tpu.memory_space<vmem>> -> memref<1x128xi32, #tpu.memory_space<vmem>>
    %dma_wait3A_183 = tpu.memref_squeeze %dma_wait3A_182 : memref<1x128xi32, #tpu.memory_space<vmem>> -> memref<128xi32, #tpu.memory_space<vmem>>
    %dma_wait3A_184 = arith.constant 0 : i32
    %dma_wait3A_185 = arith.constant 0 : i32
    %dma_wait3A_186 = tpu.memref_slice %arg16[%dma_wait3A_184, %dma_wait3A_185] : memref<10048x64xf32, #tpu.memory_space<vmem_shared>> -> memref<10048x64xf32, #tpu.memory_space<vmem_shared>>
    tpu.wait_indirect_dma semaphore(%arg30 : memref<!tpu.dma_semaphore, #tpu.memory_space<semaphore_mem>>) src(%arg13 : memref<128x64xf32, #tpu.memory_space<vmem>>) dst(%dma_wait3A_186 : memref<10048x64xf32, #tpu.memory_space<vmem_shared>>)
    %dma_wait3A_187 = arith.constant 78 : i32
    %dma_wait3A_188 = arith.constant 0 : i32
    %dma_wait3A_189 = tpu.memref_slice %arg7[%dma_wait3A_187, %dma_wait3A_188] : memref<80x128xi32, #tpu.memory_space<vmem>> -> memref<1x128xi32, #tpu.memory_space<vmem>>
    %dma_wait3A_190 = tpu.memref_squeeze %dma_wait3A_189 : memref<1x128xi32, #tpu.memory_space<vmem>> -> memref<128xi32, #tpu.memory_space<vmem>>
    %dma_wait3A_191 = arith.constant 0 : i32
    %dma_wait3A_192 = arith.constant 0 : i32
    %dma_wait3A_193 = tpu.memref_slice %arg16[%dma_wait3A_191, %dma_wait3A_192] : memref<10048x64xf32, #tpu.memory_space<vmem_shared>> -> memref<10048x64xf32, #tpu.memory_space<vmem_shared>>
    tpu.wait_indirect_dma semaphore(%arg31 : memref<!tpu.dma_semaphore, #tpu.memory_space<semaphore_mem>>) src(%arg14 : memref<128x64xf32, #tpu.memory_space<vmem>>) dst(%dma_wait3A_193 : memref<10048x64xf32, #tpu.memory_space<vmem_shared>>)
    %dma_wait3A_194 = arith.constant 79 : i32
    %dma_wait3A_195 = arith.constant 0 : i32
    %dma_wait3A_196 = tpu.memref_slice %arg7[%dma_wait3A_194, %dma_wait3A_195] : memref<80x128xi32, #tpu.memory_space<vmem>> -> memref<1x128xi32, #tpu.memory_space<vmem>>
    %dma_wait3A_197 = tpu.memref_squeeze %dma_wait3A_196 : memref<1x128xi32, #tpu.memory_space<vmem>> -> memref<128xi32, #tpu.memory_space<vmem>>
    %dma_wait3A_198 = arith.constant 0 : i32
    %dma_wait3A_199 = arith.constant 0 : i32
    %dma_wait3A_200 = tpu.memref_slice %arg16[%dma_wait3A_198, %dma_wait3A_199] : memref<10048x64xf32, #tpu.memory_space<vmem_shared>> -> memref<10048x64xf32, #tpu.memory_space<vmem_shared>>
    tpu.wait_indirect_dma semaphore(%arg32 : memref<!tpu.dma_semaphore, #tpu.memory_space<semaphore_mem>>) src(%arg15 : memref<128x64xf32, #tpu.memory_space<vmem>>) dst(%dma_wait3A_200 : memref<10048x64xf32, #tpu.memory_space<vmem_shared>>)
    %barrier3A_201 = arith.constant 0 : index
    tpu.barrier barrier_id(%barrier3A_201)
    "tpu.region"() ({
      %run_scoped3A = tpu.sem_alloc : memref<!tpu.dma_semaphore, #tpu.memory_space<semaphore_mem>>
      %dma_start3A_202 = arith.constant 0 : i32
      %dma_start3A_203 = tpu.memref_slice %arg5[%arg0, %mul3A_0, %dma_start3A_202] : memref<2x10000x64xf32, #tpu.memory_space<hbm>> -> memref<1x625x64xf32, #tpu.memory_space<hbm>>
      %dma_start3A_204 = tpu.memref_squeeze %dma_start3A_203 : memref<1x625x64xf32, #tpu.memory_space<hbm>> -> memref<625x64xf32, #tpu.memory_space<hbm>>
      %dma_start3A_205 = arith.constant 0 : i32
      %dma_start3A_206 = tpu.memref_slice %arg16[%mul3A_0, %dma_start3A_205] : memref<10048x64xf32, #tpu.memory_space<vmem_shared>> -> memref<625x64xf32, #tpu.memory_space<vmem_shared>>
      tpu.enqueue_dma source(%dma_start3A_206 : memref<625x64xf32, #tpu.memory_space<vmem_shared>>) target(%dma_start3A_204 : memref<625x64xf32, #tpu.memory_space<hbm>>) target_semaphore(%run_scoped3A : memref<!tpu.dma_semaphore, #tpu.memory_space<semaphore_mem>>)
      %dma_wait3A_207 = arith.constant 0 : i32
      %dma_wait3A_208 = tpu.memref_slice %arg5[%arg0, %mul3A_0, %dma_wait3A_207] : memref<2x10000x64xf32, #tpu.memory_space<hbm>> -> memref<1x625x64xf32, #tpu.memory_space<hbm>>
      %dma_wait3A_209 = tpu.memref_squeeze %dma_wait3A_208 : memref<1x625x64xf32, #tpu.memory_space<hbm>> -> memref<625x64xf32, #tpu.memory_space<hbm>>
      %dma_wait3A_210 = arith.constant 0 : i32
      %dma_wait3A_211 = tpu.memref_slice %arg16[%mul3A_0, %dma_wait3A_210] : memref<10048x64xf32, #tpu.memory_space<vmem_shared>> -> memref<625x64xf32, #tpu.memory_space<vmem_shared>>
      tpu.wait_dma2 semaphore(%run_scoped3A : memref<!tpu.dma_semaphore, #tpu.memory_space<semaphore_mem>>) src(%dma_wait3A_211 : memref<625x64xf32, #tpu.memory_space<vmem_shared>>) dst(%dma_wait3A_209 : memref<625x64xf32, #tpu.memory_space<hbm>>)
      tpu.yield
    }) : () -> ()
    return
  }
}

module attributes {stable_mosaic.version = 14 : i64} {
  func.func @_mm1_body(%arg0: i32, %arg1: i32, %arg2: memref<1000x128xf32, #tpu.memory_space<vmem>>, %arg3: memref<1x128x64xf32, #tpu.memory_space<vmem>>, %arg4: memref<2x1000x16xf32, #tpu.memory_space<vmem>>, %arg5: memref<1x1000x64xf32, #tpu.memory_space<vmem>>) attributes {dimension_semantics = [#tpu.dimension_semantics<arbitrary>, #tpu.dimension_semantics<arbitrary>], iteration_bounds = array<i64: 2, 10>, scalar_prefetch = 0 : i64, scratch_operands = 0 : i64, tpu.core_type = #tpu.core_type<tc>, window_params = [{transform_indices = @transform_0, window_bounds = array<i64: 1000, 128>}, {transform_indices = @transform_1, window_bounds = array<i64: 1, 128, 64>}, {transform_indices = @transform_2, window_bounds = array<i64: 2, 1000, 16>}, {transform_indices = @transform_3, window_bounds = array<i64: 1, 1000, 64>}]} {
    %get3A = arith.constant 0 : index
    %get3A_0 = arith.constant 0 : index
    %get3A_1 = arith.constant 0 : index
    %get3A_2 = vector.load %arg4[%get3A, %get3A_0, %get3A_1] : memref<2x1000x16xf32, #tpu.memory_space<vmem>>, vector<1x1000x1xf32>
    %get3A_3 = vector.shape_cast %get3A_2 : vector<1x1000x1xf32> to vector<1000xf32>
    %get3A_4 = arith.constant 1 : index
    %get3A_5 = arith.constant 0 : index
    %get3A_6 = arith.constant 0 : index
    %get3A_7 = vector.load %arg4[%get3A_4, %get3A_5, %get3A_6] : memref<2x1000x16xf32, #tpu.memory_space<vmem>>, vector<1x1000x1xf32>
    %get3A_8 = vector.shape_cast %get3A_7 : vector<1x1000x1xf32> to vector<1000xf32>
    %add3A = arith.addf %get3A_3, %get3A_8 : vector<1000xf32>
    %add3A_9 = arith.constant 1.000000e+00 : f32
    %add3A_10 = vector.broadcast %add3A_9 : f32 to vector<1000xf32>
    %add3A_11 = arith.addf %add3A, %add3A_10 : vector<1000xf32>
    %rsqrt3A = math.rsqrt %add3A_11 : vector<1000xf32>
    %broadcast_in_dim3A = vector.shape_cast %rsqrt3A : vector<1000xf32> to vector<1000x1xf32>
    %get3A_12 = arith.constant 0 : index
    %get3A_13 = arith.constant 0 : index
    %get3A_14 = vector.load %arg2[%get3A_12, %get3A_13] : memref<1000x128xf32, #tpu.memory_space<vmem>>, vector<1000x128xf32>
    %get3A_15 = arith.constant 0 : index
    %get3A_16 = arith.constant 0 : index
    %get3A_17 = arith.constant 0 : index
    %get3A_18 = vector.load %arg3[%get3A_15, %get3A_16, %get3A_17] : memref<1x128x64xf32, #tpu.memory_space<vmem>>, vector<1x128x64xf32>
    %get3A_19 = vector.shape_cast %get3A_18 : vector<1x128x64xf32> to vector<128x64xf32>
    %dot_general3A = arith.constant dense<0.000000e+00> : vector<1000x64xf32>
    %dot_general3A_20 = tpu.matmul %get3A_14, %get3A_19, %dot_general3A {dimension_numbers = #tpu.dot_dimension_numbers<[1], [0], [0], [1], [0, 0, 1, 1], [], []>, transpose_lhs_hint = false} : vector<1000x128xf32>, vector<128x64xf32>, vector<1000x64xf32> -> vector<1000x64xf32>
    %mul3A = vector.broadcast %broadcast_in_dim3A : vector<1000x1xf32> to vector<1000x64xf32>
    %mul3A_21 = arith.mulf %dot_general3A_20, %mul3A : vector<1000x64xf32>
    %swap3A = arith.constant 0 : index
    %swap3A_22 = arith.constant 0 : index
    %swap3A_23 = arith.constant 0 : index
    %swap3A_24 = vector.load %arg5[%swap3A, %swap3A_22, %swap3A_23] : memref<1x1000x64xf32, #tpu.memory_space<vmem>>, vector<1x1000x64xf32>
    %swap3A_25 = vector.shape_cast %swap3A_24 : vector<1x1000x64xf32> to vector<1000x64xf32>
    %swap3A_26 = vector.shape_cast %mul3A_21 : vector<1000x64xf32> to vector<1x1000x64xf32>
    tpu.vector_store %arg5[%swap3A, %swap3A_22, %swap3A_23], %swap3A_26 {strides = array<i32>} : memref<1x1000x64xf32, #tpu.memory_space<vmem>>, vector<1x1000x64xf32>,
    return
  }
  func.func @transform_0(%arg0: i32, %arg1: i32) -> (i32, i32) {
    %c0_i32 = arith.constant 0 : i32
    %c0_i32_0 = arith.constant 0 : i32
    return %arg1, %c0_i32 : i32, i32
  }
  func.func @transform_1(%arg0: i32, %arg1: i32) -> (i32, i32, i32) {
    %c0_i32 = arith.constant 0 : i32
    %c0_i32_0 = arith.constant 0 : i32
    %c0_i32_1 = arith.constant 0 : i32
    return %arg0, %c0_i32, %c0_i32_0 : i32, i32, i32
  }
  func.func @transform_2(%arg0: i32, %arg1: i32) -> (i32, i32, i32) {
    %c0_i32 = arith.constant 0 : i32
    %c0_i32_0 = arith.constant 0 : i32
    %c0_i32_1 = arith.constant 0 : i32
    return %c0_i32, %arg1, %c0_i32_0 : i32, i32, i32
  }
  func.func @transform_3(%arg0: i32, %arg1: i32) -> (i32, i32, i32) {
    %c0_i32 = arith.constant 0 : i32
    %c0_i32_0 = arith.constant 0 : i32
    return %arg0, %arg1, %c0_i32 : i32, i32, i32
  }
}

module attributes {stable_mosaic.version = 14 : i64} {
  func.func @_mid_body(%arg0: i32, %arg1: i32, %arg2: memref<1x1000x64xf32, #tpu.memory_space<vmem>>, %arg3: memref<1x1000x64xf32, #tpu.memory_space<vmem>>, %arg4: memref<2x1000x16xf32, #tpu.memory_space<vmem>>, %arg5: memref<1x128xf32, #tpu.memory_space<vmem>>, %arg6: memref<1x128x64xf32, #tpu.memory_space<vmem>>, %arg7: memref<1x1000x64xf32, #tpu.memory_space<vmem>>) attributes {dimension_semantics = [#tpu.dimension_semantics<arbitrary>, #tpu.dimension_semantics<arbitrary>], iteration_bounds = array<i64: 2, 10>, scalar_prefetch = 0 : i64, scratch_operands = 0 : i64, tpu.core_type = #tpu.core_type<tc>, window_params = [{transform_indices = @transform_0, window_bounds = array<i64: 1, 1000, 64>}, {transform_indices = @transform_1, window_bounds = array<i64: 1, 1000, 64>}, {transform_indices = @transform_2, window_bounds = array<i64: 2, 1000, 16>}, {pipeline_mode = #tpu.pipeline_mode<synchronous>, transform_indices = @transform_3, window_bounds = array<i64: 1, 128>}, {transform_indices = @transform_4, window_bounds = array<i64: 1, 128, 64>}, {transform_indices = @transform_5, window_bounds = array<i64: 1, 1000, 64>}]} {
    %get3A = arith.constant 0 : index
    %get3A_0 = arith.constant 0 : index
    %get3A_1 = arith.constant 0 : index
    %get3A_2 = vector.load %arg4[%get3A, %get3A_0, %get3A_1] : memref<2x1000x16xf32, #tpu.memory_space<vmem>>, vector<1x1000x1xf32>
    %get3A_3 = vector.shape_cast %get3A_2 : vector<1x1000x1xf32> to vector<1000xf32>
    %get3A_4 = arith.constant 1 : index
    %get3A_5 = arith.constant 0 : index
    %get3A_6 = arith.constant 0 : index
    %get3A_7 = vector.load %arg4[%get3A_4, %get3A_5, %get3A_6] : memref<2x1000x16xf32, #tpu.memory_space<vmem>>, vector<1x1000x1xf32>
    %get3A_8 = vector.shape_cast %get3A_7 : vector<1x1000x1xf32> to vector<1000xf32>
    %add3A = arith.addf %get3A_3, %get3A_8 : vector<1000xf32>
    %add3A_9 = arith.constant 1.000000e+00 : f32
    %add3A_10 = vector.broadcast %add3A_9 : f32 to vector<1000xf32>
    %add3A_11 = arith.addf %add3A, %add3A_10 : vector<1000xf32>
    %rsqrt3A = math.rsqrt %add3A_11 : vector<1000xf32>
    %broadcast_in_dim3A = vector.shape_cast %rsqrt3A : vector<1000xf32> to vector<1000x1xf32>
    %get3A_12 = arith.constant 0 : index
    %get3A_13 = arith.constant 0 : index
    %get3A_14 = arith.constant 0 : index
    %get3A_15 = vector.load %arg2[%get3A_12, %get3A_13, %get3A_14] : memref<1x1000x64xf32, #tpu.memory_space<vmem>>, vector<1x1000x64xf32>
    %get3A_16 = vector.shape_cast %get3A_15 : vector<1x1000x64xf32> to vector<1000x64xf32>
    %get3A_17 = arith.constant 0 : index
    %get3A_18 = arith.constant 0 : index
    %get3A_19 = arith.constant 0 : index
    %get3A_20 = vector.load %arg3[%get3A_17, %get3A_18, %get3A_19] : memref<1x1000x64xf32, #tpu.memory_space<vmem>>, vector<1x1000x64xf32>
    %get3A_21 = vector.shape_cast %get3A_20 : vector<1x1000x64xf32> to vector<1000x64xf32>
    %concatenate3A = tpu.concatenate %get3A_16, %get3A_21 in 1 : vector<1000x64xf32>, vector<1000x64xf32> -> vector<1000x128xf32>
    %mul3A = vector.broadcast %broadcast_in_dim3A : vector<1000x1xf32> to vector<1000x128xf32>
    %mul3A_22 = arith.mulf %concatenate3A, %mul3A : vector<1000x128xf32>
    %get3A_23 = arith.constant 0 : index
    %get3A_24 = arith.constant 0 : index
    %get3A_25 = vector.load %arg5[%get3A_23, %get3A_24] : memref<1x128xf32, #tpu.memory_space<vmem>>, vector<1x128xf32>
    %add3A_26 = vector.broadcast %get3A_25 : vector<1x128xf32> to vector<1000x128xf32>
    %add3A_27 = arith.addf %mul3A_22, %add3A_26 : vector<1000x128xf32>
    %max3A = arith.constant 0.000000e+00 : f32
    %max3A_28 = vector.broadcast %max3A : f32 to vector<1000x128xf32>
    %max3A_29 = arith.maximumf %add3A_27, %max3A_28 : vector<1000x128xf32>
    %get3A_30 = arith.constant 0 : index
    %get3A_31 = arith.constant 0 : index
    %get3A_32 = arith.constant 0 : index
    %get3A_33 = vector.load %arg6[%get3A_30, %get3A_31, %get3A_32] : memref<1x128x64xf32, #tpu.memory_space<vmem>>, vector<1x128x64xf32>
    %get3A_34 = vector.shape_cast %get3A_33 : vector<1x128x64xf32> to vector<128x64xf32>
    %dot_general3A = arith.constant dense<0.000000e+00> : vector<1000x64xf32>
    %dot_general3A_35 = tpu.matmul %max3A_29, %get3A_34, %dot_general3A {dimension_numbers = #tpu.dot_dimension_numbers<[1], [0], [0], [1], [0, 0, 1, 1], [], []>, transpose_lhs_hint = false} : vector<1000x128xf32>, vector<128x64xf32>, vector<1000x64xf32> -> vector<1000x64xf32>
    %mul3A_36 = vector.broadcast %broadcast_in_dim3A : vector<1000x1xf32> to vector<1000x64xf32>
    %mul3A_37 = arith.mulf %dot_general3A_35, %mul3A_36 : vector<1000x64xf32>
    %swap3A = arith.constant 0 : index
    %swap3A_38 = arith.constant 0 : index
    %swap3A_39 = arith.constant 0 : index
    %swap3A_40 = vector.load %arg7[%swap3A, %swap3A_38, %swap3A_39] : memref<1x1000x64xf32, #tpu.memory_space<vmem>>, vector<1x1000x64xf32>
    %swap3A_41 = vector.shape_cast %swap3A_40 : vector<1x1000x64xf32> to vector<1000x64xf32>
    %swap3A_42 = vector.shape_cast %mul3A_37 : vector<1000x64xf32> to vector<1x1000x64xf32>
    tpu.vector_store %arg7[%swap3A, %swap3A_38, %swap3A_39], %swap3A_42 {strides = array<i32>} : memref<1x1000x64xf32, #tpu.memory_space<vmem>>, vector<1x1000x64xf32>,
    return
  }
  func.func @transform_0(%arg0: i32, %arg1: i32) -> (i32, i32, i32) {
    %c0_i32 = arith.constant 0 : i32
    %c0_i32_0 = arith.constant 0 : i32
    %c0_i32_1 = arith.constant 0 : i32
    return %c0_i32, %arg1, %c0_i32_0 : i32, i32, i32
  }
  func.func @transform_1(%arg0: i32, %arg1: i32) -> (i32, i32, i32) {
    %c1_i32 = arith.constant 1 : i32
    %c0_i32 = arith.constant 0 : i32
    %c0_i32_0 = arith.constant 0 : i32
    return %c1_i32, %arg1, %c0_i32 : i32, i32, i32
  }
  func.func @transform_2(%arg0: i32, %arg1: i32) -> (i32, i32, i32) {
    %c0_i32 = arith.constant 0 : i32
    %c0_i32_0 = arith.constant 0 : i32
    %c0_i32_1 = arith.constant 0 : i32
    return %c0_i32, %arg1, %c0_i32_0 : i32, i32, i32
  }
  func.func @transform_3(%arg0: i32, %arg1: i32) -> (i32, i32) {
    %c0_i32 = arith.constant 0 : i32
    %c0_i32_0 = arith.constant 0 : i32
    %c0_i32_1 = arith.constant 0 : i32
    return %c0_i32, %c0_i32_0 : i32, i32
  }
  func.func @transform_4(%arg0: i32, %arg1: i32) -> (i32, i32, i32) {
    %c0_i32 = arith.constant 0 : i32
    %c0_i32_0 = arith.constant 0 : i32
    %c0_i32_1 = arith.constant 0 : i32
    return %arg0, %c0_i32, %c0_i32_0 : i32, i32, i32
  }
  func.func @transform_5(%arg0: i32, %arg1: i32) -> (i32, i32, i32) {
    %c0_i32 = arith.constant 0 : i32
    %c0_i32_0 = arith.constant 0 : i32
    return %arg0, %arg1, %c0_i32 : i32, i32, i32
  }
}

module attributes {stable_mosaic.version = 14 : i64} {
  func.func @_fin_body(%arg0: i32, %arg1: memref<1x1000x64xf32, #tpu.memory_space<vmem>>, %arg2: memref<1x1000x64xf32, #tpu.memory_space<vmem>>, %arg3: memref<2x1000x16xf32, #tpu.memory_space<vmem>>, %arg4: memref<1x128xf32, #tpu.memory_space<vmem>>, %arg5: memref<1000x128xf32, #tpu.memory_space<vmem>>) attributes {dimension_semantics = [#tpu.dimension_semantics<arbitrary>], iteration_bounds = array<i64: 10>, scalar_prefetch = 0 : i64, scratch_operands = 0 : i64, tpu.core_type = #tpu.core_type<tc>, window_params = [{transform_indices = @transform_0, window_bounds = array<i64: 1, 1000, 64>}, {transform_indices = @transform_1, window_bounds = array<i64: 1, 1000, 64>}, {transform_indices = @transform_2, window_bounds = array<i64: 2, 1000, 16>}, {pipeline_mode = #tpu.pipeline_mode<synchronous>, transform_indices = @transform_3, window_bounds = array<i64: 1, 128>}, {transform_indices = @transform_4, window_bounds = array<i64: 1000, 128>}]} {
    %get3A = arith.constant 0 : index
    %get3A_0 = arith.constant 0 : index
    %get3A_1 = arith.constant 0 : index
    %get3A_2 = vector.load %arg3[%get3A, %get3A_0, %get3A_1] : memref<2x1000x16xf32, #tpu.memory_space<vmem>>, vector<1x1000x1xf32>
    %get3A_3 = vector.shape_cast %get3A_2 : vector<1x1000x1xf32> to vector<1000xf32>
    %get3A_4 = arith.constant 1 : index
    %get3A_5 = arith.constant 0 : index
    %get3A_6 = arith.constant 0 : index
    %get3A_7 = vector.load %arg3[%get3A_4, %get3A_5, %get3A_6] : memref<2x1000x16xf32, #tpu.memory_space<vmem>>, vector<1x1000x1xf32>
    %get3A_8 = vector.shape_cast %get3A_7 : vector<1x1000x1xf32> to vector<1000xf32>
    %add3A = arith.addf %get3A_3, %get3A_8 : vector<1000xf32>
    %add3A_9 = arith.constant 1.000000e+00 : f32
    %add3A_10 = vector.broadcast %add3A_9 : f32 to vector<1000xf32>
    %add3A_11 = arith.addf %add3A, %add3A_10 : vector<1000xf32>
    %rsqrt3A = math.rsqrt %add3A_11 : vector<1000xf32>
    %broadcast_in_dim3A = vector.shape_cast %rsqrt3A : vector<1000xf32> to vector<1000x1xf32>
    %get3A_12 = arith.constant 0 : index
    %get3A_13 = arith.constant 0 : index
    %get3A_14 = arith.constant 0 : index
    %get3A_15 = vector.load %arg1[%get3A_12, %get3A_13, %get3A_14] : memref<1x1000x64xf32, #tpu.memory_space<vmem>>, vector<1x1000x64xf32>
    %get3A_16 = vector.shape_cast %get3A_15 : vector<1x1000x64xf32> to vector<1000x64xf32>
    %get3A_17 = arith.constant 0 : index
    %get3A_18 = arith.constant 0 : index
    %get3A_19 = arith.constant 0 : index
    %get3A_20 = vector.load %arg2[%get3A_17, %get3A_18, %get3A_19] : memref<1x1000x64xf32, #tpu.memory_space<vmem>>, vector<1x1000x64xf32>
    %get3A_21 = vector.shape_cast %get3A_20 : vector<1x1000x64xf32> to vector<1000x64xf32>
    %concatenate3A = tpu.concatenate %get3A_16, %get3A_21 in 1 : vector<1000x64xf32>, vector<1000x64xf32> -> vector<1000x128xf32>
    %mul3A = vector.broadcast %broadcast_in_dim3A : vector<1000x1xf32> to vector<1000x128xf32>
    %mul3A_22 = arith.mulf %concatenate3A, %mul3A : vector<1000x128xf32>
    %get3A_23 = arith.constant 0 : index
    %get3A_24 = arith.constant 0 : index
    %get3A_25 = vector.load %arg4[%get3A_23, %get3A_24] : memref<1x128xf32, #tpu.memory_space<vmem>>, vector<1x128xf32>
    %add3A_26 = vector.broadcast %get3A_25 : vector<1x128xf32> to vector<1000x128xf32>
    %add3A_27 = arith.addf %mul3A_22, %add3A_26 : vector<1000x128xf32>
    %swap3A = arith.constant 0 : index
    %swap3A_28 = arith.constant 0 : index
    %swap3A_29 = vector.load %arg5[%swap3A, %swap3A_28] : memref<1000x128xf32, #tpu.memory_space<vmem>>, vector<1000x128xf32>
    tpu.vector_store %arg5[%swap3A, %swap3A_28], %add3A_27 {strides = array<i32>} : memref<1000x128xf32, #tpu.memory_space<vmem>>, vector<1000x128xf32>,
    return
  }
  func.func @transform_0(%arg0: i32) -> (i32, i32, i32) {
    %c0_i32 = arith.constant 0 : i32
    %c0_i32_0 = arith.constant 0 : i32
    %c0_i32_1 = arith.constant 0 : i32
    return %c0_i32, %arg0, %c0_i32_0 : i32, i32, i32
  }
  func.func @transform_1(%arg0: i32) -> (i32, i32, i32) {
    %c1_i32 = arith.constant 1 : i32
    %c0_i32 = arith.constant 0 : i32
    %c0_i32_0 = arith.constant 0 : i32
    return %c1_i32, %arg0, %c0_i32 : i32, i32, i32
  }
  func.func @transform_2(%arg0: i32) -> (i32, i32, i32) {
    %c0_i32 = arith.constant 0 : i32
    %c0_i32_0 = arith.constant 0 : i32
    %c0_i32_1 = arith.constant 0 : i32
    return %c0_i32, %arg0, %c0_i32_0 : i32, i32, i32
  }
  func.func @transform_3(%arg0: i32) -> (i32, i32) {
    %c0_i32 = arith.constant 0 : i32
    %c0_i32_0 = arith.constant 0 : i32
    %c0_i32_1 = arith.constant 0 : i32
    return %c0_i32, %c0_i32_0 : i32, i32
  }
  func.func @transform_4(%arg0: i32) -> (i32, i32) {
    %c0_i32 = arith.constant 0 : i32
    %c0_i32_0 = arith.constant 0 : i32
    return %arg0, %c0_i32 : i32, i32
  }
}

</mosaic_0001>

<sc_bundles>
// kernel: kernel.11.cloned.1.call-start
scs
__scs_entry_jumppad:
0x0: {  	(pc) =	sbr.rel $0x88, $3  }
0x1: {  	(tag) =	ssettag $0x0;
	lr =	simm.s32 $0x1  }
0x2: {  	[smem:$0x3F9B] =	sst lr;
	_ =	strace $0xD0000000  }
0x3: {  	_ = 	snop  }
0x4: {  	_ = 	snop  }
0x5: {  	_ = 	snop  }
0x6: {  	_ = 	snop  }
0x7: {  	_ = 	snop  }
__scs_overlays_trampoline_lowered:
0x8: {  	[smem:$0x3FAA] =	sst s0  }
0x9: {  	[smem:$0x3FAB] =	sst s1  }
0xa: {  	[smem:$0x3FAC] =	sst s2  }
0xb: {  	[smem:$0x3FAD] =	sst s3  }
0xc: {  	[smem:$0x3FAE] =	sst s4  }
0xd: {  	[smem:$0x3FAF] =	sst s5  }
0xe: {  	[smem:$0x3FB0] =	sst s6  }
0xf: {  	[smem:$0x3FB1] =	sst s7  }
0x10: {  	[smem:$0x3FB2] =	sst s8  }
0x11: {  	[smem:$0x3FB3] =	sst s9;
	s0 =	simm.s32 @!p0 $0x0  }
0x12: {  	s1 =	sld [smem:$0x3F99];
	s0 =	simm.s32 @p0 $0x1  }
0x13: {  	[smem:$0x3FB4] =	sst s0;
	s0 =	simm.s32 @!p1 $0x0  }
0x14: {  	s2 =	sld [smem:$0x3F98];
	s0 =	simm.s32 @p1 $0x1  }
0x15: {  	[smem:$0x3FB5] =	sst s0;
	s0 =	simm.s32 @!p2 $0x0  }
0x16: {  	s3 =	sld [smem:$0x3FDB];
	s0 =	simm.s32 @p2 $0x1  }
0x17: {  	s4 =	simm.s32 $0x1BF5;
	[smem:$0x3FB7] =	sst s0  }
0x18: {  	s0 =	sld [smem:$0x3F9A];
	_ =	swait.ge [sflag:s4], $0x0  }
0x19: {  	s7 =	sld [smem:$0x3F9B]  }
0x1a: {  	s8 =	sadd.s32 $0xFFFFE003, lr  }
0x1b: {  	s9 =	sadd.s32 $0xFFFFFEF7, lr;
	s5 =	simm.s32 $0xFFFFFFFF;
	p2 =	slt.u32 s8, $0xFFFFF086  }
0x1c: {  	p1 =	slt.u32 s9, $0xF7A;
	s5 =	simm.s32 @!p2 $0x0  }
0x1d: {  	s5 =	simm.s32 @p1 $0x1;
	p0 =	seq.s32 s7, s2  }
0x1e: {  	s7 =	smul.u32 @!p0 $0xF7A, s2;
	p2 =	seq.s32 @!p0 s5, $0x0  }
0x1f: {  	s9 =	smul.u32 $0xF7A, s1;
	s8 =	simm.s32 @!p0 $0x1BF5;
	p2 =	por !p2, p0  }
0x20: {  	[sflag:s8] =	ssyncset.s32 @!p0 $0xFFFFF086;
	s6 =	sadd.s32 @!p0 s3, s7;
	s7 =	simm.s32 @!p0 $0x108  }
0x21: {  	s3 =	sadd.s32 s3, s9;
	s6 =	sadd.s32 @!p0 $0x88, s6;
	s7 =	simm.s32 @p2 $0x1082  }
0x22: {  	[simem:s7], [sflag:s8] =	dma.local @!p0 [hbm:s6], $0xF7A  }
0x23: {  	s9 =	sor.u32 $0xD0000000, s2;
	s6 =	simm.s32 $0x108;
	_ =	swait.ge @!p0 [sflag:s8], $0x0  }
0x24: {  	s3 =	sadd.s32 $0x88, s3;
	s6 =	simm.s32 @!p1 $0x1082;
	[sflag:s4] =	ssyncset.s32 $0xFFFFF086  }
0x25: {  	[simem:s6], [sflag:s4] =	dma.local [hbm:s3], $0xF7A  }
0x26: {  	[smem:$0x3F9B] =	sst s1;
	(tag) =	ssettag s2;
	_ =	strace s9  }
0x27: {  	s1 =	sld [smem:$0x3FAB]  }
0x28: {  	s2 =	sld [smem:$0x3FAC]  }
0x29: {  	s4 =	sld [smem:$0x3FAE]  }
0x2a: {  	p0 =	seq.s32 s5, $0x0;
	s5 =	sld [smem:$0x3FAF]  }
0x2b: {  	s6 =	sld [smem:$0x3FB0]  }
0x2c: {  	s7 =	sld [smem:$0x3FB1]  }
0x2d: {  	s3 =	simm.s32 $0x108;
	s8 =	sld [smem:$0x3FB2]  }
0x2e: {  	s3 =	simm.s32 @!p0 $0x1082;
	s9 =	sld [smem:$0x3FB3]  }
0x2f: {  	lr =	sadd.s32 s0, s3;
	s0 =	sld [smem:$0x3FAA]  }
0x30: {  	s3 =	sld [smem:$0x3FAD]  }
0x31: {  	[smem:$0x3FB6] =	sst s10  }
0x32: {  	s10 =	sld [smem:$0x3FB4];
	_ =	sdelay $0x3  }
0x33: {  	p0 =	seq.s32 s10, $0x1;
	s10 =	sld [smem:$0x3FB6];
	_ =	sdelay $0x3  }
0x34: {  	[smem:$0x3FB6] =	sst s10  }
0x35: {  	s10 =	sld [smem:$0x3FB5];
	_ =	sdelay $0x3  }
0x36: {  	p1 =	seq.s32 s10, $0x1;
	s10 =	sld [smem:$0x3FB6];
	_ =	sdelay $0x3  }
0x37: {  	[smem:$0x3FB6] =	sst s10  }
0x38: {  	s10 =	sld [smem:$0x3FB7]  }
0x39: {  	_ = 	snop;
	(pc) =	sbr.ind lr, $3  }
0x3a: {  	_ = 	snop  }
0x3b: {  	_ = 	snop  }
0x3c: {  	p2 =	seq.s32 s10, $0x1;
	s10 =	sld [smem:$0x3FB6]  }
0x3d: {  	_ =	shalt  }
0x3e: {  	_ =	shalt  }
0x3f: {  	_ =	shalt  }
0x40: {  	_ =	shalt  }
0x41: {  	_ =	shalt  }
0x42: {  	_ =	shalt  }
0x43: {  	_ =	shalt  }
0x44: {  	_ =	shalt  }
0x45: {  	_ =	shalt  }
0x46: {  	_ =	shalt  }
0x47: {  	_ =	shalt  }
0x48: {  	_ =	shalt  }
0x49: {  	_ =	shalt  }
0x4a: {  	_ =	shalt  }
0x4b: {  	_ =	shalt  }
0x4c: {  	_ =	shalt  }
0x4d: {  	_ =	shalt  }
0x4e: {  	_ =	shalt  }
0x4f: {  	_ =	shalt  }
0x50: {  	_ =	shalt  }
0x51: {  	_ =	shalt  }
0x52: {  	_ =	shalt  }
0x53: {  	_ =	shalt  }
0x54: {  	_ =	shalt  }
0x55: {  	_ =	shalt  }
0x56: {  	_ =	shalt  }
0x57: {  	_ =	shalt  }
0x58: {  	_ =	shalt  }
0x59: {  	_ =	shalt  }
0x5a: {  	_ =	shalt  }
0x5b: {  	_ =	shalt  }
0x5c: {  	_ =	shalt  }
0x5d: {  	_ =	shalt  }
0x5e: {  	_ =	shalt  }
0x5f: {  	_ =	shalt  }
0x60: {  	_ =	shalt  }
0x61: {  	_ =	shalt  }
0x62: {  	_ =	shalt  }
0x63: {  	_ =	shalt  }
0x64: {  	_ =	shalt  }
0x65: {  	_ =	shalt  }
0x66: {  	_ =	shalt  }
0x67: {  	_ =	shalt  }
0x68: {  	_ =	shalt  }
0x69: {  	_ =	shalt  }
0x6a: {  	_ =	shalt  }
0x6b: {  	_ =	shalt  }
0x6c: {  	_ =	shalt  }
0x6d: {  	_ =	shalt  }
0x6e: {  	_ =	shalt  }
0x6f: {  	_ =	shalt  }
0x70: {  	_ =	shalt  }
0x71: {  	_ =	shalt  }
0x72: {  	_ =	shalt  }
0x73: {  	_ =	shalt  }
0x74: {  	_ =	shalt  }
0x75: {  	_ =	shalt  }
0x76: {  	_ =	shalt  }
0x77: {  	_ =	shalt  }
0x78: {  	_ =	shalt  }
0x79: {  	_ =	shalt  }
0x7a: {  	_ =	shalt  }
0x7b: {  	_ =	shalt  }
0x7c: {  	_ =	shalt  }
0x7d: {  	_ =	shalt  }
0x7e: {  	_ =	shalt  }
0x7f: {  	_ =	shalt  }
0x80: {  	_ =	shalt  }
0x81: {  	_ =	shalt  }
0x82: {  	_ =	shalt  }
0x83: {  	_ =	shalt  }
0x84: {  	_ =	shalt  }
0x85: {  	_ =	shalt  }
0x86: {  	_ =	shalt  }
0x87: {  	_ =	shalt  }
.Lfunc_end0:
.L_simem_size_0:
called_computation.1_lowered:
.L_overlay_start_0:
0x88: {  	s2 =	sld [smem:$0x3FD9]  }
0x89: {  	s3 =	sld [smem:$0x3FFE];
	_ =	sdelay $0x1  }
0x8a: {  	s1 =	srdreg.scid  }
0x8b: {  	s0 =	sand.u32 $0x1, s1  }
0x8c: {  	s17 =	sshll.u32 s0, $0xA;
	s2 =	sadd.s32 s3, s2  }
0x8d: {  	s2 =	sadd.s32 s2, s17  }
0x8e: {  	[smem:$0x3FC2] =	sst s2  }
0x8f: {  	_ = 	snop  }
0x90: {  	s2 =	sld [smem:$0x3FD0];
	(tm) =	ssettm $0x1  }
0x91: {  	s18 =	sld [smem:$0x3FFB];
	_ =	sdelay $0x3  }
0x92: {  	_ =	strace s18  }
0x93: {  	s3 =	sld [smem:$0x3FFC];
	_ =	sdelay $0x3  }
0x94: {  	_ =	strace s3  }
0x95: {  	s3 =	sld [smem:$0x3FFD];
	_ =	sdelay $0x3  }
0x96: {  	_ =	strace s3  }
0x97: {  	_ =	strace $0x8FFFFFFF  }
0x98: {  	s19 =	sld [smem:$0x3FDB];
	_ =	sdelay $0x1  }
0x99: {  	s4 =	simm.s32 $_scs_section_size  }
0x9a: {  	s5 =	simm.s32 $_size__tile_overlayer_lowered;
	s6 =	simm.s32 $_tile_overlayer_lowered  }
0x9b: {  	s22 =	simm.s32 $0x1BFF;
	s21 =	sshll.u32 s6, $0x1;
	s3 =	sadd.s32 s4, s19  }
0x9c: {  	s7 =	simm.s32 $0x0;
	s20 =	sshll.u32 s5, $0x1;
	s5 =	sadd.s32 s21, s3  }
0x9d: {  	[timem:s7], [sflag:s22] =	dma.local [hbm:s5], s20  }
0x9e: {  	_ =	swait.ge [sflag:s22], s20  }
0x9f: {  	s4 =	ssub.s32 $0x0, s20;
	[sflag:s22] =	ssyncset.done $0x0  }
0xa0: {  	[sflag:s22] =	ssyncadd.s32 s4;
	_ =	sdelay $0x1  }
0xa1: {  	s23 =	simm.s32 $0x1B8B  }
0xa2: {  	_ =	swait.ge [sflag:s23], $0x1  }
0xa3: {  	[sflag:s23] =	ssyncset.done $0x0  }
0xa4: {  	s25 =	simm.s32 $0x1B8E;
	s24 =	sld [smem:$0x3FFE];
	[sflag:s23] =	ssyncadd.s32 $0xFFFFFFFF  }
0xa5: {  	s26 =	simm.s32 $execute0_lowered;
	[smem:$0x3FD2] =	sst s25  }
0xa6: {  	s5 =	sshll.u32 s26, $0x1;
	_ =	strace $0x80000049;
	[dreg:$0x1] =	wrdreg $0xFFFFFFFF  }
0xa7: {  	s28 =	simm.s32 $_size_execute0_lowered;
	s3 =	sadd.s32 s3, s5;
	[dreg:$0x0] =	wrdreg $0x0  }
0xa8: {  	s5 =	sshll.u32 s28, $0x1;
	[dreg:$0x2] =	wrdreg s3  }
0xa9: {  	[dreg:$0x3] =	wrdreg s5  }
0xaa: {  	[dreg:$0x4] =	wrdreg $0xC0  }
0xab: {  	_ =	task [dreg:s7], $0x5FFFF  }
0xac: {  	[dreg:$0x1] =	wrdreg $0xFFFFFFFF  }
0xad: {  	[dreg:$0x0] =	wrdreg $0x60  }
0xae: {  	[dreg:$0x2] =	wrdreg s2  }
0xaf: {  	[dreg:$0x3] =	wrdreg s24  }
0xb0: {  	[dreg:$0x4] =	wrdreg $0x150000  }
0xb1: {  	[dreg:$0x5] =	wrdreg $0x9  }
0xb2: {  	_ =	task.clear_ibuf [dreg:s7], $0x6FFFF;
	_ =	strace $0x90000049  }
0xb3: {  	s29 =	simm.s32 $0x9;
	_ =	strace $0x8000004B  }
0xb4: {  	_ =	swait.ge [sflag:s29], $0x1  }
0xb5: {  	[sflag:s29] =	ssyncadd.s32 $0xFFFFFFFF  }
0xb6: {  	_ =	strace $0x9000004B  }
0xb7: {  	_ =	sfence  }
0xb8: {  	s30 =	sld [smem:$0x0];
	_ =	sdelay $0x2  }
0xb9: {  	s31 =	sshll.u32 s1, $0xD;
	s1 =	sshrl.u32 s1, $0x2  }
0xba: {  	s3 =	sand.u32 $0x4000, s31;
	s1 =	sadd.s32 s1, s30  }
0xbb: {  	s0 =	sor.u32 s3, s0;
	s1 =	sshll.u32 s1, $0x11  }
0xbc: {  	s0 =	sor.u32 s1, s0  }
0xbd: {  	s0 =	sadd.s32 $0x8F2B, s0  }
0xbe: {  	[sflag:s0] =	ssyncadd.remote.s32 $0x1  }
0xbf: {  	_ =	sfence.sel $0xFFFF  }
0xc0: {  	[dreg:$0x0] =	wrdreg $0xFFFFFFFF;
	(pc) =	sbr.abs _section_cstart, $3  }
0xc1: {  	[dreg:$0x1] =	wrdreg $0xFFFFFFFF  }
0xc2: {  	_ =	task.clear_ibuf [dreg:s7], $0x2FFFF;
	_ =	strace $0x9FFFFFFF  }
0xc3: {  	(tm) =	ssettm $0x7FFFFFFF  }
tec
execute0_lowered:
.L_overlay_start_1:
0x0: {  	(tag) =	ssettag $0x1  }
0x1: {  	s0 =	rddreg [dreg:$0x0]  }
0x2: {  	s1 =	rddreg [dreg:$0x1]  }
0x3: {  	s2 =	rddreg [dreg:$0x2];
	s3 =	srdreg.scid  }
0x4: {  	s12 =	stileid.u32;
	s5 =	simm.s32 $0x0;
	s15 =	simm.s32 $0x12  }
0x5: {  	s16 =	simm.s32 $0x11;
	s17 =	simm.s32 $0x80;
	s28 =	simm.s32 $0xF000  }
0x6: {  	s29 =	simm.s32 $0x3;
	s30 =	simm.s32 $0x11000;
	s31 =	simm.s32 $0x4  }
0x7: {  	s13 =	simm.s32 $0x8;
	s3 =	sand.u32 $0x1, s3;
	s4 =	smul.u32 $0x9C40, s12  }
0x8: {  	[smem:$0x7FF] =	sst s5;
	s6 =	sadd.s32 $0xC400, s1;
	s9 =	smul.u32 $0xA00, s12  }
0x9: {  	s7 =	sadd.s32 $0x2400, s1;
	s11 =	smul.u32 $0x5000, s12;
	s21 =	sshll.u32 s12, $0x6  }
0xa: {  	s12 =	simm.s32 $0xF;
	s18 =	smul.u32 $0x9C400, s3;
	s3 =	ssub.s32 $0x2, s3  }
0xb: {  	_ =	strace $0x8000004A;
	s10 =	sshrl.u32 s3, $0x1;
	s19 =	sadd.s32 s6, s9  }
0xc: {  	s9 =	sadd.s32 s7, s9;
	s20 =	sshrl.u32 s11, $0x3;
	s11 =	sor.u32 $0x1C12, s21  }
0xd: {  	s21 =	simm.s32 $0x9000;
	s8 =	sadd.s32 s4, s18;
	[dreg:$0x4] =	wrdreg s19  }
0xe: {  	s3 =	ssub.s32 s3, s10;
	[dreg:$0x5] =	wrdreg s9;
	s4 =	sadd.s32 s4, s2  }
0xf: {  	s5 =	sshrl.u32 s18, $0x3;
	s22 =	sadd.s32 $0x500, s20;
	s18 =	simm.s32 $0x5000  }
0x10: {  	s19 =	simm.s32 $0x7000;
	s9 =	simm.s32 $0xC;
	s20 =	simm.s32 $0x10  }
0x11: {  	[dreg:$0x7] =	wrdreg s11;
	s8 =	sshrl.u32 s8, $0x3;
	s23 =	sadd.s32 s6, s22  }
0x12: {  	s24 =	sadd.s32 s7, s22;
	s26 =	smax.u32 s3, $0x1;
	s14 =	sshrl.u32 s4, $0x3  }
0x13: {  	s4 =	simm.s32 $0x9;
	s6 =	simm.s32 $0xB;
	[dreg:$0x8] =	wrdreg s23  }
0x14: {  	s22 =	simm.s32 $0x0;
	s1 =	sadd.s32 s8, s1;
	[dreg:$0x9] =	wrdreg s24  }
.Ltmp0:
0x15: {  	s8 =	sadd.s32 s0, s8;
	[dreg:$0xb] =	wrdreg s26;
	(pc) =	sbr.rel .LBB2_1-.Ltmp0, $4  }
0x16: {  	s23 =	simm.s32 $0xB000;
	s24 =	simm.s32 $0x1;
	[dreg:$0xc] =	wrdreg s14  }
0x17: {  	s26 =	simm.s32 $0x2;
	[dreg:$0x6] =	wrdreg s8;
	s8 =	sadd.s32 s0, s5  }
0x18: {  	s25 =	sadd.s32 $0x66400, s1;
	s0 =	simm.s32 $0x13000;
	s1 =	simm.s32 $0x5  }
0x19: {  	s5 =	simm.s32 $0x7;
	[dreg:$0xa] =	wrdreg s25;
	s25 =	simm.s32 $0xD000  }
.LBB2_7:
0x1a: {  	_ =	swait.ge [sflag:s13], $0x2000  }
0x1b: {  	[sflag:s13] =	ssyncset.done $0x0  }
0x1c: {  	s3 =	sadd.s32 $0x2B80, s7;
	[sflag:s13] =	ssyncadd.s32 $0xFFFFE000  }
0x1d: {  	[spmem:s2] =	stream.indirect.scatter.add.f32 [tilespmem:s0], [sflag:$0x10], $0x40, s3, s17, $0xb8;
	[tilespmem:$0x1ED00] =	vst v63  }
0x1e: {  	_ =	swait.ge [sflag:s9], $0x2000  }
0x1f: {  	[sflag:s9] =	ssyncset.done $0x0  }
0x20: {  	[sflag:s9] =	ssyncadd.s32 $0xFFFFE000  }
.LBB2_9:
0x21: {  	s3 =	simm.s32 $0xD  }
0x22: {  	_ =	swait.ge [sflag:s3], $0x2000  }
0x23: {  	[sflag:s3] =	ssyncset.done $0x0  }
0x24: {  	s15 =	simm.s32 $0xE;
	[sflag:s3] =	ssyncadd.s32 $0xFFFFE000  }
0x25: {  	_ =	swait.ge [sflag:s15], $0x2000  }
0x26: {  	[sflag:s15] =	ssyncset.done $0x0  }
0x27: {  	[sflag:s15] =	ssyncadd.s32 $0xFFFFE000  }
0x28: {  	_ =	swait.ge [sflag:s12], $0x2000  }
0x29: {  	[sflag:s12] =	ssyncset.done $0x0  }
0x2a: {  	[sflag:s12] =	ssyncadd.s32 $0xFFFFE000  }
0x2b: {  	_ =	swait.ge [sflag:s20], $0x2000  }
0x2c: {  	[sflag:s20] =	ssyncset.done $0x0  }
0x2d: {  	[sflag:s20] =	ssyncadd.s32 $0xFFFFE000  }
0x2e: {  	[bflag:$0x0] =	sbarrier.arrive $0xFFFF  }
0x2f: {  	s11 =	rddreg [dreg:$0x7]  }
0x30: {  	s7 =	rddreg [dreg:$0xa]  }
0x31: {  	s15 =	simm.s32 $0x12;
	s14 =	rddreg [dreg:$0xc]  }
0x32: {  	[hbm:s7], [sflag:s11] =	dma.local [spmem:s14], $0x1388  }
0x33: {  	_ =	swait.ge [sflag:s15], $0x1388  }
0x34: {  	s22 =	sadd.s32 $0x1, s22;
	s10 =	rddreg [dreg:$0xb]  }
0x35: {  	p0 =	sne.s32 s22, s10  }
.Ltmp1:
0x36: {  	_ = 	snop;
	(pc) =	sbr.rel @!p0 .LBB2_10-.Ltmp1, $3  }
0x37: {  	_ =	sdelay $0x1  }
0x38: {  	[sflag:s15] =	ssyncset.done $0x0  }
0x39: {  	[sflag:s15] =	ssyncadd.s32 $0xFFFFEC78  }
.LBB2_1:
0x3a: {  	s3 =	simm.s32 $0x0;
	s7 =	rddreg [dreg:$0x4]  }
0x3b: {  	[tilespmem:s3], [sflag:$0x11] =	stream.linear.gather [hbm4b:s7+s3], $0x2800, $0x38;
	[tilespmem:$0x1ED00] =	vst v63  }
0x3c: {  	s10 =	simm.s32 $0x2800;
	s7 =	rddreg [dreg:$0x5]  }
0x3d: {  	[tilespmem:s10], [sflag:$0x11] =	stream.linear.gather [hbm4b:s7+s3], $0x2800, $0x38;
	[tilespmem:$0x1ED00] =	vst v63  }
0x3e: {  	s10 =	rddreg [dreg:$0x6]  }
0x3f: {  	[spmem:s14], [sflag:s11] =	dma.local [hbm:s10], $0x1388  }
0x40: {  	_ =	swait.ge [sflag:s15], $0x1388  }
0x41: {  	[sflag:s15] =	ssyncset.done $0x0  }
0x42: {  	[sflag:s15] =	ssyncadd.s32 $0xFFFFEC78  }
0x43: {  	_ =	swait.ge [sflag:s16], $0x2800  }
0x44: {  	[sflag:s16] =	ssyncset.done $0x0  }
0x45: {  	[sflag:s16] =	ssyncadd.s32 $0xFFFFD800  }
0x46: {  	_ =	swait.ge [sflag:s16], $0x2800  }
0x47: {  	[sflag:s16] =	ssyncset.done $0x0  }
0x48: {  	[sflag:s16] =	ssyncadd.s32 $0xFFFFD800  }
0x49: {  	[bflag:$0x0] =	sbarrier.arrive $0xFFFF  }
0x4a: {  	[tilespmem:s18], [sflag:$0x1] =	stream.indirect.gather [hbm4b:s8+s17], $0x40, s3, s17, $0xb8;
	[tilespmem:$0x1ED00] =	vst v63  }
0x4b: {  	_ = 	snop  }
0x4c: {  	[tilespmem:s19], [sflag:$0x2] =	stream.indirect.gather [hbm4b:s8+s17], $0x40, s17, s17, $0xb8;
	[tilespmem:$0x1ED00] =	vst v63  }
0x4d: {  	s14 =	simm.s32 $0x100  }
0x4e: {  	[tilespmem:s21], [sflag:$0x3] =	stream.indirect.gather [hbm4b:s8+s17], $0x40, s14, s17, $0xb8;
	[tilespmem:$0x1ED00] =	vst v63  }
0x4f: {  	s15 =	simm.s32 $0x180;
	s3 =	simm.s32 $0x0  }
0x50: {  	[tilespmem:s23], [sflag:$0x4] =	stream.indirect.gather [hbm4b:s8+s17], $0x40, s15, s17, $0xb8;
	[tilespmem:$0x1ED00] =	vst v63  }
.LBB2_2:
0x51: {  	_ =	swait.ge [sflag:s24], $0x2000  }
0x52: {  	s7 =	sshra.s32 s3, $0x2;
	[sflag:s24] =	ssyncset.done $0x0  }
0x53: {  	p0 =	seq.s32 s3, $0x0;
	s14 =	sadd.s32 $0x2800, s7;
	[sflag:s24] =	ssyncadd.s32 $0xFFFFE000  }
0x54: {  	[spmem:s2] =	stream.indirect.scatter.add.f32 [tilespmem:s18], [sflag:$0x9], $0x40, s14, s17, $0xb8;
	[tilespmem:$0x1ED00] =	vst v63  }
0x55: {  	s14 =	simm.s32 @!p0 $0xD  }
0x56: {  	_ =	swait.ge @!p0 [sflag:s14], $0x2000  }
0x57: {  	[sflag:s14] =	ssyncset.done @!p0 $0x0  }
0x58: {  	s10 =	sadd.s32 $0x200, s7;
	[sflag:s14] =	ssyncadd.s32 @!p0 $0xFFFFE000  }
0x59: {  	[tilespmem:s25], [sflag:$0x5] =	stream.indirect.gather [hbm4b:s8+s17], $0x40, s10, s17, $0xb8;
	[tilespmem:$0x1ED00] =	vst v63  }
0x5a: {  	_ =	swait.ge [sflag:s26], $0x2000  }
0x5b: {  	[sflag:s26] =	ssyncset.done $0x0  }
0x5c: {  	s11 =	sadd.s32 $0x2880, s7;
	s14 =	simm.s32 @!p0 $0xE;
	[sflag:s26] =	ssyncadd.s32 $0xFFFFE000  }
0x5d: {  	[spmem:s2] =	stream.indirect.scatter.add.f32 [tilespmem:s19], [sflag:$0xA], $0x40, s11, s17, $0xb8;
	[tilespmem:$0x1ED00] =	vst v63  }
0x5e: {  	_ =	swait.ge @!p0 [sflag:s14], $0x2000  }
0x5f: {  	[sflag:s14] =	ssyncset.done @!p0 $0x0  }
0x60: {  	s15 =	sadd.s32 $0x280, s7;
	[sflag:s14] =	ssyncadd.s32 @!p0 $0xFFFFE000  }
0x61: {  	[tilespmem:s28], [sflag:$0x6] =	stream.indirect.gather [hbm4b:s8+s17], $0x40, s15, s17, $0xb8;
	[tilespmem:$0x1ED00] =	vst v63  }
0x62: {  	_ =	swait.ge [sflag:s29], $0x2000  }
0x63: {  	[sflag:s29] =	ssyncset.done $0x0  }
0x64: {  	s10 =	sadd.s32 $0x2900, s7;
	s14 =	simm.s32 @!p0 $0xF;
	[sflag:s29] =	ssyncadd.s32 $0xFFFFE000  }
0x65: {  	[spmem:s2] =	stream.indirect.scatter.add.f32 [tilespmem:s21], [sflag:$0xB], $0x40, s10, s17, $0xb8;
	[tilespmem:$0x1ED00] =	vst v63  }
0x66: {  	_ =	swait.ge @!p0 [sflag:s14], $0x2000  }
0x67: {  	[sflag:s14] =	ssyncset.done @!p0 $0x0  }
0x68: {  	s11 =	sadd.s32 $0x300, s7;
	[sflag:s14] =	ssyncadd.s32 @!p0 $0xFFFFE000  }
0x69: {  	[tilespmem:s30], [sflag:$0x7] =	stream.indirect.gather [hbm4b:s8+s17], $0x40, s11, s17, $0xb8;
	[tilespmem:$0x1ED00] =	vst v63  }
0x6a: {  	_ =	swait.ge [sflag:s31], $0x2000  }
0x6b: {  	[sflag:s31] =	ssyncset.done $0x0  }
0x6c: {  	s15 =	sadd.s32 $0x2980, s7;
	s14 =	simm.s32 @!p0 $0x10;
	[sflag:s31] =	ssyncadd.s32 $0xFFFFE000  }
0x6d: {  	[spmem:s2] =	stream.indirect.scatter.add.f32 [tilespmem:s23], [sflag:$0xC], $0x40, s15, s17, $0xb8;
	[tilespmem:$0x1ED00] =	vst v63  }
0x6e: {  	_ =	swait.ge @!p0 [sflag:s14], $0x2000  }
0x6f: {  	[sflag:s14] =	ssyncset.done @!p0 $0x0  }
0x70: {  	s10 =	sadd.s32 $0x380, s7;
	[sflag:s14] =	ssyncadd.s32 @!p0 $0xFFFFE000  }
0x71: {  	[tilespmem:s0], [sflag:$0x8] =	stream.indirect.gather [hbm4b:s8+s17], $0x40, s10, s17, $0xb8;
	[tilespmem:$0x1ED00] =	vst v63  }
0x72: {  	_ =	swait.ge [sflag:s1], $0x2000  }
0x73: {  	[sflag:s1] =	ssyncset.done $0x0  }
0x74: {  	s11 =	sadd.s32 $0x2A00, s7;
	[sflag:s1] =	ssyncadd.s32 $0xFFFFE000  }
0x75: {  	[spmem:s2] =	stream.indirect.scatter.add.f32 [tilespmem:s25], [sflag:$0xD], $0x40, s11, s17, $0xb8;
	[tilespmem:$0x1ED00] =	vst v63  }
0x76: {  	_ =	swait.ge [sflag:s4], $0x2000  }
0x77: {  	p0 =	seq.s32 s3, $0x9000;
	[sflag:s4] =	ssyncset.done $0x0  }
0x78: {  	s14 =	simm.s32 @p0 $0x6;
	[sflag:s4] =	ssyncadd.s32 $0xFFFFE000  }
0x79: {  	_ =	swait.ge @p0 [sflag:s14], $0x2000  }
0x7a: {  	[sflag:s14] =	ssyncset.done @p0 $0x0  }
0x7b: {  	[sflag:s14] =	ssyncadd.s32 @p0 $0xFFFFE000;
	s14 =	sshra.s32 @p0 s3, $0x2  }
0x7c: {  	s15 =	simm.s32 @p0 $0x80;
	s10 =	simm.s32 @p0 $0xF000;
	s14 =	sadd.s32 @p0 $0x2A80, s14  }
0x7d: {  	[spmem:s2] =	stream.indirect.scatter.add.f32 @p0 [tilespmem:s10], [sflag:$0xE], $0x40, s14, s15, $0xb8;
	[tilespmem:$0x1ED00] =	vst v63  }
0x7e: {  	s10 =	simm.s32 @p0 $0xA  }
0x7f: {  	_ =	swait.ge @p0 [sflag:s10], $0x2000  }
0x80: {  	[sflag:s10] =	ssyncset.done @p0 $0x0  }
0x81: {  	[sflag:s10] =	ssyncadd.s32 @p0 $0xFFFFE000;
	s10 =	sshra.s32 @!p0 s3, $0x2  }
0x82: {  	s11 =	simm.s32 @!p0 $0x5000;
	s15 =	simm.s32 @!p0 $0x80;
	s14 =	sadd.s32 @!p0 $0x400, s10  }
0x83: {  	[tilespmem:s11], [sflag:$0x1] =	stream.indirect.gather @!p0 [hbm4b:s8+s15], $0x40, s14, s15, $0xb8;
	[tilespmem:$0x1ED00] =	vst v63  }
0x84: {  	s11 =	simm.s32 @!p0 $0x6  }
0x85: {  	_ =	swait.ge @!p0 [sflag:s11], $0x2000  }
0x86: {  	[sflag:s11] =	ssyncset.done @!p0 $0x0  }
0x87: {  	s14 =	simm.s32 @!p0 $0xF000;
	[sflag:s11] =	ssyncadd.s32 @!p0 $0xFFFFE000;
	s11 =	sadd.s32 @!p0 $0x2A80, s10  }
0x88: {  	[spmem:s2] =	stream.indirect.scatter.add.f32 @!p0 [tilespmem:s14], [sflag:$0xE], $0x40, s11, s15, $0xb8;
	[tilespmem:$0x1ED00] =	vst v63  }
0x89: {  	s11 =	simm.s32 @!p0 $0xA  }
0x8a: {  	_ =	swait.ge @!p0 [sflag:s11], $0x2000  }
0x8b: {  	[sflag:s11] =	ssyncset.done @!p0 $0x0  }
0x8c: {  	s10 =	sadd.s32 @!p0 $0x480, s10;
	[sflag:s11] =	ssyncadd.s32 @!p0 $0xFFFFE000;
	s11 =	simm.s32 @!p0 $0x7000  }
0x8d: {  	[tilespmem:s11], [sflag:$0x2] =	stream.indirect.gather @!p0 [hbm4b:s8+s15], $0x40, s10, s15, $0xb8;
	[tilespmem:$0x1ED00] =	vst v63  }
0x8e: {  	_ =	swait.ge [sflag:s5], $0x2000  }
0x8f: {  	p0 =	sne.s32 s3, $0x9000;
	[sflag:s5] =	ssyncset.done $0x0  }
.Ltmp2:
0x90: {  	s15 =	sadd.s32 $0x2B00, s7;
	[sflag:s5] =	ssyncadd.s32 $0xFFFFE000;
	(pc) =	sbr.rel @!p0 .LBB2_3-.Ltmp2, $4  }
0x91: {  	[spmem:s2] =	stream.indirect.scatter.add.f32 [tilespmem:s30], [sflag:$0xF], $0x40, s15, s17, $0xb8;
	[tilespmem:$0x1ED00] =	vst v63  }
0x92: {  	_ =	swait.ge [sflag:s6], $0x2000  }
0x93: {  	[sflag:s6] =	ssyncset.done $0x0  }
0x94: {  	[sflag:s6] =	ssyncadd.s32 $0xFFFFE000  }
0x95: {  	s10 =	sadd.s32 $0x500, s7  }
0x96: {  	[tilespmem:s21], [sflag:$0x3] =	stream.indirect.gather [hbm4b:s8+s17], $0x40, s10, s17, $0xb8;
	[tilespmem:$0x1ED00] =	vst v63  }
0x97: {  	_ =	swait.ge [sflag:s13], $0x2000  }
0x98: {  	s3 =	sadd.s32 $0x1000, s3;
	[sflag:s13] =	ssyncset.done $0x0  }
0x99: {  	s14 =	sadd.s32 $0x2B80, s7;
	p0 =	sne.s32 s3, $0xA000;
	[sflag:s13] =	ssyncadd.s32 $0xFFFFE000  }
0x9a: {  	[spmem:s2] =	stream.indirect.scatter.add.f32 [tilespmem:s0], [sflag:$0x10], $0x40, s14, s17, $0xb8;
	[tilespmem:$0x1ED00] =	vst v63  }
.Ltmp3:
0x9b: {  	_ = 	snop;
	(pc) =	sbr.rel @p0 .LBB2_2-.Ltmp3, $4  }
.Ltmp4:
0x9c: {  	_ =	swait.ge [sflag:s9], $0x2000;
	(pc) =	sbr.rel @!p0 .LBB2_5-.Ltmp4, $4  }
0x9d: {  	[sflag:s9] =	ssyncset.done $0x0  }
0x9e: {  	s15 =	sadd.s32 $0x580, s7;
	[sflag:s9] =	ssyncadd.s32 $0xFFFFE000  }
0x9f: {  	[tilespmem:s23], [sflag:$0x4] =	stream.indirect.gather [hbm4b:s8+s17], $0x40, s15, s17, $0xb8;
	[tilespmem:$0x1ED00] =	vst v63  }
0xa0: {  	_ = 	snop  }
.LBB2_3:
0xa1: {  	_ =	swait.ge [sflag:s13], $0x2000  }
0xa2: {  	[sflag:s13] =	ssyncset.done $0x0  }
0xa3: {  	s3 =	sadd.s32 $0x2B80, s7;
	[sflag:s13] =	ssyncadd.s32 $0xFFFFE000  }
0xa4: {  	[spmem:s2] =	stream.indirect.scatter.add.f32 [tilespmem:s0], [sflag:$0x10], $0x40, s3, s17, $0xb8;
	[tilespmem:$0x1ED00] =	vst v63  }
0xa5: {  	_ =	swait.ge [sflag:s9], $0x2000  }
0xa6: {  	[sflag:s9] =	ssyncset.done $0x0  }
0xa7: {  	[sflag:s9] =	ssyncadd.s32 $0xFFFFE000  }
.LBB2_5:
0xa8: {  	s3 =	simm.s32 $0xD  }
0xa9: {  	_ =	swait.ge [sflag:s3], $0x2000  }
0xaa: {  	[sflag:s3] =	ssyncset.done $0x0  }
0xab: {  	s10 =	simm.s32 $0xE;
	[sflag:s3] =	ssyncadd.s32 $0xFFFFE000  }
0xac: {  	_ =	swait.ge [sflag:s10], $0x2000  }
0xad: {  	[sflag:s10] =	ssyncset.done $0x0  }
0xae: {  	[sflag:s10] =	ssyncadd.s32 $0xFFFFE000  }
0xaf: {  	_ =	swait.ge [sflag:s12], $0x2000  }
0xb0: {  	[sflag:s12] =	ssyncset.done $0x0  }
0xb1: {  	[sflag:s12] =	ssyncadd.s32 $0xFFFFE000  }
0xb2: {  	_ =	swait.ge [sflag:s20], $0x2000  }
0xb3: {  	[sflag:s20] =	ssyncset.done $0x0  }
0xb4: {  	s3 =	simm.s32 $0x0;
	s7 =	rddreg [dreg:$0x8];
	[sflag:s20] =	ssyncadd.s32 $0xFFFFE000  }
0xb5: {  	[tilespmem:s3], [sflag:$0x11] =	stream.linear.gather [hbm4b:s7+s3], $0x2800, $0x38;
	[tilespmem:$0x1ED00] =	vst v63  }
0xb6: {  	s10 =	simm.s32 $0x2800;
	s11 =	rddreg [dreg:$0x9]  }
0xb7: {  	[tilespmem:s10], [sflag:$0x11] =	stream.linear.gather [hbm4b:s11+s3], $0x2800, $0x38;
	[tilespmem:$0x1ED00] =	vst v63  }
0xb8: {  	_ =	swait.ge [sflag:s16], $0x2800  }
0xb9: {  	[sflag:s16] =	ssyncset.done $0x0  }
0xba: {  	[sflag:s16] =	ssyncadd.s32 $0xFFFFD800  }
0xbb: {  	_ =	swait.ge [sflag:s16], $0x2800  }
0xbc: {  	[sflag:s16] =	ssyncset.done $0x0  }
0xbd: {  	[sflag:s16] =	ssyncadd.s32 $0xFFFFD800  }
0xbe: {  	[tilespmem:s18], [sflag:$0x1] =	stream.indirect.gather [hbm4b:s8+s17], $0x40, s3, s17, $0xb8;
	[tilespmem:$0x1ED00] =	vst v63  }
0xbf: {  	_ = 	snop  }
0xc0: {  	[tilespmem:s19], [sflag:$0x2] =	stream.indirect.gather [hbm4b:s8+s17], $0x40, s17, s17, $0xb8;
	[tilespmem:$0x1ED00] =	vst v63  }
0xc1: {  	s14 =	simm.s32 $0x100  }
0xc2: {  	[tilespmem:s21], [sflag:$0x3] =	stream.indirect.gather [hbm4b:s8+s17], $0x40, s14, s17, $0xb8;
	[tilespmem:$0x1ED00] =	vst v63  }
0xc3: {  	s15 =	simm.s32 $0x180  }
0xc4: {  	[tilespmem:s23], [sflag:$0x4] =	stream.indirect.gather [hbm4b:s8+s17], $0x40, s15, s17, $0xb8;
	[tilespmem:$0x1ED00] =	vst v63  }
.LBB2_6:
0xc5: {  	_ =	swait.ge [sflag:s24], $0x2000  }
0xc6: {  	s7 =	sshra.s32 s3, $0x2;
	[sflag:s24] =	ssyncset.done $0x0  }
0xc7: {  	p0 =	seq.s32 s3, $0x0;
	s10 =	sadd.s32 $0x2800, s7;
	[sflag:s24] =	ssyncadd.s32 $0xFFFFE000  }
0xc8: {  	[spmem:s2] =	stream.indirect.scatter.add.f32 [tilespmem:s18], [sflag:$0x9], $0x40, s10, s17, $0xb8;
	[tilespmem:$0x1ED00] =	vst v63  }
0xc9: {  	s10 =	simm.s32 @!p0 $0xD  }
0xca: {  	_ =	swait.ge @!p0 [sflag:s10], $0x2000  }
0xcb: {  	[sflag:s10] =	ssyncset.done @!p0 $0x0  }
0xcc: {  	s11 =	sadd.s32 $0x200, s7;
	[sflag:s10] =	ssyncadd.s32 @!p0 $0xFFFFE000  }
0xcd: {  	[tilespmem:s25], [sflag:$0x5] =	stream.indirect.gather [hbm4b:s8+s17], $0x40, s11, s17, $0xb8;
	[tilespmem:$0x1ED00] =	vst v63  }
0xce: {  	_ =	swait.ge [sflag:s26], $0x2000  }
0xcf: {  	[sflag:s26] =	ssyncset.done $0x0  }
0xd0: {  	s14 =	sadd.s32 $0x2880, s7;
	s10 =	simm.s32 @!p0 $0xE;
	[sflag:s26] =	ssyncadd.s32 $0xFFFFE000  }
0xd1: {  	[spmem:s2] =	stream.indirect.scatter.add.f32 [tilespmem:s19], [sflag:$0xA], $0x40, s14, s17, $0xb8;
	[tilespmem:$0x1ED00] =	vst v63  }
0xd2: {  	_ =	swait.ge @!p0 [sflag:s10], $0x2000  }
0xd3: {  	[sflag:s10] =	ssyncset.done @!p0 $0x0  }
0xd4: {  	s15 =	sadd.s32 $0x280, s7;
	[sflag:s10] =	ssyncadd.s32 @!p0 $0xFFFFE000  }
0xd5: {  	[tilespmem:s28], [sflag:$0x6] =	stream.indirect.gather [hbm4b:s8+s17], $0x40, s15, s17, $0xb8;
	[tilespmem:$0x1ED00] =	vst v63  }
0xd6: {  	_ =	swait.ge [sflag:s29], $0x2000  }
0xd7: {  	[sflag:s29] =	ssyncset.done $0x0  }
0xd8: {  	s11 =	sadd.s32 $0x2900, s7;
	s10 =	simm.s32 @!p0 $0xF;
	[sflag:s29] =	ssyncadd.s32 $0xFFFFE000  }
0xd9: {  	[spmem:s2] =	stream.indirect.scatter.add.f32 [tilespmem:s21], [sflag:$0xB], $0x40, s11, s17, $0xb8;
	[tilespmem:$0x1ED00] =	vst v63  }
0xda: {  	_ =	swait.ge @!p0 [sflag:s10], $0x2000  }
0xdb: {  	[sflag:s10] =	ssyncset.done @!p0 $0x0  }
0xdc: {  	s14 =	sadd.s32 $0x300, s7;
	[sflag:s10] =	ssyncadd.s32 @!p0 $0xFFFFE000  }
0xdd: {  	[tilespmem:s30], [sflag:$0x7] =	stream.indirect.gather [hbm4b:s8+s17], $0x40, s14, s17, $0xb8;
	[tilespmem:$0x1ED00] =	vst v63  }
0xde: {  	_ =	swait.ge [sflag:s31], $0x2000  }
0xdf: {  	[sflag:s31] =	ssyncset.done $0x0  }
0xe0: {  	s15 =	sadd.s32 $0x2980, s7;
	s10 =	simm.s32 @!p0 $0x10;
	[sflag:s31] =	ssyncadd.s32 $0xFFFFE000  }
0xe1: {  	[spmem:s2] =	stream.indirect.scatter.add.f32 [tilespmem:s23], [sflag:$0xC], $0x40, s15, s17, $0xb8;
	[tilespmem:$0x1ED00] =	vst v63  }
0xe2: {  	_ =	swait.ge @!p0 [sflag:s10], $0x2000  }
0xe3: {  	[sflag:s10] =	ssyncset.done @!p0 $0x0  }
0xe4: {  	s11 =	sadd.s32 $0x380, s7;
	[sflag:s10] =	ssyncadd.s32 @!p0 $0xFFFFE000  }
0xe5: {  	[tilespmem:s0], [sflag:$0x8] =	stream.indirect.gather [hbm4b:s8+s17], $0x40, s11, s17, $0xb8;
	[tilespmem:$0x1ED00] =	vst v63  }
0xe6: {  	_ =	swait.ge [sflag:s1], $0x2000  }
0xe7: {  	[sflag:s1] =	ssyncset.done $0x0  }
0xe8: {  	s14 =	sadd.s32 $0x2A00, s7;
	[sflag:s1] =	ssyncadd.s32 $0xFFFFE000  }
0xe9: {  	[spmem:s2] =	stream.indirect.scatter.add.f32 [tilespmem:s25], [sflag:$0xD], $0x40, s14, s17, $0xb8;
	[tilespmem:$0x1ED00] =	vst v63  }
0xea: {  	_ =	swait.ge [sflag:s4], $0x2000  }
0xeb: {  	p0 =	seq.s32 s3, $0x9000;
	[sflag:s4] =	ssyncset.done $0x0  }
0xec: {  	s10 =	simm.s32 @p0 $0x6;
	[sflag:s4] =	ssyncadd.s32 $0xFFFFE000  }
0xed: {  	_ =	swait.ge @p0 [sflag:s10], $0x2000  }
0xee: {  	[sflag:s10] =	ssyncset.done @p0 $0x0  }
0xef: {  	[sflag:s10] =	ssyncadd.s32 @p0 $0xFFFFE000;
	s10 =	sshra.s32 @p0 s3, $0x2  }
0xf0: {  	s11 =	simm.s32 @p0 $0x80;
	s14 =	simm.s32 @p0 $0xF000;
	s10 =	sadd.s32 @p0 $0x2A80, s10  }
0xf1: {  	[spmem:s2] =	stream.indirect.scatter.add.f32 @p0 [tilespmem:s14], [sflag:$0xE], $0x40, s10, s11, $0xb8;
	[tilespmem:$0x1ED00] =	vst v63  }
0xf2: {  	s10 =	simm.s32 @p0 $0xA  }
0xf3: {  	_ =	swait.ge @p0 [sflag:s10], $0x2000  }
0xf4: {  	[sflag:s10] =	ssyncset.done @p0 $0x0  }
0xf5: {  	[sflag:s10] =	ssyncadd.s32 @p0 $0xFFFFE000;
	s10 =	sshra.s32 @!p0 s3, $0x2  }
0xf6: {  	s15 =	simm.s32 @!p0 $0x5000;
	s14 =	simm.s32 @!p0 $0x80;
	s11 =	sadd.s32 @!p0 $0x400, s10  }
0xf7: {  	[tilespmem:s15], [sflag:$0x1] =	stream.indirect.gather @!p0 [hbm4b:s8+s14], $0x40, s11, s14, $0xb8;
	[tilespmem:$0x1ED00] =	vst v63  }
0xf8: {  	s11 =	simm.s32 @!p0 $0x6  }
0xf9: {  	_ =	swait.ge @!p0 [sflag:s11], $0x2000  }
0xfa: {  	[sflag:s11] =	ssyncset.done @!p0 $0x0  }
0xfb: {  	s15 =	simm.s32 @!p0 $0xF000;
	[sflag:s11] =	ssyncadd.s32 @!p0 $0xFFFFE000;
	s11 =	sadd.s32 @!p0 $0x2A80, s10  }
0xfc: {  	[spmem:s2] =	stream.indirect.scatter.add.f32 @!p0 [tilespmem:s15], [sflag:$0xE], $0x40, s11, s14, $0xb8;
	[tilespmem:$0x1ED00] =	vst v63  }
0xfd: {  	s11 =	simm.s32 @!p0 $0xA  }
0xfe: {  	_ =	swait.ge @!p0 [sflag:s11], $0x2000  }
0xff: {  	[sflag:s11] =	ssyncset.done @!p0 $0x0  }
0x100: {  	s10 =	sadd.s32 @!p0 $0x480, s10;
	[sflag:s11] =	ssyncadd.s32 @!p0 $0xFFFFE000;
	s11 =	simm.s32 @!p0 $0x7000  }
0x101: {  	[tilespmem:s11], [sflag:$0x2] =	stream.indirect.gather @!p0 [hbm4b:s8+s14], $0x40, s10, s14, $0xb8;
	[tilespmem:$0x1ED00] =	vst v63  }
0x102: {  	_ =	swait.ge [sflag:s5], $0x2000  }
0x103: {  	p0 =	sne.s32 s3, $0x9000;
	[sflag:s5] =	ssyncset.done $0x0  }
.Ltmp5:
0x104: {  	s15 =	sadd.s32 $0x2B00, s7;
	[sflag:s5] =	ssyncadd.s32 $0xFFFFE000;
	(pc) =	sbr.rel @!p0 .LBB2_7-.Ltmp5, $4  }
0x105: {  	[spmem:s2] =	stream.indirect.scatter.add.f32 [tilespmem:s30], [sflag:$0xF], $0x40, s15, s17, $0xb8;
	[tilespmem:$0x1ED00] =	vst v63  }
0x106: {  	_ =	swait.ge [sflag:s6], $0x2000  }
0x107: {  	[sflag:s6] =	ssyncset.done $0x0  }
0x108: {  	[sflag:s6] =	ssyncadd.s32 $0xFFFFE000  }
0x109: {  	s10 =	sadd.s32 $0x500, s7  }
0x10a: {  	[tilespmem:s21], [sflag:$0x3] =	stream.indirect.gather [hbm4b:s8+s17], $0x40, s10, s17, $0xb8;
	[tilespmem:$0x1ED00] =	vst v63  }
0x10b: {  	_ =	swait.ge [sflag:s13], $0x2000  }
0x10c: {  	s3 =	sadd.s32 $0x1000, s3;
	[sflag:s13] =	ssyncset.done $0x0  }
0x10d: {  	s14 =	sadd.s32 $0x2B80, s7;
	p0 =	sne.s32 s3, $0xA000;
	[sflag:s13] =	ssyncadd.s32 $0xFFFFE000  }
0x10e: {  	[spmem:s2] =	stream.indirect.scatter.add.f32 [tilespmem:s0], [sflag:$0x10], $0x40, s14, s17, $0xb8;
	[tilespmem:$0x1ED00] =	vst v63  }
.Ltmp6:
0x10f: {  	_ = 	snop;
	(pc) =	sbr.rel @p0 .LBB2_6-.Ltmp6, $4  }
.Ltmp7:
0x110: {  	_ =	swait.ge [sflag:s9], $0x2000;
	(pc) =	sbr.rel @!p0 .LBB2_9-.Ltmp7, $4  }
0x111: {  	[sflag:s9] =	ssyncset.done $0x0  }
0x112: {  	s15 =	sadd.s32 $0x580, s7;
	[sflag:s9] =	ssyncadd.s32 $0xFFFFE000  }
0x113: {  	[tilespmem:s23], [sflag:$0x4] =	stream.indirect.gather [hbm4b:s8+s17], $0x40, s15, s17, $0xb8;
	[tilespmem:$0x1ED00] =	vst v63  }
0x114: {  	_ = 	snop  }
.LBB2_10:
0x115: {  	_ =	sfence.sel $0x180000  }
0x116: {  	[bflag:$0x0] =	sbarrier.arrive $0xFFFF  }
0x117: {  	_ =	strace $0x9000004A  }
0x118: {  	s0 =	stileid.u32;
	[bflag:$0x2] =	sbarrier.arrive $0xFFFF  }
0x119: {  	p0 =	sne.s32 s0, $0x0;
	s0 =	rddreg [dreg:$0x3]  }
0x11a: {  	s0 =	sadd.s32 @!p0 $0x100000, s0  }
0x11b: {  	[sflag:s0] =	ssyncadd.tile.s32 @!p0 $0x1;
	_ =	shalt  }
.Lfunc_end2:
_tile_overlayer_lowered:
.L_overlay_start_2:
0x11c: {  	(tag) =	ssettag $0x2  }
0x11d: {  	s0 =	rddreg [dreg:$0x0];
	s2 =	stileid.u32  }
0x11e: {  	s1 =	rddreg [dreg:$0x1];
	p0 =	sne.s32 s2, $0x0  }
0x11f: {  	s3 =	rddreg [dreg:$0x2];
	[bflag:$0x3] =	sbarrier.arrive $0xFFFF;
	s2 =	simm.s32 @!p0 $0x1C12  }
0x120: {  	[timem:s3], [sflag:s2] =	dma.local @!p0 [hbm:s0], s1  }
0x121: {  	s0 =	simm.s32 @!p0 $0x12  }
0x122: {  	_ =	swait.ge @!p0 [sflag:s0], s1  }
0x123: {  	s1 =	ssub.s32 @!p0 $0x0, s1;
	[sflag:s0] =	ssyncset.done @!p0 $0x0  }
0x124: {  	[sflag:s0] =	ssyncadd.s32 @!p0 s1  }
0x125: {  	[bflag:$0x3] =	sbarrier.arrive $0xFFFF  }
0x126: {  	_ =	shalt  }

// kernel: kernel.14.cloned.1.call-start
scs
__scs_entry_jumppad:
0x0: {  	(pc) =	sbr.rel $0x88, $3  }
0x1: {  	(tag) =	ssettag $0x0;
	lr =	simm.s32 $0x1  }
0x2: {  	[smem:$0x3F9B] =	sst lr;
	_ =	strace $0xD0000000  }
0x3: {  	_ = 	snop  }
0x4: {  	_ = 	snop  }
0x5: {  	_ = 	snop  }
0x6: {  	_ = 	snop  }
0x7: {  	_ = 	snop  }
__scs_overlays_trampoline_lowered:
0x8: {  	[smem:$0x3FAA] =	sst s0  }
0x9: {  	[smem:$0x3FAB] =	sst s1  }
0xa: {  	[smem:$0x3FAC] =	sst s2  }
0xb: {  	[smem:$0x3FAD] =	sst s3  }
0xc: {  	[smem:$0x3FAE] =	sst s4  }
0xd: {  	[smem:$0x3FAF] =	sst s5  }
0xe: {  	[smem:$0x3FB0] =	sst s6  }
0xf: {  	[smem:$0x3FB1] =	sst s7  }
0x10: {  	[smem:$0x3FB2] =	sst s8  }
0x11: {  	[smem:$0x3FB3] =	sst s9;
	s0 =	simm.s32 @!p0 $0x0  }
0x12: {  	s1 =	sld [smem:$0x3F99];
	s0 =	simm.s32 @p0 $0x1  }
0x13: {  	[smem:$0x3FB4] =	sst s0;
	s0 =	simm.s32 @!p1 $0x0  }
0x14: {  	s2 =	sld [smem:$0x3F98];
	s0 =	simm.s32 @p1 $0x1  }
0x15: {  	[smem:$0x3FB5] =	sst s0;
	s0 =	simm.s32 @!p2 $0x0  }
0x16: {  	s3 =	sld [smem:$0x3FDB];
	s0 =	simm.s32 @p2 $0x1  }
0x17: {  	s4 =	simm.s32 $0x1BF5;
	[smem:$0x3FB7] =	sst s0  }
0x18: {  	s0 =	sld [smem:$0x3F9A];
	_ =	swait.ge [sflag:s4], $0x0  }
0x19: {  	s7 =	sld [smem:$0x3F9B]  }
0x1a: {  	s8 =	sadd.s32 $0xFFFFE003, lr  }
0x1b: {  	s9 =	sadd.s32 $0xFFFFFEF7, lr;
	s5 =	simm.s32 $0xFFFFFFFF;
	p2 =	slt.u32 s8, $0xFFFFF086  }
0x1c: {  	p1 =	slt.u32 s9, $0xF7A;
	s5 =	simm.s32 @!p2 $0x0  }
0x1d: {  	s5 =	simm.s32 @p1 $0x1;
	p0 =	seq.s32 s7, s2  }
0x1e: {  	s7 =	smul.u32 @!p0 $0xF7A, s2;
	p2 =	seq.s32 @!p0 s5, $0x0  }
0x1f: {  	s9 =	smul.u32 $0xF7A, s1;
	s8 =	simm.s32 @!p0 $0x1BF5;
	p2 =	por !p2, p0  }
0x20: {  	[sflag:s8] =	ssyncset.s32 @!p0 $0xFFFFF086;
	s6 =	sadd.s32 @!p0 s3, s7;
	s7 =	simm.s32 @!p0 $0x108  }
0x21: {  	s3 =	sadd.s32 s3, s9;
	s6 =	sadd.s32 @!p0 $0x88, s6;
	s7 =	simm.s32 @p2 $0x1082  }
0x22: {  	[simem:s7], [sflag:s8] =	dma.local @!p0 [hbm:s6], $0xF7A  }
0x23: {  	s9 =	sor.u32 $0xD0000000, s2;
	s6 =	simm.s32 $0x108;
	_ =	swait.ge @!p0 [sflag:s8], $0x0  }
0x24: {  	s3 =	sadd.s32 $0x88, s3;
	s6 =	simm.s32 @!p1 $0x1082;
	[sflag:s4] =	ssyncset.s32 $0xFFFFF086  }
0x25: {  	[simem:s6], [sflag:s4] =	dma.local [hbm:s3], $0xF7A  }
0x26: {  	[smem:$0x3F9B] =	sst s1;
	(tag) =	ssettag s2;
	_ =	strace s9  }
0x27: {  	s1 =	sld [smem:$0x3FAB]  }
0x28: {  	s2 =	sld [smem:$0x3FAC]  }
0x29: {  	s4 =	sld [smem:$0x3FAE]  }
0x2a: {  	p0 =	seq.s32 s5, $0x0;
	s5 =	sld [smem:$0x3FAF]  }
0x2b: {  	s6 =	sld [smem:$0x3FB0]  }
0x2c: {  	s7 =	sld [smem:$0x3FB1]  }
0x2d: {  	s3 =	simm.s32 $0x108;
	s8 =	sld [smem:$0x3FB2]  }
0x2e: {  	s3 =	simm.s32 @!p0 $0x1082;
	s9 =	sld [smem:$0x3FB3]  }
0x2f: {  	lr =	sadd.s32 s0, s3;
	s0 =	sld [smem:$0x3FAA]  }
0x30: {  	s3 =	sld [smem:$0x3FAD]  }
0x31: {  	[smem:$0x3FB6] =	sst s10  }
0x32: {  	s10 =	sld [smem:$0x3FB4];
	_ =	sdelay $0x3  }
0x33: {  	p0 =	seq.s32 s10, $0x1;
	s10 =	sld [smem:$0x3FB6];
	_ =	sdelay $0x3  }
0x34: {  	[smem:$0x3FB6] =	sst s10  }
0x35: {  	s10 =	sld [smem:$0x3FB5];
	_ =	sdelay $0x3  }
0x36: {  	p1 =	seq.s32 s10, $0x1;
	s10 =	sld [smem:$0x3FB6];
	_ =	sdelay $0x3  }
0x37: {  	[smem:$0x3FB6] =	sst s10  }
0x38: {  	s10 =	sld [smem:$0x3FB7]  }
0x39: {  	_ = 	snop;
	(pc) =	sbr.ind lr, $3  }
0x3a: {  	_ = 	snop  }
0x3b: {  	_ = 	snop  }
0x3c: {  	p2 =	seq.s32 s10, $0x1;
	s10 =	sld [smem:$0x3FB6]  }
0x3d: {  	_ =	shalt  }
0x3e: {  	_ =	shalt  }
0x3f: {  	_ =	shalt  }
0x40: {  	_ =	shalt  }
0x41: {  	_ =	shalt  }
0x42: {  	_ =	shalt  }
0x43: {  	_ =	shalt  }
0x44: {  	_ =	shalt  }
0x45: {  	_ =	shalt  }
0x46: {  	_ =	shalt  }
0x47: {  	_ =	shalt  }
0x48: {  	_ =	shalt  }
0x49: {  	_ =	shalt  }
0x4a: {  	_ =	shalt  }
0x4b: {  	_ =	shalt  }
0x4c: {  	_ =	shalt  }
0x4d: {  	_ =	shalt  }
0x4e: {  	_ =	shalt  }
0x4f: {  	_ =	shalt  }
0x50: {  	_ =	shalt  }
0x51: {  	_ =	shalt  }
0x52: {  	_ =	shalt  }
0x53: {  	_ =	shalt  }
0x54: {  	_ =	shalt  }
0x55: {  	_ =	shalt  }
0x56: {  	_ =	shalt  }
0x57: {  	_ =	shalt  }
0x58: {  	_ =	shalt  }
0x59: {  	_ =	shalt  }
0x5a: {  	_ =	shalt  }
0x5b: {  	_ =	shalt  }
0x5c: {  	_ =	shalt  }
0x5d: {  	_ =	shalt  }
0x5e: {  	_ =	shalt  }
0x5f: {  	_ =	shalt  }
0x60: {  	_ =	shalt  }
0x61: {  	_ =	shalt  }
0x62: {  	_ =	shalt  }
0x63: {  	_ =	shalt  }
0x64: {  	_ =	shalt  }
0x65: {  	_ =	shalt  }
0x66: {  	_ =	shalt  }
0x67: {  	_ =	shalt  }
0x68: {  	_ =	shalt  }
0x69: {  	_ =	shalt  }
0x6a: {  	_ =	shalt  }
0x6b: {  	_ =	shalt  }
0x6c: {  	_ =	shalt  }
0x6d: {  	_ =	shalt  }
0x6e: {  	_ =	shalt  }
0x6f: {  	_ =	shalt  }
0x70: {  	_ =	shalt  }
0x71: {  	_ =	shalt  }
0x72: {  	_ =	shalt  }
0x73: {  	_ =	shalt  }
0x74: {  	_ =	shalt  }
0x75: {  	_ =	shalt  }
0x76: {  	_ =	shalt  }
0x77: {  	_ =	shalt  }
0x78: {  	_ =	shalt  }
0x79: {  	_ =	shalt  }
0x7a: {  	_ =	shalt  }
0x7b: {  	_ =	shalt  }
0x7c: {  	_ =	shalt  }
0x7d: {  	_ =	shalt  }
0x7e: {  	_ =	shalt  }
0x7f: {  	_ =	shalt  }
0x80: {  	_ =	shalt  }
0x81: {  	_ =	shalt  }
0x82: {  	_ =	shalt  }
0x83: {  	_ =	shalt  }
0x84: {  	_ =	shalt  }
0x85: {  	_ =	shalt  }
0x86: {  	_ =	shalt  }
0x87: {  	_ =	shalt  }
.Lfunc_end0:
.L_simem_size_0:
called_computation.2_lowered:
.L_overlay_start_0:
0x88: {  	s2 =	sld [smem:$0x3FD9]  }
0x89: {  	s3 =	sld [smem:$0x3FFE];
	_ =	sdelay $0x1  }
0x8a: {  	s1 =	srdreg.scid  }
0x8b: {  	s0 =	sand.u32 $0x1, s1  }
0x8c: {  	s17 =	sshll.u32 s0, $0xA;
	s2 =	sadd.s32 s3, s2  }
0x8d: {  	s2 =	sadd.s32 s2, s17  }
0x8e: {  	[smem:$0x3FC2] =	sst s2  }
0x8f: {  	_ = 	snop  }
0x90: {  	s2 =	sld [smem:$0x3FD0];
	(tm) =	ssettm $0x1  }
0x91: {  	s18 =	sld [smem:$0x3FFB];
	_ =	sdelay $0x3  }
0x92: {  	_ =	strace s18  }
0x93: {  	s3 =	sld [smem:$0x3FFC];
	_ =	sdelay $0x3  }
0x94: {  	_ =	strace s3  }
0x95: {  	s3 =	sld [smem:$0x3FFD];
	_ =	sdelay $0x3  }
0x96: {  	_ =	strace s3  }
0x97: {  	_ =	strace $0x8FFFFFFF  }
0x98: {  	s19 =	sld [smem:$0x3FDB];
	_ =	sdelay $0x1  }
0x99: {  	s4 =	simm.s32 $_scs_section_size  }
0x9a: {  	s5 =	simm.s32 $_size__tile_overlayer_lowered;
	s6 =	simm.s32 $_tile_overlayer_lowered  }
0x9b: {  	s22 =	simm.s32 $0x1BFF;
	s21 =	sshll.u32 s6, $0x1;
	s3 =	sadd.s32 s4, s19  }
0x9c: {  	s7 =	simm.s32 $0x0;
	s20 =	sshll.u32 s5, $0x1;
	s5 =	sadd.s32 s21, s3  }
0x9d: {  	[timem:s7], [sflag:s22] =	dma.local [hbm:s5], s20  }
0x9e: {  	_ =	swait.ge [sflag:s22], s20  }
0x9f: {  	s4 =	ssub.s32 $0x0, s20;
	[sflag:s22] =	ssyncset.done $0x0  }
0xa0: {  	[sflag:s22] =	ssyncadd.s32 s4;
	_ =	sdelay $0x1  }
0xa1: {  	s23 =	simm.s32 $0x1B8B  }
0xa2: {  	_ =	swait.ge [sflag:s23], $0x1  }
0xa3: {  	[sflag:s23] =	ssyncset.done $0x0  }
0xa4: {  	s25 =	simm.s32 $0x1B8E;
	s24 =	sld [smem:$0x3FFE];
	[sflag:s23] =	ssyncadd.s32 $0xFFFFFFFF  }
0xa5: {  	s26 =	simm.s32 $execute0_lowered;
	[smem:$0x3FD2] =	sst s25  }
0xa6: {  	s5 =	sshll.u32 s26, $0x1;
	_ =	strace $0x8000004C;
	[dreg:$0x1] =	wrdreg $0xFFFFFFFF  }
0xa7: {  	s28 =	simm.s32 $_size_execute0_lowered;
	s3 =	sadd.s32 s3, s5;
	[dreg:$0x0] =	wrdreg $0x0  }
0xa8: {  	s5 =	sshll.u32 s28, $0x1;
	[dreg:$0x2] =	wrdreg s3  }
0xa9: {  	[dreg:$0x3] =	wrdreg s5  }
0xaa: {  	[dreg:$0x4] =	wrdreg $0xC0  }
0xab: {  	_ =	task [dreg:s7], $0x5FFFF  }
0xac: {  	[dreg:$0x1] =	wrdreg $0xFFFFFFFF  }
0xad: {  	[dreg:$0x0] =	wrdreg $0x60  }
0xae: {  	[dreg:$0x2] =	wrdreg s2  }
0xaf: {  	[dreg:$0x3] =	wrdreg s24  }
0xb0: {  	[dreg:$0x4] =	wrdreg $0x150000  }
0xb1: {  	[dreg:$0x5] =	wrdreg $0x9  }
0xb2: {  	_ =	task.clear_ibuf [dreg:s7], $0x6FFFF;
	_ =	strace $0x9000004C  }
0xb3: {  	s29 =	simm.s32 $0x9;
	_ =	strace $0x8000004E  }
0xb4: {  	_ =	swait.ge [sflag:s29], $0x1  }
0xb5: {  	[sflag:s29] =	ssyncadd.s32 $0xFFFFFFFF  }
0xb6: {  	_ =	strace $0x9000004E  }
0xb7: {  	_ =	sfence  }
0xb8: {  	s30 =	sld [smem:$0x0];
	_ =	sdelay $0x2  }
0xb9: {  	s31 =	sshll.u32 s1, $0xD;
	s1 =	sshrl.u32 s1, $0x2  }
0xba: {  	s3 =	sand.u32 $0x4000, s31;
	s1 =	sadd.s32 s1, s30  }
0xbb: {  	s0 =	sor.u32 s3, s0;
	s1 =	sshll.u32 s1, $0x11  }
0xbc: {  	s0 =	sor.u32 s1, s0  }
0xbd: {  	s0 =	sadd.s32 $0x8F2B, s0  }
0xbe: {  	[sflag:s0] =	ssyncadd.remote.s32 $0x1  }
0xbf: {  	_ =	sfence.sel $0xFFFF  }
0xc0: {  	[dreg:$0x0] =	wrdreg $0xFFFFFFFF;
	(pc) =	sbr.abs _section_cstart, $3  }
0xc1: {  	[dreg:$0x1] =	wrdreg $0xFFFFFFFF  }
0xc2: {  	_ =	task.clear_ibuf [dreg:s7], $0x2FFFF;
	_ =	strace $0x9FFFFFFF  }
0xc3: {  	(tm) =	ssettm $0x7FFFFFFF  }
tec
execute0_lowered:
.L_overlay_start_1:
0x0: {  	(tag) =	ssettag $0x1  }
0x1: {  	s0 =	rddreg [dreg:$0x0]  }
0x2: {  	s1 =	rddreg [dreg:$0x1]  }
0x3: {  	s2 =	rddreg [dreg:$0x2];
	s3 =	srdreg.scid  }
0x4: {  	s12 =	stileid.u32;
	s5 =	simm.s32 $0x0;
	s15 =	simm.s32 $0x12  }
0x5: {  	s16 =	simm.s32 $0x11;
	s17 =	simm.s32 $0x80;
	s28 =	simm.s32 $0xF000  }
0x6: {  	s29 =	simm.s32 $0x3;
	s30 =	simm.s32 $0x11000;
	s31 =	simm.s32 $0x4  }
0x7: {  	s13 =	simm.s32 $0x8;
	s3 =	sand.u32 $0x1, s3;
	s4 =	smul.u32 $0x9C40, s12  }
0x8: {  	[smem:$0x7FF] =	sst s5;
	s6 =	sadd.s32 $0xC400, s1;
	s9 =	smul.u32 $0xA00, s12  }
0x9: {  	s7 =	sadd.s32 $0x2400, s1;
	s11 =	smul.u32 $0x5000, s12;
	s21 =	sshll.u32 s12, $0x6  }
0xa: {  	s12 =	simm.s32 $0xF;
	s18 =	smul.u32 $0x9C400, s3;
	s3 =	ssub.s32 $0x2, s3  }
0xb: {  	_ =	strace $0x8000004D;
	s10 =	sshrl.u32 s3, $0x1;
	s19 =	sadd.s32 s6, s9  }
0xc: {  	s9 =	sadd.s32 s7, s9;
	s20 =	sshrl.u32 s11, $0x3;
	s11 =	sor.u32 $0x1C12, s21  }
0xd: {  	s21 =	simm.s32 $0x9000;
	s8 =	sadd.s32 s4, s18;
	[dreg:$0x4] =	wrdreg s19  }
0xe: {  	s3 =	ssub.s32 s3, s10;
	[dreg:$0x5] =	wrdreg s9;
	s4 =	sadd.s32 s4, s2  }
0xf: {  	s5 =	sshrl.u32 s18, $0x3;
	s22 =	sadd.s32 $0x500, s20;
	s18 =	simm.s32 $0x5000  }
0x10: {  	s19 =	simm.s32 $0x7000;
	s9 =	simm.s32 $0xC;
	s20 =	simm.s32 $0x10  }
0x11: {  	[dreg:$0x7] =	wrdreg s11;
	s8 =	sshrl.u32 s8, $0x3;
	s23 =	sadd.s32 s6, s22  }
0x12: {  	s24 =	sadd.s32 s7, s22;
	s26 =	smax.u32 s3, $0x1;
	s14 =	sshrl.u32 s4, $0x3  }
0x13: {  	s4 =	simm.s32 $0x9;
	s6 =	simm.s32 $0xB;
	[dreg:$0x8] =	wrdreg s23  }
0x14: {  	s22 =	simm.s32 $0x0;
	s1 =	sadd.s32 s8, s1;
	[dreg:$0x9] =	wrdreg s24  }
.Ltmp0:
0x15: {  	s8 =	sadd.s32 s0, s8;
	[dreg:$0xb] =	wrdreg s26;
	(pc) =	sbr.rel .LBB2_1-.Ltmp0, $4  }
0x16: {  	s23 =	simm.s32 $0xB000;
	s24 =	simm.s32 $0x1;
	[dreg:$0xc] =	wrdreg s14  }
0x17: {  	s26 =	simm.s32 $0x2;
	[dreg:$0x6] =	wrdreg s8;
	s8 =	sadd.s32 s0, s5  }
0x18: {  	s25 =	sadd.s32 $0x66400, s1;
	s0 =	simm.s32 $0x13000;
	s1 =	simm.s32 $0x5  }
0x19: {  	s5 =	simm.s32 $0x7;
	[dreg:$0xa] =	wrdreg s25;
	s25 =	simm.s32 $0xD000  }
.LBB2_7:
0x1a: {  	_ =	swait.ge [sflag:s13], $0x2000  }
0x1b: {  	[sflag:s13] =	ssyncset.done $0x0  }
0x1c: {  	s3 =	sadd.s32 $0x2B80, s7;
	[sflag:s13] =	ssyncadd.s32 $0xFFFFE000  }
0x1d: {  	[spmem:s2] =	stream.indirect.scatter.add.f32 [tilespmem:s0], [sflag:$0x10], $0x40, s3, s17, $0xb8;
	[tilespmem:$0x1ED00] =	vst v63  }
0x1e: {  	_ =	swait.ge [sflag:s9], $0x2000  }
0x1f: {  	[sflag:s9] =	ssyncset.done $0x0  }
0x20: {  	[sflag:s9] =	ssyncadd.s32 $0xFFFFE000  }
.LBB2_9:
0x21: {  	s3 =	simm.s32 $0xD  }
0x22: {  	_ =	swait.ge [sflag:s3], $0x2000  }
0x23: {  	[sflag:s3] =	ssyncset.done $0x0  }
0x24: {  	s15 =	simm.s32 $0xE;
	[sflag:s3] =	ssyncadd.s32 $0xFFFFE000  }
0x25: {  	_ =	swait.ge [sflag:s15], $0x2000  }
0x26: {  	[sflag:s15] =	ssyncset.done $0x0  }
0x27: {  	[sflag:s15] =	ssyncadd.s32 $0xFFFFE000  }
0x28: {  	_ =	swait.ge [sflag:s12], $0x2000  }
0x29: {  	[sflag:s12] =	ssyncset.done $0x0  }
0x2a: {  	[sflag:s12] =	ssyncadd.s32 $0xFFFFE000  }
0x2b: {  	_ =	swait.ge [sflag:s20], $0x2000  }
0x2c: {  	[sflag:s20] =	ssyncset.done $0x0  }
0x2d: {  	[sflag:s20] =	ssyncadd.s32 $0xFFFFE000  }
0x2e: {  	[bflag:$0x0] =	sbarrier.arrive $0xFFFF  }
0x2f: {  	s11 =	rddreg [dreg:$0x7]  }
0x30: {  	s7 =	rddreg [dreg:$0xa]  }
0x31: {  	s15 =	simm.s32 $0x12;
	s14 =	rddreg [dreg:$0xc]  }
0x32: {  	[hbm:s7], [sflag:s11] =	dma.local [spmem:s14], $0x1388  }
0x33: {  	_ =	swait.ge [sflag:s15], $0x1388  }
0x34: {  	s22 =	sadd.s32 $0x1, s22;
	s10 =	rddreg [dreg:$0xb]  }
0x35: {  	p0 =	sne.s32 s22, s10  }
.Ltmp1:
0x36: {  	_ = 	snop;
	(pc) =	sbr.rel @!p0 .LBB2_10-.Ltmp1, $3  }
0x37: {  	_ =	sdelay $0x1  }
0x38: {  	[sflag:s15] =	ssyncset.done $0x0  }
0x39: {  	[sflag:s15] =	ssyncadd.s32 $0xFFFFEC78  }
.LBB2_1:
0x3a: {  	s3 =	simm.s32 $0x0;
	s7 =	rddreg [dreg:$0x4]  }
0x3b: {  	[tilespmem:s3], [sflag:$0x11] =	stream.linear.gather [hbm4b:s7+s3], $0x2800, $0x38;
	[tilespmem:$0x1ED00] =	vst v63  }
0x3c: {  	s10 =	simm.s32 $0x2800;
	s7 =	rddreg [dreg:$0x5]  }
0x3d: {  	[tilespmem:s10], [sflag:$0x11] =	stream.linear.gather [hbm4b:s7+s3], $0x2800, $0x38;
	[tilespmem:$0x1ED00] =	vst v63  }
0x3e: {  	s10 =	rddreg [dreg:$0x6]  }
0x3f: {  	[spmem:s14], [sflag:s11] =	dma.local [hbm:s10], $0x1388  }
0x40: {  	_ =	swait.ge [sflag:s15], $0x1388  }
0x41: {  	[sflag:s15] =	ssyncset.done $0x0  }
0x42: {  	[sflag:s15] =	ssyncadd.s32 $0xFFFFEC78  }
0x43: {  	_ =	swait.ge [sflag:s16], $0x2800  }
0x44: {  	[sflag:s16] =	ssyncset.done $0x0  }
0x45: {  	[sflag:s16] =	ssyncadd.s32 $0xFFFFD800  }
0x46: {  	_ =	swait.ge [sflag:s16], $0x2800  }
0x47: {  	[sflag:s16] =	ssyncset.done $0x0  }
0x48: {  	[sflag:s16] =	ssyncadd.s32 $0xFFFFD800  }
0x49: {  	[bflag:$0x0] =	sbarrier.arrive $0xFFFF  }
0x4a: {  	[tilespmem:s18], [sflag:$0x1] =	stream.indirect.gather [hbm4b:s8+s17], $0x40, s3, s17, $0xb8;
	[tilespmem:$0x1ED00] =	vst v63  }
0x4b: {  	_ = 	snop  }
0x4c: {  	[tilespmem:s19], [sflag:$0x2] =	stream.indirect.gather [hbm4b:s8+s17], $0x40, s17, s17, $0xb8;
	[tilespmem:$0x1ED00] =	vst v63  }
0x4d: {  	s14 =	simm.s32 $0x100  }
0x4e: {  	[tilespmem:s21], [sflag:$0x3] =	stream.indirect.gather [hbm4b:s8+s17], $0x40, s14, s17, $0xb8;
	[tilespmem:$0x1ED00] =	vst v63  }
0x4f: {  	s15 =	simm.s32 $0x180;
	s3 =	simm.s32 $0x0  }
0x50: {  	[tilespmem:s23], [sflag:$0x4] =	stream.indirect.gather [hbm4b:s8+s17], $0x40, s15, s17, $0xb8;
	[tilespmem:$0x1ED00] =	vst v63  }
.LBB2_2:
0x51: {  	_ =	swait.ge [sflag:s24], $0x2000  }
0x52: {  	s7 =	sshra.s32 s3, $0x2;
	[sflag:s24] =	ssyncset.done $0x0  }
0x53: {  	p0 =	seq.s32 s3, $0x0;
	s14 =	sadd.s32 $0x2800, s7;
	[sflag:s24] =	ssyncadd.s32 $0xFFFFE000  }
0x54: {  	[spmem:s2] =	stream.indirect.scatter.add.f32 [tilespmem:s18], [sflag:$0x9], $0x40, s14, s17, $0xb8;
	[tilespmem:$0x1ED00] =	vst v63  }
0x55: {  	s14 =	simm.s32 @!p0 $0xD  }
0x56: {  	_ =	swait.ge @!p0 [sflag:s14], $0x2000  }
0x57: {  	[sflag:s14] =	ssyncset.done @!p0 $0x0  }
0x58: {  	s10 =	sadd.s32 $0x200, s7;
	[sflag:s14] =	ssyncadd.s32 @!p0 $0xFFFFE000  }
0x59: {  	[tilespmem:s25], [sflag:$0x5] =	stream.indirect.gather [hbm4b:s8+s17], $0x40, s10, s17, $0xb8;
	[tilespmem:$0x1ED00] =	vst v63  }
0x5a: {  	_ =	swait.ge [sflag:s26], $0x2000  }
0x5b: {  	[sflag:s26] =	ssyncset.done $0x0  }
0x5c: {  	s11 =	sadd.s32 $0x2880, s7;
	s14 =	simm.s32 @!p0 $0xE;
	[sflag:s26] =	ssyncadd.s32 $0xFFFFE000  }
0x5d: {  	[spmem:s2] =	stream.indirect.scatter.add.f32 [tilespmem:s19], [sflag:$0xA], $0x40, s11, s17, $0xb8;
	[tilespmem:$0x1ED00] =	vst v63  }
0x5e: {  	_ =	swait.ge @!p0 [sflag:s14], $0x2000  }
0x5f: {  	[sflag:s14] =	ssyncset.done @!p0 $0x0  }
0x60: {  	s15 =	sadd.s32 $0x280, s7;
	[sflag:s14] =	ssyncadd.s32 @!p0 $0xFFFFE000  }
0x61: {  	[tilespmem:s28], [sflag:$0x6] =	stream.indirect.gather [hbm4b:s8+s17], $0x40, s15, s17, $0xb8;
	[tilespmem:$0x1ED00] =	vst v63  }
0x62: {  	_ =	swait.ge [sflag:s29], $0x2000  }
0x63: {  	[sflag:s29] =	ssyncset.done $0x0  }
0x64: {  	s10 =	sadd.s32 $0x2900, s7;
	s14 =	simm.s32 @!p0 $0xF;
	[sflag:s29] =	ssyncadd.s32 $0xFFFFE000  }
0x65: {  	[spmem:s2] =	stream.indirect.scatter.add.f32 [tilespmem:s21], [sflag:$0xB], $0x40, s10, s17, $0xb8;
	[tilespmem:$0x1ED00] =	vst v63  }
0x66: {  	_ =	swait.ge @!p0 [sflag:s14], $0x2000  }
0x67: {  	[sflag:s14] =	ssyncset.done @!p0 $0x0  }
0x68: {  	s11 =	sadd.s32 $0x300, s7;
	[sflag:s14] =	ssyncadd.s32 @!p0 $0xFFFFE000  }
0x69: {  	[tilespmem:s30], [sflag:$0x7] =	stream.indirect.gather [hbm4b:s8+s17], $0x40, s11, s17, $0xb8;
	[tilespmem:$0x1ED00] =	vst v63  }
0x6a: {  	_ =	swait.ge [sflag:s31], $0x2000  }
0x6b: {  	[sflag:s31] =	ssyncset.done $0x0  }
0x6c: {  	s15 =	sadd.s32 $0x2980, s7;
	s14 =	simm.s32 @!p0 $0x10;
	[sflag:s31] =	ssyncadd.s32 $0xFFFFE000  }
0x6d: {  	[spmem:s2] =	stream.indirect.scatter.add.f32 [tilespmem:s23], [sflag:$0xC], $0x40, s15, s17, $0xb8;
	[tilespmem:$0x1ED00] =	vst v63  }
0x6e: {  	_ =	swait.ge @!p0 [sflag:s14], $0x2000  }
0x6f: {  	[sflag:s14] =	ssyncset.done @!p0 $0x0  }
0x70: {  	s10 =	sadd.s32 $0x380, s7;
	[sflag:s14] =	ssyncadd.s32 @!p0 $0xFFFFE000  }
0x71: {  	[tilespmem:s0], [sflag:$0x8] =	stream.indirect.gather [hbm4b:s8+s17], $0x40, s10, s17, $0xb8;
	[tilespmem:$0x1ED00] =	vst v63  }
0x72: {  	_ =	swait.ge [sflag:s1], $0x2000  }
0x73: {  	[sflag:s1] =	ssyncset.done $0x0  }
0x74: {  	s11 =	sadd.s32 $0x2A00, s7;
	[sflag:s1] =	ssyncadd.s32 $0xFFFFE000  }
0x75: {  	[spmem:s2] =	stream.indirect.scatter.add.f32 [tilespmem:s25], [sflag:$0xD], $0x40, s11, s17, $0xb8;
	[tilespmem:$0x1ED00] =	vst v63  }
0x76: {  	_ =	swait.ge [sflag:s4], $0x2000  }
0x77: {  	p0 =	seq.s32 s3, $0x9000;
	[sflag:s4] =	ssyncset.done $0x0  }
0x78: {  	s14 =	simm.s32 @p0 $0x6;
	[sflag:s4] =	ssyncadd.s32 $0xFFFFE000  }
0x79: {  	_ =	swait.ge @p0 [sflag:s14], $0x2000  }
0x7a: {  	[sflag:s14] =	ssyncset.done @p0 $0x0  }
0x7b: {  	[sflag:s14] =	ssyncadd.s32 @p0 $0xFFFFE000;
	s14 =	sshra.s32 @p0 s3, $0x2  }
0x7c: {  	s15 =	simm.s32 @p0 $0x80;
	s10 =	simm.s32 @p0 $0xF000;
	s14 =	sadd.s32 @p0 $0x2A80, s14  }
0x7d: {  	[spmem:s2] =	stream.indirect.scatter.add.f32 @p0 [tilespmem:s10], [sflag:$0xE], $0x40, s14, s15, $0xb8;
	[tilespmem:$0x1ED00] =	vst v63  }
0x7e: {  	s10 =	simm.s32 @p0 $0xA  }
0x7f: {  	_ =	swait.ge @p0 [sflag:s10], $0x2000  }
0x80: {  	[sflag:s10] =	ssyncset.done @p0 $0x0  }
0x81: {  	[sflag:s10] =	ssyncadd.s32 @p0 $0xFFFFE000;
	s10 =	sshra.s32 @!p0 s3, $0x2  }
0x82: {  	s11 =	simm.s32 @!p0 $0x5000;
	s15 =	simm.s32 @!p0 $0x80;
	s14 =	sadd.s32 @!p0 $0x400, s10  }
0x83: {  	[tilespmem:s11], [sflag:$0x1] =	stream.indirect.gather @!p0 [hbm4b:s8+s15], $0x40, s14, s15, $0xb8;
	[tilespmem:$0x1ED00] =	vst v63  }
0x84: {  	s11 =	simm.s32 @!p0 $0x6  }
0x85: {  	_ =	swait.ge @!p0 [sflag:s11], $0x2000  }
0x86: {  	[sflag:s11] =	ssyncset.done @!p0 $0x0  }
0x87: {  	s14 =	simm.s32 @!p0 $0xF000;
	[sflag:s11] =	ssyncadd.s32 @!p0 $0xFFFFE000;
	s11 =	sadd.s32 @!p0 $0x2A80, s10  }
0x88: {  	[spmem:s2] =	stream.indirect.scatter.add.f32 @!p0 [tilespmem:s14], [sflag:$0xE], $0x40, s11, s15, $0xb8;
	[tilespmem:$0x1ED00] =	vst v63  }
0x89: {  	s11 =	simm.s32 @!p0 $0xA  }
0x8a: {  	_ =	swait.ge @!p0 [sflag:s11], $0x2000  }
0x8b: {  	[sflag:s11] =	ssyncset.done @!p0 $0x0  }
0x8c: {  	s10 =	sadd.s32 @!p0 $0x480, s10;
	[sflag:s11] =	ssyncadd.s32 @!p0 $0xFFFFE000;
	s11 =	simm.s32 @!p0 $0x7000  }
0x8d: {  	[tilespmem:s11], [sflag:$0x2] =	stream.indirect.gather @!p0 [hbm4b:s8+s15], $0x40, s10, s15, $0xb8;
	[tilespmem:$0x1ED00] =	vst v63  }
0x8e: {  	_ =	swait.ge [sflag:s5], $0x2000  }
0x8f: {  	p0 =	sne.s32 s3, $0x9000;
	[sflag:s5] =	ssyncset.done $0x0  }
.Ltmp2:
0x90: {  	s15 =	sadd.s32 $0x2B00, s7;
	[sflag:s5] =	ssyncadd.s32 $0xFFFFE000;
	(pc) =	sbr.rel @!p0 .LBB2_3-.Ltmp2, $4  }
0x91: {  	[spmem:s2] =	stream.indirect.scatter.add.f32 [tilespmem:s30], [sflag:$0xF], $0x40, s15, s17, $0xb8;
	[tilespmem:$0x1ED00] =	vst v63  }
0x92: {  	_ =	swait.ge [sflag:s6], $0x2000  }
0x93: {  	[sflag:s6] =	ssyncset.done $0x0  }
0x94: {  	[sflag:s6] =	ssyncadd.s32 $0xFFFFE000  }
0x95: {  	s10 =	sadd.s32 $0x500, s7  }
0x96: {  	[tilespmem:s21], [sflag:$0x3] =	stream.indirect.gather [hbm4b:s8+s17], $0x40, s10, s17, $0xb8;
	[tilespmem:$0x1ED00] =	vst v63  }
0x97: {  	_ =	swait.ge [sflag:s13], $0x2000  }
0x98: {  	s3 =	sadd.s32 $0x1000, s3;
	[sflag:s13] =	ssyncset.done $0x0  }
0x99: {  	s14 =	sadd.s32 $0x2B80, s7;
	p0 =	sne.s32 s3, $0xA000;
	[sflag:s13] =	ssyncadd.s32 $0xFFFFE000  }
0x9a: {  	[spmem:s2] =	stream.indirect.scatter.add.f32 [tilespmem:s0], [sflag:$0x10], $0x40, s14, s17, $0xb8;
	[tilespmem:$0x1ED00] =	vst v63  }
.Ltmp3:
0x9b: {  	_ = 	snop;
	(pc) =	sbr.rel @p0 .LBB2_2-.Ltmp3, $4  }
.Ltmp4:
0x9c: {  	_ =	swait.ge [sflag:s9], $0x2000;
	(pc) =	sbr.rel @!p0 .LBB2_5-.Ltmp4, $4  }
0x9d: {  	[sflag:s9] =	ssyncset.done $0x0  }
0x9e: {  	s15 =	sadd.s32 $0x580, s7;
	[sflag:s9] =	ssyncadd.s32 $0xFFFFE000  }
0x9f: {  	[tilespmem:s23], [sflag:$0x4] =	stream.indirect.gather [hbm4b:s8+s17], $0x40, s15, s17, $0xb8;
	[tilespmem:$0x1ED00] =	vst v63  }
0xa0: {  	_ = 	snop  }
.LBB2_3:
0xa1: {  	_ =	swait.ge [sflag:s13], $0x2000  }
0xa2: {  	[sflag:s13] =	ssyncset.done $0x0  }
0xa3: {  	s3 =	sadd.s32 $0x2B80, s7;
	[sflag:s13] =	ssyncadd.s32 $0xFFFFE000  }
0xa4: {  	[spmem:s2] =	stream.indirect.scatter.add.f32 [tilespmem:s0], [sflag:$0x10], $0x40, s3, s17, $0xb8;
	[tilespmem:$0x1ED00] =	vst v63  }
0xa5: {  	_ =	swait.ge [sflag:s9], $0x2000  }
0xa6: {  	[sflag:s9] =	ssyncset.done $0x0  }
0xa7: {  	[sflag:s9] =	ssyncadd.s32 $0xFFFFE000  }
.LBB2_5:
0xa8: {  	s3 =	simm.s32 $0xD  }
0xa9: {  	_ =	swait.ge [sflag:s3], $0x2000  }
0xaa: {  	[sflag:s3] =	ssyncset.done $0x0  }
0xab: {  	s10 =	simm.s32 $0xE;
	[sflag:s3] =	ssyncadd.s32 $0xFFFFE000  }
0xac: {  	_ =	swait.ge [sflag:s10], $0x2000  }
0xad: {  	[sflag:s10] =	ssyncset.done $0x0  }
0xae: {  	[sflag:s10] =	ssyncadd.s32 $0xFFFFE000  }
0xaf: {  	_ =	swait.ge [sflag:s12], $0x2000  }
0xb0: {  	[sflag:s12] =	ssyncset.done $0x0  }
0xb1: {  	[sflag:s12] =	ssyncadd.s32 $0xFFFFE000  }
0xb2: {  	_ =	swait.ge [sflag:s20], $0x2000  }
0xb3: {  	[sflag:s20] =	ssyncset.done $0x0  }
0xb4: {  	s3 =	simm.s32 $0x0;
	s7 =	rddreg [dreg:$0x8];
	[sflag:s20] =	ssyncadd.s32 $0xFFFFE000  }
0xb5: {  	[tilespmem:s3], [sflag:$0x11] =	stream.linear.gather [hbm4b:s7+s3], $0x2800, $0x38;
	[tilespmem:$0x1ED00] =	vst v63  }
0xb6: {  	s10 =	simm.s32 $0x2800;
	s11 =	rddreg [dreg:$0x9]  }
0xb7: {  	[tilespmem:s10], [sflag:$0x11] =	stream.linear.gather [hbm4b:s11+s3], $0x2800, $0x38;
	[tilespmem:$0x1ED00] =	vst v63  }
0xb8: {  	_ =	swait.ge [sflag:s16], $0x2800  }
0xb9: {  	[sflag:s16] =	ssyncset.done $0x0  }
0xba: {  	[sflag:s16] =	ssyncadd.s32 $0xFFFFD800  }
0xbb: {  	_ =	swait.ge [sflag:s16], $0x2800  }
0xbc: {  	[sflag:s16] =	ssyncset.done $0x0  }
0xbd: {  	[sflag:s16] =	ssyncadd.s32 $0xFFFFD800  }
0xbe: {  	[tilespmem:s18], [sflag:$0x1] =	stream.indirect.gather [hbm4b:s8+s17], $0x40, s3, s17, $0xb8;
	[tilespmem:$0x1ED00] =	vst v63  }
0xbf: {  	_ = 	snop  }
0xc0: {  	[tilespmem:s19], [sflag:$0x2] =	stream.indirect.gather [hbm4b:s8+s17], $0x40, s17, s17, $0xb8;
	[tilespmem:$0x1ED00] =	vst v63  }
0xc1: {  	s14 =	simm.s32 $0x100  }
0xc2: {  	[tilespmem:s21], [sflag:$0x3] =	stream.indirect.gather [hbm4b:s8+s17], $0x40, s14, s17, $0xb8;
	[tilespmem:$0x1ED00] =	vst v63  }
0xc3: {  	s15 =	simm.s32 $0x180  }
0xc4: {  	[tilespmem:s23], [sflag:$0x4] =	stream.indirect.gather [hbm4b:s8+s17], $0x40, s15, s17, $0xb8;
	[tilespmem:$0x1ED00] =	vst v63  }
.LBB2_6:
0xc5: {  	_ =	swait.ge [sflag:s24], $0x2000  }
0xc6: {  	s7 =	sshra.s32 s3, $0x2;
	[sflag:s24] =	ssyncset.done $0x0  }
0xc7: {  	p0 =	seq.s32 s3, $0x0;
	s10 =	sadd.s32 $0x2800, s7;
	[sflag:s24] =	ssyncadd.s32 $0xFFFFE000  }
0xc8: {  	[spmem:s2] =	stream.indirect.scatter.add.f32 [tilespmem:s18], [sflag:$0x9], $0x40, s10, s17, $0xb8;
	[tilespmem:$0x1ED00] =	vst v63  }
0xc9: {  	s10 =	simm.s32 @!p0 $0xD  }
0xca: {  	_ =	swait.ge @!p0 [sflag:s10], $0x2000  }
0xcb: {  	[sflag:s10] =	ssyncset.done @!p0 $0x0  }
0xcc: {  	s11 =	sadd.s32 $0x200, s7;
	[sflag:s10] =	ssyncadd.s32 @!p0 $0xFFFFE000  }
0xcd: {  	[tilespmem:s25], [sflag:$0x5] =	stream.indirect.gather [hbm4b:s8+s17], $0x40, s11, s17, $0xb8;
	[tilespmem:$0x1ED00] =	vst v63  }
0xce: {  	_ =	swait.ge [sflag:s26], $0x2000  }
0xcf: {  	[sflag:s26] =	ssyncset.done $0x0  }
0xd0: {  	s14 =	sadd.s32 $0x2880, s7;
	s10 =	simm.s32 @!p0 $0xE;
	[sflag:s26] =	ssyncadd.s32 $0xFFFFE000  }
0xd1: {  	[spmem:s2] =	stream.indirect.scatter.add.f32 [tilespmem:s19], [sflag:$0xA], $0x40, s14, s17, $0xb8;
	[tilespmem:$0x1ED00] =	vst v63  }
0xd2: {  	_ =	swait.ge @!p0 [sflag:s10], $0x2000  }
0xd3: {  	[sflag:s10] =	ssyncset.done @!p0 $0x0  }
0xd4: {  	s15 =	sadd.s32 $0x280, s7;
	[sflag:s10] =	ssyncadd.s32 @!p0 $0xFFFFE000  }
0xd5: {  	[tilespmem:s28], [sflag:$0x6] =	stream.indirect.gather [hbm4b:s8+s17], $0x40, s15, s17, $0xb8;
	[tilespmem:$0x1ED00] =	vst v63  }
0xd6: {  	_ =	swait.ge [sflag:s29], $0x2000  }
0xd7: {  	[sflag:s29] =	ssyncset.done $0x0  }
0xd8: {  	s11 =	sadd.s32 $0x2900, s7;
	s10 =	simm.s32 @!p0 $0xF;
	[sflag:s29] =	ssyncadd.s32 $0xFFFFE000  }
0xd9: {  	[spmem:s2] =	stream.indirect.scatter.add.f32 [tilespmem:s21], [sflag:$0xB], $0x40, s11, s17, $0xb8;
	[tilespmem:$0x1ED00] =	vst v63  }
0xda: {  	_ =	swait.ge @!p0 [sflag:s10], $0x2000  }
0xdb: {  	[sflag:s10] =	ssyncset.done @!p0 $0x0  }
0xdc: {  	s14 =	sadd.s32 $0x300, s7;
	[sflag:s10] =	ssyncadd.s32 @!p0 $0xFFFFE000  }
0xdd: {  	[tilespmem:s30], [sflag:$0x7] =	stream.indirect.gather [hbm4b:s8+s17], $0x40, s14, s17, $0xb8;
	[tilespmem:$0x1ED00] =	vst v63  }
0xde: {  	_ =	swait.ge [sflag:s31], $0x2000  }
0xdf: {  	[sflag:s31] =	ssyncset.done $0x0  }
0xe0: {  	s15 =	sadd.s32 $0x2980, s7;
	s10 =	simm.s32 @!p0 $0x10;
	[sflag:s31] =	ssyncadd.s32 $0xFFFFE000  }
0xe1: {  	[spmem:s2] =	stream.indirect.scatter.add.f32 [tilespmem:s23], [sflag:$0xC], $0x40, s15, s17, $0xb8;
	[tilespmem:$0x1ED00] =	vst v63  }
0xe2: {  	_ =	swait.ge @!p0 [sflag:s10], $0x2000  }
0xe3: {  	[sflag:s10] =	ssyncset.done @!p0 $0x0  }
0xe4: {  	s11 =	sadd.s32 $0x380, s7;
	[sflag:s10] =	ssyncadd.s32 @!p0 $0xFFFFE000  }
0xe5: {  	[tilespmem:s0], [sflag:$0x8] =	stream.indirect.gather [hbm4b:s8+s17], $0x40, s11, s17, $0xb8;
	[tilespmem:$0x1ED00] =	vst v63  }
0xe6: {  	_ =	swait.ge [sflag:s1], $0x2000  }
0xe7: {  	[sflag:s1] =	ssyncset.done $0x0  }
0xe8: {  	s14 =	sadd.s32 $0x2A00, s7;
	[sflag:s1] =	ssyncadd.s32 $0xFFFFE000  }
0xe9: {  	[spmem:s2] =	stream.indirect.scatter.add.f32 [tilespmem:s25], [sflag:$0xD], $0x40, s14, s17, $0xb8;
	[tilespmem:$0x1ED00] =	vst v63  }
0xea: {  	_ =	swait.ge [sflag:s4], $0x2000  }
0xeb: {  	p0 =	seq.s32 s3, $0x9000;
	[sflag:s4] =	ssyncset.done $0x0  }
0xec: {  	s10 =	simm.s32 @p0 $0x6;
	[sflag:s4] =	ssyncadd.s32 $0xFFFFE000  }
0xed: {  	_ =	swait.ge @p0 [sflag:s10], $0x2000  }
0xee: {  	[sflag:s10] =	ssyncset.done @p0 $0x0  }
0xef: {  	[sflag:s10] =	ssyncadd.s32 @p0 $0xFFFFE000;
	s10 =	sshra.s32 @p0 s3, $0x2  }
0xf0: {  	s11 =	simm.s32 @p0 $0x80;
	s14 =	simm.s32 @p0 $0xF000;
	s10 =	sadd.s32 @p0 $0x2A80, s10  }
0xf1: {  	[spmem:s2] =	stream.indirect.scatter.add.f32 @p0 [tilespmem:s14], [sflag:$0xE], $0x40, s10, s11, $0xb8;
	[tilespmem:$0x1ED00] =	vst v63  }
0xf2: {  	s10 =	simm.s32 @p0 $0xA  }
0xf3: {  	_ =	swait.ge @p0 [sflag:s10], $0x2000  }
0xf4: {  	[sflag:s10] =	ssyncset.done @p0 $0x0  }
0xf5: {  	[sflag:s10] =	ssyncadd.s32 @p0 $0xFFFFE000;
	s10 =	sshra.s32 @!p0 s3, $0x2  }
0xf6: {  	s15 =	simm.s32 @!p0 $0x5000;
	s14 =	simm.s32 @!p0 $0x80;
	s11 =	sadd.s32 @!p0 $0x400, s10  }
0xf7: {  	[tilespmem:s15], [sflag:$0x1] =	stream.indirect.gather @!p0 [hbm4b:s8+s14], $0x40, s11, s14, $0xb8;
	[tilespmem:$0x1ED00] =	vst v63  }
0xf8: {  	s11 =	simm.s32 @!p0 $0x6  }
0xf9: {  	_ =	swait.ge @!p0 [sflag:s11], $0x2000  }
0xfa: {  	[sflag:s11] =	ssyncset.done @!p0 $0x0  }
0xfb: {  	s15 =	simm.s32 @!p0 $0xF000;
	[sflag:s11] =	ssyncadd.s32 @!p0 $0xFFFFE000;
	s11 =	sadd.s32 @!p0 $0x2A80, s10  }
0xfc: {  	[spmem:s2] =	stream.indirect.scatter.add.f32 @!p0 [tilespmem:s15], [sflag:$0xE], $0x40, s11, s14, $0xb8;
	[tilespmem:$0x1ED00] =	vst v63  }
0xfd: {  	s11 =	simm.s32 @!p0 $0xA  }
0xfe: {  	_ =	swait.ge @!p0 [sflag:s11], $0x2000  }
0xff: {  	[sflag:s11] =	ssyncset.done @!p0 $0x0  }
0x100: {  	s10 =	sadd.s32 @!p0 $0x480, s10;
	[sflag:s11] =	ssyncadd.s32 @!p0 $0xFFFFE000;
	s11 =	simm.s32 @!p0 $0x7000  }
0x101: {  	[tilespmem:s11], [sflag:$0x2] =	stream.indirect.gather @!p0 [hbm4b:s8+s14], $0x40, s10, s14, $0xb8;
	[tilespmem:$0x1ED00] =	vst v63  }
0x102: {  	_ =	swait.ge [sflag:s5], $0x2000  }
0x103: {  	p0 =	sne.s32 s3, $0x9000;
	[sflag:s5] =	ssyncset.done $0x0  }
.Ltmp5:
0x104: {  	s15 =	sadd.s32 $0x2B00, s7;
	[sflag:s5] =	ssyncadd.s32 $0xFFFFE000;
	(pc) =	sbr.rel @!p0 .LBB2_7-.Ltmp5, $4  }
0x105: {  	[spmem:s2] =	stream.indirect.scatter.add.f32 [tilespmem:s30], [sflag:$0xF], $0x40, s15, s17, $0xb8;
	[tilespmem:$0x1ED00] =	vst v63  }
0x106: {  	_ =	swait.ge [sflag:s6], $0x2000  }
0x107: {  	[sflag:s6] =	ssyncset.done $0x0  }
0x108: {  	[sflag:s6] =	ssyncadd.s32 $0xFFFFE000  }
0x109: {  	s10 =	sadd.s32 $0x500, s7  }
0x10a: {  	[tilespmem:s21], [sflag:$0x3] =	stream.indirect.gather [hbm4b:s8+s17], $0x40, s10, s17, $0xb8;
	[tilespmem:$0x1ED00] =	vst v63  }
0x10b: {  	_ =	swait.ge [sflag:s13], $0x2000  }
0x10c: {  	s3 =	sadd.s32 $0x1000, s3;
	[sflag:s13] =	ssyncset.done $0x0  }
0x10d: {  	s14 =	sadd.s32 $0x2B80, s7;
	p0 =	sne.s32 s3, $0xA000;
	[sflag:s13] =	ssyncadd.s32 $0xFFFFE000  }
0x10e: {  	[spmem:s2] =	stream.indirect.scatter.add.f32 [tilespmem:s0], [sflag:$0x10], $0x40, s14, s17, $0xb8;
	[tilespmem:$0x1ED00] =	vst v63  }
.Ltmp6:
0x10f: {  	_ = 	snop;
	(pc) =	sbr.rel @p0 .LBB2_6-.Ltmp6, $4  }
.Ltmp7:
0x110: {  	_ =	swait.ge [sflag:s9], $0x2000;
	(pc) =	sbr.rel @!p0 .LBB2_9-.Ltmp7, $4  }
0x111: {  	[sflag:s9] =	ssyncset.done $0x0  }
0x112: {  	s15 =	sadd.s32 $0x580, s7;
	[sflag:s9] =	ssyncadd.s32 $0xFFFFE000  }
0x113: {  	[tilespmem:s23], [sflag:$0x4] =	stream.indirect.gather [hbm4b:s8+s17], $0x40, s15, s17, $0xb8;
	[tilespmem:$0x1ED00] =	vst v63  }
0x114: {  	_ = 	snop  }
.LBB2_10:
0x115: {  	_ =	sfence.sel $0x180000  }
0x116: {  	[bflag:$0x0] =	sbarrier.arrive $0xFFFF  }
0x117: {  	_ =	strace $0x9000004D  }
0x118: {  	s0 =	stileid.u32;
	[bflag:$0x2] =	sbarrier.arrive $0xFFFF  }
0x119: {  	p0 =	sne.s32 s0, $0x0;
	s0 =	rddreg [dreg:$0x3]  }
0x11a: {  	s0 =	sadd.s32 @!p0 $0x100000, s0  }
0x11b: {  	[sflag:s0] =	ssyncadd.tile.s32 @!p0 $0x1;
	_ =	shalt  }
.Lfunc_end2:
_tile_overlayer_lowered:
.L_overlay_start_2:
0x11c: {  	(tag) =	ssettag $0x2  }
0x11d: {  	s0 =	rddreg [dreg:$0x0];
	s2 =	stileid.u32  }
0x11e: {  	s1 =	rddreg [dreg:$0x1];
	p0 =	sne.s32 s2, $0x0  }
0x11f: {  	s3 =	rddreg [dreg:$0x2];
	[bflag:$0x3] =	sbarrier.arrive $0xFFFF;
	s2 =	simm.s32 @!p0 $0x1C12  }
0x120: {  	[timem:s3], [sflag:s2] =	dma.local @!p0 [hbm:s0], s1  }
0x121: {  	s0 =	simm.s32 @!p0 $0x12  }
0x122: {  	_ =	swait.ge @!p0 [sflag:s0], s1  }
0x123: {  	s1 =	ssub.s32 @!p0 $0x0, s1;
	[sflag:s0] =	ssyncset.done @!p0 $0x0  }
0x124: {  	[sflag:s0] =	ssyncadd.s32 @!p0 s1  }
0x125: {  	[bflag:$0x3] =	sbarrier.arrive $0xFFFF  }
0x126: {  	_ =	shalt  }

// kernel: kernel.8.cloned.1.call-start
scs
__scs_entry_jumppad:
0x0: {  	(pc) =	sbr.rel $0x88, $3  }
0x1: {  	(tag) =	ssettag $0x0;
	lr =	simm.s32 $0x1  }
0x2: {  	[smem:$0x3F9B] =	sst lr;
	_ =	strace $0xD0000000  }
0x3: {  	_ = 	snop  }
0x4: {  	_ = 	snop  }
0x5: {  	_ = 	snop  }
0x6: {  	_ = 	snop  }
0x7: {  	_ = 	snop  }
__scs_overlays_trampoline_lowered:
0x8: {  	[smem:$0x3FAA] =	sst s0  }
0x9: {  	[smem:$0x3FAB] =	sst s1  }
0xa: {  	[smem:$0x3FAC] =	sst s2  }
0xb: {  	[smem:$0x3FAD] =	sst s3  }
0xc: {  	[smem:$0x3FAE] =	sst s4  }
0xd: {  	[smem:$0x3FAF] =	sst s5  }
0xe: {  	[smem:$0x3FB0] =	sst s6  }
0xf: {  	[smem:$0x3FB1] =	sst s7  }
0x10: {  	[smem:$0x3FB2] =	sst s8  }
0x11: {  	[smem:$0x3FB3] =	sst s9;
	s0 =	simm.s32 @!p0 $0x0  }
0x12: {  	s1 =	sld [smem:$0x3F99];
	s0 =	simm.s32 @p0 $0x1  }
0x13: {  	[smem:$0x3FB4] =	sst s0;
	s0 =	simm.s32 @!p1 $0x0  }
0x14: {  	s2 =	sld [smem:$0x3F98];
	s0 =	simm.s32 @p1 $0x1  }
0x15: {  	[smem:$0x3FB5] =	sst s0;
	s0 =	simm.s32 @!p2 $0x0  }
0x16: {  	s3 =	sld [smem:$0x3FDB];
	s0 =	simm.s32 @p2 $0x1  }
0x17: {  	s4 =	simm.s32 $0x1BF5;
	[smem:$0x3FB7] =	sst s0  }
0x18: {  	s0 =	sld [smem:$0x3F9A];
	_ =	swait.ge [sflag:s4], $0x0  }
0x19: {  	s7 =	sld [smem:$0x3F9B]  }
0x1a: {  	s8 =	sadd.s32 $0xFFFFE003, lr  }
0x1b: {  	s9 =	sadd.s32 $0xFFFFFEF7, lr;
	s5 =	simm.s32 $0xFFFFFFFF;
	p2 =	slt.u32 s8, $0xFFFFF086  }
0x1c: {  	p1 =	slt.u32 s9, $0xF7A;
	s5 =	simm.s32 @!p2 $0x0  }
0x1d: {  	s5 =	simm.s32 @p1 $0x1;
	p0 =	seq.s32 s7, s2  }
0x1e: {  	s7 =	smul.u32 @!p0 $0xF7A, s2;
	p2 =	seq.s32 @!p0 s5, $0x0  }
0x1f: {  	s9 =	smul.u32 $0xF7A, s1;
	s8 =	simm.s32 @!p0 $0x1BF5;
	p2 =	por !p2, p0  }
0x20: {  	[sflag:s8] =	ssyncset.s32 @!p0 $0xFFFFF086;
	s6 =	sadd.s32 @!p0 s3, s7;
	s7 =	simm.s32 @!p0 $0x108  }
0x21: {  	s3 =	sadd.s32 s3, s9;
	s6 =	sadd.s32 @!p0 $0x88, s6;
	s7 =	simm.s32 @p2 $0x1082  }
0x22: {  	[simem:s7], [sflag:s8] =	dma.local @!p0 [hbm:s6], $0xF7A  }
0x23: {  	s9 =	sor.u32 $0xD0000000, s2;
	s6 =	simm.s32 $0x108;
	_ =	swait.ge @!p0 [sflag:s8], $0x0  }
0x24: {  	s3 =	sadd.s32 $0x88, s3;
	s6 =	simm.s32 @!p1 $0x1082;
	[sflag:s4] =	ssyncset.s32 $0xFFFFF086  }
0x25: {  	[simem:s6], [sflag:s4] =	dma.local [hbm:s3], $0xF7A  }
0x26: {  	[smem:$0x3F9B] =	sst s1;
	(tag) =	ssettag s2;
	_ =	strace s9  }
0x27: {  	s1 =	sld [smem:$0x3FAB]  }
0x28: {  	s2 =	sld [smem:$0x3FAC]  }
0x29: {  	s4 =	sld [smem:$0x3FAE]  }
0x2a: {  	p0 =	seq.s32 s5, $0x0;
	s5 =	sld [smem:$0x3FAF]  }
0x2b: {  	s6 =	sld [smem:$0x3FB0]  }
0x2c: {  	s7 =	sld [smem:$0x3FB1]  }
0x2d: {  	s3 =	simm.s32 $0x108;
	s8 =	sld [smem:$0x3FB2]  }
0x2e: {  	s3 =	simm.s32 @!p0 $0x1082;
	s9 =	sld [smem:$0x3FB3]  }
0x2f: {  	lr =	sadd.s32 s0, s3;
	s0 =	sld [smem:$0x3FAA]  }
0x30: {  	s3 =	sld [smem:$0x3FAD]  }
0x31: {  	[smem:$0x3FB6] =	sst s10  }
0x32: {  	s10 =	sld [smem:$0x3FB4];
	_ =	sdelay $0x3  }
0x33: {  	p0 =	seq.s32 s10, $0x1;
	s10 =	sld [smem:$0x3FB6];
	_ =	sdelay $0x3  }
0x34: {  	[smem:$0x3FB6] =	sst s10  }
0x35: {  	s10 =	sld [smem:$0x3FB5];
	_ =	sdelay $0x3  }
0x36: {  	p1 =	seq.s32 s10, $0x1;
	s10 =	sld [smem:$0x3FB6];
	_ =	sdelay $0x3  }
0x37: {  	[smem:$0x3FB6] =	sst s10  }
0x38: {  	s10 =	sld [smem:$0x3FB7]  }
0x39: {  	_ = 	snop;
	(pc) =	sbr.ind lr, $3  }
0x3a: {  	_ = 	snop  }
0x3b: {  	_ = 	snop  }
0x3c: {  	p2 =	seq.s32 s10, $0x1;
	s10 =	sld [smem:$0x3FB6]  }
0x3d: {  	_ =	shalt  }
0x3e: {  	_ =	shalt  }
0x3f: {  	_ =	shalt  }
0x40: {  	_ =	shalt  }
0x41: {  	_ =	shalt  }
0x42: {  	_ =	shalt  }
0x43: {  	_ =	shalt  }
0x44: {  	_ =	shalt  }
0x45: {  	_ =	shalt  }
0x46: {  	_ =	shalt  }
0x47: {  	_ =	shalt  }
0x48: {  	_ =	shalt  }
0x49: {  	_ =	shalt  }
0x4a: {  	_ =	shalt  }
0x4b: {  	_ =	shalt  }
0x4c: {  	_ =	shalt  }
0x4d: {  	_ =	shalt  }
0x4e: {  	_ =	shalt  }
0x4f: {  	_ =	shalt  }
0x50: {  	_ =	shalt  }
0x51: {  	_ =	shalt  }
0x52: {  	_ =	shalt  }
0x53: {  	_ =	shalt  }
0x54: {  	_ =	shalt  }
0x55: {  	_ =	shalt  }
0x56: {  	_ =	shalt  }
0x57: {  	_ =	shalt  }
0x58: {  	_ =	shalt  }
0x59: {  	_ =	shalt  }
0x5a: {  	_ =	shalt  }
0x5b: {  	_ =	shalt  }
0x5c: {  	_ =	shalt  }
0x5d: {  	_ =	shalt  }
0x5e: {  	_ =	shalt  }
0x5f: {  	_ =	shalt  }
0x60: {  	_ =	shalt  }
0x61: {  	_ =	shalt  }
0x62: {  	_ =	shalt  }
0x63: {  	_ =	shalt  }
0x64: {  	_ =	shalt  }
0x65: {  	_ =	shalt  }
0x66: {  	_ =	shalt  }
0x67: {  	_ =	shalt  }
0x68: {  	_ =	shalt  }
0x69: {  	_ =	shalt  }
0x6a: {  	_ =	shalt  }
0x6b: {  	_ =	shalt  }
0x6c: {  	_ =	shalt  }
0x6d: {  	_ =	shalt  }
0x6e: {  	_ =	shalt  }
0x6f: {  	_ =	shalt  }
0x70: {  	_ =	shalt  }
0x71: {  	_ =	shalt  }
0x72: {  	_ =	shalt  }
0x73: {  	_ =	shalt  }
0x74: {  	_ =	shalt  }
0x75: {  	_ =	shalt  }
0x76: {  	_ =	shalt  }
0x77: {  	_ =	shalt  }
0x78: {  	_ =	shalt  }
0x79: {  	_ =	shalt  }
0x7a: {  	_ =	shalt  }
0x7b: {  	_ =	shalt  }
0x7c: {  	_ =	shalt  }
0x7d: {  	_ =	shalt  }
0x7e: {  	_ =	shalt  }
0x7f: {  	_ =	shalt  }
0x80: {  	_ =	shalt  }
0x81: {  	_ =	shalt  }
0x82: {  	_ =	shalt  }
0x83: {  	_ =	shalt  }
0x84: {  	_ =	shalt  }
0x85: {  	_ =	shalt  }
0x86: {  	_ =	shalt  }
0x87: {  	_ =	shalt  }
.Lfunc_end0:
.L_simem_size_0:
called_computation_lowered:
.L_overlay_start_0:
0x88: {  	s2 =	sld [smem:$0x3FD9]  }
0x89: {  	s3 =	sld [smem:$0x3FFE];
	_ =	sdelay $0x1  }
0x8a: {  	s1 =	srdreg.scid  }
0x8b: {  	s0 =	sand.u32 $0x1, s1  }
0x8c: {  	s17 =	sshll.u32 s0, $0xA;
	s2 =	sadd.s32 s3, s2  }
0x8d: {  	s2 =	sadd.s32 s2, s17  }
0x8e: {  	[smem:$0x3FC2] =	sst s2  }
0x8f: {  	_ = 	snop  }
0x90: {  	s2 =	sld [smem:$0x3FD0];
	(tm) =	ssettm $0x1  }
0x91: {  	s18 =	sld [smem:$0x3FFB];
	_ =	sdelay $0x3  }
0x92: {  	_ =	strace s18  }
0x93: {  	s3 =	sld [smem:$0x3FFC];
	_ =	sdelay $0x3  }
0x94: {  	_ =	strace s3  }
0x95: {  	s3 =	sld [smem:$0x3FFD];
	_ =	sdelay $0x3  }
0x96: {  	_ =	strace s3  }
0x97: {  	_ =	strace $0x8FFFFFFF  }
0x98: {  	s19 =	sld [smem:$0x3FDB];
	_ =	sdelay $0x1  }
0x99: {  	s4 =	simm.s32 $_scs_section_size  }
0x9a: {  	s5 =	simm.s32 $_size__tile_overlayer_lowered;
	s6 =	simm.s32 $_tile_overlayer_lowered  }
0x9b: {  	s22 =	simm.s32 $0x1BFF;
	s21 =	sshll.u32 s6, $0x1;
	s3 =	sadd.s32 s4, s19  }
0x9c: {  	s7 =	simm.s32 $0x0;
	s20 =	sshll.u32 s5, $0x1;
	s5 =	sadd.s32 s21, s3  }
0x9d: {  	[timem:s7], [sflag:s22] =	dma.local [hbm:s5], s20  }
0x9e: {  	_ =	swait.ge [sflag:s22], s20  }
0x9f: {  	s4 =	ssub.s32 $0x0, s20;
	[sflag:s22] =	ssyncset.done $0x0  }
0xa0: {  	[sflag:s22] =	ssyncadd.s32 s4;
	_ =	sdelay $0x1  }
0xa1: {  	s23 =	simm.s32 $0x1B8B  }
0xa2: {  	_ =	swait.ge [sflag:s23], $0x1  }
0xa3: {  	[sflag:s23] =	ssyncset.done $0x0  }
0xa4: {  	s25 =	simm.s32 $0x1B8E;
	s24 =	sld [smem:$0x3FFE];
	[sflag:s23] =	ssyncadd.s32 $0xFFFFFFFF  }
0xa5: {  	s26 =	simm.s32 $execute0_lowered;
	[smem:$0x3FD2] =	sst s25  }
0xa6: {  	s5 =	sshll.u32 s26, $0x1;
	_ =	strace $0x80000046;
	[dreg:$0x1] =	wrdreg $0xFFFFFFFF  }
0xa7: {  	s28 =	simm.s32 $_size_execute0_lowered;
	s3 =	sadd.s32 s3, s5;
	[dreg:$0x0] =	wrdreg $0x0  }
0xa8: {  	s5 =	sshll.u32 s28, $0x1;
	[dreg:$0x2] =	wrdreg s3  }
0xa9: {  	[dreg:$0x3] =	wrdreg s5  }
0xaa: {  	[dreg:$0x4] =	wrdreg $0xC0  }
0xab: {  	_ =	task [dreg:s7], $0x5FFFF  }
0xac: {  	[dreg:$0x1] =	wrdreg $0xFFFFFFFF  }
0xad: {  	[dreg:$0x0] =	wrdreg $0x60  }
0xae: {  	[dreg:$0x2] =	wrdreg s24  }
0xaf: {  	[dreg:$0x3] =	wrdreg s2  }
0xb0: {  	[dreg:$0x4] =	wrdreg $0x58000  }
0xb1: {  	[dreg:$0x5] =	wrdreg $0x9  }
0xb2: {  	_ =	task.clear_ibuf [dreg:s7], $0x6FFFF;
	_ =	strace $0x90000046  }
0xb3: {  	s29 =	simm.s32 $0x9;
	_ =	strace $0x80000048  }
0xb4: {  	_ =	swait.ge [sflag:s29], $0x1  }
0xb5: {  	[sflag:s29] =	ssyncadd.s32 $0xFFFFFFFF  }
0xb6: {  	_ =	strace $0x90000048  }
0xb7: {  	_ =	sfence  }
0xb8: {  	s30 =	sld [smem:$0x0];
	_ =	sdelay $0x2  }
0xb9: {  	s31 =	sshll.u32 s1, $0xD;
	s1 =	sshrl.u32 s1, $0x2  }
0xba: {  	s3 =	sand.u32 $0x4000, s31;
	s1 =	sadd.s32 s1, s30  }
0xbb: {  	s0 =	sor.u32 s3, s0;
	s1 =	sshll.u32 s1, $0x11  }
0xbc: {  	s0 =	sor.u32 s1, s0  }
0xbd: {  	s0 =	sadd.s32 $0x8F2B, s0  }
0xbe: {  	[sflag:s0] =	ssyncadd.remote.s32 $0x1  }
0xbf: {  	_ =	sfence.sel $0xFFFF  }
0xc0: {  	[dreg:$0x0] =	wrdreg $0xFFFFFFFF;
	(pc) =	sbr.abs _section_cstart, $3  }
0xc1: {  	[dreg:$0x1] =	wrdreg $0xFFFFFFFF  }
0xc2: {  	_ =	task.clear_ibuf [dreg:s7], $0x2FFFF;
	_ =	strace $0x9FFFFFFF  }
0xc3: {  	(tm) =	ssettm $0x7FFFFFFF  }
tec
execute0_lowered:
.L_overlay_start_1:
0x0: {  	(tag) =	ssettag $0x1  }
0x1: {  	s5 =	rddreg [dreg:$0x0]  }
0x2: {  	s6 =	rddreg [dreg:$0x1]  }
0x3: {  	s0 =	srdreg.scid;
	s2 =	rddreg [dreg:$0x2]  }
0x4: {  	s3 =	simm.s32 $0x0;
	s10 =	simm.s32 $0x5;
	s11 =	simm.s32 $0x80  }
0x5: {  	s12 =	simm.s32 $0x2800;
	s13 =	simm.s32 $0x100;
	s14 =	simm.s32 $0x180  }
0x6: {  	s15 =	simm.s32 $0x1;
	s16 =	simm.s32 $0x2;
	s17 =	simm.s32 $0x3  }
0x7: {  	s18 =	simm.s32 $0x4;
	s4 =	sand.u32 $0x1, s0;
	s0 =	stileid.u32  }
0x8: {  	s19 =	simm.s32 $0x0;
	s1 =	sshll.u32 s4, $0x4;
	s8 =	smul.u32 $0x2800, s0  }
0x9: {  	s9 =	smul.u32 $0x28000, s4;
	s4 =	ssub.s32 $0x2, s4;
	s1 =	sor.u32 s0, s1  }
0xa: {  	[smem:$0x7FF] =	sst s3;
	s31 =	sshrl.u32 s4, $0x1;
	s7 =	smul.u32 $0x500, s1  }
0xb: {  	s1 =	rddreg [dreg:$0x3];
	_ =	strace $0x80000047;
	s9 =	sadd.s32 s8, s9  }
0xc: {  	s9 =	sshrl.u32 s9, $0x3;
	s5 =	sadd.s32 s7, s5;
	s7 =	ssub.s32 s4, s31  }
0xd: {  	s6 =	sadd.s32 s6, s9;
	s9 =	simm.s32 $0x6;
	s4 =	sadd.s32 $0x2400, s5  }
0xe: {  	v0 =	vimm.f32 $0.0e+00;
	s5 =	sadd.s32 s8, s2;
	s7 =	smax.u32 s7, $0x1;
	s8 =	simm.s32 $0x3000  }
.LBB2_1:
0xf: {  	p0 =	por $0x0, $0x0  }
0x10: {  	[tilespmem:s3], [sflag:$0x5] =	stream.linear.gather [hbm4b:s4+s3], $0x2800, $0x38;
	v1 =	vimm.f32 @!p0 $0.0e+00;
	vm0 =	vcmask @!p0 $0x300;
	[tilespmem:$0x8000] =	vst v63  }
0x11: {  	s20 =	simm.s32 $0x1;
	s21 =	simm.s32 $0x2800;
	s22 =	simm.s32 $0x3000;
	[tilespmem:s8+$0x0] =	vst v0;
	v1 =	vsel @!p0 vm0, $0x3F800000, v1  }
.LBB2_2:
0x12: {  	s23 =	smov.u32 s20;
	s20 =	sadd.s32 $0x1, s20  }
0x13: {  	[tilespmem:s21+$0x0] =	vst @!p0 v1;
	s22 =	sadd.s32 $0x10, s22;
	s21 =	sadd.s32 $0x10, s21;
	p1 =	sne.s32 s20, $0x280  }
.Ltmp0:
0x14: {  	(pc) =	sbr.rel @p1 .LBB2_2-.Ltmp0, $4  }
0x15: {  	_ = 	snop  }
0x16: {  	p0 =	sgt.u32 s23, $0x7F  }
0x17: {  	v1 =	vimm.f32 @!p0 $0.0e+00;
	vm0 =	vcmask @!p0 $0x300  }
0x18: {  	v1 =	vsel @!p0 vm0, $0x3F800000, v1;
	[tilespmem:s22+$0x0] =	vst v0  }
0x19: {  	[tilespmem:s21+$0x0] =	vst @!p0 v1  }
0x1a: {  	[spmem:s5] =	stream.linear.scatter [tilespmem:s8], [sflag:$0x6], $0x2800, $0x38;
	[tilespmem:$0x8000] =	vst v63  }
0x1b: {  	_ =	swait.ge [sflag:s9], $0x2800  }
0x1c: {  	[sflag:s9] =	ssyncset.done $0x0  }
0x1d: {  	[sflag:s9] =	ssyncadd.s32 $0xFFFFD800  }
0x1e: {  	_ =	swait.ge [sflag:s10], $0x2800  }
0x1f: {  	[sflag:s10] =	ssyncset.done $0x0  }
0x20: {  	[sflag:s10] =	ssyncadd.s32 $0xFFFFD800  }
0x21: {  	[bflag:$0x0] =	sbarrier.arrive $0xFFFF  }
0x22: {  	[spmem:s2] =	stream.indirect.scatter.add.f32 [tilespmem:s12], [sflag:$0x1], $0x10, s3, s11, $0xb8;
	[tilespmem:$0x8000] =	vst v63  }
0x23: {  	_ = 	snop  }
0x24: {  	[spmem:s2] =	stream.indirect.scatter.add.f32 [tilespmem:s12], [sflag:$0x2], $0x10, s11, s11, $0xb8;
	[tilespmem:$0x8000] =	vst v63  }
0x25: {  	_ = 	snop  }
0x26: {  	[spmem:s2] =	stream.indirect.scatter.add.f32 [tilespmem:s12], [sflag:$0x3], $0x10, s13, s11, $0xb8;
	[tilespmem:$0x8000] =	vst v63  }
0x27: {  	_ = 	snop  }
0x28: {  	[spmem:s2] =	stream.indirect.scatter.add.f32 [tilespmem:s12], [sflag:$0x4], $0x10, s14, s11, $0xb8;
	[tilespmem:$0x8000] =	vst v63  }
0x29: {  	_ =	swait.ge [sflag:s15], $0x800  }
0x2a: {  	[sflag:s15] =	ssyncset.done $0x0  }
0x2b: {  	s20 =	simm.s32 $0x200;
	[sflag:s15] =	ssyncadd.s32 $0xFFFFF800  }
0x2c: {  	[spmem:s2] =	stream.indirect.scatter.add.f32 [tilespmem:s12], [sflag:$0x1], $0x10, s20, s11, $0xb8;
	[tilespmem:$0x8000] =	vst v63  }
0x2d: {  	_ =	swait.ge [sflag:s16], $0x800  }
0x2e: {  	[sflag:s16] =	ssyncset.done $0x0  }
0x2f: {  	s30 =	simm.s32 $0x280;
	[sflag:s16] =	ssyncadd.s32 $0xFFFFF800  }
0x30: {  	[spmem:s2] =	stream.indirect.scatter.add.f32 [tilespmem:s12], [sflag:$0x2], $0x10, s30, s11, $0xb8;
	[tilespmem:$0x8000] =	vst v63  }
0x31: {  	_ =	swait.ge [sflag:s17], $0x800  }
0x32: {  	[sflag:s17] =	ssyncset.done $0x0  }
0x33: {  	s31 =	simm.s32 $0x300;
	[sflag:s17] =	ssyncadd.s32 $0xFFFFF800  }
0x34: {  	[spmem:s2] =	stream.indirect.scatter.add.f32 [tilespmem:s12], [sflag:$0x3], $0x10, s31, s11, $0xb8;
	[tilespmem:$0x8000] =	vst v63  }
0x35: {  	_ =	swait.ge [sflag:s18], $0x800  }
0x36: {  	[sflag:s18] =	ssyncset.done $0x0  }
0x37: {  	s21 =	simm.s32 $0x380;
	s20 =	simm.s32 $0xFFFF7000;
	[sflag:s18] =	ssyncadd.s32 $0xFFFFF800  }
.LBB2_4:
0x38: {  	[spmem:s2] =	stream.indirect.scatter.add.f32 [tilespmem:s12], [sflag:$0x4], $0x10, s21, s11, $0xb8;
	[tilespmem:$0x8000] =	vst v63  }
0x39: {  	s21 =	smov.u32 s20  }
0x3a: {  	p0 =	sne.s32 s20, $0xFFFFF800;
	s20 =	sadd.s32 $0x800, s20;
	_ =	swait.ge [sflag:s15], $0x800  }
0x3b: {  	s21 =	sshra.s32 s21, $0x2;
	[sflag:s15] =	ssyncset.done $0x0  }
0x3c: {  	s22 =	sadd.s32 $0x2800, s21;
	[sflag:s15] =	ssyncadd.s32 $0xFFFFF800  }
0x3d: {  	[spmem:s2] =	stream.indirect.scatter.add.f32 [tilespmem:s12], [sflag:$0x1], $0x10, s22, s11, $0xb8;
	[tilespmem:$0x8000] =	vst v63  }
0x3e: {  	_ =	swait.ge [sflag:s16], $0x800  }
0x3f: {  	[sflag:s16] =	ssyncset.done $0x0  }
0x40: {  	s22 =	sadd.s32 $0x2880, s21;
	[sflag:s16] =	ssyncadd.s32 $0xFFFFF800  }
0x41: {  	[spmem:s2] =	stream.indirect.scatter.add.f32 [tilespmem:s12], [sflag:$0x2], $0x10, s22, s11, $0xb8;
	[tilespmem:$0x8000] =	vst v63  }
0x42: {  	_ =	swait.ge [sflag:s17], $0x800  }
0x43: {  	[sflag:s17] =	ssyncset.done $0x0  }
.Ltmp1:
0x44: {  	s22 =	sadd.s32 $0x2900, s21;
	[sflag:s17] =	ssyncadd.s32 $0xFFFFF800;
	(pc) =	sbr.rel @p0 .LBB2_4-.Ltmp1, $4  }
0x45: {  	[spmem:s2] =	stream.indirect.scatter.add.f32 [tilespmem:s12], [sflag:$0x3], $0x10, s22, s11, $0xb8;
	[tilespmem:$0x8000] =	vst v63  }
0x46: {  	_ =	swait.ge [sflag:s18], $0x800  }
0x47: {  	[sflag:s18] =	ssyncset.done $0x0  }
0x48: {  	s21 =	sadd.s32 $0x2980, s21;
	[sflag:s18] =	ssyncadd.s32 $0xFFFFF800  }
0x49: {  	[spmem:s2] =	stream.indirect.scatter.add.f32 [tilespmem:s12], [sflag:$0x4], $0x10, s21, s11, $0xb8;
	[tilespmem:$0x8000] =	vst v63  }
0x4a: {  	_ =	swait.ge [sflag:s15], $0x800  }
0x4b: {  	[sflag:s15] =	ssyncset.done $0x0  }
0x4c: {  	[sflag:s15] =	ssyncadd.s32 $0xFFFFF800  }
0x4d: {  	_ =	swait.ge [sflag:s16], $0x800  }
0x4e: {  	[sflag:s16] =	ssyncset.done $0x0  }
0x4f: {  	[sflag:s16] =	ssyncadd.s32 $0xFFFFF800  }
0x50: {  	_ =	swait.ge [sflag:s17], $0x800  }
0x51: {  	[sflag:s17] =	ssyncset.done $0x0  }
0x52: {  	[sflag:s17] =	ssyncadd.s32 $0xFFFFF800  }
0x53: {  	_ =	swait.ge [sflag:s18], $0x800  }
0x54: {  	s20 =	sshll.u32 s0, $0x6;
	s19 =	sadd.s32 $0x1, s19;
	[sflag:s18] =	ssyncset.done $0x0  }
0x55: {  	s31 =	sshrl.u32 s5, $0x3;
	p0 =	sne.s32 s19, s7;
	[sflag:s18] =	ssyncadd.s32 $0xFFFFF800  }
.Ltmp2:
0x56: {  	s20 =	sor.u32 $0x1C06, s20;
	[bflag:$0x0] =	sbarrier.arrive $0xFFFF;
	(pc) =	sbr.rel @p0 .LBB2_1-.Ltmp2, $4  }
0x57: {  	[hbm:s6], [sflag:s20] =	dma.local [spmem:s31], $0x500  }
0x58: {  	_ =	swait.ge [sflag:s9], $0x500  }
0x59: {  	[sflag:s9] =	ssyncset.done $0x0  }
0x5a: {  	[sflag:s9] =	ssyncadd.s32 $0xFFFFFB00  }
0x5b: {  	_ =	sfence.sel $0x180000  }
0x5c: {  	[bflag:$0x0] =	sbarrier.arrive $0xFFFF  }
0x5d: {  	p0 =	sne.s32 s0, $0x0;
	_ =	strace $0x90000047  }
0x5e: {  	s0 =	sadd.s32 @!p0 $0x100000, s1;
	[bflag:$0x2] =	sbarrier.arrive $0xFFFF  }
0x5f: {  	[sflag:s0] =	ssyncadd.tile.s32 @!p0 $0x1;
	_ =	shalt  }
.Lfunc_end2:
_tile_overlayer_lowered:
.L_overlay_start_2:
0x60: {  	(tag) =	ssettag $0x2  }
0x61: {  	s0 =	rddreg [dreg:$0x0];
	s2 =	stileid.u32  }
0x62: {  	s1 =	rddreg [dreg:$0x1];
	p0 =	sne.s32 s2, $0x0  }
0x63: {  	s3 =	rddreg [dreg:$0x2];
	[bflag:$0x3] =	sbarrier.arrive $0xFFFF;
	s2 =	simm.s32 @!p0 $0x1C06  }
0x64: {  	[timem:s3], [sflag:s2] =	dma.local @!p0 [hbm:s0], s1  }
0x65: {  	s0 =	simm.s32 @!p0 $0x6  }
0x66: {  	_ =	swait.ge @!p0 [sflag:s0], s1  }
0x67: {  	s1 =	ssub.s32 @!p0 $0x0, s1;
	[sflag:s0] =	ssyncset.done @!p0 $0x0  }
0x68: {  	[sflag:s0] =	ssyncadd.s32 @!p0 s1  }
0x69: {  	[bflag:$0x3] =	sbarrier.arrive $0xFFFF  }
0x6a: {  	_ =	shalt  }

</sc_bundles>
